<compile_context>
chip_gen: v7x
topology: tpu7x:2x2x1
jax: 0.10.2.dev20260603
libtpu: 0.0.44.dev20260713+nightly
codegen_flags: <defaults>
</compile_context>

<pallas_src>
import functools

import jax
import jax.numpy as jnp
from jax import lax
from jax.experimental import pallas as pl
from jax.experimental.pallas import tpu as pltpu
from jax.experimental.pallas import tpu_sc as plsc

D = 16
N_NODES = 10000
N_EDGES = 160000

NC = 2
NS = 16
NW = NC * NS
CHUNK = 128
EPW = 5120
NCHUNK = EPW // CHUNK
E_PAD = NW * EPW
N_PAD = 10240
NROW128 = N_PAD * D // 128
TPT = NROW128 // NS
EROW128 = E_PAD * D // 128
EPT = EROW128 // NW
EDGE_BLOCK = 4096

_SC_MESH = plsc.VectorSubcoreMesh(core_axis_name="c", subcore_axis_name="s")


def _gather_body(tab_hbm, src2d_hbm, out_hbm, idx_v, rows_v, tab_sh, sem):
    c = lax.axis_index("c")
    s = lax.axis_index("s")
    wid = s * NC + c
    base = wid * NCHUNK
    npt = N_PAD // NS
    pltpu.sync_copy(tab_hbm.at[pl.ds(s * npt, npt)],
                    tab_sh.at[pl.ds(s * npt, npt)])
    pltpu.sync_copy(src2d_hbm.at[pl.ds(base, NCHUNK)], idx_v)
    plsc.subcore_barrier()

    def fire(j, carry):
        pltpu.async_copy(tab_sh.at[idx_v.at[j]],
                         rows_v.at[pl.ds(j * CHUNK, CHUNK)], sem)
        return carry

    lax.fori_loop(0, NCHUNK, fire, 0)

    def drain(j, carry):
        pltpu.make_async_copy(tab_sh.at[idx_v.at[j]],
                              rows_v.at[pl.ds(j * CHUNK, CHUNK)],
                              sem).wait()
        return carry

    lax.fori_loop(0, NCHUNK, drain, 0)
    pltpu.sync_copy(rows_v, out_hbm.at[pl.ds(wid * EPW, EPW)])


def _sc_gather(tab, src2d):
    return pl.kernel(
        _gather_body,
        out_type=jax.ShapeDtypeStruct((E_PAD, D), jnp.float32),
        mesh=_SC_MESH,
        compiler_params=pltpu.CompilerParams(use_tc_tiling_on_sc=False),
        scratch_types=[
            pltpu.VMEM((NCHUNK, CHUNK), jnp.int32),
            pltpu.VMEM((EPW, D), jnp.float32),
            pltpu.VMEM_SHARED((N_PAD, D), jnp.float32),
            pltpu.SemaphoreType.DMA,
        ],
    )(tab, src2d)


def _scatter_body(msg_hbm, dst2d_hbm, zeros_hbm, out_hbm, idx_v, rows_v,
                  obuf_v, agg_sh, sem):
    c = lax.axis_index("c")
    s = lax.axis_index("s")
    wid = s * NC + c
    base = wid * NCHUNK
    npt = N_PAD // NS
    pltpu.sync_copy(dst2d_hbm.at[pl.ds(base, NCHUNK)], idx_v)
    pltpu.async_copy(msg_hbm.at[pl.ds(wid * EPW, EPW)], rows_v, sem)
    pltpu.sync_copy(zeros_hbm.at[pl.ds(s * npt, npt)],
                    agg_sh.at[pl.ds(s * npt, npt)])
    pltpu.make_async_copy(msg_hbm.at[pl.ds(wid * EPW, EPW)], rows_v,
                          sem).wait()
    plsc.subcore_barrier()

    def body(j, carry):
        pltpu.sync_copy(rows_v.at[pl.ds(j * CHUNK, CHUNK)],
                        agg_sh.at[idx_v.at[j]], add=True)
        return carry

    lax.fori_loop(0, NCHUNK, body, 0)
    plsc.subcore_barrier()
    pltpu.sync_copy(agg_sh.at[pl.ds(s * npt, npt)], obuf_v)
    pltpu.sync_copy(obuf_v, out_hbm.at[c, pl.ds(s * npt, npt)])


def _sc_scatter_add(msg, dst2d, zeros_nd):
    return pl.kernel(
        _scatter_body,
        out_type=jax.ShapeDtypeStruct((NC, N_PAD, D), jnp.float32),
        mesh=_SC_MESH,
        compiler_params=pltpu.CompilerParams(use_tc_tiling_on_sc=False),
        scratch_types=[
            pltpu.VMEM((NCHUNK, CHUNK), jnp.int32),
            pltpu.VMEM((EPW, D), jnp.float32),
            pltpu.VMEM((N_PAD // NS, D), jnp.float32),
            pltpu.VMEM_SHARED((N_PAD, D), jnp.float32),
            pltpu.SemaphoreType.DMA,
        ],
    )(msg, dst2d, zeros_nd)


def _embed_body(x24_ref, wp_ref, b0t_ref, o_ref):
    o_ref[...] = jnp.maximum(
        jnp.dot(x24_ref[...], wp_ref[...], preferred_element_type=jnp.float32)
        + b0t_ref[...], 0.0)


def _node_embed(x24, WP, b0t):
    return pl.pallas_call(
        _embed_body,
        out_shape=jax.ShapeDtypeStruct((NROW128, 128), jnp.float32),
    )(x24, WP, b0t)


def _u_body(ea8_ref, re_ref, w1t_ref, be1t_ref, o_ref):
    ap = jnp.dot(ea8_ref[...], re_ref[...], preferred_element_type=jnp.float32)
    o_ref[...] = jnp.maximum(ap * w1t_ref[...] + be1t_ref[...], 0.0)


def _u_table(ea8, RE, w1t, be1t):
    grid = 10
    return pl.pallas_call(
        _u_body,
        grid=(grid,),
        in_specs=[
            pl.BlockSpec((EROW128 // grid, 8), lambda i: (i, 0)),
            pl.BlockSpec((8, 128), lambda i: (0, 0)),
            pl.BlockSpec((1, 128), lambda i: (0, 0)),
            pl.BlockSpec((1, 128), lambda i: (0, 0)),
        ],
        out_specs=pl.BlockSpec((EROW128 // grid, 128), lambda i: (i, 0)),
        out_shape=jax.ShapeDtypeStruct((EROW128, 128), jnp.float32),
    )(ea8, RE, w1t, be1t)


MSG_ROWS = 2048


def _msg_body(xp_ref, up_ref, RA_ref, RB_ref, M_ref, Bm_ref, o_ref):
    X = xp_ref[...]
    U = up_ref[...]
    RA = RA_ref[...]
    RB = RB_ref[...]
    M = M_ref[...]
    Bm = Bm_ref[...]
    parts = []
    for g in range(8):
        xg = X[:, D * g:D * (g + 1)]
        ug = U[:, D * g:D * (g + 1)]
        A = jnp.dot(xg, RA, preferred_element_type=jnp.float32)
        B = jnp.dot(ug, RB, preferred_element_type=jnp.float32)
        parts.append(
            jnp.dot(A * B, M, preferred_element_type=jnp.float32)
            + jnp.dot(xg, Bm, preferred_element_type=jnp.float32))
    o_ref[...] = jnp.concatenate(parts, axis=1)


def _messages(xjp, up, RA, RB, M, Bm):
    grid = EROW128 // MSG_ROWS
    return pl.pallas_call(
        _msg_body,
        grid=(grid,),
        in_specs=[
            pl.BlockSpec((MSG_ROWS, 128), lambda i: (i, 0)),
            pl.BlockSpec((MSG_ROWS, 128), lambda i: (i, 0)),
            pl.BlockSpec((D, D * D), lambda i: (0, 0)),
            pl.BlockSpec((D, D * D), lambda i: (0, 0)),
            pl.BlockSpec((D * D, D), lambda i: (0, 0)),
            pl.BlockSpec((D, D), lambda i: (0, 0)),
        ],
        out_specs=pl.BlockSpec((MSG_ROWS, 128), lambda i: (i, 0)),
        out_shape=jax.ShapeDtypeStruct((EROW128, 128), jnp.float32),
    )(xjp, up, RA, RB, M, Bm)


def _gru_body(agg0_ref, agg1_ref, deg0_ref, deg1_ref, out_ref, h_ref,
              wroott_ref, bconv_ref, wih_ref, bih_ref, whh_ref, bhh_ref,
              newh_ref):
    parts = []
    for g in range(8):
        sl = slice(D * g, D * (g + 1))
        out = out_ref[:, sl]
        h = h_ref[:, sl]
        invdeg = 1.0 / jnp.maximum(deg0_ref[:, sl] + deg1_ref[:, sl], 1.0)
        agg = (agg0_ref[:, sl] + agg1_ref[:, sl]) * invdeg
        m = jnp.maximum(
            agg + jnp.dot(out, wroott_ref[...],
                          preferred_element_type=jnp.float32)
            + bconv_ref[...], 0.0)
        gi = (jnp.dot(m, wih_ref[...], preferred_element_type=jnp.float32)
              + bih_ref[...])
        gh = (jnp.dot(h, whh_ref[...], preferred_element_type=jnp.float32)
              + bhh_ref[...])
        r = jax.nn.sigmoid(gi[:, :D] + gh[:, :D])
        z = jax.nn.sigmoid(gi[:, D:2 * D] + gh[:, D:2 * D])
        n = jnp.tanh(gi[:, 2 * D:] + r * gh[:, 2 * D:])
        parts.append((1.0 - z) * n + z * h)
    newh_ref[...] = jnp.concatenate(parts, axis=1)


def _gru(agg0, agg1, deg0, deg1, outp, hp, WrootT, bconv, WihT, bih, WhhT,
         bhh):
    return pl.pallas_call(
        _gru_body,
        out_shape=jax.ShapeDtypeStruct((NROW128, 128), jnp.float32),
    )(agg0, agg1, deg0, deg1, outp, hp, WrootT, bconv, WihT, bih, WhhT, bhh)


def _set2set_body(out_ref, wihs_ref, bihs_ref, whhs_ref, bhhs_ref,
                  wihm_ref, bm_ref, hx_ref, cx_ref):
    out = out_ref[...]
    q_star = jnp.zeros((1, 2 * D), jnp.float32)
    hs = jnp.zeros((1, D), jnp.float32)
    cs = jnp.zeros((1, D), jnp.float32)
    for _ in range(6):
        g = (jnp.dot(q_star, wihs_ref[...], preferred_element_type=jnp.float32)
             + bihs_ref[...]
             + jnp.dot(hs, whhs_ref[...], preferred_element_type=jnp.float32)
             + bhhs_ref[...])
        ig = jax.nn.sigmoid(g[:, :D])
        fg = jax.nn.sigmoid(g[:, D:2 * D])
        cg = jnp.tanh(g[:, 2 * D:3 * D])
        og = jax.nn.sigmoid(g[:, 3 * D:])
        cs = fg * cs + ig * cg
        hs = og * jnp.tanh(cs)
        e = jnp.sum(out * hs, axis=1, keepdims=True)
        emax = jnp.max(e)
        a = jnp.exp(e - emax)
        asum = jnp.sum(a)
        rvec = jnp.sum(a * out, axis=0, keepdims=True) / asum
        q_star = jnp.concatenate([hs, rvec], axis=1)
    g = (jnp.dot(q_star, wihm_ref[...], preferred_element_type=jnp.float32)
         + bm_ref[...])
    ig = jax.nn.sigmoid(g[:, :D])
    fg = jax.nn.sigmoid(g[:, D:2 * D])
    cg = jnp.tanh(g[:, 2 * D:3 * D])
    og = jax.nn.sigmoid(g[:, 3 * D:])
    cx = ig * cg
    hx_ref[...] = og * jnp.tanh(cx)
    cx_ref[...] = cx


def _set2set(out, Wih_s, bih_s, Whh_s, bhh_s, Wih_m, bih_m, bhh_m):
    return pl.pallas_call(
        _set2set_body,
        out_shape=(jax.ShapeDtypeStruct((1, D), jnp.float32),
                   jax.ShapeDtypeStruct((1, D), jnp.float32)),
    )(out, Wih_s.T, bih_s.reshape(1, -1), Whh_s.T, bhh_s.reshape(1, -1),
      Wih_m.T, (bih_m + bhh_m).reshape(1, -1))


def _mlp_body(sel_ref, repcol_ref, w1at_ref, w1bsum_ref, b1_ref, w2t_ref,
              b2_ref, o_ref):
    z2 = jnp.maximum(
        jnp.dot(sel_ref[...], w1at_ref[...], preferred_element_type=jnp.float32)
        + repcol_ref[...] * w1bsum_ref[...]
        + b1_ref[...], 0.0)
    o_ref[...] = (jnp.dot(z2, w2t_ref[...], preferred_element_type=jnp.float32)
                  + b2_ref[...])


def _mlp(sel, repcol, W1, b1, W2, b2):
    n_t = sel.shape[0]
    return pl.pallas_call(
        _mlp_body,
        out_shape=jax.ShapeDtypeStruct((n_t, W2.shape[0]), jnp.float32),
    )(sel, repcol, W1[:, :4 * D].T, W1[:, 4 * D:].sum(axis=1).reshape(1, D),
      b1.reshape(1, -1), W2.T, b2.reshape(1, -1))


def kernel(x, edge_attr, edge_index, batch, nonring, W0, b0, We1, be1, We2,
           be2, Wroot, bconv, Wih, Whh, bih, bhh, Wih_s, Whh_s, bih_s, bhh_s,
           Wih_m, Whh_m, bih_m, bhh_m, W1, b1, W2, b2):
    src = edge_index[0]
    dst = edge_index[1]

    M = We2.reshape(D, D, D).transpose(0, 2, 1).reshape(D * D, D)
    Bm = be2.reshape(D, D)
    ii = jnp.arange(D * D) // D
    kk = jnp.arange(D * D) % D
    RA = (jnp.arange(D)[:, None] == ii[None, :]).astype(jnp.float32)
    RB = (jnp.arange(D)[:, None] == kk[None, :]).astype(jnp.float32)
    w1row = We1.T
    be1r = be1.reshape(1, D)

    n_fill = E_PAD - N_EDGES
    fill = jnp.arange(n_fill, dtype=jnp.int32)
    src_pad = jnp.concatenate([src, (fill * 521) % N_NODES])
    dst_pad = jnp.concatenate([dst, N_NODES + (fill % (N_PAD - N_NODES))])
    src2d = src_pad.reshape(E_PAD // CHUNK, CHUNK)
    dst2d = dst_pad.reshape(E_PAD // CHUNK, CHUNK)
    ea8 = jnp.concatenate(
        [edge_attr.reshape(-1), jnp.zeros((n_fill,), jnp.float32)]
    ).reshape(EROW128, 8)
    zeros_nd = jnp.zeros((N_PAD, D), jnp.float32)
    x24 = jnp.concatenate(
        [x.reshape(-1),
         jnp.zeros(((N_PAD - N_NODES) * x.shape[1],), jnp.float32)]
    ).reshape(NROW128, 3 * 8)

    gidx = jnp.arange(128) // D
    kidx = jnp.arange(128) % D
    WP = jnp.zeros((24, 128), jnp.float32)
    WP = WP.at[3 * gidx + 0, jnp.arange(128)].set(W0[kidx, 0])
    WP = WP.at[3 * gidx + 1, jnp.arange(128)].set(W0[kidx, 1])
    WP = WP.at[3 * gidx + 2, jnp.arange(128)].set(W0[kidx, 2])
    b0t = jnp.tile(b0, 8).reshape(1, 128)
    RE = (jnp.arange(8)[:, None] == gidx[None, :]).astype(jnp.float32)
    w1t = jnp.tile(We1.reshape(-1), 8).reshape(1, 128)
    be1t = jnp.tile(be1, 8).reshape(1, 128)

    outp = _node_embed(x24, WP, b0t)
    hp = outp

    up = _u_table(ea8, RE, w1t, be1t)

    ones_nd = jnp.ones((E_PAD, D), jnp.float32)
    degp = _sc_scatter_add(ones_nd, dst2d, zeros_nd)
    degpk = degp.reshape(NC, NROW128, 128)
    deg0 = degpk[0]
    deg1 = degpk[1]

    WrootT = Wroot.T
    bconvr = bconv.reshape(1, D)
    WihT = Wih.T
    bihr = bih.reshape(1, 3 * D)
    WhhT = Whh.T
    bhhr = bhh.reshape(1, 3 * D)

    for _ in range(6):
        xj = _sc_gather(outp.reshape(N_PAD, D), src2d)
        msgp = _messages(xj.reshape(EROW128, 128), up, RA, RB, M, Bm)
        aggp = _sc_scatter_add(msgp.reshape(E_PAD, D), dst2d, zeros_nd)
        aggpk = aggp.reshape(NC, NROW128, 128)
        hp = _gru(aggpk[0], aggpk[1], deg0, deg1, outp, hp,
                  WrootT, bconvr, WihT, bihr, WhhT, bhhr)
        outp = hp

    out = outp.reshape(N_PAD, D)
    outv = out[:N_NODES]
    hx, cx = _set2set(outv, Wih_s, bih_s, Whh_s, bhh_s, Wih_m, bih_m, bhh_m)

    sel_rows = jnp.take(outv, nonring.reshape(-1), axis=0)
    sel = sel_rows.reshape(4 * D, -1).T
    n_t = sel.shape[0]
    repcol = jnp.repeat(hx.reshape(-1), n_t // D).reshape(n_t, 1)
    logits = _mlp(sel, repcol, W1, b1, W2, b2)
    return logits, hx, cx

# --- scband reference (transcript-rebuilt; emitter-appended) ---
"""Pipeline reference for scband-rtgnactor-net-72138270703872 (READ-ONLY COPY).

The authoritative reference and input builder live on the scoring server;
editing this copy changes nothing except your own understanding.
"""

import jax, jax.numpy as jnp
import numpy as np

DIM = 16
N_NODES = 10000
N_EDGES = 160000
N_TORSIONS = 1024
ACTION_DIM = 6
EDGE_DIM = 1
NUM_FEATURES = 3


def _gnn_forward(x, edge_attr, edge_index, batch, nonring, W0, b0, We1, be1, We2, be2, Wroot, bconv, Wih, Whh, bih, bhh, Wih_s, Whh_s, bih_s, bhh_s, Wih_m, Whh_m, bih_m, bhh_m, W1, b1, W2, b2):
    N = x.shape[0]
    E = edge_index.shape[1]
    d = W0.shape[0]
    src = edge_index[0]
    dst = edge_index[1]
    out = jax.nn.relu(x @ W0.T + b0)
    h = out
    theta = (jax.nn.relu(edge_attr @ We1.T + be1) @ We2.T + be2).reshape(E, d, d)
    deg = jnp.maximum(jax.ops.segment_sum(jnp.ones((E,), jnp.float32), dst, num_segments=N), 1.0)
    for _ in range(6):
        x_j = out[src]
        msg = jnp.einsum('ei,eio->eo', x_j, theta)
        agg = jax.ops.segment_sum(msg, dst, num_segments=N) / deg[:, None]
        m = jax.nn.relu(agg + out @ Wroot.T + bconv)
        gi = m @ Wih.T + bih
        gh = h @ Whh.T + bhh
        r = jax.nn.sigmoid(gi[:, :d] + gh[:, :d])
        z = jax.nn.sigmoid(gi[:, d:2 * d] + gh[:, d:2 * d])
        n = jnp.tanh(gi[:, 2 * d:] + r * gh[:, 2 * d:])
        h = (1.0 - z) * n + z * h
        out = h
    B = 1
    q_star = jnp.zeros((B, 2 * d), jnp.float32)
    hs = jnp.zeros((B, d), jnp.float32)
    cs = jnp.zeros((B, d), jnp.float32)
    for _ in range(6):
        g = q_star @ Wih_s.T + bih_s + hs @ Whh_s.T + bhh_s
        ig = jax.nn.sigmoid(g[:, :d])
        fg = jax.nn.sigmoid(g[:, d:2 * d])
        cg = jnp.tanh(g[:, 2 * d:3 * d])
        og = jax.nn.sigmoid(g[:, 3 * d:])
        cs = fg * cs + ig * cg
        hs = og * jnp.tanh(cs)
        q = hs
        e = jnp.sum(out * q[batch], axis=-1)
        emax = jax.lax.stop_gradient(jax.ops.segment_max(e, batch, num_segments=B))
        a = jnp.exp(e - emax[batch])
        asum = jax.ops.segment_sum(a, batch, num_segments=B)
        a = a / asum[batch]
        rvec = jax.ops.segment_sum(a[:, None] * out, batch, num_segments=B)
        q_star = jnp.concatenate([q, rvec], axis=1)
    pool = q_star
    hx = jnp.zeros((1, d), jnp.float32)
    cx = jnp.zeros((1, d), jnp.float32)
    g = pool @ Wih_m.T + bih_m + hx @ Whh_m.T + bhh_m
    ig = jax.nn.sigmoid(g[:, :d])
    fg = jax.nn.sigmoid(g[:, d:2 * d])
    cg = jnp.tanh(g[:, 2 * d:3 * d])
    og = jax.nn.sigmoid(g[:, 3 * d:])
    cx = fg * cx + ig * cg
    hx = og * jnp.tanh(cx)
    lstm_out = hx
    sel = out[nonring.reshape(-1)]
    sel = sel.reshape(4 * d, -1).T
    Tn = sel.shape[0]
    rep = jnp.repeat(lstm_out.reshape(-1), Tn).reshape(Tn, -1)
    z2 = jnp.concatenate([sel, rep], axis=1)
    z2 = jax.nn.relu(z2 @ W1.T + b1)
    logits = z2 @ W2.T + b2
    return logits, hx, cx


def setup_inputs(seed: int = 0):
    key = jax.random.key(seed)
    ks = jax.random.split(key, 40)
    d = DIM

    def U(k, shape, fan_in):
        s = 1.0 / np.sqrt(fan_in)
        return jax.random.uniform(k, shape, minval=-s, maxval=s, dtype=jnp.float32)

    inp = {
        'x': jax.random.normal(ks[0], (N_NODES, NUM_FEATURES), dtype=jnp.float32),
        'edge_attr': jax.random.uniform(ks[1], (N_EDGES, EDGE_DIM), dtype=jnp.float32),
        'edge_index': jax.random.randint(ks[2], (2, N_EDGES), 0, N_NODES, dtype=jnp.int32),
        'batch': jnp.zeros((N_NODES,), jnp.int32),
        'nonring': jax.random.randint(ks[3], (N_TORSIONS, 4), 0, N_NODES, dtype=jnp.int32),
        'W0': U(ks[4], (d, NUM_FEATURES), NUM_FEATURES),
        'b0': U(ks[5], (d,), NUM_FEATURES),
        'We1': U(ks[6], (d, EDGE_DIM), EDGE_DIM),
        'be1': U(ks[7], (d,), EDGE_DIM),
        'We2': U(ks[8], (d * d, d), d),
        'be2': U(ks[9], (d * d,), d),
        'Wroot': U(ks[10], (d, d), d),
        'bconv': U(ks[11], (d,), d),
        'Wih': U(ks[12], (3 * d, d), d),
        'Whh': U(ks[13], (3 * d, d), d),
        'bih': U(ks[14], (3 * d,), d),
        'bhh': U(ks[15], (3 * d,), d),
        'Wih_s': U(ks[16], (4 * d, 2 * d), 2 * d),
        'Whh_s': U(ks[17], (4 * d, d), d),
        'bih_s': U(ks[18], (4 * d,), d),
        'bhh_s': U(ks[19], (4 * d,), d),
        'Wih_m': U(ks[20], (4 * d, 2 * d), 2 * d),
        'Whh_m': U(ks[21], (4 * d, d), d),
        'bih_m': U(ks[22], (4 * d,), d),
        'bhh_m': U(ks[23], (4 * d,), d),
        'W1': U(ks[24], (d, 5 * d), 5 * d),
        'b1': U(ks[25], (d,), 5 * d),
        'W2': U(ks[26], (ACTION_DIM, d), d),
        'b2': U(ks[27], (ACTION_DIM,), d),
    }
    return inp


def reference(x, edge_attr, edge_index, batch, nonring, W0, b0, We1, be1, We2, be2, Wroot, bconv, Wih, Whh, bih, bhh, Wih_s, Whh_s, bih_s, bhh_s, Wih_m, Whh_m, bih_m, bhh_m, W1, b1, W2, b2):
    return _gnn_forward(x, edge_attr, edge_index, batch, nonring, W0, b0, We1, be1, We2, be2, Wroot, bconv, Wih, Whh, bih, bhh, Wih_s, Whh_s, bih_s, bhh_s, Wih_m, Whh_m, bih_m, bhh_m, W1, b1, W2, b2)

if __name__ == "__main__":
    import jax
    _d = setup_inputs()
    print(jax.jit(kernel)(*tuple(_d.values())))

</pallas_src>

<mosaic_0001>
#map = affine_map<(d0, d1) -> (0, 0)>
#map1 = affine_map<(d0, d1) -> (0, 0, 0)>
module attributes {stable_mosaic.version = 14 : i64} {
  func.func @_scatter_body(%arg0: i32, %arg1: i32, %arg2: memref<163840x16xf32, #tpu.memory_space<hbm>>, %arg3: memref<1280x128xi32, #tpu.memory_space<hbm>>, %arg4: memref<10240x16xf32, #tpu.memory_space<hbm>>, %arg5: memref<2x10240x16xf32, #tpu.memory_space<hbm>>, %arg6: memref<40x128xi32, #tpu.memory_space<vmem>>, %arg7: memref<5120x16xf32, #tpu.memory_space<vmem>>, %arg8: memref<640x16xf32, #tpu.memory_space<vmem>>, %arg9: memref<10240x16xf32, #tpu.memory_space<vmem_shared>>, %arg10: memref<!tpu.dma_semaphore, #tpu.memory_space<semaphore_mem>>) attributes {dimension_semantics = [#tpu.dimension_semantics<core_parallel>, #tpu.dimension_semantics<subcore_parallel>], iteration_bounds = array<i64: 2, 16>, scalar_prefetch = 0 : i64, scratch_operands = 5 : i64, tpu.core_type = #tpu.core_type<sc_vector_subcore>, window_params = [{transform_indices = #map}, {transform_indices = #map}, {transform_indices = #map}, {transform_indices = #map1}]} {
    %mul3A = arith.constant 2 : i32
    %mul3A_0 = arith.muli %arg1, %mul3A : i32
    %add3A = arith.addi %mul3A_0, %arg0 : i32
    %mul3A_1 = arith.constant 40 : i32
    %mul3A_2 = arith.muli %add3A, %mul3A_1 : i32
    "tpu.region"() ({
      %run_scoped3A = tpu.sem_alloc : memref<!tpu.dma_semaphore, #tpu.memory_space<semaphore_mem>>
      %dma_start3A_27 = arith.constant 0 : i32
      %dma_start3A_28 = tpu.memref_slice %arg3[%mul3A_2, %dma_start3A_27] : memref<1280x128xi32, #tpu.memory_space<hbm>> -> memref<40x128xi32, #tpu.memory_space<hbm>>
      %dma_start3A_29 = arith.constant 0 : i32
      %dma_start3A_30 = tpu.memref_slice %arg3[%mul3A_2, %dma_start3A_29] : memref<1280x128xi32, #tpu.memory_space<hbm>> -> memref<40x128xi32, #tpu.memory_space<hbm>>
      tpu.enqueue_dma source(%dma_start3A_30 : memref<40x128xi32, #tpu.memory_space<hbm>>) target(%arg6 : memref<40x128xi32, #tpu.memory_space<vmem>>) target_semaphore(%run_scoped3A : memref<!tpu.dma_semaphore, #tpu.memory_space<semaphore_mem>>)
      %dma_wait3A_31 = arith.constant 0 : i32
      %dma_wait3A_32 = tpu.memref_slice %arg3[%mul3A_2, %dma_wait3A_31] : memref<1280x128xi32, #tpu.memory_space<hbm>> -> memref<40x128xi32, #tpu.memory_space<hbm>>
      %dma_wait3A_33 = arith.constant 0 : i32
      %dma_wait3A_34 = tpu.memref_slice %arg3[%mul3A_2, %dma_wait3A_33] : memref<1280x128xi32, #tpu.memory_space<hbm>> -> memref<40x128xi32, #tpu.memory_space<hbm>>
      tpu.wait_dma2 semaphore(%run_scoped3A : memref<!tpu.dma_semaphore, #tpu.memory_space<semaphore_mem>>) src(%dma_wait3A_34 : memref<40x128xi32, #tpu.memory_space<hbm>>) dst(%arg6 : memref<40x128xi32, #tpu.memory_space<vmem>>)
      tpu.yield
    }) : () -> ()
    %mul3A_3 = arith.constant 5120 : i32
    %mul3A_4 = arith.muli %add3A, %mul3A_3 : i32
    %dma_start3A = arith.constant 0 : i32
    %dma_start3A_5 = tpu.memref_slice %arg2[%mul3A_4, %dma_start3A] : memref<163840x16xf32, #tpu.memory_space<hbm>> -> memref<5120x16xf32, #tpu.memory_space<hbm>>
    %dma_start3A_6 = arith.constant 0 : i32
    %dma_start3A_7 = tpu.memref_slice %arg2[%mul3A_4, %dma_start3A_6] : memref<163840x16xf32, #tpu.memory_space<hbm>> -> memref<5120x16xf32, #tpu.memory_space<hbm>>
    tpu.enqueue_dma source(%dma_start3A_7 : memref<5120x16xf32, #tpu.memory_space<hbm>>) target(%arg7 : memref<5120x16xf32, #tpu.memory_space<vmem>>) target_semaphore(%arg10 : memref<!tpu.dma_semaphore, #tpu.memory_space<semaphore_mem>>)
    %mul3A_8 = arith.constant 640 : i32
    %mul3A_9 = arith.muli %arg1, %mul3A_8 : i32
    %mul3A_10 = arith.constant 640 : i32
    %mul3A_11 = arith.muli %arg1, %mul3A_10 : i32
    "tpu.region"() ({
      %run_scoped3A = tpu.sem_alloc : memref<!tpu.dma_semaphore, #tpu.memory_space<semaphore_mem>>
      %dma_start3A_27 = arith.constant 0 : i32
      %dma_start3A_28 = tpu.memref_slice %arg9[%mul3A_11, %dma_start3A_27] : memref<10240x16xf32, #tpu.memory_space<vmem_shared>> -> memref<640x16xf32, #tpu.memory_space<vmem_shared>>
      %dma_start3A_29 = arith.constant 0 : i32
      %dma_start3A_30 = tpu.memref_slice %arg4[%mul3A_9, %dma_start3A_29] : memref<10240x16xf32, #tpu.memory_space<hbm>> -> memref<640x16xf32, #tpu.memory_space<hbm>>
      tpu.enqueue_dma source(%dma_start3A_30 : memref<640x16xf32, #tpu.memory_space<hbm>>) target(%dma_start3A_28 : memref<640x16xf32, #tpu.memory_space<vmem_shared>>) target_semaphore(%run_scoped3A : memref<!tpu.dma_semaphore, #tpu.memory_space<semaphore_mem>>)
      %dma_wait3A_31 = arith.constant 0 : i32
      %dma_wait3A_32 = tpu.memref_slice %arg9[%mul3A_11, %dma_wait3A_31] : memref<10240x16xf32, #tpu.memory_space<vmem_shared>> -> memref<640x16xf32, #tpu.memory_space<vmem_shared>>
      %dma_wait3A_33 = arith.constant 0 : i32
      %dma_wait3A_34 = tpu.memref_slice %arg4[%mul3A_9, %dma_wait3A_33] : memref<10240x16xf32, #tpu.memory_space<hbm>> -> memref<640x16xf32, #tpu.memory_space<hbm>>
      tpu.wait_dma2 semaphore(%run_scoped3A : memref<!tpu.dma_semaphore, #tpu.memory_space<semaphore_mem>>) src(%dma_wait3A_34 : memref<640x16xf32, #tpu.memory_space<hbm>>) dst(%dma_wait3A_32 : memref<640x16xf32, #tpu.memory_space<vmem_shared>>)
      tpu.yield
    }) : () -> ()
    %mul3A_12 = arith.constant 5120 : i32
    %mul3A_13 = arith.muli %add3A, %mul3A_12 : i32
    %dma_wait3A = arith.constant 0 : i32
    %dma_wait3A_14 = tpu.memref_slice %arg2[%mul3A_13, %dma_wait3A] : memref<163840x16xf32, #tpu.memory_space<hbm>> -> memref<5120x16xf32, #tpu.memory_space<hbm>>
    %dma_wait3A_15 = arith.constant 0 : i32
    %dma_wait3A_16 = tpu.memref_slice %arg2[%mul3A_13, %dma_wait3A_15] : memref<163840x16xf32, #tpu.memory_space<hbm>> -> memref<5120x16xf32, #tpu.memory_space<hbm>>
    tpu.wait_dma2 semaphore(%arg10 : memref<!tpu.dma_semaphore, #tpu.memory_space<semaphore_mem>>) src(%dma_wait3A_16 : memref<5120x16xf32, #tpu.memory_space<hbm>>) dst(%arg7 : memref<5120x16xf32, #tpu.memory_space<vmem>>)
    %barrier3A = arith.constant 0 : index
    tpu.barrier barrier_id(%barrier3A)
    %scan3A = arith.constant 0 : i32
    %scan3A_17 = arith.constant 0 : i32
    %scan3A_18 = arith.constant 40 : i32
    %scan3A_19 = arith.addi %scan3A_17, %scan3A_18 : i32
    %scan3A_20 = arith.constant 1 : i32
    scf.for %scan3A_27 = %scan3A_17 to %scan3A_19 step %scan3A_20  : i32 {
      %mul3A_28 = arith.constant 128 : i32
      %mul3A_29 = arith.muli %scan3A_27, %mul3A_28 : i32
      "tpu.region"() ({
        %run_scoped3A = tpu.sem_alloc : memref<!tpu.dma_semaphore, #tpu.memory_space<semaphore_mem>>
        %dma_start3A_30 = arith.constant 0 : i32
        %dma_start3A_31 = tpu.memref_slice %arg7[%mul3A_29, %dma_start3A_30] : memref<5120x16xf32, #tpu.memory_space<vmem>> -> memref<128x16xf32, #tpu.memory_space<vmem>>
        %dma_start3A_32 = arith.constant 0 : i32
        %dma_start3A_33 = tpu.memref_slice %arg6[%scan3A_27, %dma_start3A_32] : memref<40x128xi32, #tpu.memory_space<vmem>> -> memref<1x128xi32, #tpu.memory_space<vmem>>
        %dma_start3A_34 = tpu.memref_squeeze %dma_start3A_33 : memref<1x128xi32, #tpu.memory_space<vmem>> -> memref<128xi32, #tpu.memory_space<vmem>>
        %dma_start3A_35 = arith.constant 0 : i32
        %dma_start3A_36 = arith.constant 0 : i32
        %dma_start3A_37 = tpu.memref_slice %arg9[%dma_start3A_35, %dma_start3A_36] : memref<10240x16xf32, #tpu.memory_space<vmem_shared>> -> memref<10240x16xf32, #tpu.memory_space<vmem_shared>>
        tpu.enqueue_indirect_dma source(%dma_start3A_31 : memref<128x16xf32, #tpu.memory_space<vmem>>) target(%dma_start3A_37 : memref<10240x16xf32, #tpu.memory_space<vmem_shared>>) offsets(%dma_start3A_34 : memref<128xi32, #tpu.memory_space<vmem>>) semaphore(%run_scoped3A : memref<!tpu.dma_semaphore, #tpu.memory_space<semaphore_mem>>) {add = true}
        %dma_wait3A_38 = arith.constant 0 : i32
        %dma_wait3A_39 = tpu.memref_slice %arg7[%mul3A_29, %dma_wait3A_38] : memref<5120x16xf32, #tpu.memory_space<vmem>> -> memref<128x16xf32, #tpu.memory_space<vmem>>
        %dma_wait3A_40 = arith.constant 0 : i32
        %dma_wait3A_41 = tpu.memref_slice %arg6[%scan3A_27, %dma_wait3A_40] : memref<40x128xi32, #tpu.memory_space<vmem>> -> memref<1x128xi32, #tpu.memory_space<vmem>>
        %dma_wait3A_42 = tpu.memref_squeeze %dma_wait3A_41 : memref<1x128xi32, #tpu.memory_space<vmem>> -> memref<128xi32, #tpu.memory_space<vmem>>
        %dma_wait3A_43 = arith.constant 0 : i32
        %dma_wait3A_44 = arith.constant 0 : i32
        %dma_wait3A_45 = tpu.memref_slice %arg9[%dma_wait3A_43, %dma_wait3A_44] : memref<10240x16xf32, #tpu.memory_space<vmem_shared>> -> memref<10240x16xf32, #tpu.memory_space<vmem_shared>>
        tpu.wait_indirect_dma semaphore(%run_scoped3A : memref<!tpu.dma_semaphore, #tpu.memory_space<semaphore_mem>>) src(%dma_wait3A_39 : memref<128x16xf32, #tpu.memory_space<vmem>>) dst(%dma_wait3A_45 : memref<10240x16xf32, #tpu.memory_space<vmem_shared>>)
        tpu.yield
      }) : () -> ()
    }
    %scan3A_21 = arith.constant 40 : i32
    %barrier3A_22 = arith.constant 0 : index
    tpu.barrier barrier_id(%barrier3A_22)
    %mul3A_23 = arith.constant 640 : i32
    %mul3A_24 = arith.muli %arg1, %mul3A_23 : i32
    "tpu.region"() ({
      %run_scoped3A = tpu.sem_alloc : memref<!tpu.dma_semaphore, #tpu.memory_space<semaphore_mem>>
      %dma_start3A_27 = arith.constant 0 : i32
      %dma_start3A_28 = tpu.memref_slice %arg9[%mul3A_24, %dma_start3A_27] : memref<10240x16xf32, #tpu.memory_space<vmem_shared>> -> memref<640x16xf32, #tpu.memory_space<vmem_shared>>
      %dma_start3A_29 = arith.constant 0 : i32
      %dma_start3A_30 = tpu.memref_slice %arg9[%mul3A_24, %dma_start3A_29] : memref<10240x16xf32, #tpu.memory_space<vmem_shared>> -> memref<640x16xf32, #tpu.memory_space<vmem_shared>>
      tpu.enqueue_dma source(%dma_start3A_30 : memref<640x16xf32, #tpu.memory_space<vmem_shared>>) target(%arg8 : memref<640x16xf32, #tpu.memory_space<vmem>>) target_semaphore(%run_scoped3A : memref<!tpu.dma_semaphore, #tpu.memory_space<semaphore_mem>>)
      %dma_wait3A_31 = arith.constant 0 : i32
      %dma_wait3A_32 = tpu.memref_slice %arg9[%mul3A_24, %dma_wait3A_31] : memref<10240x16xf32, #tpu.memory_space<vmem_shared>> -> memref<640x16xf32, #tpu.memory_space<vmem_shared>>
      %dma_wait3A_33 = arith.constant 0 : i32
      %dma_wait3A_34 = tpu.memref_slice %arg9[%mul3A_24, %dma_wait3A_33] : memref<10240x16xf32, #tpu.memory_space<vmem_shared>> -> memref<640x16xf32, #tpu.memory_space<vmem_shared>>
      tpu.wait_dma2 semaphore(%run_scoped3A : memref<!tpu.dma_semaphore, #tpu.memory_space<semaphore_mem>>) src(%dma_wait3A_34 : memref<640x16xf32, #tpu.memory_space<vmem_shared>>) dst(%arg8 : memref<640x16xf32, #tpu.memory_space<vmem>>)
      tpu.yield
    }) : () -> ()
    %mul3A_25 = arith.constant 640 : i32
    %mul3A_26 = arith.muli %arg1, %mul3A_25 : i32
    "tpu.region"() ({
      %run_scoped3A = tpu.sem_alloc : memref<!tpu.dma_semaphore, #tpu.memory_space<semaphore_mem>>
      %dma_start3A_27 = arith.constant 0 : i32
      %dma_start3A_28 = tpu.memref_slice %arg5[%arg0, %mul3A_26, %dma_start3A_27] : memref<2x10240x16xf32, #tpu.memory_space<hbm>> -> memref<1x640x16xf32, #tpu.memory_space<hbm>>
      %dma_start3A_29 = tpu.memref_squeeze %dma_start3A_28 : memref<1x640x16xf32, #tpu.memory_space<hbm>> -> memref<640x16xf32, #tpu.memory_space<hbm>>
      %dma_start3A_30 = arith.constant 0 : i32
      %dma_start3A_31 = tpu.memref_slice %arg5[%arg0, %mul3A_26, %dma_start3A_30] : memref<2x10240x16xf32, #tpu.memory_space<hbm>> -> memref<1x640x16xf32, #tpu.memory_space<hbm>>
      %dma_start3A_32 = tpu.memref_squeeze %dma_start3A_31 : memref<1x640x16xf32, #tpu.memory_space<hbm>> -> memref<640x16xf32, #tpu.memory_space<hbm>>
      tpu.enqueue_dma source(%arg8 : memref<640x16xf32, #tpu.memory_space<vmem>>) target(%dma_start3A_32 : memref<640x16xf32, #tpu.memory_space<hbm>>) target_semaphore(%run_scoped3A : memref<!tpu.dma_semaphore, #tpu.memory_space<semaphore_mem>>)
      %dma_wait3A_33 = arith.constant 0 : i32
      %dma_wait3A_34 = tpu.memref_slice %arg5[%arg0, %mul3A_26, %dma_wait3A_33] : memref<2x10240x16xf32, #tpu.memory_space<hbm>> -> memref<1x640x16xf32, #tpu.memory_space<hbm>>
      %dma_wait3A_35 = tpu.memref_squeeze %dma_wait3A_34 : memref<1x640x16xf32, #tpu.memory_space<hbm>> -> memref<640x16xf32, #tpu.memory_space<hbm>>
      %dma_wait3A_36 = arith.constant 0 : i32
      %dma_wait3A_37 = tpu.memref_slice %arg5[%arg0, %mul3A_26, %dma_wait3A_36] : memref<2x10240x16xf32, #tpu.memory_space<hbm>> -> memref<1x640x16xf32, #tpu.memory_space<hbm>>
      %dma_wait3A_38 = tpu.memref_squeeze %dma_wait3A_37 : memref<1x640x16xf32, #tpu.memory_space<hbm>> -> memref<640x16xf32, #tpu.memory_space<hbm>>
      tpu.wait_dma2 semaphore(%run_scoped3A : memref<!tpu.dma_semaphore, #tpu.memory_space<semaphore_mem>>) src(%arg8 : memref<640x16xf32, #tpu.memory_space<vmem>>) dst(%dma_wait3A_38 : memref<640x16xf32, #tpu.memory_space<hbm>>)
      tpu.yield
    }) : () -> ()
    return
  }
}

#map = affine_map<(d0, d1) -> (0, 0)>
module attributes {stable_mosaic.version = 14 : i64} {
  func.func @_gather_body(%arg0: i32, %arg1: i32, %arg2: memref<10240x16xf32, #tpu.memory_space<hbm>>, %arg3: memref<1280x128xi32, #tpu.memory_space<hbm>>, %arg4: memref<163840x16xf32, #tpu.memory_space<hbm>>, %arg5: memref<40x128xi32, #tpu.memory_space<vmem>>, %arg6: memref<5120x16xf32, #tpu.memory_space<vmem>>, %arg7: memref<10240x16xf32, #tpu.memory_space<vmem_shared>>, %arg8: memref<!tpu.dma_semaphore, #tpu.memory_space<semaphore_mem>>) attributes {dimension_semantics = [#tpu.dimension_semantics<core_parallel>, #tpu.dimension_semantics<subcore_parallel>], iteration_bounds = array<i64: 2, 16>, scalar_prefetch = 0 : i64, scratch_operands = 4 : i64, tpu.core_type = #tpu.core_type<sc_vector_subcore>, window_params = [{transform_indices = #map}, {transform_indices = #map}, {transform_indices = #map}]} {
    %mul3A = arith.constant 2 : i32
    %mul3A_0 = arith.muli %arg1, %mul3A : i32
    %add3A = arith.addi %mul3A_0, %arg0 : i32
    %mul3A_1 = arith.constant 40 : i32
    %mul3A_2 = arith.muli %add3A, %mul3A_1 : i32
    %mul3A_3 = arith.constant 640 : i32
    %mul3A_4 = arith.muli %arg1, %mul3A_3 : i32
    %mul3A_5 = arith.constant 640 : i32
    %mul3A_6 = arith.muli %arg1, %mul3A_5 : i32
    "tpu.region"() ({
      %run_scoped3A = tpu.sem_alloc : memref<!tpu.dma_semaphore, #tpu.memory_space<semaphore_mem>>
      %dma_start3A = arith.constant 0 : i32
      %dma_start3A_20 = tpu.memref_slice %arg7[%mul3A_6, %dma_start3A] : memref<10240x16xf32, #tpu.memory_space<vmem_shared>> -> memref<640x16xf32, #tpu.memory_space<vmem_shared>>
      %dma_start3A_21 = arith.constant 0 : i32
      %dma_start3A_22 = tpu.memref_slice %arg2[%mul3A_4, %dma_start3A_21] : memref<10240x16xf32, #tpu.memory_space<hbm>> -> memref<640x16xf32, #tpu.memory_space<hbm>>
      tpu.enqueue_dma source(%dma_start3A_22 : memref<640x16xf32, #tpu.memory_space<hbm>>) target(%dma_start3A_20 : memref<640x16xf32, #tpu.memory_space<vmem_shared>>) target_semaphore(%run_scoped3A : memref<!tpu.dma_semaphore, #tpu.memory_space<semaphore_mem>>)
      %dma_wait3A = arith.constant 0 : i32
      %dma_wait3A_23 = tpu.memref_slice %arg7[%mul3A_6, %dma_wait3A] : memref<10240x16xf32, #tpu.memory_space<vmem_shared>> -> memref<640x16xf32, #tpu.memory_space<vmem_shared>>
      %dma_wait3A_24 = arith.constant 0 : i32
      %dma_wait3A_25 = tpu.memref_slice %arg2[%mul3A_4, %dma_wait3A_24] : memref<10240x16xf32, #tpu.memory_space<hbm>> -> memref<640x16xf32, #tpu.memory_space<hbm>>
      tpu.wait_dma2 semaphore(%run_scoped3A : memref<!tpu.dma_semaphore, #tpu.memory_space<semaphore_mem>>) src(%dma_wait3A_25 : memref<640x16xf32, #tpu.memory_space<hbm>>) dst(%dma_wait3A_23 : memref<640x16xf32, #tpu.memory_space<vmem_shared>>)
      tpu.yield
    }) : () -> ()
    "tpu.region"() ({
      %run_scoped3A = tpu.sem_alloc : memref<!tpu.dma_semaphore, #tpu.memory_space<semaphore_mem>>
      %dma_start3A = arith.constant 0 : i32
      %dma_start3A_20 = tpu.memref_slice %arg3[%mul3A_2, %dma_start3A] : memref<1280x128xi32, #tpu.memory_space<hbm>> -> memref<40x128xi32, #tpu.memory_space<hbm>>
      %dma_start3A_21 = arith.constant 0 : i32
      %dma_start3A_22 = tpu.memref_slice %arg3[%mul3A_2, %dma_start3A_21] : memref<1280x128xi32, #tpu.memory_space<hbm>> -> memref<40x128xi32, #tpu.memory_space<hbm>>
      tpu.enqueue_dma source(%dma_start3A_22 : memref<40x128xi32, #tpu.memory_space<hbm>>) target(%arg5 : memref<40x128xi32, #tpu.memory_space<vmem>>) target_semaphore(%run_scoped3A : memref<!tpu.dma_semaphore, #tpu.memory_space<semaphore_mem>>)
      %dma_wait3A = arith.constant 0 : i32
      %dma_wait3A_23 = tpu.memref_slice %arg3[%mul3A_2, %dma_wait3A] : memref<1280x128xi32, #tpu.memory_space<hbm>> -> memref<40x128xi32, #tpu.memory_space<hbm>>
      %dma_wait3A_24 = arith.constant 0 : i32
      %dma_wait3A_25 = tpu.memref_slice %arg3[%mul3A_2, %dma_wait3A_24] : memref<1280x128xi32, #tpu.memory_space<hbm>> -> memref<40x128xi32, #tpu.memory_space<hbm>>
      tpu.wait_dma2 semaphore(%run_scoped3A : memref<!tpu.dma_semaphore, #tpu.memory_space<semaphore_mem>>) src(%dma_wait3A_25 : memref<40x128xi32, #tpu.memory_space<hbm>>) dst(%arg5 : memref<40x128xi32, #tpu.memory_space<vmem>>)
      tpu.yield
    }) : () -> ()
    %barrier3A = arith.constant 0 : index
    tpu.barrier barrier_id(%barrier3A)
    %scan3A = arith.constant 0 : i32
    %scan3A_7 = arith.constant 0 : i32
    %scan3A_8 = arith.constant 40 : i32
    %scan3A_9 = arith.addi %scan3A_7, %scan3A_8 : i32
    %scan3A_10 = arith.constant 1 : i32
    scf.for %scan3A_20 = %scan3A_7 to %scan3A_9 step %scan3A_10  : i32 {
      %mul3A_21 = arith.constant 128 : i32
      %mul3A_22 = arith.muli %scan3A_20, %mul3A_21 : i32
      %dma_start3A = arith.constant 0 : i32
      %dma_start3A_23 = tpu.memref_slice %arg6[%mul3A_22, %dma_start3A] : memref<5120x16xf32, #tpu.memory_space<vmem>> -> memref<128x16xf32, #tpu.memory_space<vmem>>
      %dma_start3A_24 = arith.constant 0 : i32
      %dma_start3A_25 = tpu.memref_slice %arg5[%scan3A_20, %dma_start3A_24] : memref<40x128xi32, #tpu.memory_space<vmem>> -> memref<1x128xi32, #tpu.memory_space<vmem>>
      %dma_start3A_26 = tpu.memref_squeeze %dma_start3A_25 : memref<1x128xi32, #tpu.memory_space<vmem>> -> memref<128xi32, #tpu.memory_space<vmem>>
      %dma_start3A_27 = arith.constant 0 : i32
      %dma_start3A_28 = arith.constant 0 : i32
      %dma_start3A_29 = tpu.memref_slice %arg7[%dma_start3A_27, %dma_start3A_28] : memref<10240x16xf32, #tpu.memory_space<vmem_shared>> -> memref<10240x16xf32, #tpu.memory_space<vmem_shared>>
      tpu.enqueue_indirect_dma source(%dma_start3A_29 : memref<10240x16xf32, #tpu.memory_space<vmem_shared>>) target(%dma_start3A_23 : memref<128x16xf32, #tpu.memory_space<vmem>>) offsets(%dma_start3A_26 : memref<128xi32, #tpu.memory_space<vmem>>) semaphore(%arg8 : memref<!tpu.dma_semaphore, #tpu.memory_space<semaphore_mem>>)
    }
    %scan3A_11 = arith.constant 40 : i32
    %scan3A_12 = arith.constant 0 : i32
    %scan3A_13 = arith.constant 0 : i32
    %scan3A_14 = arith.constant 40 : i32
    %scan3A_15 = arith.addi %scan3A_13, %scan3A_14 : i32
    %scan3A_16 = arith.constant 1 : i32
    scf.for %scan3A_20 = %scan3A_13 to %scan3A_15 step %scan3A_16  : i32 {
      %mul3A_21 = arith.constant 128 : i32
      %mul3A_22 = arith.muli %scan3A_20, %mul3A_21 : i32
      %dma_wait3A = arith.constant 0 : i32
      %dma_wait3A_23 = tpu.memref_slice %arg6[%mul3A_22, %dma_wait3A] : memref<5120x16xf32, #tpu.memory_space<vmem>> -> memref<128x16xf32, #tpu.memory_space<vmem>>
      %dma_wait3A_24 = arith.constant 0 : i32
      %dma_wait3A_25 = tpu.memref_slice %arg5[%scan3A_20, %dma_wait3A_24] : memref<40x128xi32, #tpu.memory_space<vmem>> -> memref<1x128xi32, #tpu.memory_space<vmem>>
      %dma_wait3A_26 = tpu.memref_squeeze %dma_wait3A_25 : memref<1x128xi32, #tpu.memory_space<vmem>> -> memref<128xi32, #tpu.memory_space<vmem>>
      %dma_wait3A_27 = arith.constant 0 : i32
      %dma_wait3A_28 = arith.constant 0 : i32
      %dma_wait3A_29 = tpu.memref_slice %arg7[%dma_wait3A_27, %dma_wait3A_28] : memref<10240x16xf32, #tpu.memory_space<vmem_shared>> -> memref<10240x16xf32, #tpu.memory_space<vmem_shared>>
      tpu.wait_indirect_dma semaphore(%arg8 : memref<!tpu.dma_semaphore, #tpu.memory_space<semaphore_mem>>) src(%dma_wait3A_29 : memref<10240x16xf32, #tpu.memory_space<vmem_shared>>) dst(%dma_wait3A_23 : memref<128x16xf32, #tpu.memory_space<vmem>>)
    }
    %scan3A_17 = arith.constant 40 : i32
    %mul3A_18 = arith.constant 5120 : i32
    %mul3A_19 = arith.muli %add3A, %mul3A_18 : i32
    "tpu.region"() ({
      %run_scoped3A = tpu.sem_alloc : memref<!tpu.dma_semaphore, #tpu.memory_space<semaphore_mem>>
      %dma_start3A = arith.constant 0 : i32
      %dma_start3A_20 = tpu.memref_slice %arg4[%mul3A_19, %dma_start3A] : memref<163840x16xf32, #tpu.memory_space<hbm>> -> memref<5120x16xf32, #tpu.memory_space<hbm>>
      %dma_start3A_21 = arith.constant 0 : i32
      %dma_start3A_22 = tpu.memref_slice %arg4[%mul3A_19, %dma_start3A_21] : memref<163840x16xf32, #tpu.memory_space<hbm>> -> memref<5120x16xf32, #tpu.memory_space<hbm>>
      tpu.enqueue_dma source(%arg6 : memref<5120x16xf32, #tpu.memory_space<vmem>>) target(%dma_start3A_22 : memref<5120x16xf32, #tpu.memory_space<hbm>>) target_semaphore(%run_scoped3A : memref<!tpu.dma_semaphore, #tpu.memory_space<semaphore_mem>>)
      %dma_wait3A = arith.constant 0 : i32
      %dma_wait3A_23 = tpu.memref_slice %arg4[%mul3A_19, %dma_wait3A] : memref<163840x16xf32, #tpu.memory_space<hbm>> -> memref<5120x16xf32, #tpu.memory_space<hbm>>
      %dma_wait3A_24 = arith.constant 0 : i32
      %dma_wait3A_25 = tpu.memref_slice %arg4[%mul3A_19, %dma_wait3A_24] : memref<163840x16xf32, #tpu.memory_space<hbm>> -> memref<5120x16xf32, #tpu.memory_space<hbm>>
      tpu.wait_dma2 semaphore(%run_scoped3A : memref<!tpu.dma_semaphore, #tpu.memory_space<semaphore_mem>>) src(%arg6 : memref<5120x16xf32, #tpu.memory_space<vmem>>) dst(%dma_wait3A_25 : memref<5120x16xf32, #tpu.memory_space<hbm>>)
      tpu.yield
    }) : () -> ()
    return
  }
}

#map = affine_map<(d0, d1) -> (0, 0)>
module attributes {stable_mosaic.version = 14 : i64} {
  func.func @_gather_body(%arg0: i32, %arg1: i32, %arg2: memref<10240x16xf32, #tpu.memory_space<hbm>>, %arg3: memref<1280x128xi32, #tpu.memory_space<hbm>>, %arg4: memref<163840x16xf32, #tpu.memory_space<hbm>>, %arg5: memref<40x128xi32, #tpu.memory_space<vmem>>, %arg6: memref<5120x16xf32, #tpu.memory_space<vmem>>, %arg7: memref<10240x16xf32, #tpu.memory_space<vmem_shared>>, %arg8: memref<!tpu.dma_semaphore, #tpu.memory_space<semaphore_mem>>) attributes {dimension_semantics = [#tpu.dimension_semantics<core_parallel>, #tpu.dimension_semantics<subcore_parallel>], iteration_bounds = array<i64: 2, 16>, scalar_prefetch = 0 : i64, scratch_operands = 4 : i64, tpu.core_type = #tpu.core_type<sc_vector_subcore>, window_params = [{transform_indices = #map}, {transform_indices = #map}, {transform_indices = #map}]} {
    %mul3A = arith.constant 2 : i32
    %mul3A_0 = arith.muli %arg1, %mul3A : i32
    %add3A = arith.addi %mul3A_0, %arg0 : i32
    %mul3A_1 = arith.constant 40 : i32
    %mul3A_2 = arith.muli %add3A, %mul3A_1 : i32
    %mul3A_3 = arith.constant 640 : i32
    %mul3A_4 = arith.muli %arg1, %mul3A_3 : i32
    %mul3A_5 = arith.constant 640 : i32
    %mul3A_6 = arith.muli %arg1, %mul3A_5 : i32
    "tpu.region"() ({
      %run_scoped3A = tpu.sem_alloc : memref<!tpu.dma_semaphore, #tpu.memory_space<semaphore_mem>>
      %dma_start3A = arith.constant 0 : i32
      %dma_start3A_20 = tpu.memref_slice %arg7[%mul3A_6, %dma_start3A] : memref<10240x16xf32, #tpu.memory_space<vmem_shared>> -> memref<640x16xf32, #tpu.memory_space<vmem_shared>>
      %dma_start3A_21 = arith.constant 0 : i32
      %dma_start3A_22 = tpu.memref_slice %arg2[%mul3A_4, %dma_start3A_21] : memref<10240x16xf32, #tpu.memory_space<hbm>> -> memref<640x16xf32, #tpu.memory_space<hbm>>
      tpu.enqueue_dma source(%dma_start3A_22 : memref<640x16xf32, #tpu.memory_space<hbm>>) target(%dma_start3A_20 : memref<640x16xf32, #tpu.memory_space<vmem_shared>>) target_semaphore(%run_scoped3A : memref<!tpu.dma_semaphore, #tpu.memory_space<semaphore_mem>>)
      %dma_wait3A = arith.constant 0 : i32
      %dma_wait3A_23 = tpu.memref_slice %arg7[%mul3A_6, %dma_wait3A] : memref<10240x16xf32, #tpu.memory_space<vmem_shared>> -> memref<640x16xf32, #tpu.memory_space<vmem_shared>>
      %dma_wait3A_24 = arith.constant 0 : i32
      %dma_wait3A_25 = tpu.memref_slice %arg2[%mul3A_4, %dma_wait3A_24] : memref<10240x16xf32, #tpu.memory_space<hbm>> -> memref<640x16xf32, #tpu.memory_space<hbm>>
      tpu.wait_dma2 semaphore(%run_scoped3A : memref<!tpu.dma_semaphore, #tpu.memory_space<semaphore_mem>>) src(%dma_wait3A_25 : memref<640x16xf32, #tpu.memory_space<hbm>>) dst(%dma_wait3A_23 : memref<640x16xf32, #tpu.memory_space<vmem_shared>>)
      tpu.yield
    }) : () -> ()
    "tpu.region"() ({
      %run_scoped3A = tpu.sem_alloc : memref<!tpu.dma_semaphore, #tpu.memory_space<semaphore_mem>>
      %dma_start3A = arith.constant 0 : i32
      %dma_start3A_20 = tpu.memref_slice %arg3[%mul3A_2, %dma_start3A] : memref<1280x128xi32, #tpu.memory_space<hbm>> -> memref<40x128xi32, #tpu.memory_space<hbm>>
      %dma_start3A_21 = arith.constant 0 : i32
      %dma_start3A_22 = tpu.memref_slice %arg3[%mul3A_2, %dma_start3A_21] : memref<1280x128xi32, #tpu.memory_space<hbm>> -> memref<40x128xi32, #tpu.memory_space<hbm>>
      tpu.enqueue_dma source(%dma_start3A_22 : memref<40x128xi32, #tpu.memory_space<hbm>>) target(%arg5 : memref<40x128xi32, #tpu.memory_space<vmem>>) target_semaphore(%run_scoped3A : memref<!tpu.dma_semaphore, #tpu.memory_space<semaphore_mem>>)
      %dma_wait3A = arith.constant 0 : i32
      %dma_wait3A_23 = tpu.memref_slice %arg3[%mul3A_2, %dma_wait3A] : memref<1280x128xi32, #tpu.memory_space<hbm>> -> memref<40x128xi32, #tpu.memory_space<hbm>>
      %dma_wait3A_24 = arith.constant 0 : i32
      %dma_wait3A_25 = tpu.memref_slice %arg3[%mul3A_2, %dma_wait3A_24] : memref<1280x128xi32, #tpu.memory_space<hbm>> -> memref<40x128xi32, #tpu.memory_space<hbm>>
      tpu.wait_dma2 semaphore(%run_scoped3A : memref<!tpu.dma_semaphore, #tpu.memory_space<semaphore_mem>>) src(%dma_wait3A_25 : memref<40x128xi32, #tpu.memory_space<hbm>>) dst(%arg5 : memref<40x128xi32, #tpu.memory_space<vmem>>)
      tpu.yield
    }) : () -> ()
    %barrier3A = arith.constant 0 : index
    tpu.barrier barrier_id(%barrier3A)
    %scan3A = arith.constant 0 : i32
    %scan3A_7 = arith.constant 0 : i32
    %scan3A_8 = arith.constant 40 : i32
    %scan3A_9 = arith.addi %scan3A_7, %scan3A_8 : i32
    %scan3A_10 = arith.constant 1 : i32
    scf.for %scan3A_20 = %scan3A_7 to %scan3A_9 step %scan3A_10  : i32 {
      %mul3A_21 = arith.constant 128 : i32
      %mul3A_22 = arith.muli %scan3A_20, %mul3A_21 : i32
      %dma_start3A = arith.constant 0 : i32
      %dma_start3A_23 = tpu.memref_slice %arg6[%mul3A_22, %dma_start3A] : memref<5120x16xf32, #tpu.memory_space<vmem>> -> memref<128x16xf32, #tpu.memory_space<vmem>>
      %dma_start3A_24 = arith.constant 0 : i32
      %dma_start3A_25 = tpu.memref_slice %arg5[%scan3A_20, %dma_start3A_24] : memref<40x128xi32, #tpu.memory_space<vmem>> -> memref<1x128xi32, #tpu.memory_space<vmem>>
      %dma_start3A_26 = tpu.memref_squeeze %dma_start3A_25 : memref<1x128xi32, #tpu.memory_space<vmem>> -> memref<128xi32, #tpu.memory_space<vmem>>
      %dma_start3A_27 = arith.constant 0 : i32
      %dma_start3A_28 = arith.constant 0 : i32
      %dma_start3A_29 = tpu.memref_slice %arg7[%dma_start3A_27, %dma_start3A_28] : memref<10240x16xf32, #tpu.memory_space<vmem_shared>> -> memref<10240x16xf32, #tpu.memory_space<vmem_shared>>
      tpu.enqueue_indirect_dma source(%dma_start3A_29 : memref<10240x16xf32, #tpu.memory_space<vmem_shared>>) target(%dma_start3A_23 : memref<128x16xf32, #tpu.memory_space<vmem>>) offsets(%dma_start3A_26 : memref<128xi32, #tpu.memory_space<vmem>>) semaphore(%arg8 : memref<!tpu.dma_semaphore, #tpu.memory_space<semaphore_mem>>)
    }
    %scan3A_11 = arith.constant 40 : i32
    %scan3A_12 = arith.constant 0 : i32
    %scan3A_13 = arith.constant 0 : i32
    %scan3A_14 = arith.constant 40 : i32
    %scan3A_15 = arith.addi %scan3A_13, %scan3A_14 : i32
    %scan3A_16 = arith.constant 1 : i32
    scf.for %scan3A_20 = %scan3A_13 to %scan3A_15 step %scan3A_16  : i32 {
      %mul3A_21 = arith.constant 128 : i32
      %mul3A_22 = arith.muli %scan3A_20, %mul3A_21 : i32
      %dma_wait3A = arith.constant 0 : i32
      %dma_wait3A_23 = tpu.memref_slice %arg6[%mul3A_22, %dma_wait3A] : memref<5120x16xf32, #tpu.memory_space<vmem>> -> memref<128x16xf32, #tpu.memory_space<vmem>>
      %dma_wait3A_24 = arith.constant 0 : i32
      %dma_wait3A_25 = tpu.memref_slice %arg5[%scan3A_20, %dma_wait3A_24] : memref<40x128xi32, #tpu.memory_space<vmem>> -> memref<1x128xi32, #tpu.memory_space<vmem>>
      %dma_wait3A_26 = tpu.memref_squeeze %dma_wait3A_25 : memref<1x128xi32, #tpu.memory_space<vmem>> -> memref<128xi32, #tpu.memory_space<vmem>>
      %dma_wait3A_27 = arith.constant 0 : i32
      %dma_wait3A_28 = arith.constant 0 : i32
      %dma_wait3A_29 = tpu.memref_slice %arg7[%dma_wait3A_27, %dma_wait3A_28] : memref<10240x16xf32, #tpu.memory_space<vmem_shared>> -> memref<10240x16xf32, #tpu.memory_space<vmem_shared>>
      tpu.wait_indirect_dma semaphore(%arg8 : memref<!tpu.dma_semaphore, #tpu.memory_space<semaphore_mem>>) src(%dma_wait3A_29 : memref<10240x16xf32, #tpu.memory_space<vmem_shared>>) dst(%dma_wait3A_23 : memref<128x16xf32, #tpu.memory_space<vmem>>)
    }
    %scan3A_17 = arith.constant 40 : i32
    %mul3A_18 = arith.constant 5120 : i32
    %mul3A_19 = arith.muli %add3A, %mul3A_18 : i32
    "tpu.region"() ({
      %run_scoped3A = tpu.sem_alloc : memref<!tpu.dma_semaphore, #tpu.memory_space<semaphore_mem>>
      %dma_start3A = arith.constant 0 : i32
      %dma_start3A_20 = tpu.memref_slice %arg4[%mul3A_19, %dma_start3A] : memref<163840x16xf32, #tpu.memory_space<hbm>> -> memref<5120x16xf32, #tpu.memory_space<hbm>>
      %dma_start3A_21 = arith.constant 0 : i32
      %dma_start3A_22 = tpu.memref_slice %arg4[%mul3A_19, %dma_start3A_21] : memref<163840x16xf32, #tpu.memory_space<hbm>> -> memref<5120x16xf32, #tpu.memory_space<hbm>>
      tpu.enqueue_dma source(%arg6 : memref<5120x16xf32, #tpu.memory_space<vmem>>) target(%dma_start3A_22 : memref<5120x16xf32, #tpu.memory_space<hbm>>) target_semaphore(%run_scoped3A : memref<!tpu.dma_semaphore, #tpu.memory_space<semaphore_mem>>)
      %dma_wait3A = arith.constant 0 : i32
      %dma_wait3A_23 = tpu.memref_slice %arg4[%mul3A_19, %dma_wait3A] : memref<163840x16xf32, #tpu.memory_space<hbm>> -> memref<5120x16xf32, #tpu.memory_space<hbm>>
      %dma_wait3A_24 = arith.constant 0 : i32
      %dma_wait3A_25 = tpu.memref_slice %arg4[%mul3A_19, %dma_wait3A_24] : memref<163840x16xf32, #tpu.memory_space<hbm>> -> memref<5120x16xf32, #tpu.memory_space<hbm>>
      tpu.wait_dma2 semaphore(%run_scoped3A : memref<!tpu.dma_semaphore, #tpu.memory_space<semaphore_mem>>) src(%arg6 : memref<5120x16xf32, #tpu.memory_space<vmem>>) dst(%dma_wait3A_25 : memref<5120x16xf32, #tpu.memory_space<hbm>>)
      tpu.yield
    }) : () -> ()
    return
  }
}

#map = affine_map<(d0, d1) -> (0, 0)>
#map1 = affine_map<(d0, d1) -> (0, 0, 0)>
module attributes {stable_mosaic.version = 14 : i64} {
  func.func @_scatter_body(%arg0: i32, %arg1: i32, %arg2: memref<163840x16xf32, #tpu.memory_space<hbm>>, %arg3: memref<1280x128xi32, #tpu.memory_space<hbm>>, %arg4: memref<10240x16xf32, #tpu.memory_space<hbm>>, %arg5: memref<2x10240x16xf32, #tpu.memory_space<hbm>>, %arg6: memref<40x128xi32, #tpu.memory_space<vmem>>, %arg7: memref<5120x16xf32, #tpu.memory_space<vmem>>, %arg8: memref<640x16xf32, #tpu.memory_space<vmem>>, %arg9: memref<10240x16xf32, #tpu.memory_space<vmem_shared>>, %arg10: memref<!tpu.dma_semaphore, #tpu.memory_space<semaphore_mem>>) attributes {dimension_semantics = [#tpu.dimension_semantics<core_parallel>, #tpu.dimension_semantics<subcore_parallel>], iteration_bounds = array<i64: 2, 16>, scalar_prefetch = 0 : i64, scratch_operands = 5 : i64, tpu.core_type = #tpu.core_type<sc_vector_subcore>, window_params = [{transform_indices = #map}, {transform_indices = #map}, {transform_indices = #map}, {transform_indices = #map1}]} {
    %mul3A = arith.constant 2 : i32
    %mul3A_0 = arith.muli %arg1, %mul3A : i32
    %add3A = arith.addi %mul3A_0, %arg0 : i32
    %mul3A_1 = arith.constant 40 : i32
    %mul3A_2 = arith.muli %add3A, %mul3A_1 : i32
    "tpu.region"() ({
      %run_scoped3A = tpu.sem_alloc : memref<!tpu.dma_semaphore, #tpu.memory_space<semaphore_mem>>
      %dma_start3A_27 = arith.constant 0 : i32
      %dma_start3A_28 = tpu.memref_slice %arg3[%mul3A_2, %dma_start3A_27] : memref<1280x128xi32, #tpu.memory_space<hbm>> -> memref<40x128xi32, #tpu.memory_space<hbm>>
      %dma_start3A_29 = arith.constant 0 : i32
      %dma_start3A_30 = tpu.memref_slice %arg3[%mul3A_2, %dma_start3A_29] : memref<1280x128xi32, #tpu.memory_space<hbm>> -> memref<40x128xi32, #tpu.memory_space<hbm>>
      tpu.enqueue_dma source(%dma_start3A_30 : memref<40x128xi32, #tpu.memory_space<hbm>>) target(%arg6 : memref<40x128xi32, #tpu.memory_space<vmem>>) target_semaphore(%run_scoped3A : memref<!tpu.dma_semaphore, #tpu.memory_space<semaphore_mem>>)
      %dma_wait3A_31 = arith.constant 0 : i32
      %dma_wait3A_32 = tpu.memref_slice %arg3[%mul3A_2, %dma_wait3A_31] : memref<1280x128xi32, #tpu.memory_space<hbm>> -> memref<40x128xi32, #tpu.memory_space<hbm>>
      %dma_wait3A_33 = arith.constant 0 : i32
      %dma_wait3A_34 = tpu.memref_slice %arg3[%mul3A_2, %dma_wait3A_33] : memref<1280x128xi32, #tpu.memory_space<hbm>> -> memref<40x128xi32, #tpu.memory_space<hbm>>
      tpu.wait_dma2 semaphore(%run_scoped3A : memref<!tpu.dma_semaphore, #tpu.memory_space<semaphore_mem>>) src(%dma_wait3A_34 : memref<40x128xi32, #tpu.memory_space<hbm>>) dst(%arg6 : memref<40x128xi32, #tpu.memory_space<vmem>>)
      tpu.yield
    }) : () -> ()
    %mul3A_3 = arith.constant 5120 : i32
    %mul3A_4 = arith.muli %add3A, %mul3A_3 : i32
    %dma_start3A = arith.constant 0 : i32
    %dma_start3A_5 = tpu.memref_slice %arg2[%mul3A_4, %dma_start3A] : memref<163840x16xf32, #tpu.memory_space<hbm>> -> memref<5120x16xf32, #tpu.memory_space<hbm>>
    %dma_start3A_6 = arith.constant 0 : i32
    %dma_start3A_7 = tpu.memref_slice %arg2[%mul3A_4, %dma_start3A_6] : memref<163840x16xf32, #tpu.memory_space<hbm>> -> memref<5120x16xf32, #tpu.memory_space<hbm>>
    tpu.enqueue_dma source(%dma_start3A_7 : memref<5120x16xf32, #tpu.memory_space<hbm>>) target(%arg7 : memref<5120x16xf32, #tpu.memory_space<vmem>>) target_semaphore(%arg10 : memref<!tpu.dma_semaphore, #tpu.memory_space<semaphore_mem>>)
    %mul3A_8 = arith.constant 640 : i32
    %mul3A_9 = arith.muli %arg1, %mul3A_8 : i32
    %mul3A_10 = arith.constant 640 : i32
    %mul3A_11 = arith.muli %arg1, %mul3A_10 : i32
    "tpu.region"() ({
      %run_scoped3A = tpu.sem_alloc : memref<!tpu.dma_semaphore, #tpu.memory_space<semaphore_mem>>
      %dma_start3A_27 = arith.constant 0 : i32
      %dma_start3A_28 = tpu.memref_slice %arg9[%mul3A_11, %dma_start3A_27] : memref<10240x16xf32, #tpu.memory_space<vmem_shared>> -> memref<640x16xf32, #tpu.memory_space<vmem_shared>>
      %dma_start3A_29 = arith.constant 0 : i32
      %dma_start3A_30 = tpu.memref_slice %arg4[%mul3A_9, %dma_start3A_29] : memref<10240x16xf32, #tpu.memory_space<hbm>> -> memref<640x16xf32, #tpu.memory_space<hbm>>
      tpu.enqueue_dma source(%dma_start3A_30 : memref<640x16xf32, #tpu.memory_space<hbm>>) target(%dma_start3A_28 : memref<640x16xf32, #tpu.memory_space<vmem_shared>>) target_semaphore(%run_scoped3A : memref<!tpu.dma_semaphore, #tpu.memory_space<semaphore_mem>>)
      %dma_wait3A_31 = arith.constant 0 : i32
      %dma_wait3A_32 = tpu.memref_slice %arg9[%mul3A_11, %dma_wait3A_31] : memref<10240x16xf32, #tpu.memory_space<vmem_shared>> -> memref<640x16xf32, #tpu.memory_space<vmem_shared>>
      %dma_wait3A_33 = arith.constant 0 : i32
      %dma_wait3A_34 = tpu.memref_slice %arg4[%mul3A_9, %dma_wait3A_33] : memref<10240x16xf32, #tpu.memory_space<hbm>> -> memref<640x16xf32, #tpu.memory_space<hbm>>
      tpu.wait_dma2 semaphore(%run_scoped3A : memref<!tpu.dma_semaphore, #tpu.memory_space<semaphore_mem>>) src(%dma_wait3A_34 : memref<640x16xf32, #tpu.memory_space<hbm>>) dst(%dma_wait3A_32 : memref<640x16xf32, #tpu.memory_space<vmem_shared>>)
      tpu.yield
    }) : () -> ()
    %mul3A_12 = arith.constant 5120 : i32
    %mul3A_13 = arith.muli %add3A, %mul3A_12 : i32
    %dma_wait3A = arith.constant 0 : i32
    %dma_wait3A_14 = tpu.memref_slice %arg2[%mul3A_13, %dma_wait3A] : memref<163840x16xf32, #tpu.memory_space<hbm>> -> memref<5120x16xf32, #tpu.memory_space<hbm>>
    %dma_wait3A_15 = arith.constant 0 : i32
    %dma_wait3A_16 = tpu.memref_slice %arg2[%mul3A_13, %dma_wait3A_15] : memref<163840x16xf32, #tpu.memory_space<hbm>> -> memref<5120x16xf32, #tpu.memory_space<hbm>>
    tpu.wait_dma2 semaphore(%arg10 : memref<!tpu.dma_semaphore, #tpu.memory_space<semaphore_mem>>) src(%dma_wait3A_16 : memref<5120x16xf32, #tpu.memory_space<hbm>>) dst(%arg7 : memref<5120x16xf32, #tpu.memory_space<vmem>>)
    %barrier3A = arith.constant 0 : index
    tpu.barrier barrier_id(%barrier3A)
    %scan3A = arith.constant 0 : i32
    %scan3A_17 = arith.constant 0 : i32
    %scan3A_18 = arith.constant 40 : i32
    %scan3A_19 = arith.addi %scan3A_17, %scan3A_18 : i32
    %scan3A_20 = arith.constant 1 : i32
    scf.for %scan3A_27 = %scan3A_17 to %scan3A_19 step %scan3A_20  : i32 {
      %mul3A_28 = arith.constant 128 : i32
      %mul3A_29 = arith.muli %scan3A_27, %mul3A_28 : i32
      "tpu.region"() ({
        %run_scoped3A = tpu.sem_alloc : memref<!tpu.dma_semaphore, #tpu.memory_space<semaphore_mem>>
        %dma_start3A_30 = arith.constant 0 : i32
        %dma_start3A_31 = tpu.memref_slice %arg7[%mul3A_29, %dma_start3A_30] : memref<5120x16xf32, #tpu.memory_space<vmem>> -> memref<128x16xf32, #tpu.memory_space<vmem>>
        %dma_start3A_32 = arith.constant 0 : i32
        %dma_start3A_33 = tpu.memref_slice %arg6[%scan3A_27, %dma_start3A_32] : memref<40x128xi32, #tpu.memory_space<vmem>> -> memref<1x128xi32, #tpu.memory_space<vmem>>
        %dma_start3A_34 = tpu.memref_squeeze %dma_start3A_33 : memref<1x128xi32, #tpu.memory_space<vmem>> -> memref<128xi32, #tpu.memory_space<vmem>>
        %dma_start3A_35 = arith.constant 0 : i32
        %dma_start3A_36 = arith.constant 0 : i32
        %dma_start3A_37 = tpu.memref_slice %arg9[%dma_start3A_35, %dma_start3A_36] : memref<10240x16xf32, #tpu.memory_space<vmem_shared>> -> memref<10240x16xf32, #tpu.memory_space<vmem_shared>>
        tpu.enqueue_indirect_dma source(%dma_start3A_31 : memref<128x16xf32, #tpu.memory_space<vmem>>) target(%dma_start3A_37 : memref<10240x16xf32, #tpu.memory_space<vmem_shared>>) offsets(%dma_start3A_34 : memref<128xi32, #tpu.memory_space<vmem>>) semaphore(%run_scoped3A : memref<!tpu.dma_semaphore, #tpu.memory_space<semaphore_mem>>) {add = true}
        %dma_wait3A_38 = arith.constant 0 : i32
        %dma_wait3A_39 = tpu.memref_slice %arg7[%mul3A_29, %dma_wait3A_38] : memref<5120x16xf32, #tpu.memory_space<vmem>> -> memref<128x16xf32, #tpu.memory_space<vmem>>
        %dma_wait3A_40 = arith.constant 0 : i32
        %dma_wait3A_41 = tpu.memref_slice %arg6[%scan3A_27, %dma_wait3A_40] : memref<40x128xi32, #tpu.memory_space<vmem>> -> memref<1x128xi32, #tpu.memory_space<vmem>>
        %dma_wait3A_42 = tpu.memref_squeeze %dma_wait3A_41 : memref<1x128xi32, #tpu.memory_space<vmem>> -> memref<128xi32, #tpu.memory_space<vmem>>
        %dma_wait3A_43 = arith.constant 0 : i32
        %dma_wait3A_44 = arith.constant 0 : i32
        %dma_wait3A_45 = tpu.memref_slice %arg9[%dma_wait3A_43, %dma_wait3A_44] : memref<10240x16xf32, #tpu.memory_space<vmem_shared>> -> memref<10240x16xf32, #tpu.memory_space<vmem_shared>>
        tpu.wait_indirect_dma semaphore(%run_scoped3A : memref<!tpu.dma_semaphore, #tpu.memory_space<semaphore_mem>>) src(%dma_wait3A_39 : memref<128x16xf32, #tpu.memory_space<vmem>>) dst(%dma_wait3A_45 : memref<10240x16xf32, #tpu.memory_space<vmem_shared>>)
        tpu.yield
      }) : () -> ()
    }
    %scan3A_21 = arith.constant 40 : i32
    %barrier3A_22 = arith.constant 0 : index
    tpu.barrier barrier_id(%barrier3A_22)
    %mul3A_23 = arith.constant 640 : i32
    %mul3A_24 = arith.muli %arg1, %mul3A_23 : i32
    "tpu.region"() ({
      %run_scoped3A = tpu.sem_alloc : memref<!tpu.dma_semaphore, #tpu.memory_space<semaphore_mem>>
      %dma_start3A_27 = arith.constant 0 : i32
      %dma_start3A_28 = tpu.memref_slice %arg9[%mul3A_24, %dma_start3A_27] : memref<10240x16xf32, #tpu.memory_space<vmem_shared>> -> memref<640x16xf32, #tpu.memory_space<vmem_shared>>
      %dma_start3A_29 = arith.constant 0 : i32
      %dma_start3A_30 = tpu.memref_slice %arg9[%mul3A_24, %dma_start3A_29] : memref<10240x16xf32, #tpu.memory_space<vmem_shared>> -> memref<640x16xf32, #tpu.memory_space<vmem_shared>>
      tpu.enqueue_dma source(%dma_start3A_30 : memref<640x16xf32, #tpu.memory_space<vmem_shared>>) target(%arg8 : memref<640x16xf32, #tpu.memory_space<vmem>>) target_semaphore(%run_scoped3A : memref<!tpu.dma_semaphore, #tpu.memory_space<semaphore_mem>>)
      %dma_wait3A_31 = arith.constant 0 : i32
      %dma_wait3A_32 = tpu.memref_slice %arg9[%mul3A_24, %dma_wait3A_31] : memref<10240x16xf32, #tpu.memory_space<vmem_shared>> -> memref<640x16xf32, #tpu.memory_space<vmem_shared>>
      %dma_wait3A_33 = arith.constant 0 : i32
      %dma_wait3A_34 = tpu.memref_slice %arg9[%mul3A_24, %dma_wait3A_33] : memref<10240x16xf32, #tpu.memory_space<vmem_shared>> -> memref<640x16xf32, #tpu.memory_space<vmem_shared>>
      tpu.wait_dma2 semaphore(%run_scoped3A : memref<!tpu.dma_semaphore, #tpu.memory_space<semaphore_mem>>) src(%dma_wait3A_34 : memref<640x16xf32, #tpu.memory_space<vmem_shared>>) dst(%arg8 : memref<640x16xf32, #tpu.memory_space<vmem>>)
      tpu.yield
    }) : () -> ()
    %mul3A_25 = arith.constant 640 : i32
    %mul3A_26 = arith.muli %arg1, %mul3A_25 : i32
    "tpu.region"() ({
      %run_scoped3A = tpu.sem_alloc : memref<!tpu.dma_semaphore, #tpu.memory_space<semaphore_mem>>
      %dma_start3A_27 = arith.constant 0 : i32
      %dma_start3A_28 = tpu.memref_slice %arg5[%arg0, %mul3A_26, %dma_start3A_27] : memref<2x10240x16xf32, #tpu.memory_space<hbm>> -> memref<1x640x16xf32, #tpu.memory_space<hbm>>
      %dma_start3A_29 = tpu.memref_squeeze %dma_start3A_28 : memref<1x640x16xf32, #tpu.memory_space<hbm>> -> memref<640x16xf32, #tpu.memory_space<hbm>>
      %dma_start3A_30 = arith.constant 0 : i32
      %dma_start3A_31 = tpu.memref_slice %arg5[%arg0, %mul3A_26, %dma_start3A_30] : memref<2x10240x16xf32, #tpu.memory_space<hbm>> -> memref<1x640x16xf32, #tpu.memory_space<hbm>>
      %dma_start3A_32 = tpu.memref_squeeze %dma_start3A_31 : memref<1x640x16xf32, #tpu.memory_space<hbm>> -> memref<640x16xf32, #tpu.memory_space<hbm>>
      tpu.enqueue_dma source(%arg8 : memref<640x16xf32, #tpu.memory_space<vmem>>) target(%dma_start3A_32 : memref<640x16xf32, #tpu.memory_space<hbm>>) target_semaphore(%run_scoped3A : memref<!tpu.dma_semaphore, #tpu.memory_space<semaphore_mem>>)
      %dma_wait3A_33 = arith.constant 0 : i32
      %dma_wait3A_34 = tpu.memref_slice %arg5[%arg0, %mul3A_26, %dma_wait3A_33] : memref<2x10240x16xf32, #tpu.memory_space<hbm>> -> memref<1x640x16xf32, #tpu.memory_space<hbm>>
      %dma_wait3A_35 = tpu.memref_squeeze %dma_wait3A_34 : memref<1x640x16xf32, #tpu.memory_space<hbm>> -> memref<640x16xf32, #tpu.memory_space<hbm>>
      %dma_wait3A_36 = arith.constant 0 : i32
      %dma_wait3A_37 = tpu.memref_slice %arg5[%arg0, %mul3A_26, %dma_wait3A_36] : memref<2x10240x16xf32, #tpu.memory_space<hbm>> -> memref<1x640x16xf32, #tpu.memory_space<hbm>>
      %dma_wait3A_38 = tpu.memref_squeeze %dma_wait3A_37 : memref<1x640x16xf32, #tpu.memory_space<hbm>> -> memref<640x16xf32, #tpu.memory_space<hbm>>
      tpu.wait_dma2 semaphore(%run_scoped3A : memref<!tpu.dma_semaphore, #tpu.memory_space<semaphore_mem>>) src(%arg8 : memref<640x16xf32, #tpu.memory_space<vmem>>) dst(%dma_wait3A_38 : memref<640x16xf32, #tpu.memory_space<hbm>>)
      tpu.yield
    }) : () -> ()
    return
  }
}

#map = affine_map<(d0, d1) -> (0, 0)>
#map1 = affine_map<(d0, d1) -> (0, 0, 0)>
module attributes {stable_mosaic.version = 14 : i64} {
  func.func @_scatter_body(%arg0: i32, %arg1: i32, %arg2: memref<163840x16xf32, #tpu.memory_space<hbm>>, %arg3: memref<1280x128xi32, #tpu.memory_space<hbm>>, %arg4: memref<10240x16xf32, #tpu.memory_space<hbm>>, %arg5: memref<2x10240x16xf32, #tpu.memory_space<hbm>>, %arg6: memref<40x128xi32, #tpu.memory_space<vmem>>, %arg7: memref<5120x16xf32, #tpu.memory_space<vmem>>, %arg8: memref<640x16xf32, #tpu.memory_space<vmem>>, %arg9: memref<10240x16xf32, #tpu.memory_space<vmem_shared>>, %arg10: memref<!tpu.dma_semaphore, #tpu.memory_space<semaphore_mem>>) attributes {dimension_semantics = [#tpu.dimension_semantics<core_parallel>, #tpu.dimension_semantics<subcore_parallel>], iteration_bounds = array<i64: 2, 16>, scalar_prefetch = 0 : i64, scratch_operands = 5 : i64, tpu.core_type = #tpu.core_type<sc_vector_subcore>, window_params = [{transform_indices = #map}, {transform_indices = #map}, {transform_indices = #map}, {transform_indices = #map1}]} {
    %mul3A = arith.constant 2 : i32
    %mul3A_0 = arith.muli %arg1, %mul3A : i32
    %add3A = arith.addi %mul3A_0, %arg0 : i32
    %mul3A_1 = arith.constant 40 : i32
    %mul3A_2 = arith.muli %add3A, %mul3A_1 : i32
    "tpu.region"() ({
      %run_scoped3A = tpu.sem_alloc : memref<!tpu.dma_semaphore, #tpu.memory_space<semaphore_mem>>
      %dma_start3A_27 = arith.constant 0 : i32
      %dma_start3A_28 = tpu.memref_slice %arg3[%mul3A_2, %dma_start3A_27] : memref<1280x128xi32, #tpu.memory_space<hbm>> -> memref<40x128xi32, #tpu.memory_space<hbm>>
      %dma_start3A_29 = arith.constant 0 : i32
      %dma_start3A_30 = tpu.memref_slice %arg3[%mul3A_2, %dma_start3A_29] : memref<1280x128xi32, #tpu.memory_space<hbm>> -> memref<40x128xi32, #tpu.memory_space<hbm>>
      tpu.enqueue_dma source(%dma_start3A_30 : memref<40x128xi32, #tpu.memory_space<hbm>>) target(%arg6 : memref<40x128xi32, #tpu.memory_space<vmem>>) target_semaphore(%run_scoped3A : memref<!tpu.dma_semaphore, #tpu.memory_space<semaphore_mem>>)
      %dma_wait3A_31 = arith.constant 0 : i32
      %dma_wait3A_32 = tpu.memref_slice %arg3[%mul3A_2, %dma_wait3A_31] : memref<1280x128xi32, #tpu.memory_space<hbm>> -> memref<40x128xi32, #tpu.memory_space<hbm>>
      %dma_wait3A_33 = arith.constant 0 : i32
      %dma_wait3A_34 = tpu.memref_slice %arg3[%mul3A_2, %dma_wait3A_33] : memref<1280x128xi32, #tpu.memory_space<hbm>> -> memref<40x128xi32, #tpu.memory_space<hbm>>
      tpu.wait_dma2 semaphore(%run_scoped3A : memref<!tpu.dma_semaphore, #tpu.memory_space<semaphore_mem>>) src(%dma_wait3A_34 : memref<40x128xi32, #tpu.memory_space<hbm>>) dst(%arg6 : memref<40x128xi32, #tpu.memory_space<vmem>>)
      tpu.yield
    }) : () -> ()
    %mul3A_3 = arith.constant 5120 : i32
    %mul3A_4 = arith.muli %add3A, %mul3A_3 : i32
    %dma_start3A = arith.constant 0 : i32
    %dma_start3A_5 = tpu.memref_slice %arg2[%mul3A_4, %dma_start3A] : memref<163840x16xf32, #tpu.memory_space<hbm>> -> memref<5120x16xf32, #tpu.memory_space<hbm>>
    %dma_start3A_6 = arith.constant 0 : i32
    %dma_start3A_7 = tpu.memref_slice %arg2[%mul3A_4, %dma_start3A_6] : memref<163840x16xf32, #tpu.memory_space<hbm>> -> memref<5120x16xf32, #tpu.memory_space<hbm>>
    tpu.enqueue_dma source(%dma_start3A_7 : memref<5120x16xf32, #tpu.memory_space<hbm>>) target(%arg7 : memref<5120x16xf32, #tpu.memory_space<vmem>>) target_semaphore(%arg10 : memref<!tpu.dma_semaphore, #tpu.memory_space<semaphore_mem>>)
    %mul3A_8 = arith.constant 640 : i32
    %mul3A_9 = arith.muli %arg1, %mul3A_8 : i32
    %mul3A_10 = arith.constant 640 : i32
    %mul3A_11 = arith.muli %arg1, %mul3A_10 : i32
    "tpu.region"() ({
      %run_scoped3A = tpu.sem_alloc : memref<!tpu.dma_semaphore, #tpu.memory_space<semaphore_mem>>
      %dma_start3A_27 = arith.constant 0 : i32
      %dma_start3A_28 = tpu.memref_slice %arg9[%mul3A_11, %dma_start3A_27] : memref<10240x16xf32, #tpu.memory_space<vmem_shared>> -> memref<640x16xf32, #tpu.memory_space<vmem_shared>>
      %dma_start3A_29 = arith.constant 0 : i32
      %dma_start3A_30 = tpu.memref_slice %arg4[%mul3A_9, %dma_start3A_29] : memref<10240x16xf32, #tpu.memory_space<hbm>> -> memref<640x16xf32, #tpu.memory_space<hbm>>
      tpu.enqueue_dma source(%dma_start3A_30 : memref<640x16xf32, #tpu.memory_space<hbm>>) target(%dma_start3A_28 : memref<640x16xf32, #tpu.memory_space<vmem_shared>>) target_semaphore(%run_scoped3A : memref<!tpu.dma_semaphore, #tpu.memory_space<semaphore_mem>>)
      %dma_wait3A_31 = arith.constant 0 : i32
      %dma_wait3A_32 = tpu.memref_slice %arg9[%mul3A_11, %dma_wait3A_31] : memref<10240x16xf32, #tpu.memory_space<vmem_shared>> -> memref<640x16xf32, #tpu.memory_space<vmem_shared>>
      %dma_wait3A_33 = arith.constant 0 : i32
      %dma_wait3A_34 = tpu.memref_slice %arg4[%mul3A_9, %dma_wait3A_33] : memref<10240x16xf32, #tpu.memory_space<hbm>> -> memref<640x16xf32, #tpu.memory_space<hbm>>
      tpu.wait_dma2 semaphore(%run_scoped3A : memref<!tpu.dma_semaphore, #tpu.memory_space<semaphore_mem>>) src(%dma_wait3A_34 : memref<640x16xf32, #tpu.memory_space<hbm>>) dst(%dma_wait3A_32 : memref<640x16xf32, #tpu.memory_space<vmem_shared>>)
      tpu.yield
    }) : () -> ()
    %mul3A_12 = arith.constant 5120 : i32
    %mul3A_13 = arith.muli %add3A, %mul3A_12 : i32
    %dma_wait3A = arith.constant 0 : i32
    %dma_wait3A_14 = tpu.memref_slice %arg2[%mul3A_13, %dma_wait3A] : memref<163840x16xf32, #tpu.memory_space<hbm>> -> memref<5120x16xf32, #tpu.memory_space<hbm>>
    %dma_wait3A_15 = arith.constant 0 : i32
    %dma_wait3A_16 = tpu.memref_slice %arg2[%mul3A_13, %dma_wait3A_15] : memref<163840x16xf32, #tpu.memory_space<hbm>> -> memref<5120x16xf32, #tpu.memory_space<hbm>>
    tpu.wait_dma2 semaphore(%arg10 : memref<!tpu.dma_semaphore, #tpu.memory_space<semaphore_mem>>) src(%dma_wait3A_16 : memref<5120x16xf32, #tpu.memory_space<hbm>>) dst(%arg7 : memref<5120x16xf32, #tpu.memory_space<vmem>>)
    %barrier3A = arith.constant 0 : index
    tpu.barrier barrier_id(%barrier3A)
    %scan3A = arith.constant 0 : i32
    %scan3A_17 = arith.constant 0 : i32
    %scan3A_18 = arith.constant 40 : i32
    %scan3A_19 = arith.addi %scan3A_17, %scan3A_18 : i32
    %scan3A_20 = arith.constant 1 : i32
    scf.for %scan3A_27 = %scan3A_17 to %scan3A_19 step %scan3A_20  : i32 {
      %mul3A_28 = arith.constant 128 : i32
      %mul3A_29 = arith.muli %scan3A_27, %mul3A_28 : i32
      "tpu.region"() ({
        %run_scoped3A = tpu.sem_alloc : memref<!tpu.dma_semaphore, #tpu.memory_space<semaphore_mem>>
        %dma_start3A_30 = arith.constant 0 : i32
        %dma_start3A_31 = tpu.memref_slice %arg7[%mul3A_29, %dma_start3A_30] : memref<5120x16xf32, #tpu.memory_space<vmem>> -> memref<128x16xf32, #tpu.memory_space<vmem>>
        %dma_start3A_32 = arith.constant 0 : i32
        %dma_start3A_33 = tpu.memref_slice %arg6[%scan3A_27, %dma_start3A_32] : memref<40x128xi32, #tpu.memory_space<vmem>> -> memref<1x128xi32, #tpu.memory_space<vmem>>
        %dma_start3A_34 = tpu.memref_squeeze %dma_start3A_33 : memref<1x128xi32, #tpu.memory_space<vmem>> -> memref<128xi32, #tpu.memory_space<vmem>>
        %dma_start3A_35 = arith.constant 0 : i32
        %dma_start3A_36 = arith.constant 0 : i32
        %dma_start3A_37 = tpu.memref_slice %arg9[%dma_start3A_35, %dma_start3A_36] : memref<10240x16xf32, #tpu.memory_space<vmem_shared>> -> memref<10240x16xf32, #tpu.memory_space<vmem_shared>>
        tpu.enqueue_indirect_dma source(%dma_start3A_31 : memref<128x16xf32, #tpu.memory_space<vmem>>) target(%dma_start3A_37 : memref<10240x16xf32, #tpu.memory_space<vmem_shared>>) offsets(%dma_start3A_34 : memref<128xi32, #tpu.memory_space<vmem>>) semaphore(%run_scoped3A : memref<!tpu.dma_semaphore, #tpu.memory_space<semaphore_mem>>) {add = true}
        %dma_wait3A_38 = arith.constant 0 : i32
        %dma_wait3A_39 = tpu.memref_slice %arg7[%mul3A_29, %dma_wait3A_38] : memref<5120x16xf32, #tpu.memory_space<vmem>> -> memref<128x16xf32, #tpu.memory_space<vmem>>
        %dma_wait3A_40 = arith.constant 0 : i32
        %dma_wait3A_41 = tpu.memref_slice %arg6[%scan3A_27, %dma_wait3A_40] : memref<40x128xi32, #tpu.memory_space<vmem>> -> memref<1x128xi32, #tpu.memory_space<vmem>>
        %dma_wait3A_42 = tpu.memref_squeeze %dma_wait3A_41 : memref<1x128xi32, #tpu.memory_space<vmem>> -> memref<128xi32, #tpu.memory_space<vmem>>
        %dma_wait3A_43 = arith.constant 0 : i32
        %dma_wait3A_44 = arith.constant 0 : i32
        %dma_wait3A_45 = tpu.memref_slice %arg9[%dma_wait3A_43, %dma_wait3A_44] : memref<10240x16xf32, #tpu.memory_space<vmem_shared>> -> memref<10240x16xf32, #tpu.memory_space<vmem_shared>>
        tpu.wait_indirect_dma semaphore(%run_scoped3A : memref<!tpu.dma_semaphore, #tpu.memory_space<semaphore_mem>>) src(%dma_wait3A_39 : memref<128x16xf32, #tpu.memory_space<vmem>>) dst(%dma_wait3A_45 : memref<10240x16xf32, #tpu.memory_space<vmem_shared>>)
        tpu.yield
      }) : () -> ()
    }
    %scan3A_21 = arith.constant 40 : i32
    %barrier3A_22 = arith.constant 0 : index
    tpu.barrier barrier_id(%barrier3A_22)
    %mul3A_23 = arith.constant 640 : i32
    %mul3A_24 = arith.muli %arg1, %mul3A_23 : i32
    "tpu.region"() ({
      %run_scoped3A = tpu.sem_alloc : memref<!tpu.dma_semaphore, #tpu.memory_space<semaphore_mem>>
      %dma_start3A_27 = arith.constant 0 : i32
      %dma_start3A_28 = tpu.memref_slice %arg9[%mul3A_24, %dma_start3A_27] : memref<10240x16xf32, #tpu.memory_space<vmem_shared>> -> memref<640x16xf32, #tpu.memory_space<vmem_shared>>
      %dma_start3A_29 = arith.constant 0 : i32
      %dma_start3A_30 = tpu.memref_slice %arg9[%mul3A_24, %dma_start3A_29] : memref<10240x16xf32, #tpu.memory_space<vmem_shared>> -> memref<640x16xf32, #tpu.memory_space<vmem_shared>>
      tpu.enqueue_dma source(%dma_start3A_30 : memref<640x16xf32, #tpu.memory_space<vmem_shared>>) target(%arg8 : memref<640x16xf32, #tpu.memory_space<vmem>>) target_semaphore(%run_scoped3A : memref<!tpu.dma_semaphore, #tpu.memory_space<semaphore_mem>>)
      %dma_wait3A_31 = arith.constant 0 : i32
      %dma_wait3A_32 = tpu.memref_slice %arg9[%mul3A_24, %dma_wait3A_31] : memref<10240x16xf32, #tpu.memory_space<vmem_shared>> -> memref<640x16xf32, #tpu.memory_space<vmem_shared>>
      %dma_wait3A_33 = arith.constant 0 : i32
      %dma_wait3A_34 = tpu.memref_slice %arg9[%mul3A_24, %dma_wait3A_33] : memref<10240x16xf32, #tpu.memory_space<vmem_shared>> -> memref<640x16xf32, #tpu.memory_space<vmem_shared>>
      tpu.wait_dma2 semaphore(%run_scoped3A : memref<!tpu.dma_semaphore, #tpu.memory_space<semaphore_mem>>) src(%dma_wait3A_34 : memref<640x16xf32, #tpu.memory_space<vmem_shared>>) dst(%arg8 : memref<640x16xf32, #tpu.memory_space<vmem>>)
      tpu.yield
    }) : () -> ()
    %mul3A_25 = arith.constant 640 : i32
    %mul3A_26 = arith.muli %arg1, %mul3A_25 : i32
    "tpu.region"() ({
      %run_scoped3A = tpu.sem_alloc : memref<!tpu.dma_semaphore, #tpu.memory_space<semaphore_mem>>
      %dma_start3A_27 = arith.constant 0 : i32
      %dma_start3A_28 = tpu.memref_slice %arg5[%arg0, %mul3A_26, %dma_start3A_27] : memref<2x10240x16xf32, #tpu.memory_space<hbm>> -> memref<1x640x16xf32, #tpu.memory_space<hbm>>
      %dma_start3A_29 = tpu.memref_squeeze %dma_start3A_28 : memref<1x640x16xf32, #tpu.memory_space<hbm>> -> memref<640x16xf32, #tpu.memory_space<hbm>>
      %dma_start3A_30 = arith.constant 0 : i32
      %dma_start3A_31 = tpu.memref_slice %arg5[%arg0, %mul3A_26, %dma_start3A_30] : memref<2x10240x16xf32, #tpu.memory_space<hbm>> -> memref<1x640x16xf32, #tpu.memory_space<hbm>>
      %dma_start3A_32 = tpu.memref_squeeze %dma_start3A_31 : memref<1x640x16xf32, #tpu.memory_space<hbm>> -> memref<640x16xf32, #tpu.memory_space<hbm>>
      tpu.enqueue_dma source(%arg8 : memref<640x16xf32, #tpu.memory_space<vmem>>) target(%dma_start3A_32 : memref<640x16xf32, #tpu.memory_space<hbm>>) target_semaphore(%run_scoped3A : memref<!tpu.dma_semaphore, #tpu.memory_space<semaphore_mem>>)
      %dma_wait3A_33 = arith.constant 0 : i32
      %dma_wait3A_34 = tpu.memref_slice %arg5[%arg0, %mul3A_26, %dma_wait3A_33] : memref<2x10240x16xf32, #tpu.memory_space<hbm>> -> memref<1x640x16xf32, #tpu.memory_space<hbm>>
      %dma_wait3A_35 = tpu.memref_squeeze %dma_wait3A_34 : memref<1x640x16xf32, #tpu.memory_space<hbm>> -> memref<640x16xf32, #tpu.memory_space<hbm>>
      %dma_wait3A_36 = arith.constant 0 : i32
      %dma_wait3A_37 = tpu.memref_slice %arg5[%arg0, %mul3A_26, %dma_wait3A_36] : memref<2x10240x16xf32, #tpu.memory_space<hbm>> -> memref<1x640x16xf32, #tpu.memory_space<hbm>>
      %dma_wait3A_38 = tpu.memref_squeeze %dma_wait3A_37 : memref<1x640x16xf32, #tpu.memory_space<hbm>> -> memref<640x16xf32, #tpu.memory_space<hbm>>
      tpu.wait_dma2 semaphore(%run_scoped3A : memref<!tpu.dma_semaphore, #tpu.memory_space<semaphore_mem>>) src(%arg8 : memref<640x16xf32, #tpu.memory_space<vmem>>) dst(%dma_wait3A_38 : memref<640x16xf32, #tpu.memory_space<hbm>>)
      tpu.yield
    }) : () -> ()
    return
  }
}

#map = affine_map<(d0, d1) -> (0, 0)>
module attributes {stable_mosaic.version = 14 : i64} {
  func.func @_gather_body(%arg0: i32, %arg1: i32, %arg2: memref<10240x16xf32, #tpu.memory_space<hbm>>, %arg3: memref<1280x128xi32, #tpu.memory_space<hbm>>, %arg4: memref<163840x16xf32, #tpu.memory_space<hbm>>, %arg5: memref<40x128xi32, #tpu.memory_space<vmem>>, %arg6: memref<5120x16xf32, #tpu.memory_space<vmem>>, %arg7: memref<10240x16xf32, #tpu.memory_space<vmem_shared>>, %arg8: memref<!tpu.dma_semaphore, #tpu.memory_space<semaphore_mem>>) attributes {dimension_semantics = [#tpu.dimension_semantics<core_parallel>, #tpu.dimension_semantics<subcore_parallel>], iteration_bounds = array<i64: 2, 16>, scalar_prefetch = 0 : i64, scratch_operands = 4 : i64, tpu.core_type = #tpu.core_type<sc_vector_subcore>, window_params = [{transform_indices = #map}, {transform_indices = #map}, {transform_indices = #map}]} {
    %mul3A = arith.constant 2 : i32
    %mul3A_0 = arith.muli %arg1, %mul3A : i32
    %add3A = arith.addi %mul3A_0, %arg0 : i32
    %mul3A_1 = arith.constant 40 : i32
    %mul3A_2 = arith.muli %add3A, %mul3A_1 : i32
    %mul3A_3 = arith.constant 640 : i32
    %mul3A_4 = arith.muli %arg1, %mul3A_3 : i32
    %mul3A_5 = arith.constant 640 : i32
    %mul3A_6 = arith.muli %arg1, %mul3A_5 : i32
    "tpu.region"() ({
      %run_scoped3A = tpu.sem_alloc : memref<!tpu.dma_semaphore, #tpu.memory_space<semaphore_mem>>
      %dma_start3A = arith.constant 0 : i32
      %dma_start3A_20 = tpu.memref_slice %arg7[%mul3A_6, %dma_start3A] : memref<10240x16xf32, #tpu.memory_space<vmem_shared>> -> memref<640x16xf32, #tpu.memory_space<vmem_shared>>
      %dma_start3A_21 = arith.constant 0 : i32
      %dma_start3A_22 = tpu.memref_slice %arg2[%mul3A_4, %dma_start3A_21] : memref<10240x16xf32, #tpu.memory_space<hbm>> -> memref<640x16xf32, #tpu.memory_space<hbm>>
      tpu.enqueue_dma source(%dma_start3A_22 : memref<640x16xf32, #tpu.memory_space<hbm>>) target(%dma_start3A_20 : memref<640x16xf32, #tpu.memory_space<vmem_shared>>) target_semaphore(%run_scoped3A : memref<!tpu.dma_semaphore, #tpu.memory_space<semaphore_mem>>)
      %dma_wait3A = arith.constant 0 : i32
      %dma_wait3A_23 = tpu.memref_slice %arg7[%mul3A_6, %dma_wait3A] : memref<10240x16xf32, #tpu.memory_space<vmem_shared>> -> memref<640x16xf32, #tpu.memory_space<vmem_shared>>
      %dma_wait3A_24 = arith.constant 0 : i32
      %dma_wait3A_25 = tpu.memref_slice %arg2[%mul3A_4, %dma_wait3A_24] : memref<10240x16xf32, #tpu.memory_space<hbm>> -> memref<640x16xf32, #tpu.memory_space<hbm>>
      tpu.wait_dma2 semaphore(%run_scoped3A : memref<!tpu.dma_semaphore, #tpu.memory_space<semaphore_mem>>) src(%dma_wait3A_25 : memref<640x16xf32, #tpu.memory_space<hbm>>) dst(%dma_wait3A_23 : memref<640x16xf32, #tpu.memory_space<vmem_shared>>)
      tpu.yield
    }) : () -> ()
    "tpu.region"() ({
      %run_scoped3A = tpu.sem_alloc : memref<!tpu.dma_semaphore, #tpu.memory_space<semaphore_mem>>
      %dma_start3A = arith.constant 0 : i32
      %dma_start3A_20 = tpu.memref_slice %arg3[%mul3A_2, %dma_start3A] : memref<1280x128xi32, #tpu.memory_space<hbm>> -> memref<40x128xi32, #tpu.memory_space<hbm>>
      %dma_start3A_21 = arith.constant 0 : i32
      %dma_start3A_22 = tpu.memref_slice %arg3[%mul3A_2, %dma_start3A_21] : memref<1280x128xi32, #tpu.memory_space<hbm>> -> memref<40x128xi32, #tpu.memory_space<hbm>>
      tpu.enqueue_dma source(%dma_start3A_22 : memref<40x128xi32, #tpu.memory_space<hbm>>) target(%arg5 : memref<40x128xi32, #tpu.memory_space<vmem>>) target_semaphore(%run_scoped3A : memref<!tpu.dma_semaphore, #tpu.memory_space<semaphore_mem>>)
      %dma_wait3A = arith.constant 0 : i32
      %dma_wait3A_23 = tpu.memref_slice %arg3[%mul3A_2, %dma_wait3A] : memref<1280x128xi32, #tpu.memory_space<hbm>> -> memref<40x128xi32, #tpu.memory_space<hbm>>
      %dma_wait3A_24 = arith.constant 0 : i32
      %dma_wait3A_25 = tpu.memref_slice %arg3[%mul3A_2, %dma_wait3A_24] : memref<1280x128xi32, #tpu.memory_space<hbm>> -> memref<40x128xi32, #tpu.memory_space<hbm>>
      tpu.wait_dma2 semaphore(%run_scoped3A : memref<!tpu.dma_semaphore, #tpu.memory_space<semaphore_mem>>) src(%dma_wait3A_25 : memref<40x128xi32, #tpu.memory_space<hbm>>) dst(%arg5 : memref<40x128xi32, #tpu.memory_space<vmem>>)
      tpu.yield
    }) : () -> ()
    %barrier3A = arith.constant 0 : index
    tpu.barrier barrier_id(%barrier3A)
    %scan3A = arith.constant 0 : i32
    %scan3A_7 = arith.constant 0 : i32
    %scan3A_8 = arith.constant 40 : i32
    %scan3A_9 = arith.addi %scan3A_7, %scan3A_8 : i32
    %scan3A_10 = arith.constant 1 : i32
    scf.for %scan3A_20 = %scan3A_7 to %scan3A_9 step %scan3A_10  : i32 {
      %mul3A_21 = arith.constant 128 : i32
      %mul3A_22 = arith.muli %scan3A_20, %mul3A_21 : i32
      %dma_start3A = arith.constant 0 : i32
      %dma_start3A_23 = tpu.memref_slice %arg6[%mul3A_22, %dma_start3A] : memref<5120x16xf32, #tpu.memory_space<vmem>> -> memref<128x16xf32, #tpu.memory_space<vmem>>
      %dma_start3A_24 = arith.constant 0 : i32
      %dma_start3A_25 = tpu.memref_slice %arg5[%scan3A_20, %dma_start3A_24] : memref<40x128xi32, #tpu.memory_space<vmem>> -> memref<1x128xi32, #tpu.memory_space<vmem>>
      %dma_start3A_26 = tpu.memref_squeeze %dma_start3A_25 : memref<1x128xi32, #tpu.memory_space<vmem>> -> memref<128xi32, #tpu.memory_space<vmem>>
      %dma_start3A_27 = arith.constant 0 : i32
      %dma_start3A_28 = arith.constant 0 : i32
      %dma_start3A_29 = tpu.memref_slice %arg7[%dma_start3A_27, %dma_start3A_28] : memref<10240x16xf32, #tpu.memory_space<vmem_shared>> -> memref<10240x16xf32, #tpu.memory_space<vmem_shared>>
      tpu.enqueue_indirect_dma source(%dma_start3A_29 : memref<10240x16xf32, #tpu.memory_space<vmem_shared>>) target(%dma_start3A_23 : memref<128x16xf32, #tpu.memory_space<vmem>>) offsets(%dma_start3A_26 : memref<128xi32, #tpu.memory_space<vmem>>) semaphore(%arg8 : memref<!tpu.dma_semaphore, #tpu.memory_space<semaphore_mem>>)
    }
    %scan3A_11 = arith.constant 40 : i32
    %scan3A_12 = arith.constant 0 : i32
    %scan3A_13 = arith.constant 0 : i32
    %scan3A_14 = arith.constant 40 : i32
    %scan3A_15 = arith.addi %scan3A_13, %scan3A_14 : i32
    %scan3A_16 = arith.constant 1 : i32
    scf.for %scan3A_20 = %scan3A_13 to %scan3A_15 step %scan3A_16  : i32 {
      %mul3A_21 = arith.constant 128 : i32
      %mul3A_22 = arith.muli %scan3A_20, %mul3A_21 : i32
      %dma_wait3A = arith.constant 0 : i32
      %dma_wait3A_23 = tpu.memref_slice %arg6[%mul3A_22, %dma_wait3A] : memref<5120x16xf32, #tpu.memory_space<vmem>> -> memref<128x16xf32, #tpu.memory_space<vmem>>
      %dma_wait3A_24 = arith.constant 0 : i32
      %dma_wait3A_25 = tpu.memref_slice %arg5[%scan3A_20, %dma_wait3A_24] : memref<40x128xi32, #tpu.memory_space<vmem>> -> memref<1x128xi32, #tpu.memory_space<vmem>>
      %dma_wait3A_26 = tpu.memref_squeeze %dma_wait3A_25 : memref<1x128xi32, #tpu.memory_space<vmem>> -> memref<128xi32, #tpu.memory_space<vmem>>
      %dma_wait3A_27 = arith.constant 0 : i32
      %dma_wait3A_28 = arith.constant 0 : i32
      %dma_wait3A_29 = tpu.memref_slice %arg7[%dma_wait3A_27, %dma_wait3A_28] : memref<10240x16xf32, #tpu.memory_space<vmem_shared>> -> memref<10240x16xf32, #tpu.memory_space<vmem_shared>>
      tpu.wait_indirect_dma semaphore(%arg8 : memref<!tpu.dma_semaphore, #tpu.memory_space<semaphore_mem>>) src(%dma_wait3A_29 : memref<10240x16xf32, #tpu.memory_space<vmem_shared>>) dst(%dma_wait3A_23 : memref<128x16xf32, #tpu.memory_space<vmem>>)
    }
    %scan3A_17 = arith.constant 40 : i32
    %mul3A_18 = arith.constant 5120 : i32
    %mul3A_19 = arith.muli %add3A, %mul3A_18 : i32
    "tpu.region"() ({
      %run_scoped3A = tpu.sem_alloc : memref<!tpu.dma_semaphore, #tpu.memory_space<semaphore_mem>>
      %dma_start3A = arith.constant 0 : i32
      %dma_start3A_20 = tpu.memref_slice %arg4[%mul3A_19, %dma_start3A] : memref<163840x16xf32, #tpu.memory_space<hbm>> -> memref<5120x16xf32, #tpu.memory_space<hbm>>
      %dma_start3A_21 = arith.constant 0 : i32
      %dma_start3A_22 = tpu.memref_slice %arg4[%mul3A_19, %dma_start3A_21] : memref<163840x16xf32, #tpu.memory_space<hbm>> -> memref<5120x16xf32, #tpu.memory_space<hbm>>
      tpu.enqueue_dma source(%arg6 : memref<5120x16xf32, #tpu.memory_space<vmem>>) target(%dma_start3A_22 : memref<5120x16xf32, #tpu.memory_space<hbm>>) target_semaphore(%run_scoped3A : memref<!tpu.dma_semaphore, #tpu.memory_space<semaphore_mem>>)
      %dma_wait3A = arith.constant 0 : i32
      %dma_wait3A_23 = tpu.memref_slice %arg4[%mul3A_19, %dma_wait3A] : memref<163840x16xf32, #tpu.memory_space<hbm>> -> memref<5120x16xf32, #tpu.memory_space<hbm>>
      %dma_wait3A_24 = arith.constant 0 : i32
      %dma_wait3A_25 = tpu.memref_slice %arg4[%mul3A_19, %dma_wait3A_24] : memref<163840x16xf32, #tpu.memory_space<hbm>> -> memref<5120x16xf32, #tpu.memory_space<hbm>>
      tpu.wait_dma2 semaphore(%run_scoped3A : memref<!tpu.dma_semaphore, #tpu.memory_space<semaphore_mem>>) src(%arg6 : memref<5120x16xf32, #tpu.memory_space<vmem>>) dst(%dma_wait3A_25 : memref<5120x16xf32, #tpu.memory_space<hbm>>)
      tpu.yield
    }) : () -> ()
    return
  }
}

#map = affine_map<(d0, d1) -> (0, 0)>
#map1 = affine_map<(d0, d1) -> (0, 0, 0)>
module attributes {stable_mosaic.version = 14 : i64} {
  func.func @_scatter_body(%arg0: i32, %arg1: i32, %arg2: memref<163840x16xf32, #tpu.memory_space<hbm>>, %arg3: memref<1280x128xi32, #tpu.memory_space<hbm>>, %arg4: memref<10240x16xf32, #tpu.memory_space<hbm>>, %arg5: memref<2x10240x16xf32, #tpu.memory_space<hbm>>, %arg6: memref<40x128xi32, #tpu.memory_space<vmem>>, %arg7: memref<5120x16xf32, #tpu.memory_space<vmem>>, %arg8: memref<640x16xf32, #tpu.memory_space<vmem>>, %arg9: memref<10240x16xf32, #tpu.memory_space<vmem_shared>>, %arg10: memref<!tpu.dma_semaphore, #tpu.memory_space<semaphore_mem>>) attributes {dimension_semantics = [#tpu.dimension_semantics<core_parallel>, #tpu.dimension_semantics<subcore_parallel>], iteration_bounds = array<i64: 2, 16>, scalar_prefetch = 0 : i64, scratch_operands = 5 : i64, tpu.core_type = #tpu.core_type<sc_vector_subcore>, window_params = [{transform_indices = #map}, {transform_indices = #map}, {transform_indices = #map}, {transform_indices = #map1}]} {
    %mul3A = arith.constant 2 : i32
    %mul3A_0 = arith.muli %arg1, %mul3A : i32
    %add3A = arith.addi %mul3A_0, %arg0 : i32
    %mul3A_1 = arith.constant 40 : i32
    %mul3A_2 = arith.muli %add3A, %mul3A_1 : i32
    "tpu.region"() ({
      %run_scoped3A = tpu.sem_alloc : memref<!tpu.dma_semaphore, #tpu.memory_space<semaphore_mem>>
      %dma_start3A_27 = arith.constant 0 : i32
      %dma_start3A_28 = tpu.memref_slice %arg3[%mul3A_2, %dma_start3A_27] : memref<1280x128xi32, #tpu.memory_space<hbm>> -> memref<40x128xi32, #tpu.memory_space<hbm>>
      %dma_start3A_29 = arith.constant 0 : i32
      %dma_start3A_30 = tpu.memref_slice %arg3[%mul3A_2, %dma_start3A_29] : memref<1280x128xi32, #tpu.memory_space<hbm>> -> memref<40x128xi32, #tpu.memory_space<hbm>>
      tpu.enqueue_dma source(%dma_start3A_30 : memref<40x128xi32, #tpu.memory_space<hbm>>) target(%arg6 : memref<40x128xi32, #tpu.memory_space<vmem>>) target_semaphore(%run_scoped3A : memref<!tpu.dma_semaphore, #tpu.memory_space<semaphore_mem>>)
      %dma_wait3A_31 = arith.constant 0 : i32
      %dma_wait3A_32 = tpu.memref_slice %arg3[%mul3A_2, %dma_wait3A_31] : memref<1280x128xi32, #tpu.memory_space<hbm>> -> memref<40x128xi32, #tpu.memory_space<hbm>>
      %dma_wait3A_33 = arith.constant 0 : i32
      %dma_wait3A_34 = tpu.memref_slice %arg3[%mul3A_2, %dma_wait3A_33] : memref<1280x128xi32, #tpu.memory_space<hbm>> -> memref<40x128xi32, #tpu.memory_space<hbm>>
      tpu.wait_dma2 semaphore(%run_scoped3A : memref<!tpu.dma_semaphore, #tpu.memory_space<semaphore_mem>>) src(%dma_wait3A_34 : memref<40x128xi32, #tpu.memory_space<hbm>>) dst(%arg6 : memref<40x128xi32, #tpu.memory_space<vmem>>)
      tpu.yield
    }) : () -> ()
    %mul3A_3 = arith.constant 5120 : i32
    %mul3A_4 = arith.muli %add3A, %mul3A_3 : i32
    %dma_start3A = arith.constant 0 : i32
    %dma_start3A_5 = tpu.memref_slice %arg2[%mul3A_4, %dma_start3A] : memref<163840x16xf32, #tpu.memory_space<hbm>> -> memref<5120x16xf32, #tpu.memory_space<hbm>>
    %dma_start3A_6 = arith.constant 0 : i32
    %dma_start3A_7 = tpu.memref_slice %arg2[%mul3A_4, %dma_start3A_6] : memref<163840x16xf32, #tpu.memory_space<hbm>> -> memref<5120x16xf32, #tpu.memory_space<hbm>>
    tpu.enqueue_dma source(%dma_start3A_7 : memref<5120x16xf32, #tpu.memory_space<hbm>>) target(%arg7 : memref<5120x16xf32, #tpu.memory_space<vmem>>) target_semaphore(%arg10 : memref<!tpu.dma_semaphore, #tpu.memory_space<semaphore_mem>>)
    %mul3A_8 = arith.constant 640 : i32
    %mul3A_9 = arith.muli %arg1, %mul3A_8 : i32
    %mul3A_10 = arith.constant 640 : i32
    %mul3A_11 = arith.muli %arg1, %mul3A_10 : i32
    "tpu.region"() ({
      %run_scoped3A = tpu.sem_alloc : memref<!tpu.dma_semaphore, #tpu.memory_space<semaphore_mem>>
      %dma_start3A_27 = arith.constant 0 : i32
      %dma_start3A_28 = tpu.memref_slice %arg9[%mul3A_11, %dma_start3A_27] : memref<10240x16xf32, #tpu.memory_space<vmem_shared>> -> memref<640x16xf32, #tpu.memory_space<vmem_shared>>
      %dma_start3A_29 = arith.constant 0 : i32
      %dma_start3A_30 = tpu.memref_slice %arg4[%mul3A_9, %dma_start3A_29] : memref<10240x16xf32, #tpu.memory_space<hbm>> -> memref<640x16xf32, #tpu.memory_space<hbm>>
      tpu.enqueue_dma source(%dma_start3A_30 : memref<640x16xf32, #tpu.memory_space<hbm>>) target(%dma_start3A_28 : memref<640x16xf32, #tpu.memory_space<vmem_shared>>) target_semaphore(%run_scoped3A : memref<!tpu.dma_semaphore, #tpu.memory_space<semaphore_mem>>)
      %dma_wait3A_31 = arith.constant 0 : i32
      %dma_wait3A_32 = tpu.memref_slice %arg9[%mul3A_11, %dma_wait3A_31] : memref<10240x16xf32, #tpu.memory_space<vmem_shared>> -> memref<640x16xf32, #tpu.memory_space<vmem_shared>>
      %dma_wait3A_33 = arith.constant 0 : i32
      %dma_wait3A_34 = tpu.memref_slice %arg4[%mul3A_9, %dma_wait3A_33] : memref<10240x16xf32, #tpu.memory_space<hbm>> -> memref<640x16xf32, #tpu.memory_space<hbm>>
      tpu.wait_dma2 semaphore(%run_scoped3A : memref<!tpu.dma_semaphore, #tpu.memory_space<semaphore_mem>>) src(%dma_wait3A_34 : memref<640x16xf32, #tpu.memory_space<hbm>>) dst(%dma_wait3A_32 : memref<640x16xf32, #tpu.memory_space<vmem_shared>>)
      tpu.yield
    }) : () -> ()
    %mul3A_12 = arith.constant 5120 : i32
    %mul3A_13 = arith.muli %add3A, %mul3A_12 : i32
    %dma_wait3A = arith.constant 0 : i32
    %dma_wait3A_14 = tpu.memref_slice %arg2[%mul3A_13, %dma_wait3A] : memref<163840x16xf32, #tpu.memory_space<hbm>> -> memref<5120x16xf32, #tpu.memory_space<hbm>>
    %dma_wait3A_15 = arith.constant 0 : i32
    %dma_wait3A_16 = tpu.memref_slice %arg2[%mul3A_13, %dma_wait3A_15] : memref<163840x16xf32, #tpu.memory_space<hbm>> -> memref<5120x16xf32, #tpu.memory_space<hbm>>
    tpu.wait_dma2 semaphore(%arg10 : memref<!tpu.dma_semaphore, #tpu.memory_space<semaphore_mem>>) src(%dma_wait3A_16 : memref<5120x16xf32, #tpu.memory_space<hbm>>) dst(%arg7 : memref<5120x16xf32, #tpu.memory_space<vmem>>)
    %barrier3A = arith.constant 0 : index
    tpu.barrier barrier_id(%barrier3A)
    %scan3A = arith.constant 0 : i32
    %scan3A_17 = arith.constant 0 : i32
    %scan3A_18 = arith.constant 40 : i32
    %scan3A_19 = arith.addi %scan3A_17, %scan3A_18 : i32
    %scan3A_20 = arith.constant 1 : i32
    scf.for %scan3A_27 = %scan3A_17 to %scan3A_19 step %scan3A_20  : i32 {
      %mul3A_28 = arith.constant 128 : i32
      %mul3A_29 = arith.muli %scan3A_27, %mul3A_28 : i32
      "tpu.region"() ({
        %run_scoped3A = tpu.sem_alloc : memref<!tpu.dma_semaphore, #tpu.memory_space<semaphore_mem>>
        %dma_start3A_30 = arith.constant 0 : i32
        %dma_start3A_31 = tpu.memref_slice %arg7[%mul3A_29, %dma_start3A_30] : memref<5120x16xf32, #tpu.memory_space<vmem>> -> memref<128x16xf32, #tpu.memory_space<vmem>>
        %dma_start3A_32 = arith.constant 0 : i32
        %dma_start3A_33 = tpu.memref_slice %arg6[%scan3A_27, %dma_start3A_32] : memref<40x128xi32, #tpu.memory_space<vmem>> -> memref<1x128xi32, #tpu.memory_space<vmem>>
        %dma_start3A_34 = tpu.memref_squeeze %dma_start3A_33 : memref<1x128xi32, #tpu.memory_space<vmem>> -> memref<128xi32, #tpu.memory_space<vmem>>
        %dma_start3A_35 = arith.constant 0 : i32
        %dma_start3A_36 = arith.constant 0 : i32
        %dma_start3A_37 = tpu.memref_slice %arg9[%dma_start3A_35, %dma_start3A_36] : memref<10240x16xf32, #tpu.memory_space<vmem_shared>> -> memref<10240x16xf32, #tpu.memory_space<vmem_shared>>
        tpu.enqueue_indirect_dma source(%dma_start3A_31 : memref<128x16xf32, #tpu.memory_space<vmem>>) target(%dma_start3A_37 : memref<10240x16xf32, #tpu.memory_space<vmem_shared>>) offsets(%dma_start3A_34 : memref<128xi32, #tpu.memory_space<vmem>>) semaphore(%run_scoped3A : memref<!tpu.dma_semaphore, #tpu.memory_space<semaphore_mem>>) {add = true}
        %dma_wait3A_38 = arith.constant 0 : i32
        %dma_wait3A_39 = tpu.memref_slice %arg7[%mul3A_29, %dma_wait3A_38] : memref<5120x16xf32, #tpu.memory_space<vmem>> -> memref<128x16xf32, #tpu.memory_space<vmem>>
        %dma_wait3A_40 = arith.constant 0 : i32
        %dma_wait3A_41 = tpu.memref_slice %arg6[%scan3A_27, %dma_wait3A_40] : memref<40x128xi32, #tpu.memory_space<vmem>> -> memref<1x128xi32, #tpu.memory_space<vmem>>
        %dma_wait3A_42 = tpu.memref_squeeze %dma_wait3A_41 : memref<1x128xi32, #tpu.memory_space<vmem>> -> memref<128xi32, #tpu.memory_space<vmem>>
        %dma_wait3A_43 = arith.constant 0 : i32
        %dma_wait3A_44 = arith.constant 0 : i32
        %dma_wait3A_45 = tpu.memref_slice %arg9[%dma_wait3A_43, %dma_wait3A_44] : memref<10240x16xf32, #tpu.memory_space<vmem_shared>> -> memref<10240x16xf32, #tpu.memory_space<vmem_shared>>
        tpu.wait_indirect_dma semaphore(%run_scoped3A : memref<!tpu.dma_semaphore, #tpu.memory_space<semaphore_mem>>) src(%dma_wait3A_39 : memref<128x16xf32, #tpu.memory_space<vmem>>) dst(%dma_wait3A_45 : memref<10240x16xf32, #tpu.memory_space<vmem_shared>>)
        tpu.yield
      }) : () -> ()
    }
    %scan3A_21 = arith.constant 40 : i32
    %barrier3A_22 = arith.constant 0 : index
    tpu.barrier barrier_id(%barrier3A_22)
    %mul3A_23 = arith.constant 640 : i32
    %mul3A_24 = arith.muli %arg1, %mul3A_23 : i32
    "tpu.region"() ({
      %run_scoped3A = tpu.sem_alloc : memref<!tpu.dma_semaphore, #tpu.memory_space<semaphore_mem>>
      %dma_start3A_27 = arith.constant 0 : i32
      %dma_start3A_28 = tpu.memref_slice %arg9[%mul3A_24, %dma_start3A_27] : memref<10240x16xf32, #tpu.memory_space<vmem_shared>> -> memref<640x16xf32, #tpu.memory_space<vmem_shared>>
      %dma_start3A_29 = arith.constant 0 : i32
      %dma_start3A_30 = tpu.memref_slice %arg9[%mul3A_24, %dma_start3A_29] : memref<10240x16xf32, #tpu.memory_space<vmem_shared>> -> memref<640x16xf32, #tpu.memory_space<vmem_shared>>
      tpu.enqueue_dma source(%dma_start3A_30 : memref<640x16xf32, #tpu.memory_space<vmem_shared>>) target(%arg8 : memref<640x16xf32, #tpu.memory_space<vmem>>) target_semaphore(%run_scoped3A : memref<!tpu.dma_semaphore, #tpu.memory_space<semaphore_mem>>)
      %dma_wait3A_31 = arith.constant 0 : i32
      %dma_wait3A_32 = tpu.memref_slice %arg9[%mul3A_24, %dma_wait3A_31] : memref<10240x16xf32, #tpu.memory_space<vmem_shared>> -> memref<640x16xf32, #tpu.memory_space<vmem_shared>>
      %dma_wait3A_33 = arith.constant 0 : i32
      %dma_wait3A_34 = tpu.memref_slice %arg9[%mul3A_24, %dma_wait3A_33] : memref<10240x16xf32, #tpu.memory_space<vmem_shared>> -> memref<640x16xf32, #tpu.memory_space<vmem_shared>>
      tpu.wait_dma2 semaphore(%run_scoped3A : memref<!tpu.dma_semaphore, #tpu.memory_space<semaphore_mem>>) src(%dma_wait3A_34 : memref<640x16xf32, #tpu.memory_space<vmem_shared>>) dst(%arg8 : memref<640x16xf32, #tpu.memory_space<vmem>>)
      tpu.yield
    }) : () -> ()
    %mul3A_25 = arith.constant 640 : i32
    %mul3A_26 = arith.muli %arg1, %mul3A_25 : i32
    "tpu.region"() ({
      %run_scoped3A = tpu.sem_alloc : memref<!tpu.dma_semaphore, #tpu.memory_space<semaphore_mem>>
      %dma_start3A_27 = arith.constant 0 : i32
      %dma_start3A_28 = tpu.memref_slice %arg5[%arg0, %mul3A_26, %dma_start3A_27] : memref<2x10240x16xf32, #tpu.memory_space<hbm>> -> memref<1x640x16xf32, #tpu.memory_space<hbm>>
      %dma_start3A_29 = tpu.memref_squeeze %dma_start3A_28 : memref<1x640x16xf32, #tpu.memory_space<hbm>> -> memref<640x16xf32, #tpu.memory_space<hbm>>
      %dma_start3A_30 = arith.constant 0 : i32
      %dma_start3A_31 = tpu.memref_slice %arg5[%arg0, %mul3A_26, %dma_start3A_30] : memref<2x10240x16xf32, #tpu.memory_space<hbm>> -> memref<1x640x16xf32, #tpu.memory_space<hbm>>
      %dma_start3A_32 = tpu.memref_squeeze %dma_start3A_31 : memref<1x640x16xf32, #tpu.memory_space<hbm>> -> memref<640x16xf32, #tpu.memory_space<hbm>>
      tpu.enqueue_dma source(%arg8 : memref<640x16xf32, #tpu.memory_space<vmem>>) target(%dma_start3A_32 : memref<640x16xf32, #tpu.memory_space<hbm>>) target_semaphore(%run_scoped3A : memref<!tpu.dma_semaphore, #tpu.memory_space<semaphore_mem>>)
      %dma_wait3A_33 = arith.constant 0 : i32
      %dma_wait3A_34 = tpu.memref_slice %arg5[%arg0, %mul3A_26, %dma_wait3A_33] : memref<2x10240x16xf32, #tpu.memory_space<hbm>> -> memref<1x640x16xf32, #tpu.memory_space<hbm>>
      %dma_wait3A_35 = tpu.memref_squeeze %dma_wait3A_34 : memref<1x640x16xf32, #tpu.memory_space<hbm>> -> memref<640x16xf32, #tpu.memory_space<hbm>>
      %dma_wait3A_36 = arith.constant 0 : i32
      %dma_wait3A_37 = tpu.memref_slice %arg5[%arg0, %mul3A_26, %dma_wait3A_36] : memref<2x10240x16xf32, #tpu.memory_space<hbm>> -> memref<1x640x16xf32, #tpu.memory_space<hbm>>
      %dma_wait3A_38 = tpu.memref_squeeze %dma_wait3A_37 : memref<1x640x16xf32, #tpu.memory_space<hbm>> -> memref<640x16xf32, #tpu.memory_space<hbm>>
      tpu.wait_dma2 semaphore(%run_scoped3A : memref<!tpu.dma_semaphore, #tpu.memory_space<semaphore_mem>>) src(%arg8 : memref<640x16xf32, #tpu.memory_space<vmem>>) dst(%dma_wait3A_38 : memref<640x16xf32, #tpu.memory_space<hbm>>)
      tpu.yield
    }) : () -> ()
    return
  }
}

#map = affine_map<(d0, d1) -> (0, 0)>
module attributes {stable_mosaic.version = 14 : i64} {
  func.func @_gather_body(%arg0: i32, %arg1: i32, %arg2: memref<10240x16xf32, #tpu.memory_space<hbm>>, %arg3: memref<1280x128xi32, #tpu.memory_space<hbm>>, %arg4: memref<163840x16xf32, #tpu.memory_space<hbm>>, %arg5: memref<40x128xi32, #tpu.memory_space<vmem>>, %arg6: memref<5120x16xf32, #tpu.memory_space<vmem>>, %arg7: memref<10240x16xf32, #tpu.memory_space<vmem_shared>>, %arg8: memref<!tpu.dma_semaphore, #tpu.memory_space<semaphore_mem>>) attributes {dimension_semantics = [#tpu.dimension_semantics<core_parallel>, #tpu.dimension_semantics<subcore_parallel>], iteration_bounds = array<i64: 2, 16>, scalar_prefetch = 0 : i64, scratch_operands = 4 : i64, tpu.core_type = #tpu.core_type<sc_vector_subcore>, window_params = [{transform_indices = #map}, {transform_indices = #map}, {transform_indices = #map}]} {
    %mul3A = arith.constant 2 : i32
    %mul3A_0 = arith.muli %arg1, %mul3A : i32
    %add3A = arith.addi %mul3A_0, %arg0 : i32
    %mul3A_1 = arith.constant 40 : i32
    %mul3A_2 = arith.muli %add3A, %mul3A_1 : i32
    %mul3A_3 = arith.constant 640 : i32
    %mul3A_4 = arith.muli %arg1, %mul3A_3 : i32
    %mul3A_5 = arith.constant 640 : i32
    %mul3A_6 = arith.muli %arg1, %mul3A_5 : i32
    "tpu.region"() ({
      %run_scoped3A = tpu.sem_alloc : memref<!tpu.dma_semaphore, #tpu.memory_space<semaphore_mem>>
      %dma_start3A = arith.constant 0 : i32
      %dma_start3A_20 = tpu.memref_slice %arg7[%mul3A_6, %dma_start3A] : memref<10240x16xf32, #tpu.memory_space<vmem_shared>> -> memref<640x16xf32, #tpu.memory_space<vmem_shared>>
      %dma_start3A_21 = arith.constant 0 : i32
      %dma_start3A_22 = tpu.memref_slice %arg2[%mul3A_4, %dma_start3A_21] : memref<10240x16xf32, #tpu.memory_space<hbm>> -> memref<640x16xf32, #tpu.memory_space<hbm>>
      tpu.enqueue_dma source(%dma_start3A_22 : memref<640x16xf32, #tpu.memory_space<hbm>>) target(%dma_start3A_20 : memref<640x16xf32, #tpu.memory_space<vmem_shared>>) target_semaphore(%run_scoped3A : memref<!tpu.dma_semaphore, #tpu.memory_space<semaphore_mem>>)
      %dma_wait3A = arith.constant 0 : i32
      %dma_wait3A_23 = tpu.memref_slice %arg7[%mul3A_6, %dma_wait3A] : memref<10240x16xf32, #tpu.memory_space<vmem_shared>> -> memref<640x16xf32, #tpu.memory_space<vmem_shared>>
      %dma_wait3A_24 = arith.constant 0 : i32
      %dma_wait3A_25 = tpu.memref_slice %arg2[%mul3A_4, %dma_wait3A_24] : memref<10240x16xf32, #tpu.memory_space<hbm>> -> memref<640x16xf32, #tpu.memory_space<hbm>>
      tpu.wait_dma2 semaphore(%run_scoped3A : memref<!tpu.dma_semaphore, #tpu.memory_space<semaphore_mem>>) src(%dma_wait3A_25 : memref<640x16xf32, #tpu.memory_space<hbm>>) dst(%dma_wait3A_23 : memref<640x16xf32, #tpu.memory_space<vmem_shared>>)
      tpu.yield
    }) : () -> ()
    "tpu.region"() ({
      %run_scoped3A = tpu.sem_alloc : memref<!tpu.dma_semaphore, #tpu.memory_space<semaphore_mem>>
      %dma_start3A = arith.constant 0 : i32
      %dma_start3A_20 = tpu.memref_slice %arg3[%mul3A_2, %dma_start3A] : memref<1280x128xi32, #tpu.memory_space<hbm>> -> memref<40x128xi32, #tpu.memory_space<hbm>>
      %dma_start3A_21 = arith.constant 0 : i32
      %dma_start3A_22 = tpu.memref_slice %arg3[%mul3A_2, %dma_start3A_21] : memref<1280x128xi32, #tpu.memory_space<hbm>> -> memref<40x128xi32, #tpu.memory_space<hbm>>
      tpu.enqueue_dma source(%dma_start3A_22 : memref<40x128xi32, #tpu.memory_space<hbm>>) target(%arg5 : memref<40x128xi32, #tpu.memory_space<vmem>>) target_semaphore(%run_scoped3A : memref<!tpu.dma_semaphore, #tpu.memory_space<semaphore_mem>>)
      %dma_wait3A = arith.constant 0 : i32
      %dma_wait3A_23 = tpu.memref_slice %arg3[%mul3A_2, %dma_wait3A] : memref<1280x128xi32, #tpu.memory_space<hbm>> -> memref<40x128xi32, #tpu.memory_space<hbm>>
      %dma_wait3A_24 = arith.constant 0 : i32
      %dma_wait3A_25 = tpu.memref_slice %arg3[%mul3A_2, %dma_wait3A_24] : memref<1280x128xi32, #tpu.memory_space<hbm>> -> memref<40x128xi32, #tpu.memory_space<hbm>>
      tpu.wait_dma2 semaphore(%run_scoped3A : memref<!tpu.dma_semaphore, #tpu.memory_space<semaphore_mem>>) src(%dma_wait3A_25 : memref<40x128xi32, #tpu.memory_space<hbm>>) dst(%arg5 : memref<40x128xi32, #tpu.memory_space<vmem>>)
      tpu.yield
    }) : () -> ()
    %barrier3A = arith.constant 0 : index
    tpu.barrier barrier_id(%barrier3A)
    %scan3A = arith.constant 0 : i32
    %scan3A_7 = arith.constant 0 : i32
    %scan3A_8 = arith.constant 40 : i32
    %scan3A_9 = arith.addi %scan3A_7, %scan3A_8 : i32
    %scan3A_10 = arith.constant 1 : i32
    scf.for %scan3A_20 = %scan3A_7 to %scan3A_9 step %scan3A_10  : i32 {
      %mul3A_21 = arith.constant 128 : i32
      %mul3A_22 = arith.muli %scan3A_20, %mul3A_21 : i32
      %dma_start3A = arith.constant 0 : i32
      %dma_start3A_23 = tpu.memref_slice %arg6[%mul3A_22, %dma_start3A] : memref<5120x16xf32, #tpu.memory_space<vmem>> -> memref<128x16xf32, #tpu.memory_space<vmem>>
      %dma_start3A_24 = arith.constant 0 : i32
      %dma_start3A_25 = tpu.memref_slice %arg5[%scan3A_20, %dma_start3A_24] : memref<40x128xi32, #tpu.memory_space<vmem>> -> memref<1x128xi32, #tpu.memory_space<vmem>>
      %dma_start3A_26 = tpu.memref_squeeze %dma_start3A_25 : memref<1x128xi32, #tpu.memory_space<vmem>> -> memref<128xi32, #tpu.memory_space<vmem>>
      %dma_start3A_27 = arith.constant 0 : i32
      %dma_start3A_28 = arith.constant 0 : i32
      %dma_start3A_29 = tpu.memref_slice %arg7[%dma_start3A_27, %dma_start3A_28] : memref<10240x16xf32, #tpu.memory_space<vmem_shared>> -> memref<10240x16xf32, #tpu.memory_space<vmem_shared>>
      tpu.enqueue_indirect_dma source(%dma_start3A_29 : memref<10240x16xf32, #tpu.memory_space<vmem_shared>>) target(%dma_start3A_23 : memref<128x16xf32, #tpu.memory_space<vmem>>) offsets(%dma_start3A_26 : memref<128xi32, #tpu.memory_space<vmem>>) semaphore(%arg8 : memref<!tpu.dma_semaphore, #tpu.memory_space<semaphore_mem>>)
    }
    %scan3A_11 = arith.constant 40 : i32
    %scan3A_12 = arith.constant 0 : i32
    %scan3A_13 = arith.constant 0 : i32
    %scan3A_14 = arith.constant 40 : i32
    %scan3A_15 = arith.addi %scan3A_13, %scan3A_14 : i32
    %scan3A_16 = arith.constant 1 : i32
    scf.for %scan3A_20 = %scan3A_13 to %scan3A_15 step %scan3A_16  : i32 {
      %mul3A_21 = arith.constant 128 : i32
      %mul3A_22 = arith.muli %scan3A_20, %mul3A_21 : i32
      %dma_wait3A = arith.constant 0 : i32
      %dma_wait3A_23 = tpu.memref_slice %arg6[%mul3A_22, %dma_wait3A] : memref<5120x16xf32, #tpu.memory_space<vmem>> -> memref<128x16xf32, #tpu.memory_space<vmem>>
      %dma_wait3A_24 = arith.constant 0 : i32
      %dma_wait3A_25 = tpu.memref_slice %arg5[%scan3A_20, %dma_wait3A_24] : memref<40x128xi32, #tpu.memory_space<vmem>> -> memref<1x128xi32, #tpu.memory_space<vmem>>
      %dma_wait3A_26 = tpu.memref_squeeze %dma_wait3A_25 : memref<1x128xi32, #tpu.memory_space<vmem>> -> memref<128xi32, #tpu.memory_space<vmem>>
      %dma_wait3A_27 = arith.constant 0 : i32
      %dma_wait3A_28 = arith.constant 0 : i32
      %dma_wait3A_29 = tpu.memref_slice %arg7[%dma_wait3A_27, %dma_wait3A_28] : memref<10240x16xf32, #tpu.memory_space<vmem_shared>> -> memref<10240x16xf32, #tpu.memory_space<vmem_shared>>
      tpu.wait_indirect_dma semaphore(%arg8 : memref<!tpu.dma_semaphore, #tpu.memory_space<semaphore_mem>>) src(%dma_wait3A_29 : memref<10240x16xf32, #tpu.memory_space<vmem_shared>>) dst(%dma_wait3A_23 : memref<128x16xf32, #tpu.memory_space<vmem>>)
    }
    %scan3A_17 = arith.constant 40 : i32
    %mul3A_18 = arith.constant 5120 : i32
    %mul3A_19 = arith.muli %add3A, %mul3A_18 : i32
    "tpu.region"() ({
      %run_scoped3A = tpu.sem_alloc : memref<!tpu.dma_semaphore, #tpu.memory_space<semaphore_mem>>
      %dma_start3A = arith.constant 0 : i32
      %dma_start3A_20 = tpu.memref_slice %arg4[%mul3A_19, %dma_start3A] : memref<163840x16xf32, #tpu.memory_space<hbm>> -> memref<5120x16xf32, #tpu.memory_space<hbm>>
      %dma_start3A_21 = arith.constant 0 : i32
      %dma_start3A_22 = tpu.memref_slice %arg4[%mul3A_19, %dma_start3A_21] : memref<163840x16xf32, #tpu.memory_space<hbm>> -> memref<5120x16xf32, #tpu.memory_space<hbm>>
      tpu.enqueue_dma source(%arg6 : memref<5120x16xf32, #tpu.memory_space<vmem>>) target(%dma_start3A_22 : memref<5120x16xf32, #tpu.memory_space<hbm>>) target_semaphore(%run_scoped3A : memref<!tpu.dma_semaphore, #tpu.memory_space<semaphore_mem>>)
      %dma_wait3A = arith.constant 0 : i32
      %dma_wait3A_23 = tpu.memref_slice %arg4[%mul3A_19, %dma_wait3A] : memref<163840x16xf32, #tpu.memory_space<hbm>> -> memref<5120x16xf32, #tpu.memory_space<hbm>>
      %dma_wait3A_24 = arith.constant 0 : i32
      %dma_wait3A_25 = tpu.memref_slice %arg4[%mul3A_19, %dma_wait3A_24] : memref<163840x16xf32, #tpu.memory_space<hbm>> -> memref<5120x16xf32, #tpu.memory_space<hbm>>
      tpu.wait_dma2 semaphore(%run_scoped3A : memref<!tpu.dma_semaphore, #tpu.memory_space<semaphore_mem>>) src(%arg6 : memref<5120x16xf32, #tpu.memory_space<vmem>>) dst(%dma_wait3A_25 : memref<5120x16xf32, #tpu.memory_space<hbm>>)
      tpu.yield
    }) : () -> ()
    return
  }
}

#map = affine_map<(d0, d1) -> (0, 0)>
module attributes {stable_mosaic.version = 14 : i64} {
  func.func @_gather_body(%arg0: i32, %arg1: i32, %arg2: memref<10240x16xf32, #tpu.memory_space<hbm>>, %arg3: memref<1280x128xi32, #tpu.memory_space<hbm>>, %arg4: memref<163840x16xf32, #tpu.memory_space<hbm>>, %arg5: memref<40x128xi32, #tpu.memory_space<vmem>>, %arg6: memref<5120x16xf32, #tpu.memory_space<vmem>>, %arg7: memref<10240x16xf32, #tpu.memory_space<vmem_shared>>, %arg8: memref<!tpu.dma_semaphore, #tpu.memory_space<semaphore_mem>>) attributes {dimension_semantics = [#tpu.dimension_semantics<core_parallel>, #tpu.dimension_semantics<subcore_parallel>], iteration_bounds = array<i64: 2, 16>, scalar_prefetch = 0 : i64, scratch_operands = 4 : i64, tpu.core_type = #tpu.core_type<sc_vector_subcore>, window_params = [{transform_indices = #map}, {transform_indices = #map}, {transform_indices = #map}]} {
    %mul3A = arith.constant 2 : i32
    %mul3A_0 = arith.muli %arg1, %mul3A : i32
    %add3A = arith.addi %mul3A_0, %arg0 : i32
    %mul3A_1 = arith.constant 40 : i32
    %mul3A_2 = arith.muli %add3A, %mul3A_1 : i32
    %mul3A_3 = arith.constant 640 : i32
    %mul3A_4 = arith.muli %arg1, %mul3A_3 : i32
    %mul3A_5 = arith.constant 640 : i32
    %mul3A_6 = arith.muli %arg1, %mul3A_5 : i32
    "tpu.region"() ({
      %run_scoped3A = tpu.sem_alloc : memref<!tpu.dma_semaphore, #tpu.memory_space<semaphore_mem>>
      %dma_start3A = arith.constant 0 : i32
      %dma_start3A_20 = tpu.memref_slice %arg7[%mul3A_6, %dma_start3A] : memref<10240x16xf32, #tpu.memory_space<vmem_shared>> -> memref<640x16xf32, #tpu.memory_space<vmem_shared>>
      %dma_start3A_21 = arith.constant 0 : i32
      %dma_start3A_22 = tpu.memref_slice %arg2[%mul3A_4, %dma_start3A_21] : memref<10240x16xf32, #tpu.memory_space<hbm>> -> memref<640x16xf32, #tpu.memory_space<hbm>>
      tpu.enqueue_dma source(%dma_start3A_22 : memref<640x16xf32, #tpu.memory_space<hbm>>) target(%dma_start3A_20 : memref<640x16xf32, #tpu.memory_space<vmem_shared>>) target_semaphore(%run_scoped3A : memref<!tpu.dma_semaphore, #tpu.memory_space<semaphore_mem>>)
      %dma_wait3A = arith.constant 0 : i32
      %dma_wait3A_23 = tpu.memref_slice %arg7[%mul3A_6, %dma_wait3A] : memref<10240x16xf32, #tpu.memory_space<vmem_shared>> -> memref<640x16xf32, #tpu.memory_space<vmem_shared>>
      %dma_wait3A_24 = arith.constant 0 : i32
      %dma_wait3A_25 = tpu.memref_slice %arg2[%mul3A_4, %dma_wait3A_24] : memref<10240x16xf32, #tpu.memory_space<hbm>> -> memref<640x16xf32, #tpu.memory_space<hbm>>
      tpu.wait_dma2 semaphore(%run_scoped3A : memref<!tpu.dma_semaphore, #tpu.memory_space<semaphore_mem>>) src(%dma_wait3A_25 : memref<640x16xf32, #tpu.memory_space<hbm>>) dst(%dma_wait3A_23 : memref<640x16xf32, #tpu.memory_space<vmem_shared>>)
      tpu.yield
    }) : () -> ()
    "tpu.region"() ({
      %run_scoped3A = tpu.sem_alloc : memref<!tpu.dma_semaphore, #tpu.memory_space<semaphore_mem>>
      %dma_start3A = arith.constant 0 : i32
      %dma_start3A_20 = tpu.memref_slice %arg3[%mul3A_2, %dma_start3A] : memref<1280x128xi32, #tpu.memory_space<hbm>> -> memref<40x128xi32, #tpu.memory_space<hbm>>
      %dma_start3A_21 = arith.constant 0 : i32
      %dma_start3A_22 = tpu.memref_slice %arg3[%mul3A_2, %dma_start3A_21] : memref<1280x128xi32, #tpu.memory_space<hbm>> -> memref<40x128xi32, #tpu.memory_space<hbm>>
      tpu.enqueue_dma source(%dma_start3A_22 : memref<40x128xi32, #tpu.memory_space<hbm>>) target(%arg5 : memref<40x128xi32, #tpu.memory_space<vmem>>) target_semaphore(%run_scoped3A : memref<!tpu.dma_semaphore, #tpu.memory_space<semaphore_mem>>)
      %dma_wait3A = arith.constant 0 : i32
      %dma_wait3A_23 = tpu.memref_slice %arg3[%mul3A_2, %dma_wait3A] : memref<1280x128xi32, #tpu.memory_space<hbm>> -> memref<40x128xi32, #tpu.memory_space<hbm>>
      %dma_wait3A_24 = arith.constant 0 : i32
      %dma_wait3A_25 = tpu.memref_slice %arg3[%mul3A_2, %dma_wait3A_24] : memref<1280x128xi32, #tpu.memory_space<hbm>> -> memref<40x128xi32, #tpu.memory_space<hbm>>
      tpu.wait_dma2 semaphore(%run_scoped3A : memref<!tpu.dma_semaphore, #tpu.memory_space<semaphore_mem>>) src(%dma_wait3A_25 : memref<40x128xi32, #tpu.memory_space<hbm>>) dst(%arg5 : memref<40x128xi32, #tpu.memory_space<vmem>>)
      tpu.yield
    }) : () -> ()
    %barrier3A = arith.constant 0 : index
    tpu.barrier barrier_id(%barrier3A)
    %scan3A = arith.constant 0 : i32
    %scan3A_7 = arith.constant 0 : i32
    %scan3A_8 = arith.constant 40 : i32
    %scan3A_9 = arith.addi %scan3A_7, %scan3A_8 : i32
    %scan3A_10 = arith.constant 1 : i32
    scf.for %scan3A_20 = %scan3A_7 to %scan3A_9 step %scan3A_10  : i32 {
      %mul3A_21 = arith.constant 128 : i32
      %mul3A_22 = arith.muli %scan3A_20, %mul3A_21 : i32
      %dma_start3A = arith.constant 0 : i32
      %dma_start3A_23 = tpu.memref_slice %arg6[%mul3A_22, %dma_start3A] : memref<5120x16xf32, #tpu.memory_space<vmem>> -> memref<128x16xf32, #tpu.memory_space<vmem>>
      %dma_start3A_24 = arith.constant 0 : i32
      %dma_start3A_25 = tpu.memref_slice %arg5[%scan3A_20, %dma_start3A_24] : memref<40x128xi32, #tpu.memory_space<vmem>> -> memref<1x128xi32, #tpu.memory_space<vmem>>
      %dma_start3A_26 = tpu.memref_squeeze %dma_start3A_25 : memref<1x128xi32, #tpu.memory_space<vmem>> -> memref<128xi32, #tpu.memory_space<vmem>>
      %dma_start3A_27 = arith.constant 0 : i32
      %dma_start3A_28 = arith.constant 0 : i32
      %dma_start3A_29 = tpu.memref_slice %arg7[%dma_start3A_27, %dma_start3A_28] : memref<10240x16xf32, #tpu.memory_space<vmem_shared>> -> memref<10240x16xf32, #tpu.memory_space<vmem_shared>>
      tpu.enqueue_indirect_dma source(%dma_start3A_29 : memref<10240x16xf32, #tpu.memory_space<vmem_shared>>) target(%dma_start3A_23 : memref<128x16xf32, #tpu.memory_space<vmem>>) offsets(%dma_start3A_26 : memref<128xi32, #tpu.memory_space<vmem>>) semaphore(%arg8 : memref<!tpu.dma_semaphore, #tpu.memory_space<semaphore_mem>>)
    }
    %scan3A_11 = arith.constant 40 : i32
    %scan3A_12 = arith.constant 0 : i32
    %scan3A_13 = arith.constant 0 : i32
    %scan3A_14 = arith.constant 40 : i32
    %scan3A_15 = arith.addi %scan3A_13, %scan3A_14 : i32
    %scan3A_16 = arith.constant 1 : i32
    scf.for %scan3A_20 = %scan3A_13 to %scan3A_15 step %scan3A_16  : i32 {
      %mul3A_21 = arith.constant 128 : i32
      %mul3A_22 = arith.muli %scan3A_20, %mul3A_21 : i32
      %dma_wait3A = arith.constant 0 : i32
      %dma_wait3A_23 = tpu.memref_slice %arg6[%mul3A_22, %dma_wait3A] : memref<5120x16xf32, #tpu.memory_space<vmem>> -> memref<128x16xf32, #tpu.memory_space<vmem>>
      %dma_wait3A_24 = arith.constant 0 : i32
      %dma_wait3A_25 = tpu.memref_slice %arg5[%scan3A_20, %dma_wait3A_24] : memref<40x128xi32, #tpu.memory_space<vmem>> -> memref<1x128xi32, #tpu.memory_space<vmem>>
      %dma_wait3A_26 = tpu.memref_squeeze %dma_wait3A_25 : memref<1x128xi32, #tpu.memory_space<vmem>> -> memref<128xi32, #tpu.memory_space<vmem>>
      %dma_wait3A_27 = arith.constant 0 : i32
      %dma_wait3A_28 = arith.constant 0 : i32
      %dma_wait3A_29 = tpu.memref_slice %arg7[%dma_wait3A_27, %dma_wait3A_28] : memref<10240x16xf32, #tpu.memory_space<vmem_shared>> -> memref<10240x16xf32, #tpu.memory_space<vmem_shared>>
      tpu.wait_indirect_dma semaphore(%arg8 : memref<!tpu.dma_semaphore, #tpu.memory_space<semaphore_mem>>) src(%dma_wait3A_29 : memref<10240x16xf32, #tpu.memory_space<vmem_shared>>) dst(%dma_wait3A_23 : memref<128x16xf32, #tpu.memory_space<vmem>>)
    }
    %scan3A_17 = arith.constant 40 : i32
    %mul3A_18 = arith.constant 5120 : i32
    %mul3A_19 = arith.muli %add3A, %mul3A_18 : i32
    "tpu.region"() ({
      %run_scoped3A = tpu.sem_alloc : memref<!tpu.dma_semaphore, #tpu.memory_space<semaphore_mem>>
      %dma_start3A = arith.constant 0 : i32
      %dma_start3A_20 = tpu.memref_slice %arg4[%mul3A_19, %dma_start3A] : memref<163840x16xf32, #tpu.memory_space<hbm>> -> memref<5120x16xf32, #tpu.memory_space<hbm>>
      %dma_start3A_21 = arith.constant 0 : i32
      %dma_start3A_22 = tpu.memref_slice %arg4[%mul3A_19, %dma_start3A_21] : memref<163840x16xf32, #tpu.memory_space<hbm>> -> memref<5120x16xf32, #tpu.memory_space<hbm>>
      tpu.enqueue_dma source(%arg6 : memref<5120x16xf32, #tpu.memory_space<vmem>>) target(%dma_start3A_22 : memref<5120x16xf32, #tpu.memory_space<hbm>>) target_semaphore(%run_scoped3A : memref<!tpu.dma_semaphore, #tpu.memory_space<semaphore_mem>>)
      %dma_wait3A = arith.constant 0 : i32
      %dma_wait3A_23 = tpu.memref_slice %arg4[%mul3A_19, %dma_wait3A] : memref<163840x16xf32, #tpu.memory_space<hbm>> -> memref<5120x16xf32, #tpu.memory_space<hbm>>
      %dma_wait3A_24 = arith.constant 0 : i32
      %dma_wait3A_25 = tpu.memref_slice %arg4[%mul3A_19, %dma_wait3A_24] : memref<163840x16xf32, #tpu.memory_space<hbm>> -> memref<5120x16xf32, #tpu.memory_space<hbm>>
      tpu.wait_dma2 semaphore(%run_scoped3A : memref<!tpu.dma_semaphore, #tpu.memory_space<semaphore_mem>>) src(%arg6 : memref<5120x16xf32, #tpu.memory_space<vmem>>) dst(%dma_wait3A_25 : memref<5120x16xf32, #tpu.memory_space<hbm>>)
      tpu.yield
    }) : () -> ()
    return
  }
}

#map = affine_map<(d0, d1) -> (0, 0)>
#map1 = affine_map<(d0, d1) -> (0, 0, 0)>
module attributes {stable_mosaic.version = 14 : i64} {
  func.func @_scatter_body(%arg0: i32, %arg1: i32, %arg2: memref<163840x16xf32, #tpu.memory_space<hbm>>, %arg3: memref<1280x128xi32, #tpu.memory_space<hbm>>, %arg4: memref<10240x16xf32, #tpu.memory_space<hbm>>, %arg5: memref<2x10240x16xf32, #tpu.memory_space<hbm>>, %arg6: memref<40x128xi32, #tpu.memory_space<vmem>>, %arg7: memref<5120x16xf32, #tpu.memory_space<vmem>>, %arg8: memref<640x16xf32, #tpu.memory_space<vmem>>, %arg9: memref<10240x16xf32, #tpu.memory_space<vmem_shared>>, %arg10: memref<!tpu.dma_semaphore, #tpu.memory_space<semaphore_mem>>) attributes {dimension_semantics = [#tpu.dimension_semantics<core_parallel>, #tpu.dimension_semantics<subcore_parallel>], iteration_bounds = array<i64: 2, 16>, scalar_prefetch = 0 : i64, scratch_operands = 5 : i64, tpu.core_type = #tpu.core_type<sc_vector_subcore>, window_params = [{transform_indices = #map}, {transform_indices = #map}, {transform_indices = #map}, {transform_indices = #map1}]} {
    %mul3A = arith.constant 2 : i32
    %mul3A_0 = arith.muli %arg1, %mul3A : i32
    %add3A = arith.addi %mul3A_0, %arg0 : i32
    %mul3A_1 = arith.constant 40 : i32
    %mul3A_2 = arith.muli %add3A, %mul3A_1 : i32
    "tpu.region"() ({
      %run_scoped3A = tpu.sem_alloc : memref<!tpu.dma_semaphore, #tpu.memory_space<semaphore_mem>>
      %dma_start3A_27 = arith.constant 0 : i32
      %dma_start3A_28 = tpu.memref_slice %arg3[%mul3A_2, %dma_start3A_27] : memref<1280x128xi32, #tpu.memory_space<hbm>> -> memref<40x128xi32, #tpu.memory_space<hbm>>
      %dma_start3A_29 = arith.constant 0 : i32
      %dma_start3A_30 = tpu.memref_slice %arg3[%mul3A_2, %dma_start3A_29] : memref<1280x128xi32, #tpu.memory_space<hbm>> -> memref<40x128xi32, #tpu.memory_space<hbm>>
      tpu.enqueue_dma source(%dma_start3A_30 : memref<40x128xi32, #tpu.memory_space<hbm>>) target(%arg6 : memref<40x128xi32, #tpu.memory_space<vmem>>) target_semaphore(%run_scoped3A : memref<!tpu.dma_semaphore, #tpu.memory_space<semaphore_mem>>)
      %dma_wait3A_31 = arith.constant 0 : i32
      %dma_wait3A_32 = tpu.memref_slice %arg3[%mul3A_2, %dma_wait3A_31] : memref<1280x128xi32, #tpu.memory_space<hbm>> -> memref<40x128xi32, #tpu.memory_space<hbm>>
      %dma_wait3A_33 = arith.constant 0 : i32
      %dma_wait3A_34 = tpu.memref_slice %arg3[%mul3A_2, %dma_wait3A_33] : memref<1280x128xi32, #tpu.memory_space<hbm>> -> memref<40x128xi32, #tpu.memory_space<hbm>>
      tpu.wait_dma2 semaphore(%run_scoped3A : memref<!tpu.dma_semaphore, #tpu.memory_space<semaphore_mem>>) src(%dma_wait3A_34 : memref<40x128xi32, #tpu.memory_space<hbm>>) dst(%arg6 : memref<40x128xi32, #tpu.memory_space<vmem>>)
      tpu.yield
    }) : () -> ()
    %mul3A_3 = arith.constant 5120 : i32
    %mul3A_4 = arith.muli %add3A, %mul3A_3 : i32
    %dma_start3A = arith.constant 0 : i32
    %dma_start3A_5 = tpu.memref_slice %arg2[%mul3A_4, %dma_start3A] : memref<163840x16xf32, #tpu.memory_space<hbm>> -> memref<5120x16xf32, #tpu.memory_space<hbm>>
    %dma_start3A_6 = arith.constant 0 : i32
    %dma_start3A_7 = tpu.memref_slice %arg2[%mul3A_4, %dma_start3A_6] : memref<163840x16xf32, #tpu.memory_space<hbm>> -> memref<5120x16xf32, #tpu.memory_space<hbm>>
    tpu.enqueue_dma source(%dma_start3A_7 : memref<5120x16xf32, #tpu.memory_space<hbm>>) target(%arg7 : memref<5120x16xf32, #tpu.memory_space<vmem>>) target_semaphore(%arg10 : memref<!tpu.dma_semaphore, #tpu.memory_space<semaphore_mem>>)
    %mul3A_8 = arith.constant 640 : i32
    %mul3A_9 = arith.muli %arg1, %mul3A_8 : i32
    %mul3A_10 = arith.constant 640 : i32
    %mul3A_11 = arith.muli %arg1, %mul3A_10 : i32
    "tpu.region"() ({
      %run_scoped3A = tpu.sem_alloc : memref<!tpu.dma_semaphore, #tpu.memory_space<semaphore_mem>>
      %dma_start3A_27 = arith.constant 0 : i32
      %dma_start3A_28 = tpu.memref_slice %arg9[%mul3A_11, %dma_start3A_27] : memref<10240x16xf32, #tpu.memory_space<vmem_shared>> -> memref<640x16xf32, #tpu.memory_space<vmem_shared>>
      %dma_start3A_29 = arith.constant 0 : i32
      %dma_start3A_30 = tpu.memref_slice %arg4[%mul3A_9, %dma_start3A_29] : memref<10240x16xf32, #tpu.memory_space<hbm>> -> memref<640x16xf32, #tpu.memory_space<hbm>>
      tpu.enqueue_dma source(%dma_start3A_30 : memref<640x16xf32, #tpu.memory_space<hbm>>) target(%dma_start3A_28 : memref<640x16xf32, #tpu.memory_space<vmem_shared>>) target_semaphore(%run_scoped3A : memref<!tpu.dma_semaphore, #tpu.memory_space<semaphore_mem>>)
      %dma_wait3A_31 = arith.constant 0 : i32
      %dma_wait3A_32 = tpu.memref_slice %arg9[%mul3A_11, %dma_wait3A_31] : memref<10240x16xf32, #tpu.memory_space<vmem_shared>> -> memref<640x16xf32, #tpu.memory_space<vmem_shared>>
      %dma_wait3A_33 = arith.constant 0 : i32
      %dma_wait3A_34 = tpu.memref_slice %arg4[%mul3A_9, %dma_wait3A_33] : memref<10240x16xf32, #tpu.memory_space<hbm>> -> memref<640x16xf32, #tpu.memory_space<hbm>>
      tpu.wait_dma2 semaphore(%run_scoped3A : memref<!tpu.dma_semaphore, #tpu.memory_space<semaphore_mem>>) src(%dma_wait3A_34 : memref<640x16xf32, #tpu.memory_space<hbm>>) dst(%dma_wait3A_32 : memref<640x16xf32, #tpu.memory_space<vmem_shared>>)
      tpu.yield
    }) : () -> ()
    %mul3A_12 = arith.constant 5120 : i32
    %mul3A_13 = arith.muli %add3A, %mul3A_12 : i32
    %dma_wait3A = arith.constant 0 : i32
    %dma_wait3A_14 = tpu.memref_slice %arg2[%mul3A_13, %dma_wait3A] : memref<163840x16xf32, #tpu.memory_space<hbm>> -> memref<5120x16xf32, #tpu.memory_space<hbm>>
    %dma_wait3A_15 = arith.constant 0 : i32
    %dma_wait3A_16 = tpu.memref_slice %arg2[%mul3A_13, %dma_wait3A_15] : memref<163840x16xf32, #tpu.memory_space<hbm>> -> memref<5120x16xf32, #tpu.memory_space<hbm>>
    tpu.wait_dma2 semaphore(%arg10 : memref<!tpu.dma_semaphore, #tpu.memory_space<semaphore_mem>>) src(%dma_wait3A_16 : memref<5120x16xf32, #tpu.memory_space<hbm>>) dst(%arg7 : memref<5120x16xf32, #tpu.memory_space<vmem>>)
    %barrier3A = arith.constant 0 : index
    tpu.barrier barrier_id(%barrier3A)
    %scan3A = arith.constant 0 : i32
    %scan3A_17 = arith.constant 0 : i32
    %scan3A_18 = arith.constant 40 : i32
    %scan3A_19 = arith.addi %scan3A_17, %scan3A_18 : i32
    %scan3A_20 = arith.constant 1 : i32
    scf.for %scan3A_27 = %scan3A_17 to %scan3A_19 step %scan3A_20  : i32 {
      %mul3A_28 = arith.constant 128 : i32
      %mul3A_29 = arith.muli %scan3A_27, %mul3A_28 : i32
      "tpu.region"() ({
        %run_scoped3A = tpu.sem_alloc : memref<!tpu.dma_semaphore, #tpu.memory_space<semaphore_mem>>
        %dma_start3A_30 = arith.constant 0 : i32
        %dma_start3A_31 = tpu.memref_slice %arg7[%mul3A_29, %dma_start3A_30] : memref<5120x16xf32, #tpu.memory_space<vmem>> -> memref<128x16xf32, #tpu.memory_space<vmem>>
        %dma_start3A_32 = arith.constant 0 : i32
        %dma_start3A_33 = tpu.memref_slice %arg6[%scan3A_27, %dma_start3A_32] : memref<40x128xi32, #tpu.memory_space<vmem>> -> memref<1x128xi32, #tpu.memory_space<vmem>>
        %dma_start3A_34 = tpu.memref_squeeze %dma_start3A_33 : memref<1x128xi32, #tpu.memory_space<vmem>> -> memref<128xi32, #tpu.memory_space<vmem>>
        %dma_start3A_35 = arith.constant 0 : i32
        %dma_start3A_36 = arith.constant 0 : i32
        %dma_start3A_37 = tpu.memref_slice %arg9[%dma_start3A_35, %dma_start3A_36] : memref<10240x16xf32, #tpu.memory_space<vmem_shared>> -> memref<10240x16xf32, #tpu.memory_space<vmem_shared>>
        tpu.enqueue_indirect_dma source(%dma_start3A_31 : memref<128x16xf32, #tpu.memory_space<vmem>>) target(%dma_start3A_37 : memref<10240x16xf32, #tpu.memory_space<vmem_shared>>) offsets(%dma_start3A_34 : memref<128xi32, #tpu.memory_space<vmem>>) semaphore(%run_scoped3A : memref<!tpu.dma_semaphore, #tpu.memory_space<semaphore_mem>>) {add = true}
        %dma_wait3A_38 = arith.constant 0 : i32
        %dma_wait3A_39 = tpu.memref_slice %arg7[%mul3A_29, %dma_wait3A_38] : memref<5120x16xf32, #tpu.memory_space<vmem>> -> memref<128x16xf32, #tpu.memory_space<vmem>>
        %dma_wait3A_40 = arith.constant 0 : i32
        %dma_wait3A_41 = tpu.memref_slice %arg6[%scan3A_27, %dma_wait3A_40] : memref<40x128xi32, #tpu.memory_space<vmem>> -> memref<1x128xi32, #tpu.memory_space<vmem>>
        %dma_wait3A_42 = tpu.memref_squeeze %dma_wait3A_41 : memref<1x128xi32, #tpu.memory_space<vmem>> -> memref<128xi32, #tpu.memory_space<vmem>>
        %dma_wait3A_43 = arith.constant 0 : i32
        %dma_wait3A_44 = arith.constant 0 : i32
        %dma_wait3A_45 = tpu.memref_slice %arg9[%dma_wait3A_43, %dma_wait3A_44] : memref<10240x16xf32, #tpu.memory_space<vmem_shared>> -> memref<10240x16xf32, #tpu.memory_space<vmem_shared>>
        tpu.wait_indirect_dma semaphore(%run_scoped3A : memref<!tpu.dma_semaphore, #tpu.memory_space<semaphore_mem>>) src(%dma_wait3A_39 : memref<128x16xf32, #tpu.memory_space<vmem>>) dst(%dma_wait3A_45 : memref<10240x16xf32, #tpu.memory_space<vmem_shared>>)
        tpu.yield
      }) : () -> ()
    }
    %scan3A_21 = arith.constant 40 : i32
    %barrier3A_22 = arith.constant 0 : index
    tpu.barrier barrier_id(%barrier3A_22)
    %mul3A_23 = arith.constant 640 : i32
    %mul3A_24 = arith.muli %arg1, %mul3A_23 : i32
    "tpu.region"() ({
      %run_scoped3A = tpu.sem_alloc : memref<!tpu.dma_semaphore, #tpu.memory_space<semaphore_mem>>
      %dma_start3A_27 = arith.constant 0 : i32
      %dma_start3A_28 = tpu.memref_slice %arg9[%mul3A_24, %dma_start3A_27] : memref<10240x16xf32, #tpu.memory_space<vmem_shared>> -> memref<640x16xf32, #tpu.memory_space<vmem_shared>>
      %dma_start3A_29 = arith.constant 0 : i32
      %dma_start3A_30 = tpu.memref_slice %arg9[%mul3A_24, %dma_start3A_29] : memref<10240x16xf32, #tpu.memory_space<vmem_shared>> -> memref<640x16xf32, #tpu.memory_space<vmem_shared>>
      tpu.enqueue_dma source(%dma_start3A_30 : memref<640x16xf32, #tpu.memory_space<vmem_shared>>) target(%arg8 : memref<640x16xf32, #tpu.memory_space<vmem>>) target_semaphore(%run_scoped3A : memref<!tpu.dma_semaphore, #tpu.memory_space<semaphore_mem>>)
      %dma_wait3A_31 = arith.constant 0 : i32
      %dma_wait3A_32 = tpu.memref_slice %arg9[%mul3A_24, %dma_wait3A_31] : memref<10240x16xf32, #tpu.memory_space<vmem_shared>> -> memref<640x16xf32, #tpu.memory_space<vmem_shared>>
      %dma_wait3A_33 = arith.constant 0 : i32
      %dma_wait3A_34 = tpu.memref_slice %arg9[%mul3A_24, %dma_wait3A_33] : memref<10240x16xf32, #tpu.memory_space<vmem_shared>> -> memref<640x16xf32, #tpu.memory_space<vmem_shared>>
      tpu.wait_dma2 semaphore(%run_scoped3A : memref<!tpu.dma_semaphore, #tpu.memory_space<semaphore_mem>>) src(%dma_wait3A_34 : memref<640x16xf32, #tpu.memory_space<vmem_shared>>) dst(%arg8 : memref<640x16xf32, #tpu.memory_space<vmem>>)
      tpu.yield
    }) : () -> ()
    %mul3A_25 = arith.constant 640 : i32
    %mul3A_26 = arith.muli %arg1, %mul3A_25 : i32
    "tpu.region"() ({
      %run_scoped3A = tpu.sem_alloc : memref<!tpu.dma_semaphore, #tpu.memory_space<semaphore_mem>>
      %dma_start3A_27 = arith.constant 0 : i32
      %dma_start3A_28 = tpu.memref_slice %arg5[%arg0, %mul3A_26, %dma_start3A_27] : memref<2x10240x16xf32, #tpu.memory_space<hbm>> -> memref<1x640x16xf32, #tpu.memory_space<hbm>>
      %dma_start3A_29 = tpu.memref_squeeze %dma_start3A_28 : memref<1x640x16xf32, #tpu.memory_space<hbm>> -> memref<640x16xf32, #tpu.memory_space<hbm>>
      %dma_start3A_30 = arith.constant 0 : i32
      %dma_start3A_31 = tpu.memref_slice %arg5[%arg0, %mul3A_26, %dma_start3A_30] : memref<2x10240x16xf32, #tpu.memory_space<hbm>> -> memref<1x640x16xf32, #tpu.memory_space<hbm>>
      %dma_start3A_32 = tpu.memref_squeeze %dma_start3A_31 : memref<1x640x16xf32, #tpu.memory_space<hbm>> -> memref<640x16xf32, #tpu.memory_space<hbm>>
      tpu.enqueue_dma source(%arg8 : memref<640x16xf32, #tpu.memory_space<vmem>>) target(%dma_start3A_32 : memref<640x16xf32, #tpu.memory_space<hbm>>) target_semaphore(%run_scoped3A : memref<!tpu.dma_semaphore, #tpu.memory_space<semaphore_mem>>)
      %dma_wait3A_33 = arith.constant 0 : i32
      %dma_wait3A_34 = tpu.memref_slice %arg5[%arg0, %mul3A_26, %dma_wait3A_33] : memref<2x10240x16xf32, #tpu.memory_space<hbm>> -> memref<1x640x16xf32, #tpu.memory_space<hbm>>
      %dma_wait3A_35 = tpu.memref_squeeze %dma_wait3A_34 : memref<1x640x16xf32, #tpu.memory_space<hbm>> -> memref<640x16xf32, #tpu.memory_space<hbm>>
      %dma_wait3A_36 = arith.constant 0 : i32
      %dma_wait3A_37 = tpu.memref_slice %arg5[%arg0, %mul3A_26, %dma_wait3A_36] : memref<2x10240x16xf32, #tpu.memory_space<hbm>> -> memref<1x640x16xf32, #tpu.memory_space<hbm>>
      %dma_wait3A_38 = tpu.memref_squeeze %dma_wait3A_37 : memref<1x640x16xf32, #tpu.memory_space<hbm>> -> memref<640x16xf32, #tpu.memory_space<hbm>>
      tpu.wait_dma2 semaphore(%run_scoped3A : memref<!tpu.dma_semaphore, #tpu.memory_space<semaphore_mem>>) src(%arg8 : memref<640x16xf32, #tpu.memory_space<vmem>>) dst(%dma_wait3A_38 : memref<640x16xf32, #tpu.memory_space<hbm>>)
      tpu.yield
    }) : () -> ()
    return
  }
}

#map = affine_map<(d0, d1) -> (0, 0)>
#map1 = affine_map<(d0, d1) -> (0, 0, 0)>
module attributes {stable_mosaic.version = 14 : i64} {
  func.func @_scatter_body(%arg0: i32, %arg1: i32, %arg2: memref<163840x16xf32, #tpu.memory_space<hbm>>, %arg3: memref<1280x128xi32, #tpu.memory_space<hbm>>, %arg4: memref<10240x16xf32, #tpu.memory_space<hbm>>, %arg5: memref<2x10240x16xf32, #tpu.memory_space<hbm>>, %arg6: memref<40x128xi32, #tpu.memory_space<vmem>>, %arg7: memref<5120x16xf32, #tpu.memory_space<vmem>>, %arg8: memref<640x16xf32, #tpu.memory_space<vmem>>, %arg9: memref<10240x16xf32, #tpu.memory_space<vmem_shared>>, %arg10: memref<!tpu.dma_semaphore, #tpu.memory_space<semaphore_mem>>) attributes {dimension_semantics = [#tpu.dimension_semantics<core_parallel>, #tpu.dimension_semantics<subcore_parallel>], iteration_bounds = array<i64: 2, 16>, scalar_prefetch = 0 : i64, scratch_operands = 5 : i64, tpu.core_type = #tpu.core_type<sc_vector_subcore>, window_params = [{transform_indices = #map}, {transform_indices = #map}, {transform_indices = #map}, {transform_indices = #map1}]} {
    %mul3A = arith.constant 2 : i32
    %mul3A_0 = arith.muli %arg1, %mul3A : i32
    %add3A = arith.addi %mul3A_0, %arg0 : i32
    %mul3A_1 = arith.constant 40 : i32
    %mul3A_2 = arith.muli %add3A, %mul3A_1 : i32
    "tpu.region"() ({
      %run_scoped3A = tpu.sem_alloc : memref<!tpu.dma_semaphore, #tpu.memory_space<semaphore_mem>>
      %dma_start3A_27 = arith.constant 0 : i32
      %dma_start3A_28 = tpu.memref_slice %arg3[%mul3A_2, %dma_start3A_27] : memref<1280x128xi32, #tpu.memory_space<hbm>> -> memref<40x128xi32, #tpu.memory_space<hbm>>
      %dma_start3A_29 = arith.constant 0 : i32
      %dma_start3A_30 = tpu.memref_slice %arg3[%mul3A_2, %dma_start3A_29] : memref<1280x128xi32, #tpu.memory_space<hbm>> -> memref<40x128xi32, #tpu.memory_space<hbm>>
      tpu.enqueue_dma source(%dma_start3A_30 : memref<40x128xi32, #tpu.memory_space<hbm>>) target(%arg6 : memref<40x128xi32, #tpu.memory_space<vmem>>) target_semaphore(%run_scoped3A : memref<!tpu.dma_semaphore, #tpu.memory_space<semaphore_mem>>)
      %dma_wait3A_31 = arith.constant 0 : i32
      %dma_wait3A_32 = tpu.memref_slice %arg3[%mul3A_2, %dma_wait3A_31] : memref<1280x128xi32, #tpu.memory_space<hbm>> -> memref<40x128xi32, #tpu.memory_space<hbm>>
      %dma_wait3A_33 = arith.constant 0 : i32
      %dma_wait3A_34 = tpu.memref_slice %arg3[%mul3A_2, %dma_wait3A_33] : memref<1280x128xi32, #tpu.memory_space<hbm>> -> memref<40x128xi32, #tpu.memory_space<hbm>>
      tpu.wait_dma2 semaphore(%run_scoped3A : memref<!tpu.dma_semaphore, #tpu.memory_space<semaphore_mem>>) src(%dma_wait3A_34 : memref<40x128xi32, #tpu.memory_space<hbm>>) dst(%arg6 : memref<40x128xi32, #tpu.memory_space<vmem>>)
      tpu.yield
    }) : () -> ()
    %mul3A_3 = arith.constant 5120 : i32
    %mul3A_4 = arith.muli %add3A, %mul3A_3 : i32
    %dma_start3A = arith.constant 0 : i32
    %dma_start3A_5 = tpu.memref_slice %arg2[%mul3A_4, %dma_start3A] : memref<163840x16xf32, #tpu.memory_space<hbm>> -> memref<5120x16xf32, #tpu.memory_space<hbm>>
    %dma_start3A_6 = arith.constant 0 : i32
    %dma_start3A_7 = tpu.memref_slice %arg2[%mul3A_4, %dma_start3A_6] : memref<163840x16xf32, #tpu.memory_space<hbm>> -> memref<5120x16xf32, #tpu.memory_space<hbm>>
    tpu.enqueue_dma source(%dma_start3A_7 : memref<5120x16xf32, #tpu.memory_space<hbm>>) target(%arg7 : memref<5120x16xf32, #tpu.memory_space<vmem>>) target_semaphore(%arg10 : memref<!tpu.dma_semaphore, #tpu.memory_space<semaphore_mem>>)
    %mul3A_8 = arith.constant 640 : i32
    %mul3A_9 = arith.muli %arg1, %mul3A_8 : i32
    %mul3A_10 = arith.constant 640 : i32
    %mul3A_11 = arith.muli %arg1, %mul3A_10 : i32
    "tpu.region"() ({
      %run_scoped3A = tpu.sem_alloc : memref<!tpu.dma_semaphore, #tpu.memory_space<semaphore_mem>>
      %dma_start3A_27 = arith.constant 0 : i32
      %dma_start3A_28 = tpu.memref_slice %arg9[%mul3A_11, %dma_start3A_27] : memref<10240x16xf32, #tpu.memory_space<vmem_shared>> -> memref<640x16xf32, #tpu.memory_space<vmem_shared>>
      %dma_start3A_29 = arith.constant 0 : i32
      %dma_start3A_30 = tpu.memref_slice %arg4[%mul3A_9, %dma_start3A_29] : memref<10240x16xf32, #tpu.memory_space<hbm>> -> memref<640x16xf32, #tpu.memory_space<hbm>>
      tpu.enqueue_dma source(%dma_start3A_30 : memref<640x16xf32, #tpu.memory_space<hbm>>) target(%dma_start3A_28 : memref<640x16xf32, #tpu.memory_space<vmem_shared>>) target_semaphore(%run_scoped3A : memref<!tpu.dma_semaphore, #tpu.memory_space<semaphore_mem>>)
      %dma_wait3A_31 = arith.constant 0 : i32
      %dma_wait3A_32 = tpu.memref_slice %arg9[%mul3A_11, %dma_wait3A_31] : memref<10240x16xf32, #tpu.memory_space<vmem_shared>> -> memref<640x16xf32, #tpu.memory_space<vmem_shared>>
      %dma_wait3A_33 = arith.constant 0 : i32
      %dma_wait3A_34 = tpu.memref_slice %arg4[%mul3A_9, %dma_wait3A_33] : memref<10240x16xf32, #tpu.memory_space<hbm>> -> memref<640x16xf32, #tpu.memory_space<hbm>>
      tpu.wait_dma2 semaphore(%run_scoped3A : memref<!tpu.dma_semaphore, #tpu.memory_space<semaphore_mem>>) src(%dma_wait3A_34 : memref<640x16xf32, #tpu.memory_space<hbm>>) dst(%dma_wait3A_32 : memref<640x16xf32, #tpu.memory_space<vmem_shared>>)
      tpu.yield
    }) : () -> ()
    %mul3A_12 = arith.constant 5120 : i32
    %mul3A_13 = arith.muli %add3A, %mul3A_12 : i32
    %dma_wait3A = arith.constant 0 : i32
    %dma_wait3A_14 = tpu.memref_slice %arg2[%mul3A_13, %dma_wait3A] : memref<163840x16xf32, #tpu.memory_space<hbm>> -> memref<5120x16xf32, #tpu.memory_space<hbm>>
    %dma_wait3A_15 = arith.constant 0 : i32
    %dma_wait3A_16 = tpu.memref_slice %arg2[%mul3A_13, %dma_wait3A_15] : memref<163840x16xf32, #tpu.memory_space<hbm>> -> memref<5120x16xf32, #tpu.memory_space<hbm>>
    tpu.wait_dma2 semaphore(%arg10 : memref<!tpu.dma_semaphore, #tpu.memory_space<semaphore_mem>>) src(%dma_wait3A_16 : memref<5120x16xf32, #tpu.memory_space<hbm>>) dst(%arg7 : memref<5120x16xf32, #tpu.memory_space<vmem>>)
    %barrier3A = arith.constant 0 : index
    tpu.barrier barrier_id(%barrier3A)
    %scan3A = arith.constant 0 : i32
    %scan3A_17 = arith.constant 0 : i32
    %scan3A_18 = arith.constant 40 : i32
    %scan3A_19 = arith.addi %scan3A_17, %scan3A_18 : i32
    %scan3A_20 = arith.constant 1 : i32
    scf.for %scan3A_27 = %scan3A_17 to %scan3A_19 step %scan3A_20  : i32 {
      %mul3A_28 = arith.constant 128 : i32
      %mul3A_29 = arith.muli %scan3A_27, %mul3A_28 : i32
      "tpu.region"() ({
        %run_scoped3A = tpu.sem_alloc : memref<!tpu.dma_semaphore, #tpu.memory_space<semaphore_mem>>
        %dma_start3A_30 = arith.constant 0 : i32
        %dma_start3A_31 = tpu.memref_slice %arg7[%mul3A_29, %dma_start3A_30] : memref<5120x16xf32, #tpu.memory_space<vmem>> -> memref<128x16xf32, #tpu.memory_space<vmem>>
        %dma_start3A_32 = arith.constant 0 : i32
        %dma_start3A_33 = tpu.memref_slice %arg6[%scan3A_27, %dma_start3A_32] : memref<40x128xi32, #tpu.memory_space<vmem>> -> memref<1x128xi32, #tpu.memory_space<vmem>>
        %dma_start3A_34 = tpu.memref_squeeze %dma_start3A_33 : memref<1x128xi32, #tpu.memory_space<vmem>> -> memref<128xi32, #tpu.memory_space<vmem>>
        %dma_start3A_35 = arith.constant 0 : i32
        %dma_start3A_36 = arith.constant 0 : i32
        %dma_start3A_37 = tpu.memref_slice %arg9[%dma_start3A_35, %dma_start3A_36] : memref<10240x16xf32, #tpu.memory_space<vmem_shared>> -> memref<10240x16xf32, #tpu.memory_space<vmem_shared>>
        tpu.enqueue_indirect_dma source(%dma_start3A_31 : memref<128x16xf32, #tpu.memory_space<vmem>>) target(%dma_start3A_37 : memref<10240x16xf32, #tpu.memory_space<vmem_shared>>) offsets(%dma_start3A_34 : memref<128xi32, #tpu.memory_space<vmem>>) semaphore(%run_scoped3A : memref<!tpu.dma_semaphore, #tpu.memory_space<semaphore_mem>>) {add = true}
        %dma_wait3A_38 = arith.constant 0 : i32
        %dma_wait3A_39 = tpu.memref_slice %arg7[%mul3A_29, %dma_wait3A_38] : memref<5120x16xf32, #tpu.memory_space<vmem>> -> memref<128x16xf32, #tpu.memory_space<vmem>>
        %dma_wait3A_40 = arith.constant 0 : i32
        %dma_wait3A_41 = tpu.memref_slice %arg6[%scan3A_27, %dma_wait3A_40] : memref<40x128xi32, #tpu.memory_space<vmem>> -> memref<1x128xi32, #tpu.memory_space<vmem>>
        %dma_wait3A_42 = tpu.memref_squeeze %dma_wait3A_41 : memref<1x128xi32, #tpu.memory_space<vmem>> -> memref<128xi32, #tpu.memory_space<vmem>>
        %dma_wait3A_43 = arith.constant 0 : i32
        %dma_wait3A_44 = arith.constant 0 : i32
        %dma_wait3A_45 = tpu.memref_slice %arg9[%dma_wait3A_43, %dma_wait3A_44] : memref<10240x16xf32, #tpu.memory_space<vmem_shared>> -> memref<10240x16xf32, #tpu.memory_space<vmem_shared>>
        tpu.wait_indirect_dma semaphore(%run_scoped3A : memref<!tpu.dma_semaphore, #tpu.memory_space<semaphore_mem>>) src(%dma_wait3A_39 : memref<128x16xf32, #tpu.memory_space<vmem>>) dst(%dma_wait3A_45 : memref<10240x16xf32, #tpu.memory_space<vmem_shared>>)
        tpu.yield
      }) : () -> ()
    }
    %scan3A_21 = arith.constant 40 : i32
    %barrier3A_22 = arith.constant 0 : index
    tpu.barrier barrier_id(%barrier3A_22)
    %mul3A_23 = arith.constant 640 : i32
    %mul3A_24 = arith.muli %arg1, %mul3A_23 : i32
    "tpu.region"() ({
      %run_scoped3A = tpu.sem_alloc : memref<!tpu.dma_semaphore, #tpu.memory_space<semaphore_mem>>
      %dma_start3A_27 = arith.constant 0 : i32
      %dma_start3A_28 = tpu.memref_slice %arg9[%mul3A_24, %dma_start3A_27] : memref<10240x16xf32, #tpu.memory_space<vmem_shared>> -> memref<640x16xf32, #tpu.memory_space<vmem_shared>>
      %dma_start3A_29 = arith.constant 0 : i32
      %dma_start3A_30 = tpu.memref_slice %arg9[%mul3A_24, %dma_start3A_29] : memref<10240x16xf32, #tpu.memory_space<vmem_shared>> -> memref<640x16xf32, #tpu.memory_space<vmem_shared>>
      tpu.enqueue_dma source(%dma_start3A_30 : memref<640x16xf32, #tpu.memory_space<vmem_shared>>) target(%arg8 : memref<640x16xf32, #tpu.memory_space<vmem>>) target_semaphore(%run_scoped3A : memref<!tpu.dma_semaphore, #tpu.memory_space<semaphore_mem>>)
      %dma_wait3A_31 = arith.constant 0 : i32
      %dma_wait3A_32 = tpu.memref_slice %arg9[%mul3A_24, %dma_wait3A_31] : memref<10240x16xf32, #tpu.memory_space<vmem_shared>> -> memref<640x16xf32, #tpu.memory_space<vmem_shared>>
      %dma_wait3A_33 = arith.constant 0 : i32
      %dma_wait3A_34 = tpu.memref_slice %arg9[%mul3A_24, %dma_wait3A_33] : memref<10240x16xf32, #tpu.memory_space<vmem_shared>> -> memref<640x16xf32, #tpu.memory_space<vmem_shared>>
      tpu.wait_dma2 semaphore(%run_scoped3A : memref<!tpu.dma_semaphore, #tpu.memory_space<semaphore_mem>>) src(%dma_wait3A_34 : memref<640x16xf32, #tpu.memory_space<vmem_shared>>) dst(%arg8 : memref<640x16xf32, #tpu.memory_space<vmem>>)
      tpu.yield
    }) : () -> ()
    %mul3A_25 = arith.constant 640 : i32
    %mul3A_26 = arith.muli %arg1, %mul3A_25 : i32
    "tpu.region"() ({
      %run_scoped3A = tpu.sem_alloc : memref<!tpu.dma_semaphore, #tpu.memory_space<semaphore_mem>>
      %dma_start3A_27 = arith.constant 0 : i32
      %dma_start3A_28 = tpu.memref_slice %arg5[%arg0, %mul3A_26, %dma_start3A_27] : memref<2x10240x16xf32, #tpu.memory_space<hbm>> -> memref<1x640x16xf32, #tpu.memory_space<hbm>>
      %dma_start3A_29 = tpu.memref_squeeze %dma_start3A_28 : memref<1x640x16xf32, #tpu.memory_space<hbm>> -> memref<640x16xf32, #tpu.memory_space<hbm>>
      %dma_start3A_30 = arith.constant 0 : i32
      %dma_start3A_31 = tpu.memref_slice %arg5[%arg0, %mul3A_26, %dma_start3A_30] : memref<2x10240x16xf32, #tpu.memory_space<hbm>> -> memref<1x640x16xf32, #tpu.memory_space<hbm>>
      %dma_start3A_32 = tpu.memref_squeeze %dma_start3A_31 : memref<1x640x16xf32, #tpu.memory_space<hbm>> -> memref<640x16xf32, #tpu.memory_space<hbm>>
      tpu.enqueue_dma source(%arg8 : memref<640x16xf32, #tpu.memory_space<vmem>>) target(%dma_start3A_32 : memref<640x16xf32, #tpu.memory_space<hbm>>) target_semaphore(%run_scoped3A : memref<!tpu.dma_semaphore, #tpu.memory_space<semaphore_mem>>)
      %dma_wait3A_33 = arith.constant 0 : i32
      %dma_wait3A_34 = tpu.memref_slice %arg5[%arg0, %mul3A_26, %dma_wait3A_33] : memref<2x10240x16xf32, #tpu.memory_space<hbm>> -> memref<1x640x16xf32, #tpu.memory_space<hbm>>
      %dma_wait3A_35 = tpu.memref_squeeze %dma_wait3A_34 : memref<1x640x16xf32, #tpu.memory_space<hbm>> -> memref<640x16xf32, #tpu.memory_space<hbm>>
      %dma_wait3A_36 = arith.constant 0 : i32
      %dma_wait3A_37 = tpu.memref_slice %arg5[%arg0, %mul3A_26, %dma_wait3A_36] : memref<2x10240x16xf32, #tpu.memory_space<hbm>> -> memref<1x640x16xf32, #tpu.memory_space<hbm>>
      %dma_wait3A_38 = tpu.memref_squeeze %dma_wait3A_37 : memref<1x640x16xf32, #tpu.memory_space<hbm>> -> memref<640x16xf32, #tpu.memory_space<hbm>>
      tpu.wait_dma2 semaphore(%run_scoped3A : memref<!tpu.dma_semaphore, #tpu.memory_space<semaphore_mem>>) src(%arg8 : memref<640x16xf32, #tpu.memory_space<vmem>>) dst(%dma_wait3A_38 : memref<640x16xf32, #tpu.memory_space<hbm>>)
      tpu.yield
    }) : () -> ()
    return
  }
}

#map = affine_map<(d0, d1) -> (0, 0)>
module attributes {stable_mosaic.version = 14 : i64} {
  func.func @_gather_body(%arg0: i32, %arg1: i32, %arg2: memref<10240x16xf32, #tpu.memory_space<hbm>>, %arg3: memref<1280x128xi32, #tpu.memory_space<hbm>>, %arg4: memref<163840x16xf32, #tpu.memory_space<hbm>>, %arg5: memref<40x128xi32, #tpu.memory_space<vmem>>, %arg6: memref<5120x16xf32, #tpu.memory_space<vmem>>, %arg7: memref<10240x16xf32, #tpu.memory_space<vmem_shared>>, %arg8: memref<!tpu.dma_semaphore, #tpu.memory_space<semaphore_mem>>) attributes {dimension_semantics = [#tpu.dimension_semantics<core_parallel>, #tpu.dimension_semantics<subcore_parallel>], iteration_bounds = array<i64: 2, 16>, scalar_prefetch = 0 : i64, scratch_operands = 4 : i64, tpu.core_type = #tpu.core_type<sc_vector_subcore>, window_params = [{transform_indices = #map}, {transform_indices = #map}, {transform_indices = #map}]} {
    %mul3A = arith.constant 2 : i32
    %mul3A_0 = arith.muli %arg1, %mul3A : i32
    %add3A = arith.addi %mul3A_0, %arg0 : i32
    %mul3A_1 = arith.constant 40 : i32
    %mul3A_2 = arith.muli %add3A, %mul3A_1 : i32
    %mul3A_3 = arith.constant 640 : i32
    %mul3A_4 = arith.muli %arg1, %mul3A_3 : i32
    %mul3A_5 = arith.constant 640 : i32
    %mul3A_6 = arith.muli %arg1, %mul3A_5 : i32
    "tpu.region"() ({
      %run_scoped3A = tpu.sem_alloc : memref<!tpu.dma_semaphore, #tpu.memory_space<semaphore_mem>>
      %dma_start3A = arith.constant 0 : i32
      %dma_start3A_20 = tpu.memref_slice %arg7[%mul3A_6, %dma_start3A] : memref<10240x16xf32, #tpu.memory_space<vmem_shared>> -> memref<640x16xf32, #tpu.memory_space<vmem_shared>>
      %dma_start3A_21 = arith.constant 0 : i32
      %dma_start3A_22 = tpu.memref_slice %arg2[%mul3A_4, %dma_start3A_21] : memref<10240x16xf32, #tpu.memory_space<hbm>> -> memref<640x16xf32, #tpu.memory_space<hbm>>
      tpu.enqueue_dma source(%dma_start3A_22 : memref<640x16xf32, #tpu.memory_space<hbm>>) target(%dma_start3A_20 : memref<640x16xf32, #tpu.memory_space<vmem_shared>>) target_semaphore(%run_scoped3A : memref<!tpu.dma_semaphore, #tpu.memory_space<semaphore_mem>>)
      %dma_wait3A = arith.constant 0 : i32
      %dma_wait3A_23 = tpu.memref_slice %arg7[%mul3A_6, %dma_wait3A] : memref<10240x16xf32, #tpu.memory_space<vmem_shared>> -> memref<640x16xf32, #tpu.memory_space<vmem_shared>>
      %dma_wait3A_24 = arith.constant 0 : i32
      %dma_wait3A_25 = tpu.memref_slice %arg2[%mul3A_4, %dma_wait3A_24] : memref<10240x16xf32, #tpu.memory_space<hbm>> -> memref<640x16xf32, #tpu.memory_space<hbm>>
      tpu.wait_dma2 semaphore(%run_scoped3A : memref<!tpu.dma_semaphore, #tpu.memory_space<semaphore_mem>>) src(%dma_wait3A_25 : memref<640x16xf32, #tpu.memory_space<hbm>>) dst(%dma_wait3A_23 : memref<640x16xf32, #tpu.memory_space<vmem_shared>>)
      tpu.yield
    }) : () -> ()
    "tpu.region"() ({
      %run_scoped3A = tpu.sem_alloc : memref<!tpu.dma_semaphore, #tpu.memory_space<semaphore_mem>>
      %dma_start3A = arith.constant 0 : i32
      %dma_start3A_20 = tpu.memref_slice %arg3[%mul3A_2, %dma_start3A] : memref<1280x128xi32, #tpu.memory_space<hbm>> -> memref<40x128xi32, #tpu.memory_space<hbm>>
      %dma_start3A_21 = arith.constant 0 : i32
      %dma_start3A_22 = tpu.memref_slice %arg3[%mul3A_2, %dma_start3A_21] : memref<1280x128xi32, #tpu.memory_space<hbm>> -> memref<40x128xi32, #tpu.memory_space<hbm>>
      tpu.enqueue_dma source(%dma_start3A_22 : memref<40x128xi32, #tpu.memory_space<hbm>>) target(%arg5 : memref<40x128xi32, #tpu.memory_space<vmem>>) target_semaphore(%run_scoped3A : memref<!tpu.dma_semaphore, #tpu.memory_space<semaphore_mem>>)
      %dma_wait3A = arith.constant 0 : i32
      %dma_wait3A_23 = tpu.memref_slice %arg3[%mul3A_2, %dma_wait3A] : memref<1280x128xi32, #tpu.memory_space<hbm>> -> memref<40x128xi32, #tpu.memory_space<hbm>>
      %dma_wait3A_24 = arith.constant 0 : i32
      %dma_wait3A_25 = tpu.memref_slice %arg3[%mul3A_2, %dma_wait3A_24] : memref<1280x128xi32, #tpu.memory_space<hbm>> -> memref<40x128xi32, #tpu.memory_space<hbm>>
      tpu.wait_dma2 semaphore(%run_scoped3A : memref<!tpu.dma_semaphore, #tpu.memory_space<semaphore_mem>>) src(%dma_wait3A_25 : memref<40x128xi32, #tpu.memory_space<hbm>>) dst(%arg5 : memref<40x128xi32, #tpu.memory_space<vmem>>)
      tpu.yield
    }) : () -> ()
    %barrier3A = arith.constant 0 : index
    tpu.barrier barrier_id(%barrier3A)
    %scan3A = arith.constant 0 : i32
    %scan3A_7 = arith.constant 0 : i32
    %scan3A_8 = arith.constant 40 : i32
    %scan3A_9 = arith.addi %scan3A_7, %scan3A_8 : i32
    %scan3A_10 = arith.constant 1 : i32
    scf.for %scan3A_20 = %scan3A_7 to %scan3A_9 step %scan3A_10  : i32 {
      %mul3A_21 = arith.constant 128 : i32
      %mul3A_22 = arith.muli %scan3A_20, %mul3A_21 : i32
      %dma_start3A = arith.constant 0 : i32
      %dma_start3A_23 = tpu.memref_slice %arg6[%mul3A_22, %dma_start3A] : memref<5120x16xf32, #tpu.memory_space<vmem>> -> memref<128x16xf32, #tpu.memory_space<vmem>>
      %dma_start3A_24 = arith.constant 0 : i32
      %dma_start3A_25 = tpu.memref_slice %arg5[%scan3A_20, %dma_start3A_24] : memref<40x128xi32, #tpu.memory_space<vmem>> -> memref<1x128xi32, #tpu.memory_space<vmem>>
      %dma_start3A_26 = tpu.memref_squeeze %dma_start3A_25 : memref<1x128xi32, #tpu.memory_space<vmem>> -> memref<128xi32, #tpu.memory_space<vmem>>
      %dma_start3A_27 = arith.constant 0 : i32
      %dma_start3A_28 = arith.constant 0 : i32
      %dma_start3A_29 = tpu.memref_slice %arg7[%dma_start3A_27, %dma_start3A_28] : memref<10240x16xf32, #tpu.memory_space<vmem_shared>> -> memref<10240x16xf32, #tpu.memory_space<vmem_shared>>
      tpu.enqueue_indirect_dma source(%dma_start3A_29 : memref<10240x16xf32, #tpu.memory_space<vmem_shared>>) target(%dma_start3A_23 : memref<128x16xf32, #tpu.memory_space<vmem>>) offsets(%dma_start3A_26 : memref<128xi32, #tpu.memory_space<vmem>>) semaphore(%arg8 : memref<!tpu.dma_semaphore, #tpu.memory_space<semaphore_mem>>)
    }
    %scan3A_11 = arith.constant 40 : i32
    %scan3A_12 = arith.constant 0 : i32
    %scan3A_13 = arith.constant 0 : i32
    %scan3A_14 = arith.constant 40 : i32
    %scan3A_15 = arith.addi %scan3A_13, %scan3A_14 : i32
    %scan3A_16 = arith.constant 1 : i32
    scf.for %scan3A_20 = %scan3A_13 to %scan3A_15 step %scan3A_16  : i32 {
      %mul3A_21 = arith.constant 128 : i32
      %mul3A_22 = arith.muli %scan3A_20, %mul3A_21 : i32
      %dma_wait3A = arith.constant 0 : i32
      %dma_wait3A_23 = tpu.memref_slice %arg6[%mul3A_22, %dma_wait3A] : memref<5120x16xf32, #tpu.memory_space<vmem>> -> memref<128x16xf32, #tpu.memory_space<vmem>>
      %dma_wait3A_24 = arith.constant 0 : i32
      %dma_wait3A_25 = tpu.memref_slice %arg5[%scan3A_20, %dma_wait3A_24] : memref<40x128xi32, #tpu.memory_space<vmem>> -> memref<1x128xi32, #tpu.memory_space<vmem>>
      %dma_wait3A_26 = tpu.memref_squeeze %dma_wait3A_25 : memref<1x128xi32, #tpu.memory_space<vmem>> -> memref<128xi32, #tpu.memory_space<vmem>>
      %dma_wait3A_27 = arith.constant 0 : i32
      %dma_wait3A_28 = arith.constant 0 : i32
      %dma_wait3A_29 = tpu.memref_slice %arg7[%dma_wait3A_27, %dma_wait3A_28] : memref<10240x16xf32, #tpu.memory_space<vmem_shared>> -> memref<10240x16xf32, #tpu.memory_space<vmem_shared>>
      tpu.wait_indirect_dma semaphore(%arg8 : memref<!tpu.dma_semaphore, #tpu.memory_space<semaphore_mem>>) src(%dma_wait3A_29 : memref<10240x16xf32, #tpu.memory_space<vmem_shared>>) dst(%dma_wait3A_23 : memref<128x16xf32, #tpu.memory_space<vmem>>)
    }
    %scan3A_17 = arith.constant 40 : i32
    %mul3A_18 = arith.constant 5120 : i32
    %mul3A_19 = arith.muli %add3A, %mul3A_18 : i32
    "tpu.region"() ({
      %run_scoped3A = tpu.sem_alloc : memref<!tpu.dma_semaphore, #tpu.memory_space<semaphore_mem>>
      %dma_start3A = arith.constant 0 : i32
      %dma_start3A_20 = tpu.memref_slice %arg4[%mul3A_19, %dma_start3A] : memref<163840x16xf32, #tpu.memory_space<hbm>> -> memref<5120x16xf32, #tpu.memory_space<hbm>>
      %dma_start3A_21 = arith.constant 0 : i32
      %dma_start3A_22 = tpu.memref_slice %arg4[%mul3A_19, %dma_start3A_21] : memref<163840x16xf32, #tpu.memory_space<hbm>> -> memref<5120x16xf32, #tpu.memory_space<hbm>>
      tpu.enqueue_dma source(%arg6 : memref<5120x16xf32, #tpu.memory_space<vmem>>) target(%dma_start3A_22 : memref<5120x16xf32, #tpu.memory_space<hbm>>) target_semaphore(%run_scoped3A : memref<!tpu.dma_semaphore, #tpu.memory_space<semaphore_mem>>)
      %dma_wait3A = arith.constant 0 : i32
      %dma_wait3A_23 = tpu.memref_slice %arg4[%mul3A_19, %dma_wait3A] : memref<163840x16xf32, #tpu.memory_space<hbm>> -> memref<5120x16xf32, #tpu.memory_space<hbm>>
      %dma_wait3A_24 = arith.constant 0 : i32
      %dma_wait3A_25 = tpu.memref_slice %arg4[%mul3A_19, %dma_wait3A_24] : memref<163840x16xf32, #tpu.memory_space<hbm>> -> memref<5120x16xf32, #tpu.memory_space<hbm>>
      tpu.wait_dma2 semaphore(%run_scoped3A : memref<!tpu.dma_semaphore, #tpu.memory_space<semaphore_mem>>) src(%arg6 : memref<5120x16xf32, #tpu.memory_space<vmem>>) dst(%dma_wait3A_25 : memref<5120x16xf32, #tpu.memory_space<hbm>>)
      tpu.yield
    }) : () -> ()
    return
  }
}

#map = affine_map<(d0, d1) -> (0, 0)>
#map1 = affine_map<(d0, d1) -> (0, 0, 0)>
module attributes {stable_mosaic.version = 14 : i64} {
  func.func @_scatter_body(%arg0: i32, %arg1: i32, %arg2: memref<163840x16xf32, #tpu.memory_space<hbm>>, %arg3: memref<1280x128xi32, #tpu.memory_space<hbm>>, %arg4: memref<10240x16xf32, #tpu.memory_space<hbm>>, %arg5: memref<2x10240x16xf32, #tpu.memory_space<hbm>>, %arg6: memref<40x128xi32, #tpu.memory_space<vmem>>, %arg7: memref<5120x16xf32, #tpu.memory_space<vmem>>, %arg8: memref<640x16xf32, #tpu.memory_space<vmem>>, %arg9: memref<10240x16xf32, #tpu.memory_space<vmem_shared>>, %arg10: memref<!tpu.dma_semaphore, #tpu.memory_space<semaphore_mem>>) attributes {dimension_semantics = [#tpu.dimension_semantics<core_parallel>, #tpu.dimension_semantics<subcore_parallel>], iteration_bounds = array<i64: 2, 16>, scalar_prefetch = 0 : i64, scratch_operands = 5 : i64, tpu.core_type = #tpu.core_type<sc_vector_subcore>, window_params = [{transform_indices = #map}, {transform_indices = #map}, {transform_indices = #map}, {transform_indices = #map1}]} {
    %mul3A = arith.constant 2 : i32
    %mul3A_0 = arith.muli %arg1, %mul3A : i32
    %add3A = arith.addi %mul3A_0, %arg0 : i32
    %mul3A_1 = arith.constant 40 : i32
    %mul3A_2 = arith.muli %add3A, %mul3A_1 : i32
    "tpu.region"() ({
      %run_scoped3A = tpu.sem_alloc : memref<!tpu.dma_semaphore, #tpu.memory_space<semaphore_mem>>
      %dma_start3A_27 = arith.constant 0 : i32
      %dma_start3A_28 = tpu.memref_slice %arg3[%mul3A_2, %dma_start3A_27] : memref<1280x128xi32, #tpu.memory_space<hbm>> -> memref<40x128xi32, #tpu.memory_space<hbm>>
      %dma_start3A_29 = arith.constant 0 : i32
      %dma_start3A_30 = tpu.memref_slice %arg3[%mul3A_2, %dma_start3A_29] : memref<1280x128xi32, #tpu.memory_space<hbm>> -> memref<40x128xi32, #tpu.memory_space<hbm>>
      tpu.enqueue_dma source(%dma_start3A_30 : memref<40x128xi32, #tpu.memory_space<hbm>>) target(%arg6 : memref<40x128xi32, #tpu.memory_space<vmem>>) target_semaphore(%run_scoped3A : memref<!tpu.dma_semaphore, #tpu.memory_space<semaphore_mem>>)
      %dma_wait3A_31 = arith.constant 0 : i32
      %dma_wait3A_32 = tpu.memref_slice %arg3[%mul3A_2, %dma_wait3A_31] : memref<1280x128xi32, #tpu.memory_space<hbm>> -> memref<40x128xi32, #tpu.memory_space<hbm>>
      %dma_wait3A_33 = arith.constant 0 : i32
      %dma_wait3A_34 = tpu.memref_slice %arg3[%mul3A_2, %dma_wait3A_33] : memref<1280x128xi32, #tpu.memory_space<hbm>> -> memref<40x128xi32, #tpu.memory_space<hbm>>
      tpu.wait_dma2 semaphore(%run_scoped3A : memref<!tpu.dma_semaphore, #tpu.memory_space<semaphore_mem>>) src(%dma_wait3A_34 : memref<40x128xi32, #tpu.memory_space<hbm>>) dst(%arg6 : memref<40x128xi32, #tpu.memory_space<vmem>>)
      tpu.yield
    }) : () -> ()
    %mul3A_3 = arith.constant 5120 : i32
    %mul3A_4 = arith.muli %add3A, %mul3A_3 : i32
    %dma_start3A = arith.constant 0 : i32
    %dma_start3A_5 = tpu.memref_slice %arg2[%mul3A_4, %dma_start3A] : memref<163840x16xf32, #tpu.memory_space<hbm>> -> memref<5120x16xf32, #tpu.memory_space<hbm>>
    %dma_start3A_6 = arith.constant 0 : i32
    %dma_start3A_7 = tpu.memref_slice %arg2[%mul3A_4, %dma_start3A_6] : memref<163840x16xf32, #tpu.memory_space<hbm>> -> memref<5120x16xf32, #tpu.memory_space<hbm>>
    tpu.enqueue_dma source(%dma_start3A_7 : memref<5120x16xf32, #tpu.memory_space<hbm>>) target(%arg7 : memref<5120x16xf32, #tpu.memory_space<vmem>>) target_semaphore(%arg10 : memref<!tpu.dma_semaphore, #tpu.memory_space<semaphore_mem>>)
    %mul3A_8 = arith.constant 640 : i32
    %mul3A_9 = arith.muli %arg1, %mul3A_8 : i32
    %mul3A_10 = arith.constant 640 : i32
    %mul3A_11 = arith.muli %arg1, %mul3A_10 : i32
    "tpu.region"() ({
      %run_scoped3A = tpu.sem_alloc : memref<!tpu.dma_semaphore, #tpu.memory_space<semaphore_mem>>
      %dma_start3A_27 = arith.constant 0 : i32
      %dma_start3A_28 = tpu.memref_slice %arg9[%mul3A_11, %dma_start3A_27] : memref<10240x16xf32, #tpu.memory_space<vmem_shared>> -> memref<640x16xf32, #tpu.memory_space<vmem_shared>>
      %dma_start3A_29 = arith.constant 0 : i32
      %dma_start3A_30 = tpu.memref_slice %arg4[%mul3A_9, %dma_start3A_29] : memref<10240x16xf32, #tpu.memory_space<hbm>> -> memref<640x16xf32, #tpu.memory_space<hbm>>
      tpu.enqueue_dma source(%dma_start3A_30 : memref<640x16xf32, #tpu.memory_space<hbm>>) target(%dma_start3A_28 : memref<640x16xf32, #tpu.memory_space<vmem_shared>>) target_semaphore(%run_scoped3A : memref<!tpu.dma_semaphore, #tpu.memory_space<semaphore_mem>>)
      %dma_wait3A_31 = arith.constant 0 : i32
      %dma_wait3A_32 = tpu.memref_slice %arg9[%mul3A_11, %dma_wait3A_31] : memref<10240x16xf32, #tpu.memory_space<vmem_shared>> -> memref<640x16xf32, #tpu.memory_space<vmem_shared>>
      %dma_wait3A_33 = arith.constant 0 : i32
      %dma_wait3A_34 = tpu.memref_slice %arg4[%mul3A_9, %dma_wait3A_33] : memref<10240x16xf32, #tpu.memory_space<hbm>> -> memref<640x16xf32, #tpu.memory_space<hbm>>
      tpu.wait_dma2 semaphore(%run_scoped3A : memref<!tpu.dma_semaphore, #tpu.memory_space<semaphore_mem>>) src(%dma_wait3A_34 : memref<640x16xf32, #tpu.memory_space<hbm>>) dst(%dma_wait3A_32 : memref<640x16xf32, #tpu.memory_space<vmem_shared>>)
      tpu.yield
    }) : () -> ()
    %mul3A_12 = arith.constant 5120 : i32
    %mul3A_13 = arith.muli %add3A, %mul3A_12 : i32
    %dma_wait3A = arith.constant 0 : i32
    %dma_wait3A_14 = tpu.memref_slice %arg2[%mul3A_13, %dma_wait3A] : memref<163840x16xf32, #tpu.memory_space<hbm>> -> memref<5120x16xf32, #tpu.memory_space<hbm>>
    %dma_wait3A_15 = arith.constant 0 : i32
    %dma_wait3A_16 = tpu.memref_slice %arg2[%mul3A_13, %dma_wait3A_15] : memref<163840x16xf32, #tpu.memory_space<hbm>> -> memref<5120x16xf32, #tpu.memory_space<hbm>>
    tpu.wait_dma2 semaphore(%arg10 : memref<!tpu.dma_semaphore, #tpu.memory_space<semaphore_mem>>) src(%dma_wait3A_16 : memref<5120x16xf32, #tpu.memory_space<hbm>>) dst(%arg7 : memref<5120x16xf32, #tpu.memory_space<vmem>>)
    %barrier3A = arith.constant 0 : index
    tpu.barrier barrier_id(%barrier3A)
    %scan3A = arith.constant 0 : i32
    %scan3A_17 = arith.constant 0 : i32
    %scan3A_18 = arith.constant 40 : i32
    %scan3A_19 = arith.addi %scan3A_17, %scan3A_18 : i32
    %scan3A_20 = arith.constant 1 : i32
    scf.for %scan3A_27 = %scan3A_17 to %scan3A_19 step %scan3A_20  : i32 {
      %mul3A_28 = arith.constant 128 : i32
      %mul3A_29 = arith.muli %scan3A_27, %mul3A_28 : i32
      "tpu.region"() ({
        %run_scoped3A = tpu.sem_alloc : memref<!tpu.dma_semaphore, #tpu.memory_space<semaphore_mem>>
        %dma_start3A_30 = arith.constant 0 : i32
        %dma_start3A_31 = tpu.memref_slice %arg7[%mul3A_29, %dma_start3A_30] : memref<5120x16xf32, #tpu.memory_space<vmem>> -> memref<128x16xf32, #tpu.memory_space<vmem>>
        %dma_start3A_32 = arith.constant 0 : i32
        %dma_start3A_33 = tpu.memref_slice %arg6[%scan3A_27, %dma_start3A_32] : memref<40x128xi32, #tpu.memory_space<vmem>> -> memref<1x128xi32, #tpu.memory_space<vmem>>
        %dma_start3A_34 = tpu.memref_squeeze %dma_start3A_33 : memref<1x128xi32, #tpu.memory_space<vmem>> -> memref<128xi32, #tpu.memory_space<vmem>>
        %dma_start3A_35 = arith.constant 0 : i32
        %dma_start3A_36 = arith.constant 0 : i32
        %dma_start3A_37 = tpu.memref_slice %arg9[%dma_start3A_35, %dma_start3A_36] : memref<10240x16xf32, #tpu.memory_space<vmem_shared>> -> memref<10240x16xf32, #tpu.memory_space<vmem_shared>>
        tpu.enqueue_indirect_dma source(%dma_start3A_31 : memref<128x16xf32, #tpu.memory_space<vmem>>) target(%dma_start3A_37 : memref<10240x16xf32, #tpu.memory_space<vmem_shared>>) offsets(%dma_start3A_34 : memref<128xi32, #tpu.memory_space<vmem>>) semaphore(%run_scoped3A : memref<!tpu.dma_semaphore, #tpu.memory_space<semaphore_mem>>) {add = true}
        %dma_wait3A_38 = arith.constant 0 : i32
        %dma_wait3A_39 = tpu.memref_slice %arg7[%mul3A_29, %dma_wait3A_38] : memref<5120x16xf32, #tpu.memory_space<vmem>> -> memref<128x16xf32, #tpu.memory_space<vmem>>
        %dma_wait3A_40 = arith.constant 0 : i32
        %dma_wait3A_41 = tpu.memref_slice %arg6[%scan3A_27, %dma_wait3A_40] : memref<40x128xi32, #tpu.memory_space<vmem>> -> memref<1x128xi32, #tpu.memory_space<vmem>>
        %dma_wait3A_42 = tpu.memref_squeeze %dma_wait3A_41 : memref<1x128xi32, #tpu.memory_space<vmem>> -> memref<128xi32, #tpu.memory_space<vmem>>
        %dma_wait3A_43 = arith.constant 0 : i32
        %dma_wait3A_44 = arith.constant 0 : i32
        %dma_wait3A_45 = tpu.memref_slice %arg9[%dma_wait3A_43, %dma_wait3A_44] : memref<10240x16xf32, #tpu.memory_space<vmem_shared>> -> memref<10240x16xf32, #tpu.memory_space<vmem_shared>>
        tpu.wait_indirect_dma semaphore(%run_scoped3A : memref<!tpu.dma_semaphore, #tpu.memory_space<semaphore_mem>>) src(%dma_wait3A_39 : memref<128x16xf32, #tpu.memory_space<vmem>>) dst(%dma_wait3A_45 : memref<10240x16xf32, #tpu.memory_space<vmem_shared>>)
        tpu.yield
      }) : () -> ()
    }
    %scan3A_21 = arith.constant 40 : i32
    %barrier3A_22 = arith.constant 0 : index
    tpu.barrier barrier_id(%barrier3A_22)
    %mul3A_23 = arith.constant 640 : i32
    %mul3A_24 = arith.muli %arg1, %mul3A_23 : i32
    "tpu.region"() ({
      %run_scoped3A = tpu.sem_alloc : memref<!tpu.dma_semaphore, #tpu.memory_space<semaphore_mem>>
      %dma_start3A_27 = arith.constant 0 : i32
      %dma_start3A_28 = tpu.memref_slice %arg9[%mul3A_24, %dma_start3A_27] : memref<10240x16xf32, #tpu.memory_space<vmem_shared>> -> memref<640x16xf32, #tpu.memory_space<vmem_shared>>
      %dma_start3A_29 = arith.constant 0 : i32
      %dma_start3A_30 = tpu.memref_slice %arg9[%mul3A_24, %dma_start3A_29] : memref<10240x16xf32, #tpu.memory_space<vmem_shared>> -> memref<640x16xf32, #tpu.memory_space<vmem_shared>>
      tpu.enqueue_dma source(%dma_start3A_30 : memref<640x16xf32, #tpu.memory_space<vmem_shared>>) target(%arg8 : memref<640x16xf32, #tpu.memory_space<vmem>>) target_semaphore(%run_scoped3A : memref<!tpu.dma_semaphore, #tpu.memory_space<semaphore_mem>>)
      %dma_wait3A_31 = arith.constant 0 : i32
      %dma_wait3A_32 = tpu.memref_slice %arg9[%mul3A_24, %dma_wait3A_31] : memref<10240x16xf32, #tpu.memory_space<vmem_shared>> -> memref<640x16xf32, #tpu.memory_space<vmem_shared>>
      %dma_wait3A_33 = arith.constant 0 : i32
      %dma_wait3A_34 = tpu.memref_slice %arg9[%mul3A_24, %dma_wait3A_33] : memref<10240x16xf32, #tpu.memory_space<vmem_shared>> -> memref<640x16xf32, #tpu.memory_space<vmem_shared>>
      tpu.wait_dma2 semaphore(%run_scoped3A : memref<!tpu.dma_semaphore, #tpu.memory_space<semaphore_mem>>) src(%dma_wait3A_34 : memref<640x16xf32, #tpu.memory_space<vmem_shared>>) dst(%arg8 : memref<640x16xf32, #tpu.memory_space<vmem>>)
      tpu.yield
    }) : () -> ()
    %mul3A_25 = arith.constant 640 : i32
    %mul3A_26 = arith.muli %arg1, %mul3A_25 : i32
    "tpu.region"() ({
      %run_scoped3A = tpu.sem_alloc : memref<!tpu.dma_semaphore, #tpu.memory_space<semaphore_mem>>
      %dma_start3A_27 = arith.constant 0 : i32
      %dma_start3A_28 = tpu.memref_slice %arg5[%arg0, %mul3A_26, %dma_start3A_27] : memref<2x10240x16xf32, #tpu.memory_space<hbm>> -> memref<1x640x16xf32, #tpu.memory_space<hbm>>
      %dma_start3A_29 = tpu.memref_squeeze %dma_start3A_28 : memref<1x640x16xf32, #tpu.memory_space<hbm>> -> memref<640x16xf32, #tpu.memory_space<hbm>>
      %dma_start3A_30 = arith.constant 0 : i32
      %dma_start3A_31 = tpu.memref_slice %arg5[%arg0, %mul3A_26, %dma_start3A_30] : memref<2x10240x16xf32, #tpu.memory_space<hbm>> -> memref<1x640x16xf32, #tpu.memory_space<hbm>>
      %dma_start3A_32 = tpu.memref_squeeze %dma_start3A_31 : memref<1x640x16xf32, #tpu.memory_space<hbm>> -> memref<640x16xf32, #tpu.memory_space<hbm>>
      tpu.enqueue_dma source(%arg8 : memref<640x16xf32, #tpu.memory_space<vmem>>) target(%dma_start3A_32 : memref<640x16xf32, #tpu.memory_space<hbm>>) target_semaphore(%run_scoped3A : memref<!tpu.dma_semaphore, #tpu.memory_space<semaphore_mem>>)
      %dma_wait3A_33 = arith.constant 0 : i32
      %dma_wait3A_34 = tpu.memref_slice %arg5[%arg0, %mul3A_26, %dma_wait3A_33] : memref<2x10240x16xf32, #tpu.memory_space<hbm>> -> memref<1x640x16xf32, #tpu.memory_space<hbm>>
      %dma_wait3A_35 = tpu.memref_squeeze %dma_wait3A_34 : memref<1x640x16xf32, #tpu.memory_space<hbm>> -> memref<640x16xf32, #tpu.memory_space<hbm>>
      %dma_wait3A_36 = arith.constant 0 : i32
      %dma_wait3A_37 = tpu.memref_slice %arg5[%arg0, %mul3A_26, %dma_wait3A_36] : memref<2x10240x16xf32, #tpu.memory_space<hbm>> -> memref<1x640x16xf32, #tpu.memory_space<hbm>>
      %dma_wait3A_38 = tpu.memref_squeeze %dma_wait3A_37 : memref<1x640x16xf32, #tpu.memory_space<hbm>> -> memref<640x16xf32, #tpu.memory_space<hbm>>
      tpu.wait_dma2 semaphore(%run_scoped3A : memref<!tpu.dma_semaphore, #tpu.memory_space<semaphore_mem>>) src(%arg8 : memref<640x16xf32, #tpu.memory_space<vmem>>) dst(%dma_wait3A_38 : memref<640x16xf32, #tpu.memory_space<hbm>>)
      tpu.yield
    }) : () -> ()
    return
  }
}

module attributes {stable_mosaic.version = 14 : i64} {
  func.func @_embed_body(%arg0: memref<1280x24xf32, #tpu.memory_space<vmem>>, %arg1: memref<24x128xf32, #tpu.memory_space<vmem>>, %arg2: memref<1x128xf32, #tpu.memory_space<vmem>>, %arg3: memref<1280x128xf32, #tpu.memory_space<vmem>>) attributes {dimension_semantics = [], scalar_prefetch = 0 : i64, scratch_operands = 0 : i64, tpu.core_type = #tpu.core_type<tc>} {
    %get3A = arith.constant 0 : index
    %get3A_0 = arith.constant 0 : index
    %get3A_1 = vector.load %arg0[%get3A, %get3A_0] : memref<1280x24xf32, #tpu.memory_space<vmem>>, vector<1280x24xf32>
    %get3A_2 = arith.constant 0 : index
    %get3A_3 = arith.constant 0 : index
    %get3A_4 = vector.load %arg1[%get3A_2, %get3A_3] : memref<24x128xf32, #tpu.memory_space<vmem>>, vector<24x128xf32>
    %dot_general3A = arith.constant dense<0.000000e+00> : vector<1280x128xf32>
    %dot_general3A_5 = tpu.matmul %get3A_1, %get3A_4, %dot_general3A {dimension_numbers = #tpu.dot_dimension_numbers<[1], [0], [0], [1], [0, 0, 1, 1], [], []>, transpose_lhs_hint = false} : vector<1280x24xf32>, vector<24x128xf32>, vector<1280x128xf32> -> vector<1280x128xf32>
    %get3A_6 = arith.constant 0 : index
    %get3A_7 = arith.constant 0 : index
    %get3A_8 = vector.load %arg2[%get3A_6, %get3A_7] : memref<1x128xf32, #tpu.memory_space<vmem>>, vector<1x128xf32>
    %add3A = vector.broadcast %get3A_8 : vector<1x128xf32> to vector<1280x128xf32>
    %add3A_9 = arith.addf %dot_general3A_5, %add3A : vector<1280x128xf32>
    %max3A = arith.constant 0.000000e+00 : f32
    %max3A_10 = vector.broadcast %max3A : f32 to vector<1280x128xf32>
    %max3A_11 = arith.maximumf %add3A_9, %max3A_10 : vector<1280x128xf32>
    %swap3A = arith.constant 0 : index
    %swap3A_12 = arith.constant 0 : index
    %swap3A_13 = vector.load %arg3[%swap3A, %swap3A_12] : memref<1280x128xf32, #tpu.memory_space<vmem>>, vector<1280x128xf32>
    tpu.vector_store %arg3[%swap3A, %swap3A_12], %max3A_11 {strides = array<i32>} : memref<1280x128xf32, #tpu.memory_space<vmem>>, vector<1280x128xf32>,
    return
  }
}

module attributes {stable_mosaic.version = 14 : i64} {
  func.func @_u_body(%arg0: i32, %arg1: memref<2048x8xf32, #tpu.memory_space<vmem>>, %arg2: memref<8x128xf32, #tpu.memory_space<vmem>>, %arg3: memref<1x128xf32, #tpu.memory_space<vmem>>, %arg4: memref<1x128xf32, #tpu.memory_space<vmem>>, %arg5: memref<2048x128xf32, #tpu.memory_space<vmem>>) attributes {dimension_semantics = [#tpu.dimension_semantics<arbitrary>], iteration_bounds = array<i64: 10>, scalar_prefetch = 0 : i64, scratch_operands = 0 : i64, tpu.core_type = #tpu.core_type<tc>, window_params = [{transform_indices = @transform_0, window_bounds = array<i64: 2048, 8>}, {pipeline_mode = #tpu.pipeline_mode<synchronous>, transform_indices = @transform_1, window_bounds = array<i64: 8, 128>}, {pipeline_mode = #tpu.pipeline_mode<synchronous>, transform_indices = @transform_2, window_bounds = array<i64: 1, 128>}, {pipeline_mode = #tpu.pipeline_mode<synchronous>, transform_indices = @transform_3, window_bounds = array<i64: 1, 128>}, {transform_indices = @transform_4, window_bounds = array<i64: 2048, 128>}]} {
    %get3A = arith.constant 0 : index
    %get3A_0 = arith.constant 0 : index
    %get3A_1 = vector.load %arg1[%get3A, %get3A_0] : memref<2048x8xf32, #tpu.memory_space<vmem>>, vector<2048x8xf32>
    %get3A_2 = arith.constant 0 : index
    %get3A_3 = arith.constant 0 : index
    %get3A_4 = vector.load %arg2[%get3A_2, %get3A_3] : memref<8x128xf32, #tpu.memory_space<vmem>>, vector<8x128xf32>
    %dot_general3A = arith.constant dense<0.000000e+00> : vector<2048x128xf32>
    %dot_general3A_5 = tpu.matmul %get3A_1, %get3A_4, %dot_general3A {dimension_numbers = #tpu.dot_dimension_numbers<[1], [0], [0], [1], [0, 0, 1, 1], [], []>, transpose_lhs_hint = false} : vector<2048x8xf32>, vector<8x128xf32>, vector<2048x128xf32> -> vector<2048x128xf32>
    %get3A_6 = arith.constant 0 : index
    %get3A_7 = arith.constant 0 : index
    %get3A_8 = vector.load %arg3[%get3A_6, %get3A_7] : memref<1x128xf32, #tpu.memory_space<vmem>>, vector<1x128xf32>
    %mul3A = vector.broadcast %get3A_8 : vector<1x128xf32> to vector<2048x128xf32>
    %mul3A_9 = arith.mulf %dot_general3A_5, %mul3A : vector<2048x128xf32>
    %get3A_10 = arith.constant 0 : index
    %get3A_11 = arith.constant 0 : index
    %get3A_12 = vector.load %arg4[%get3A_10, %get3A_11] : memref<1x128xf32, #tpu.memory_space<vmem>>, vector<1x128xf32>
    %add3A = vector.broadcast %get3A_12 : vector<1x128xf32> to vector<2048x128xf32>
    %add3A_13 = arith.addf %mul3A_9, %add3A : vector<2048x128xf32>
    %max3A = arith.constant 0.000000e+00 : f32
    %max3A_14 = vector.broadcast %max3A : f32 to vector<2048x128xf32>
    %max3A_15 = arith.maximumf %add3A_13, %max3A_14 : vector<2048x128xf32>
    %swap3A = arith.constant 0 : index
    %swap3A_16 = arith.constant 0 : index
    %swap3A_17 = vector.load %arg5[%swap3A, %swap3A_16] : memref<2048x128xf32, #tpu.memory_space<vmem>>, vector<2048x128xf32>
    tpu.vector_store %arg5[%swap3A, %swap3A_16], %max3A_15 {strides = array<i32>} : memref<2048x128xf32, #tpu.memory_space<vmem>>, vector<2048x128xf32>,
    return
  }
  func.func @transform_0(%arg0: i32) -> (i32, i32) {
    %c0_i32 = arith.constant 0 : i32
    %c0_i32_0 = arith.constant 0 : i32
    return %arg0, %c0_i32 : i32, i32
  }
  func.func @transform_1(%arg0: i32) -> (i32, i32) {
    %c0_i32 = arith.constant 0 : i32
    %c0_i32_0 = arith.constant 0 : i32
    %c0_i32_1 = arith.constant 0 : i32
    return %c0_i32, %c0_i32_0 : i32, i32
  }
  func.func @transform_2(%arg0: i32) -> (i32, i32) {
    %c0_i32 = arith.constant 0 : i32
    %c0_i32_0 = arith.constant 0 : i32
    %c0_i32_1 = arith.constant 0 : i32
    return %c0_i32, %c0_i32_0 : i32, i32
  }
  func.func @transform_3(%arg0: i32) -> (i32, i32) {
    %c0_i32 = arith.constant 0 : i32
    %c0_i32_0 = arith.constant 0 : i32
    %c0_i32_1 = arith.constant 0 : i32
    return %c0_i32, %c0_i32_0 : i32, i32
  }
  func.func @transform_4(%arg0: i32) -> (i32, i32) {
    %c0_i32 = arith.constant 0 : i32
    %c0_i32_0 = arith.constant 0 : i32
    return %arg0, %c0_i32 : i32, i32
  }
}

module attributes {stable_mosaic.version = 14 : i64} {
  func.func @_msg_body(%arg0: i32, %arg1: memref<2048x128xf32, #tpu.memory_space<vmem>>, %arg2: memref<2048x128xf32, #tpu.memory_space<vmem>>, %arg3: memref<16x256xf32, #tpu.memory_space<vmem>>, %arg4: memref<16x256xf32, #tpu.memory_space<vmem>>, %arg5: memref<256x16xf32, #tpu.memory_space<vmem>>, %arg6: memref<16x16xf32, #tpu.memory_space<vmem>>, %arg7: memref<2048x128xf32, #tpu.memory_space<vmem>>) attributes {dimension_semantics = [#tpu.dimension_semantics<arbitrary>], iteration_bounds = array<i64: 10>, scalar_prefetch = 0 : i64, scratch_operands = 0 : i64, tpu.core_type = #tpu.core_type<tc>, window_params = [{transform_indices = @transform_0, window_bounds = array<i64: 2048, 128>}, {transform_indices = @transform_1, window_bounds = array<i64: 2048, 128>}, {pipeline_mode = #tpu.pipeline_mode<synchronous>, transform_indices = @transform_2, window_bounds = array<i64: 16, 256>}, {pipeline_mode = #tpu.pipeline_mode<synchronous>, transform_indices = @transform_3, window_bounds = array<i64: 16, 256>}, {pipeline_mode = #tpu.pipeline_mode<synchronous>, transform_indices = @transform_4, window_bounds = array<i64: 256, 16>}, {pipeline_mode = #tpu.pipeline_mode<synchronous>, transform_indices = @transform_5, window_bounds = array<i64: 16, 16>}, {transform_indices = @transform_6, window_bounds = array<i64: 2048, 128>}]} {
    %get3A = arith.constant 0 : index
    %get3A_0 = arith.constant 0 : index
    %get3A_1 = vector.load %arg1[%get3A, %get3A_0] : memref<2048x128xf32, #tpu.memory_space<vmem>>, vector<2048x128xf32>
    %get3A_2 = arith.constant 0 : index
    %get3A_3 = arith.constant 0 : index
    %get3A_4 = vector.load %arg2[%get3A_2, %get3A_3] : memref<2048x128xf32, #tpu.memory_space<vmem>>, vector<2048x128xf32>
    %get3A_5 = arith.constant 0 : index
    %get3A_6 = arith.constant 0 : index
    %get3A_7 = vector.load %arg3[%get3A_5, %get3A_6] : memref<16x256xf32, #tpu.memory_space<vmem>>, vector<16x256xf32>
    %get3A_8 = arith.constant 0 : index
    %get3A_9 = arith.constant 0 : index
    %get3A_10 = vector.load %arg4[%get3A_8, %get3A_9] : memref<16x256xf32, #tpu.memory_space<vmem>>, vector<16x256xf32>
    %get3A_11 = arith.constant 0 : index
    %get3A_12 = arith.constant 0 : index
    %get3A_13 = vector.load %arg5[%get3A_11, %get3A_12] : memref<256x16xf32, #tpu.memory_space<vmem>>, vector<256x16xf32>
    %get3A_14 = arith.constant 0 : index
    %get3A_15 = arith.constant 0 : index
    %get3A_16 = vector.load %arg6[%get3A_14, %get3A_15] : memref<16x16xf32, #tpu.memory_space<vmem>>, vector<16x16xf32>
    %slice3A = vector.extract_strided_slice %get3A_1 {offsets = [0, 0], sizes = [2048, 16], strides = [1, 1]} : vector<2048x128xf32> to vector<2048x16xf32>
    %slice3A_17 = vector.extract_strided_slice %get3A_4 {offsets = [0, 0], sizes = [2048, 16], strides = [1, 1]} : vector<2048x128xf32> to vector<2048x16xf32>
    %dot_general3A = arith.constant dense<0.000000e+00> : vector<2048x256xf32>
    %dot_general3A_18 = tpu.matmul %slice3A, %get3A_7, %dot_general3A {dimension_numbers = #tpu.dot_dimension_numbers<[1], [0], [0], [1], [0, 0, 1, 1], [], []>, transpose_lhs_hint = false} : vector<2048x16xf32>, vector<16x256xf32>, vector<2048x256xf32> -> vector<2048x256xf32>
    %dot_general3A_19 = arith.constant dense<0.000000e+00> : vector<2048x256xf32>
    %dot_general3A_20 = tpu.matmul %slice3A_17, %get3A_10, %dot_general3A_19 {dimension_numbers = #tpu.dot_dimension_numbers<[1], [0], [0], [1], [0, 0, 1, 1], [], []>, transpose_lhs_hint = false} : vector<2048x16xf32>, vector<16x256xf32>, vector<2048x256xf32> -> vector<2048x256xf32>
    %mul3A = arith.mulf %dot_general3A_18, %dot_general3A_20 : vector<2048x256xf32>
    %dot_general3A_21 = arith.constant dense<0.000000e+00> : vector<2048x16xf32>
    %dot_general3A_22 = tpu.matmul %mul3A, %get3A_13, %dot_general3A_21 {dimension_numbers = #tpu.dot_dimension_numbers<[1], [0], [0], [1], [0, 0, 1, 1], [], []>, transpose_lhs_hint = false} : vector<2048x256xf32>, vector<256x16xf32>, vector<2048x16xf32> -> vector<2048x16xf32>
    %dot_general3A_23 = arith.constant dense<0.000000e+00> : vector<2048x16xf32>
    %dot_general3A_24 = tpu.matmul %slice3A, %get3A_16, %dot_general3A_23 {dimension_numbers = #tpu.dot_dimension_numbers<[1], [0], [0], [1], [0, 0, 1, 1], [], []>, transpose_lhs_hint = false} : vector<2048x16xf32>, vector<16x16xf32>, vector<2048x16xf32> -> vector<2048x16xf32>
    %add3A = arith.addf %dot_general3A_22, %dot_general3A_24 : vector<2048x16xf32>
    %slice3A_25 = vector.extract_strided_slice %get3A_1 {offsets = [0, 16], sizes = [2048, 16], strides = [1, 1]} : vector<2048x128xf32> to vector<2048x16xf32>
    %slice3A_26 = vector.extract_strided_slice %get3A_4 {offsets = [0, 16], sizes = [2048, 16], strides = [1, 1]} : vector<2048x128xf32> to vector<2048x16xf32>
    %dot_general3A_27 = arith.constant dense<0.000000e+00> : vector<2048x256xf32>
    %dot_general3A_28 = tpu.matmul %slice3A_25, %get3A_7, %dot_general3A_27 {dimension_numbers = #tpu.dot_dimension_numbers<[1], [0], [0], [1], [0, 0, 1, 1], [], []>, transpose_lhs_hint = false} : vector<2048x16xf32>, vector<16x256xf32>, vector<2048x256xf32> -> vector<2048x256xf32>
    %dot_general3A_29 = arith.constant dense<0.000000e+00> : vector<2048x256xf32>
    %dot_general3A_30 = tpu.matmul %slice3A_26, %get3A_10, %dot_general3A_29 {dimension_numbers = #tpu.dot_dimension_numbers<[1], [0], [0], [1], [0, 0, 1, 1], [], []>, transpose_lhs_hint = false} : vector<2048x16xf32>, vector<16x256xf32>, vector<2048x256xf32> -> vector<2048x256xf32>
    %mul3A_31 = arith.mulf %dot_general3A_28, %dot_general3A_30 : vector<2048x256xf32>
    %dot_general3A_32 = arith.constant dense<0.000000e+00> : vector<2048x16xf32>
    %dot_general3A_33 = tpu.matmul %mul3A_31, %get3A_13, %dot_general3A_32 {dimension_numbers = #tpu.dot_dimension_numbers<[1], [0], [0], [1], [0, 0, 1, 1], [], []>, transpose_lhs_hint = false} : vector<2048x256xf32>, vector<256x16xf32>, vector<2048x16xf32> -> vector<2048x16xf32>
    %dot_general3A_34 = arith.constant dense<0.000000e+00> : vector<2048x16xf32>
    %dot_general3A_35 = tpu.matmul %slice3A_25, %get3A_16, %dot_general3A_34 {dimension_numbers = #tpu.dot_dimension_numbers<[1], [0], [0], [1], [0, 0, 1, 1], [], []>, transpose_lhs_hint = false} : vector<2048x16xf32>, vector<16x16xf32>, vector<2048x16xf32> -> vector<2048x16xf32>
    %add3A_36 = arith.addf %dot_general3A_33, %dot_general3A_35 : vector<2048x16xf32>
    %slice3A_37 = vector.extract_strided_slice %get3A_1 {offsets = [0, 32], sizes = [2048, 16], strides = [1, 1]} : vector<2048x128xf32> to vector<2048x16xf32>
    %slice3A_38 = vector.extract_strided_slice %get3A_4 {offsets = [0, 32], sizes = [2048, 16], strides = [1, 1]} : vector<2048x128xf32> to vector<2048x16xf32>
    %dot_general3A_39 = arith.constant dense<0.000000e+00> : vector<2048x256xf32>
    %dot_general3A_40 = tpu.matmul %slice3A_37, %get3A_7, %dot_general3A_39 {dimension_numbers = #tpu.dot_dimension_numbers<[1], [0], [0], [1], [0, 0, 1, 1], [], []>, transpose_lhs_hint = false} : vector<2048x16xf32>, vector<16x256xf32>, vector<2048x256xf32> -> vector<2048x256xf32>
    %dot_general3A_41 = arith.constant dense<0.000000e+00> : vector<2048x256xf32>
    %dot_general3A_42 = tpu.matmul %slice3A_38, %get3A_10, %dot_general3A_41 {dimension_numbers = #tpu.dot_dimension_numbers<[1], [0], [0], [1], [0, 0, 1, 1], [], []>, transpose_lhs_hint = false} : vector<2048x16xf32>, vector<16x256xf32>, vector<2048x256xf32> -> vector<2048x256xf32>
    %mul3A_43 = arith.mulf %dot_general3A_40, %dot_general3A_42 : vector<2048x256xf32>
    %dot_general3A_44 = arith.constant dense<0.000000e+00> : vector<2048x16xf32>
    %dot_general3A_45 = tpu.matmul %mul3A_43, %get3A_13, %dot_general3A_44 {dimension_numbers = #tpu.dot_dimension_numbers<[1], [0], [0], [1], [0, 0, 1, 1], [], []>, transpose_lhs_hint = false} : vector<2048x256xf32>, vector<256x16xf32>, vector<2048x16xf32> -> vector<2048x16xf32>
    %dot_general3A_46 = arith.constant dense<0.000000e+00> : vector<2048x16xf32>
    %dot_general3A_47 = tpu.matmul %slice3A_37, %get3A_16, %dot_general3A_46 {dimension_numbers = #tpu.dot_dimension_numbers<[1], [0], [0], [1], [0, 0, 1, 1], [], []>, transpose_lhs_hint = false} : vector<2048x16xf32>, vector<16x16xf32>, vector<2048x16xf32> -> vector<2048x16xf32>
    %add3A_48 = arith.addf %dot_general3A_45, %dot_general3A_47 : vector<2048x16xf32>
    %slice3A_49 = vector.extract_strided_slice %get3A_1 {offsets = [0, 48], sizes = [2048, 16], strides = [1, 1]} : vector<2048x128xf32> to vector<2048x16xf32>
    %slice3A_50 = vector.extract_strided_slice %get3A_4 {offsets = [0, 48], sizes = [2048, 16], strides = [1, 1]} : vector<2048x128xf32> to vector<2048x16xf32>
    %dot_general3A_51 = arith.constant dense<0.000000e+00> : vector<2048x256xf32>
    %dot_general3A_52 = tpu.matmul %slice3A_49, %get3A_7, %dot_general3A_51 {dimension_numbers = #tpu.dot_dimension_numbers<[1], [0], [0], [1], [0, 0, 1, 1], [], []>, transpose_lhs_hint = false} : vector<2048x16xf32>, vector<16x256xf32>, vector<2048x256xf32> -> vector<2048x256xf32>
    %dot_general3A_53 = arith.constant dense<0.000000e+00> : vector<2048x256xf32>
    %dot_general3A_54 = tpu.matmul %slice3A_50, %get3A_10, %dot_general3A_53 {dimension_numbers = #tpu.dot_dimension_numbers<[1], [0], [0], [1], [0, 0, 1, 1], [], []>, transpose_lhs_hint = false} : vector<2048x16xf32>, vector<16x256xf32>, vector<2048x256xf32> -> vector<2048x256xf32>
    %mul3A_55 = arith.mulf %dot_general3A_52, %dot_general3A_54 : vector<2048x256xf32>
    %dot_general3A_56 = arith.constant dense<0.000000e+00> : vector<2048x16xf32>
    %dot_general3A_57 = tpu.matmul %mul3A_55, %get3A_13, %dot_general3A_56 {dimension_numbers = #tpu.dot_dimension_numbers<[1], [0], [0], [1], [0, 0, 1, 1], [], []>, transpose_lhs_hint = false} : vector<2048x256xf32>, vector<256x16xf32>, vector<2048x16xf32> -> vector<2048x16xf32>
    %dot_general3A_58 = arith.constant dense<0.000000e+00> : vector<2048x16xf32>
    %dot_general3A_59 = tpu.matmul %slice3A_49, %get3A_16, %dot_general3A_58 {dimension_numbers = #tpu.dot_dimension_numbers<[1], [0], [0], [1], [0, 0, 1, 1], [], []>, transpose_lhs_hint = false} : vector<2048x16xf32>, vector<16x16xf32>, vector<2048x16xf32> -> vector<2048x16xf32>
    %add3A_60 = arith.addf %dot_general3A_57, %dot_general3A_59 : vector<2048x16xf32>
    %slice3A_61 = vector.extract_strided_slice %get3A_1 {offsets = [0, 64], sizes = [2048, 16], strides = [1, 1]} : vector<2048x128xf32> to vector<2048x16xf32>
    %slice3A_62 = vector.extract_strided_slice %get3A_4 {offsets = [0, 64], sizes = [2048, 16], strides = [1, 1]} : vector<2048x128xf32> to vector<2048x16xf32>
    %dot_general3A_63 = arith.constant dense<0.000000e+00> : vector<2048x256xf32>
    %dot_general3A_64 = tpu.matmul %slice3A_61, %get3A_7, %dot_general3A_63 {dimension_numbers = #tpu.dot_dimension_numbers<[1], [0], [0], [1], [0, 0, 1, 1], [], []>, transpose_lhs_hint = false} : vector<2048x16xf32>, vector<16x256xf32>, vector<2048x256xf32> -> vector<2048x256xf32>
    %dot_general3A_65 = arith.constant dense<0.000000e+00> : vector<2048x256xf32>
    %dot_general3A_66 = tpu.matmul %slice3A_62, %get3A_10, %dot_general3A_65 {dimension_numbers = #tpu.dot_dimension_numbers<[1], [0], [0], [1], [0, 0, 1, 1], [], []>, transpose_lhs_hint = false} : vector<2048x16xf32>, vector<16x256xf32>, vector<2048x256xf32> -> vector<2048x256xf32>
    %mul3A_67 = arith.mulf %dot_general3A_64, %dot_general3A_66 : vector<2048x256xf32>
    %dot_general3A_68 = arith.constant dense<0.000000e+00> : vector<2048x16xf32>
    %dot_general3A_69 = tpu.matmul %mul3A_67, %get3A_13, %dot_general3A_68 {dimension_numbers = #tpu.dot_dimension_numbers<[1], [0], [0], [1], [0, 0, 1, 1], [], []>, transpose_lhs_hint = false} : vector<2048x256xf32>, vector<256x16xf32>, vector<2048x16xf32> -> vector<2048x16xf32>
    %dot_general3A_70 = arith.constant dense<0.000000e+00> : vector<2048x16xf32>
    %dot_general3A_71 = tpu.matmul %slice3A_61, %get3A_16, %dot_general3A_70 {dimension_numbers = #tpu.dot_dimension_numbers<[1], [0], [0], [1], [0, 0, 1, 1], [], []>, transpose_lhs_hint = false} : vector<2048x16xf32>, vector<16x16xf32>, vector<2048x16xf32> -> vector<2048x16xf32>
    %add3A_72 = arith.addf %dot_general3A_69, %dot_general3A_71 : vector<2048x16xf32>
    %slice3A_73 = vector.extract_strided_slice %get3A_1 {offsets = [0, 80], sizes = [2048, 16], strides = [1, 1]} : vector<2048x128xf32> to vector<2048x16xf32>
    %slice3A_74 = vector.extract_strided_slice %get3A_4 {offsets = [0, 80], sizes = [2048, 16], strides = [1, 1]} : vector<2048x128xf32> to vector<2048x16xf32>
    %dot_general3A_75 = arith.constant dense<0.000000e+00> : vector<2048x256xf32>
    %dot_general3A_76 = tpu.matmul %slice3A_73, %get3A_7, %dot_general3A_75 {dimension_numbers = #tpu.dot_dimension_numbers<[1], [0], [0], [1], [0, 0, 1, 1], [], []>, transpose_lhs_hint = false} : vector<2048x16xf32>, vector<16x256xf32>, vector<2048x256xf32> -> vector<2048x256xf32>
    %dot_general3A_77 = arith.constant dense<0.000000e+00> : vector<2048x256xf32>
    %dot_general3A_78 = tpu.matmul %slice3A_74, %get3A_10, %dot_general3A_77 {dimension_numbers = #tpu.dot_dimension_numbers<[1], [0], [0], [1], [0, 0, 1, 1], [], []>, transpose_lhs_hint = false} : vector<2048x16xf32>, vector<16x256xf32>, vector<2048x256xf32> -> vector<2048x256xf32>
    %mul3A_79 = arith.mulf %dot_general3A_76, %dot_general3A_78 : vector<2048x256xf32>
    %dot_general3A_80 = arith.constant dense<0.000000e+00> : vector<2048x16xf32>
    %dot_general3A_81 = tpu.matmul %mul3A_79, %get3A_13, %dot_general3A_80 {dimension_numbers = #tpu.dot_dimension_numbers<[1], [0], [0], [1], [0, 0, 1, 1], [], []>, transpose_lhs_hint = false} : vector<2048x256xf32>, vector<256x16xf32>, vector<2048x16xf32> -> vector<2048x16xf32>
    %dot_general3A_82 = arith.constant dense<0.000000e+00> : vector<2048x16xf32>
    %dot_general3A_83 = tpu.matmul %slice3A_73, %get3A_16, %dot_general3A_82 {dimension_numbers = #tpu.dot_dimension_numbers<[1], [0], [0], [1], [0, 0, 1, 1], [], []>, transpose_lhs_hint = false} : vector<2048x16xf32>, vector<16x16xf32>, vector<2048x16xf32> -> vector<2048x16xf32>
    %add3A_84 = arith.addf %dot_general3A_81, %dot_general3A_83 : vector<2048x16xf32>
    %slice3A_85 = vector.extract_strided_slice %get3A_1 {offsets = [0, 96], sizes = [2048, 16], strides = [1, 1]} : vector<2048x128xf32> to vector<2048x16xf32>
    %slice3A_86 = vector.extract_strided_slice %get3A_4 {offsets = [0, 96], sizes = [2048, 16], strides = [1, 1]} : vector<2048x128xf32> to vector<2048x16xf32>
    %dot_general3A_87 = arith.constant dense<0.000000e+00> : vector<2048x256xf32>
    %dot_general3A_88 = tpu.matmul %slice3A_85, %get3A_7, %dot_general3A_87 {dimension_numbers = #tpu.dot_dimension_numbers<[1], [0], [0], [1], [0, 0, 1, 1], [], []>, transpose_lhs_hint = false} : vector<2048x16xf32>, vector<16x256xf32>, vector<2048x256xf32> -> vector<2048x256xf32>
    %dot_general3A_89 = arith.constant dense<0.000000e+00> : vector<2048x256xf32>
    %dot_general3A_90 = tpu.matmul %slice3A_86, %get3A_10, %dot_general3A_89 {dimension_numbers = #tpu.dot_dimension_numbers<[1], [0], [0], [1], [0, 0, 1, 1], [], []>, transpose_lhs_hint = false} : vector<2048x16xf32>, vector<16x256xf32>, vector<2048x256xf32> -> vector<2048x256xf32>
    %mul3A_91 = arith.mulf %dot_general3A_88, %dot_general3A_90 : vector<2048x256xf32>
    %dot_general3A_92 = arith.constant dense<0.000000e+00> : vector<2048x16xf32>
    %dot_general3A_93 = tpu.matmul %mul3A_91, %get3A_13, %dot_general3A_92 {dimension_numbers = #tpu.dot_dimension_numbers<[1], [0], [0], [1], [0, 0, 1, 1], [], []>, transpose_lhs_hint = false} : vector<2048x256xf32>, vector<256x16xf32>, vector<2048x16xf32> -> vector<2048x16xf32>
    %dot_general3A_94 = arith.constant dense<0.000000e+00> : vector<2048x16xf32>
    %dot_general3A_95 = tpu.matmul %slice3A_85, %get3A_16, %dot_general3A_94 {dimension_numbers = #tpu.dot_dimension_numbers<[1], [0], [0], [1], [0, 0, 1, 1], [], []>, transpose_lhs_hint = false} : vector<2048x16xf32>, vector<16x16xf32>, vector<2048x16xf32> -> vector<2048x16xf32>
    %add3A_96 = arith.addf %dot_general3A_93, %dot_general3A_95 : vector<2048x16xf32>
    %slice3A_97 = vector.extract_strided_slice %get3A_1 {offsets = [0, 112], sizes = [2048, 16], strides = [1, 1]} : vector<2048x128xf32> to vector<2048x16xf32>
    %slice3A_98 = vector.extract_strided_slice %get3A_4 {offsets = [0, 112], sizes = [2048, 16], strides = [1, 1]} : vector<2048x128xf32> to vector<2048x16xf32>
    %dot_general3A_99 = arith.constant dense<0.000000e+00> : vector<2048x256xf32>
    %dot_general3A_100 = tpu.matmul %slice3A_97, %get3A_7, %dot_general3A_99 {dimension_numbers = #tpu.dot_dimension_numbers<[1], [0], [0], [1], [0, 0, 1, 1], [], []>, transpose_lhs_hint = false} : vector<2048x16xf32>, vector<16x256xf32>, vector<2048x256xf32> -> vector<2048x256xf32>
    %dot_general3A_101 = arith.constant dense<0.000000e+00> : vector<2048x256xf32>
    %dot_general3A_102 = tpu.matmul %slice3A_98, %get3A_10, %dot_general3A_101 {dimension_numbers = #tpu.dot_dimension_numbers<[1], [0], [0], [1], [0, 0, 1, 1], [], []>, transpose_lhs_hint = false} : vector<2048x16xf32>, vector<16x256xf32>, vector<2048x256xf32> -> vector<2048x256xf32>
    %mul3A_103 = arith.mulf %dot_general3A_100, %dot_general3A_102 : vector<2048x256xf32>
    %dot_general3A_104 = arith.constant dense<0.000000e+00> : vector<2048x16xf32>
    %dot_general3A_105 = tpu.matmul %mul3A_103, %get3A_13, %dot_general3A_104 {dimension_numbers = #tpu.dot_dimension_numbers<[1], [0], [0], [1], [0, 0, 1, 1], [], []>, transpose_lhs_hint = false} : vector<2048x256xf32>, vector<256x16xf32>, vector<2048x16xf32> -> vector<2048x16xf32>
    %dot_general3A_106 = arith.constant dense<0.000000e+00> : vector<2048x16xf32>
    %dot_general3A_107 = tpu.matmul %slice3A_97, %get3A_16, %dot_general3A_106 {dimension_numbers = #tpu.dot_dimension_numbers<[1], [0], [0], [1], [0, 0, 1, 1], [], []>, transpose_lhs_hint = false} : vector<2048x16xf32>, vector<16x16xf32>, vector<2048x16xf32> -> vector<2048x16xf32>
    %add3A_108 = arith.addf %dot_general3A_105, %dot_general3A_107 : vector<2048x16xf32>
    %concatenate3A = tpu.concatenate %add3A, %add3A_36, %add3A_48, %add3A_60, %add3A_72, %add3A_84, %add3A_96, %add3A_108 in 1 : vector<2048x16xf32>, vector<2048x16xf32>, vector<2048x16xf32>, vector<2048x16xf32>, vector<2048x16xf32>, vector<2048x16xf32>, vector<2048x16xf32>, vector<2048x16xf32> -> vector<2048x128xf32>
    %swap3A = arith.constant 0 : index
    %swap3A_109 = arith.constant 0 : index
    %swap3A_110 = vector.load %arg7[%swap3A, %swap3A_109] : memref<2048x128xf32, #tpu.memory_space<vmem>>, vector<2048x128xf32>
    tpu.vector_store %arg7[%swap3A, %swap3A_109], %concatenate3A {strides = array<i32>} : memref<2048x128xf32, #tpu.memory_space<vmem>>, vector<2048x128xf32>,
    return
  }
  func.func @transform_0(%arg0: i32) -> (i32, i32) {
    %c0_i32 = arith.constant 0 : i32
    %c0_i32_0 = arith.constant 0 : i32
    return %arg0, %c0_i32 : i32, i32
  }
  func.func @transform_1(%arg0: i32) -> (i32, i32) {
    %c0_i32 = arith.constant 0 : i32
    %c0_i32_0 = arith.constant 0 : i32
    return %arg0, %c0_i32 : i32, i32
  }
  func.func @transform_2(%arg0: i32) -> (i32, i32) {
    %c0_i32 = arith.constant 0 : i32
    %c0_i32_0 = arith.constant 0 : i32
    %c0_i32_1 = arith.constant 0 : i32
    return %c0_i32, %c0_i32_0 : i32, i32
  }
  func.func @transform_3(%arg0: i32) -> (i32, i32) {
    %c0_i32 = arith.constant 0 : i32
    %c0_i32_0 = arith.constant 0 : i32
    %c0_i32_1 = arith.constant 0 : i32
    return %c0_i32, %c0_i32_0 : i32, i32
  }
  func.func @transform_4(%arg0: i32) -> (i32, i32) {
    %c0_i32 = arith.constant 0 : i32
    %c0_i32_0 = arith.constant 0 : i32
    %c0_i32_1 = arith.constant 0 : i32
    return %c0_i32, %c0_i32_0 : i32, i32
  }
  func.func @transform_5(%arg0: i32) -> (i32, i32) {
    %c0_i32 = arith.constant 0 : i32
    %c0_i32_0 = arith.constant 0 : i32
    %c0_i32_1 = arith.constant 0 : i32
    return %c0_i32, %c0_i32_0 : i32, i32
  }
  func.func @transform_6(%arg0: i32) -> (i32, i32) {
    %c0_i32 = arith.constant 0 : i32
    %c0_i32_0 = arith.constant 0 : i32
    return %arg0, %c0_i32 : i32, i32
  }
}

module attributes {stable_mosaic.version = 14 : i64} {
  func.func @_gru_body(%arg0: memref<1280x128xf32, #tpu.memory_space<vmem>>, %arg1: memref<1280x128xf32, #tpu.memory_space<vmem>>, %arg2: memref<1280x128xf32, #tpu.memory_space<vmem>>, %arg3: memref<1280x128xf32, #tpu.memory_space<vmem>>, %arg4: memref<1280x128xf32, #tpu.memory_space<vmem>>, %arg5: memref<1280x128xf32, #tpu.memory_space<vmem>>, %arg6: memref<16x16xf32, #tpu.memory_space<vmem>>, %arg7: memref<1x16xf32, #tpu.memory_space<vmem>>, %arg8: memref<16x48xf32, #tpu.memory_space<vmem>>, %arg9: memref<1x48xf32, #tpu.memory_space<vmem>>, %arg10: memref<16x48xf32, #tpu.memory_space<vmem>>, %arg11: memref<1x48xf32, #tpu.memory_space<vmem>>, %arg12: memref<1280x128xf32, #tpu.memory_space<vmem>>) attributes {dimension_semantics = [], scalar_prefetch = 0 : i64, scratch_operands = 0 : i64, tpu.core_type = #tpu.core_type<tc>} {
    %get3A = arith.constant 0 : index
    %get3A_0 = arith.constant 0 : index
    %get3A_1 = vector.load %arg4[%get3A, %get3A_0] : memref<1280x128xf32, #tpu.memory_space<vmem>>, vector<1280x16xf32>
    %get3A_2 = arith.constant 0 : index
    %get3A_3 = arith.constant 0 : index
    %get3A_4 = vector.load %arg5[%get3A_2, %get3A_3] : memref<1280x128xf32, #tpu.memory_space<vmem>>, vector<1280x16xf32>
    %get3A_5 = arith.constant 0 : index
    %get3A_6 = arith.constant 0 : index
    %get3A_7 = vector.load %arg2[%get3A_5, %get3A_6] : memref<1280x128xf32, #tpu.memory_space<vmem>>, vector<1280x16xf32>
    %get3A_8 = arith.constant 0 : index
    %get3A_9 = arith.constant 0 : index
    %get3A_10 = vector.load %arg3[%get3A_8, %get3A_9] : memref<1280x128xf32, #tpu.memory_space<vmem>>, vector<1280x16xf32>
    %add3A = arith.addf %get3A_7, %get3A_10 : vector<1280x16xf32>
    %max3A = arith.constant 1.000000e+00 : f32
    %max3A_11 = vector.broadcast %max3A : f32 to vector<1280x16xf32>
    %max3A_12 = arith.maximumf %add3A, %max3A_11 : vector<1280x16xf32>
    %div3A = arith.constant 1.000000e+00 : f32
    %div3A_13 = vector.broadcast %div3A : f32 to vector<1280x16xf32>
    %div3A_14 = arith.divf %div3A_13, %max3A_12 : vector<1280x16xf32>
    %get3A_15 = arith.constant 0 : index
    %get3A_16 = arith.constant 0 : index
    %get3A_17 = vector.load %arg0[%get3A_15, %get3A_16] : memref<1280x128xf32, #tpu.memory_space<vmem>>, vector<1280x16xf32>
    %get3A_18 = arith.constant 0 : index
    %get3A_19 = arith.constant 0 : index
    %get3A_20 = vector.load %arg1[%get3A_18, %get3A_19] : memref<1280x128xf32, #tpu.memory_space<vmem>>, vector<1280x16xf32>
    %add3A_21 = arith.addf %get3A_17, %get3A_20 : vector<1280x16xf32>
    %mul3A = arith.mulf %add3A_21, %div3A_14 : vector<1280x16xf32>
    %get3A_22 = arith.constant 0 : index
    %get3A_23 = arith.constant 0 : index
    %get3A_24 = vector.load %arg6[%get3A_22, %get3A_23] : memref<16x16xf32, #tpu.memory_space<vmem>>, vector<16x16xf32>
    %dot_general3A = arith.constant dense<0.000000e+00> : vector<1280x16xf32>
    %dot_general3A_25 = tpu.matmul %get3A_1, %get3A_24, %dot_general3A {dimension_numbers = #tpu.dot_dimension_numbers<[1], [0], [0], [1], [0, 0, 1, 1], [], []>, transpose_lhs_hint = false} : vector<1280x16xf32>, vector<16x16xf32>, vector<1280x16xf32> -> vector<1280x16xf32>
    %add3A_26 = arith.addf %mul3A, %dot_general3A_25 : vector<1280x16xf32>
    %get3A_27 = arith.constant 0 : index
    %get3A_28 = arith.constant 0 : index
    %get3A_29 = vector.load %arg7[%get3A_27, %get3A_28] : memref<1x16xf32, #tpu.memory_space<vmem>>, vector<1x16xf32>
    %add3A_30 = vector.broadcast %get3A_29 : vector<1x16xf32> to vector<1280x16xf32>
    %add3A_31 = arith.addf %add3A_26, %add3A_30 : vector<1280x16xf32>
    %max3A_32 = arith.constant 0.000000e+00 : f32
    %max3A_33 = vector.broadcast %max3A_32 : f32 to vector<1280x16xf32>
    %max3A_34 = arith.maximumf %add3A_31, %max3A_33 : vector<1280x16xf32>
    %get3A_35 = arith.constant 0 : index
    %get3A_36 = arith.constant 0 : index
    %get3A_37 = vector.load %arg8[%get3A_35, %get3A_36] : memref<16x48xf32, #tpu.memory_space<vmem>>, vector<16x48xf32>
    %dot_general3A_38 = arith.constant dense<0.000000e+00> : vector<1280x48xf32>
    %dot_general3A_39 = tpu.matmul %max3A_34, %get3A_37, %dot_general3A_38 {dimension_numbers = #tpu.dot_dimension_numbers<[1], [0], [0], [1], [0, 0, 1, 1], [], []>, transpose_lhs_hint = false} : vector<1280x16xf32>, vector<16x48xf32>, vector<1280x48xf32> -> vector<1280x48xf32>
    %get3A_40 = arith.constant 0 : index
    %get3A_41 = arith.constant 0 : index
    %get3A_42 = vector.load %arg9[%get3A_40, %get3A_41] : memref<1x48xf32, #tpu.memory_space<vmem>>, vector<1x48xf32>
    %add3A_43 = vector.broadcast %get3A_42 : vector<1x48xf32> to vector<1280x48xf32>
    %add3A_44 = arith.addf %dot_general3A_39, %add3A_43 : vector<1280x48xf32>
    %get3A_45 = arith.constant 0 : index
    %get3A_46 = arith.constant 0 : index
    %get3A_47 = vector.load %arg10[%get3A_45, %get3A_46] : memref<16x48xf32, #tpu.memory_space<vmem>>, vector<16x48xf32>
    %dot_general3A_48 = arith.constant dense<0.000000e+00> : vector<1280x48xf32>
    %dot_general3A_49 = tpu.matmul %get3A_4, %get3A_47, %dot_general3A_48 {dimension_numbers = #tpu.dot_dimension_numbers<[1], [0], [0], [1], [0, 0, 1, 1], [], []>, transpose_lhs_hint = false} : vector<1280x16xf32>, vector<16x48xf32>, vector<1280x48xf32> -> vector<1280x48xf32>
    %get3A_50 = arith.constant 0 : index
    %get3A_51 = arith.constant 0 : index
    %get3A_52 = vector.load %arg11[%get3A_50, %get3A_51] : memref<1x48xf32, #tpu.memory_space<vmem>>, vector<1x48xf32>
    %add3A_53 = vector.broadcast %get3A_52 : vector<1x48xf32> to vector<1280x48xf32>
    %add3A_54 = arith.addf %dot_general3A_49, %add3A_53 : vector<1280x48xf32>
    %slice3A = vector.extract_strided_slice %add3A_44 {offsets = [0, 0], sizes = [1280, 16], strides = [1, 1]} : vector<1280x48xf32> to vector<1280x16xf32>
    %slice3A_55 = vector.extract_strided_slice %add3A_54 {offsets = [0, 0], sizes = [1280, 16], strides = [1, 1]} : vector<1280x48xf32> to vector<1280x16xf32>
    %add3A_56 = arith.addf %slice3A, %slice3A_55 : vector<1280x16xf32>
    %logistic3A = arith.negf %add3A_56 : vector<1280x16xf32>
    %logistic3A_57 = math.exp %logistic3A : vector<1280x16xf32>
    %logistic3A_58 = arith.constant 1.000000e+00 : f32
    %logistic3A_59 = vector.broadcast %logistic3A_58 : f32 to vector<1280x16xf32>
    %logistic3A_60 = arith.addf %logistic3A_59, %logistic3A_57 : vector<1280x16xf32>
    %logistic3A_61 = arith.divf %logistic3A_59, %logistic3A_60 : vector<1280x16xf32>
    %slice3A_62 = vector.extract_strided_slice %add3A_44 {offsets = [0, 16], sizes = [1280, 16], strides = [1, 1]} : vector<1280x48xf32> to vector<1280x16xf32>
    %slice3A_63 = vector.extract_strided_slice %add3A_54 {offsets = [0, 16], sizes = [1280, 16], strides = [1, 1]} : vector<1280x48xf32> to vector<1280x16xf32>
    %add3A_64 = arith.addf %slice3A_62, %slice3A_63 : vector<1280x16xf32>
    %logistic3A_65 = arith.negf %add3A_64 : vector<1280x16xf32>
    %logistic3A_66 = math.exp %logistic3A_65 : vector<1280x16xf32>
    %logistic3A_67 = arith.constant 1.000000e+00 : f32
    %logistic3A_68 = vector.broadcast %logistic3A_67 : f32 to vector<1280x16xf32>
    %logistic3A_69 = arith.addf %logistic3A_68, %logistic3A_66 : vector<1280x16xf32>
    %logistic3A_70 = arith.divf %logistic3A_68, %logistic3A_69 : vector<1280x16xf32>
    %slice3A_71 = vector.extract_strided_slice %add3A_44 {offsets = [0, 32], sizes = [1280, 16], strides = [1, 1]} : vector<1280x48xf32> to vector<1280x16xf32>
    %slice3A_72 = vector.extract_strided_slice %add3A_54 {offsets = [0, 32], sizes = [1280, 16], strides = [1, 1]} : vector<1280x48xf32> to vector<1280x16xf32>
    %mul3A_73 = arith.mulf %logistic3A_61, %slice3A_72 : vector<1280x16xf32>
    %add3A_74 = arith.addf %slice3A_71, %mul3A_73 : vector<1280x16xf32>
    %tanh3A = math.tanh %add3A_74 : vector<1280x16xf32>
    %sub3A = arith.constant 1.000000e+00 : f32
    %sub3A_75 = vector.broadcast %sub3A : f32 to vector<1280x16xf32>
    %sub3A_76 = arith.subf %sub3A_75, %logistic3A_70 : vector<1280x16xf32>
    %mul3A_77 = arith.mulf %sub3A_76, %tanh3A : vector<1280x16xf32>
    %mul3A_78 = arith.mulf %logistic3A_70, %get3A_4 : vector<1280x16xf32>
    %add3A_79 = arith.addf %mul3A_77, %mul3A_78 : vector<1280x16xf32>
    %get3A_80 = arith.constant 0 : index
    %get3A_81 = arith.constant 16 : index
    %get3A_82 = vector.load %arg4[%get3A_80, %get3A_81] : memref<1280x128xf32, #tpu.memory_space<vmem>>, vector<1280x16xf32>
    %get3A_83 = arith.constant 0 : index
    %get3A_84 = arith.constant 16 : index
    %get3A_85 = vector.load %arg5[%get3A_83, %get3A_84] : memref<1280x128xf32, #tpu.memory_space<vmem>>, vector<1280x16xf32>
    %get3A_86 = arith.constant 0 : index
    %get3A_87 = arith.constant 16 : index
    %get3A_88 = vector.load %arg2[%get3A_86, %get3A_87] : memref<1280x128xf32, #tpu.memory_space<vmem>>, vector<1280x16xf32>
    %get3A_89 = arith.constant 0 : index
    %get3A_90 = arith.constant 16 : index
    %get3A_91 = vector.load %arg3[%get3A_89, %get3A_90] : memref<1280x128xf32, #tpu.memory_space<vmem>>, vector<1280x16xf32>
    %add3A_92 = arith.addf %get3A_88, %get3A_91 : vector<1280x16xf32>
    %max3A_93 = arith.constant 1.000000e+00 : f32
    %max3A_94 = vector.broadcast %max3A_93 : f32 to vector<1280x16xf32>
    %max3A_95 = arith.maximumf %add3A_92, %max3A_94 : vector<1280x16xf32>
    %div3A_96 = arith.constant 1.000000e+00 : f32
    %div3A_97 = vector.broadcast %div3A_96 : f32 to vector<1280x16xf32>
    %div3A_98 = arith.divf %div3A_97, %max3A_95 : vector<1280x16xf32>
    %get3A_99 = arith.constant 0 : index
    %get3A_100 = arith.constant 16 : index
    %get3A_101 = vector.load %arg0[%get3A_99, %get3A_100] : memref<1280x128xf32, #tpu.memory_space<vmem>>, vector<1280x16xf32>
    %get3A_102 = arith.constant 0 : index
    %get3A_103 = arith.constant 16 : index
    %get3A_104 = vector.load %arg1[%get3A_102, %get3A_103] : memref<1280x128xf32, #tpu.memory_space<vmem>>, vector<1280x16xf32>
    %add3A_105 = arith.addf %get3A_101, %get3A_104 : vector<1280x16xf32>
    %mul3A_106 = arith.mulf %add3A_105, %div3A_98 : vector<1280x16xf32>
    %get3A_107 = arith.constant 0 : index
    %get3A_108 = arith.constant 0 : index
    %get3A_109 = vector.load %arg6[%get3A_107, %get3A_108] : memref<16x16xf32, #tpu.memory_space<vmem>>, vector<16x16xf32>
    %dot_general3A_110 = arith.constant dense<0.000000e+00> : vector<1280x16xf32>
    %dot_general3A_111 = tpu.matmul %get3A_82, %get3A_109, %dot_general3A_110 {dimension_numbers = #tpu.dot_dimension_numbers<[1], [0], [0], [1], [0, 0, 1, 1], [], []>, transpose_lhs_hint = false} : vector<1280x16xf32>, vector<16x16xf32>, vector<1280x16xf32> -> vector<1280x16xf32>
    %add3A_112 = arith.addf %mul3A_106, %dot_general3A_111 : vector<1280x16xf32>
    %get3A_113 = arith.constant 0 : index
    %get3A_114 = arith.constant 0 : index
    %get3A_115 = vector.load %arg7[%get3A_113, %get3A_114] : memref<1x16xf32, #tpu.memory_space<vmem>>, vector<1x16xf32>
    %add3A_116 = vector.broadcast %get3A_115 : vector<1x16xf32> to vector<1280x16xf32>
    %add3A_117 = arith.addf %add3A_112, %add3A_116 : vector<1280x16xf32>
    %max3A_118 = arith.constant 0.000000e+00 : f32
    %max3A_119 = vector.broadcast %max3A_118 : f32 to vector<1280x16xf32>
    %max3A_120 = arith.maximumf %add3A_117, %max3A_119 : vector<1280x16xf32>
    %get3A_121 = arith.constant 0 : index
    %get3A_122 = arith.constant 0 : index
    %get3A_123 = vector.load %arg8[%get3A_121, %get3A_122] : memref<16x48xf32, #tpu.memory_space<vmem>>, vector<16x48xf32>
    %dot_general3A_124 = arith.constant dense<0.000000e+00> : vector<1280x48xf32>
    %dot_general3A_125 = tpu.matmul %max3A_120, %get3A_123, %dot_general3A_124 {dimension_numbers = #tpu.dot_dimension_numbers<[1], [0], [0], [1], [0, 0, 1, 1], [], []>, transpose_lhs_hint = false} : vector<1280x16xf32>, vector<16x48xf32>, vector<1280x48xf32> -> vector<1280x48xf32>
    %get3A_126 = arith.constant 0 : index
    %get3A_127 = arith.constant 0 : index
    %get3A_128 = vector.load %arg9[%get3A_126, %get3A_127] : memref<1x48xf32, #tpu.memory_space<vmem>>, vector<1x48xf32>
    %add3A_129 = vector.broadcast %get3A_128 : vector<1x48xf32> to vector<1280x48xf32>
    %add3A_130 = arith.addf %dot_general3A_125, %add3A_129 : vector<1280x48xf32>
    %get3A_131 = arith.constant 0 : index
    %get3A_132 = arith.constant 0 : index
    %get3A_133 = vector.load %arg10[%get3A_131, %get3A_132] : memref<16x48xf32, #tpu.memory_space<vmem>>, vector<16x48xf32>
    %dot_general3A_134 = arith.constant dense<0.000000e+00> : vector<1280x48xf32>
    %dot_general3A_135 = tpu.matmul %get3A_85, %get3A_133, %dot_general3A_134 {dimension_numbers = #tpu.dot_dimension_numbers<[1], [0], [0], [1], [0, 0, 1, 1], [], []>, transpose_lhs_hint = false} : vector<1280x16xf32>, vector<16x48xf32>, vector<1280x48xf32> -> vector<1280x48xf32>
    %get3A_136 = arith.constant 0 : index
    %get3A_137 = arith.constant 0 : index
    %get3A_138 = vector.load %arg11[%get3A_136, %get3A_137] : memref<1x48xf32, #tpu.memory_space<vmem>>, vector<1x48xf32>
    %add3A_139 = vector.broadcast %get3A_138 : vector<1x48xf32> to vector<1280x48xf32>
    %add3A_140 = arith.addf %dot_general3A_135, %add3A_139 : vector<1280x48xf32>
    %slice3A_141 = vector.extract_strided_slice %add3A_130 {offsets = [0, 0], sizes = [1280, 16], strides = [1, 1]} : vector<1280x48xf32> to vector<1280x16xf32>
    %slice3A_142 = vector.extract_strided_slice %add3A_140 {offsets = [0, 0], sizes = [1280, 16], strides = [1, 1]} : vector<1280x48xf32> to vector<1280x16xf32>
    %add3A_143 = arith.addf %slice3A_141, %slice3A_142 : vector<1280x16xf32>
    %logistic3A_144 = arith.negf %add3A_143 : vector<1280x16xf32>
    %logistic3A_145 = math.exp %logistic3A_144 : vector<1280x16xf32>
    %logistic3A_146 = arith.constant 1.000000e+00 : f32
    %logistic3A_147 = vector.broadcast %logistic3A_146 : f32 to vector<1280x16xf32>
    %logistic3A_148 = arith.addf %logistic3A_147, %logistic3A_145 : vector<1280x16xf32>
    %logistic3A_149 = arith.divf %logistic3A_147, %logistic3A_148 : vector<1280x16xf32>
    %slice3A_150 = vector.extract_strided_slice %add3A_130 {offsets = [0, 16], sizes = [1280, 16], strides = [1, 1]} : vector<1280x48xf32> to vector<1280x16xf32>
    %slice3A_151 = vector.extract_strided_slice %add3A_140 {offsets = [0, 16], sizes = [1280, 16], strides = [1, 1]} : vector<1280x48xf32> to vector<1280x16xf32>
    %add3A_152 = arith.addf %slice3A_150, %slice3A_151 : vector<1280x16xf32>
    %logistic3A_153 = arith.negf %add3A_152 : vector<1280x16xf32>
    %logistic3A_154 = math.exp %logistic3A_153 : vector<1280x16xf32>
    %logistic3A_155 = arith.constant 1.000000e+00 : f32
    %logistic3A_156 = vector.broadcast %logistic3A_155 : f32 to vector<1280x16xf32>
    %logistic3A_157 = arith.addf %logistic3A_156, %logistic3A_154 : vector<1280x16xf32>
    %logistic3A_158 = arith.divf %logistic3A_156, %logistic3A_157 : vector<1280x16xf32>
    %slice3A_159 = vector.extract_strided_slice %add3A_130 {offsets = [0, 32], sizes = [1280, 16], strides = [1, 1]} : vector<1280x48xf32> to vector<1280x16xf32>
    %slice3A_160 = vector.extract_strided_slice %add3A_140 {offsets = [0, 32], sizes = [1280, 16], strides = [1, 1]} : vector<1280x48xf32> to vector<1280x16xf32>
    %mul3A_161 = arith.mulf %logistic3A_149, %slice3A_160 : vector<1280x16xf32>
    %add3A_162 = arith.addf %slice3A_159, %mul3A_161 : vector<1280x16xf32>
    %tanh3A_163 = math.tanh %add3A_162 : vector<1280x16xf32>
    %sub3A_164 = arith.constant 1.000000e+00 : f32
    %sub3A_165 = vector.broadcast %sub3A_164 : f32 to vector<1280x16xf32>
    %sub3A_166 = arith.subf %sub3A_165, %logistic3A_158 : vector<1280x16xf32>
    %mul3A_167 = arith.mulf %sub3A_166, %tanh3A_163 : vector<1280x16xf32>
    %mul3A_168 = arith.mulf %logistic3A_158, %get3A_85 : vector<1280x16xf32>
    %add3A_169 = arith.addf %mul3A_167, %mul3A_168 : vector<1280x16xf32>
    %get3A_170 = arith.constant 0 : index
    %get3A_171 = arith.constant 32 : index
    %get3A_172 = vector.load %arg4[%get3A_170, %get3A_171] : memref<1280x128xf32, #tpu.memory_space<vmem>>, vector<1280x16xf32>
    %get3A_173 = arith.constant 0 : index
    %get3A_174 = arith.constant 32 : index
    %get3A_175 = vector.load %arg5[%get3A_173, %get3A_174] : memref<1280x128xf32, #tpu.memory_space<vmem>>, vector<1280x16xf32>
    %get3A_176 = arith.constant 0 : index
    %get3A_177 = arith.constant 32 : index
    %get3A_178 = vector.load %arg2[%get3A_176, %get3A_177] : memref<1280x128xf32, #tpu.memory_space<vmem>>, vector<1280x16xf32>
    %get3A_179 = arith.constant 0 : index
    %get3A_180 = arith.constant 32 : index
    %get3A_181 = vector.load %arg3[%get3A_179, %get3A_180] : memref<1280x128xf32, #tpu.memory_space<vmem>>, vector<1280x16xf32>
    %add3A_182 = arith.addf %get3A_178, %get3A_181 : vector<1280x16xf32>
    %max3A_183 = arith.constant 1.000000e+00 : f32
    %max3A_184 = vector.broadcast %max3A_183 : f32 to vector<1280x16xf32>
    %max3A_185 = arith.maximumf %add3A_182, %max3A_184 : vector<1280x16xf32>
    %div3A_186 = arith.constant 1.000000e+00 : f32
    %div3A_187 = vector.broadcast %div3A_186 : f32 to vector<1280x16xf32>
    %div3A_188 = arith.divf %div3A_187, %max3A_185 : vector<1280x16xf32>
    %get3A_189 = arith.constant 0 : index
    %get3A_190 = arith.constant 32 : index
    %get3A_191 = vector.load %arg0[%get3A_189, %get3A_190] : memref<1280x128xf32, #tpu.memory_space<vmem>>, vector<1280x16xf32>
    %get3A_192 = arith.constant 0 : index
    %get3A_193 = arith.constant 32 : index
    %get3A_194 = vector.load %arg1[%get3A_192, %get3A_193] : memref<1280x128xf32, #tpu.memory_space<vmem>>, vector<1280x16xf32>
    %add3A_195 = arith.addf %get3A_191, %get3A_194 : vector<1280x16xf32>
    %mul3A_196 = arith.mulf %add3A_195, %div3A_188 : vector<1280x16xf32>
    %get3A_197 = arith.constant 0 : index
    %get3A_198 = arith.constant 0 : index
    %get3A_199 = vector.load %arg6[%get3A_197, %get3A_198] : memref<16x16xf32, #tpu.memory_space<vmem>>, vector<16x16xf32>
    %dot_general3A_200 = arith.constant dense<0.000000e+00> : vector<1280x16xf32>
    %dot_general3A_201 = tpu.matmul %get3A_172, %get3A_199, %dot_general3A_200 {dimension_numbers = #tpu.dot_dimension_numbers<[1], [0], [0], [1], [0, 0, 1, 1], [], []>, transpose_lhs_hint = false} : vector<1280x16xf32>, vector<16x16xf32>, vector<1280x16xf32> -> vector<1280x16xf32>
    %add3A_202 = arith.addf %mul3A_196, %dot_general3A_201 : vector<1280x16xf32>
    %get3A_203 = arith.constant 0 : index
    %get3A_204 = arith.constant 0 : index
    %get3A_205 = vector.load %arg7[%get3A_203, %get3A_204] : memref<1x16xf32, #tpu.memory_space<vmem>>, vector<1x16xf32>
    %add3A_206 = vector.broadcast %get3A_205 : vector<1x16xf32> to vector<1280x16xf32>
    %add3A_207 = arith.addf %add3A_202, %add3A_206 : vector<1280x16xf32>
    %max3A_208 = arith.constant 0.000000e+00 : f32
    %max3A_209 = vector.broadcast %max3A_208 : f32 to vector<1280x16xf32>
    %max3A_210 = arith.maximumf %add3A_207, %max3A_209 : vector<1280x16xf32>
    %get3A_211 = arith.constant 0 : index
    %get3A_212 = arith.constant 0 : index
    %get3A_213 = vector.load %arg8[%get3A_211, %get3A_212] : memref<16x48xf32, #tpu.memory_space<vmem>>, vector<16x48xf32>
    %dot_general3A_214 = arith.constant dense<0.000000e+00> : vector<1280x48xf32>
    %dot_general3A_215 = tpu.matmul %max3A_210, %get3A_213, %dot_general3A_214 {dimension_numbers = #tpu.dot_dimension_numbers<[1], [0], [0], [1], [0, 0, 1, 1], [], []>, transpose_lhs_hint = false} : vector<1280x16xf32>, vector<16x48xf32>, vector<1280x48xf32> -> vector<1280x48xf32>
    %get3A_216 = arith.constant 0 : index
    %get3A_217 = arith.constant 0 : index
    %get3A_218 = vector.load %arg9[%get3A_216, %get3A_217] : memref<1x48xf32, #tpu.memory_space<vmem>>, vector<1x48xf32>
    %add3A_219 = vector.broadcast %get3A_218 : vector<1x48xf32> to vector<1280x48xf32>
    %add3A_220 = arith.addf %dot_general3A_215, %add3A_219 : vector<1280x48xf32>
    %get3A_221 = arith.constant 0 : index
    %get3A_222 = arith.constant 0 : index
    %get3A_223 = vector.load %arg10[%get3A_221, %get3A_222] : memref<16x48xf32, #tpu.memory_space<vmem>>, vector<16x48xf32>
    %dot_general3A_224 = arith.constant dense<0.000000e+00> : vector<1280x48xf32>
    %dot_general3A_225 = tpu.matmul %get3A_175, %get3A_223, %dot_general3A_224 {dimension_numbers = #tpu.dot_dimension_numbers<[1], [0], [0], [1], [0, 0, 1, 1], [], []>, transpose_lhs_hint = false} : vector<1280x16xf32>, vector<16x48xf32>, vector<1280x48xf32> -> vector<1280x48xf32>
    %get3A_226 = arith.constant 0 : index
    %get3A_227 = arith.constant 0 : index
    %get3A_228 = vector.load %arg11[%get3A_226, %get3A_227] : memref<1x48xf32, #tpu.memory_space<vmem>>, vector<1x48xf32>
    %add3A_229 = vector.broadcast %get3A_228 : vector<1x48xf32> to vector<1280x48xf32>
    %add3A_230 = arith.addf %dot_general3A_225, %add3A_229 : vector<1280x48xf32>
    %slice3A_231 = vector.extract_strided_slice %add3A_220 {offsets = [0, 0], sizes = [1280, 16], strides = [1, 1]} : vector<1280x48xf32> to vector<1280x16xf32>
    %slice3A_232 = vector.extract_strided_slice %add3A_230 {offsets = [0, 0], sizes = [1280, 16], strides = [1, 1]} : vector<1280x48xf32> to vector<1280x16xf32>
    %add3A_233 = arith.addf %slice3A_231, %slice3A_232 : vector<1280x16xf32>
    %logistic3A_234 = arith.negf %add3A_233 : vector<1280x16xf32>
    %logistic3A_235 = math.exp %logistic3A_234 : vector<1280x16xf32>
    %logistic3A_236 = arith.constant 1.000000e+00 : f32
    %logistic3A_237 = vector.broadcast %logistic3A_236 : f32 to vector<1280x16xf32>
    %logistic3A_238 = arith.addf %logistic3A_237, %logistic3A_235 : vector<1280x16xf32>
    %logistic3A_239 = arith.divf %logistic3A_237, %logistic3A_238 : vector<1280x16xf32>
    %slice3A_240 = vector.extract_strided_slice %add3A_220 {offsets = [0, 16], sizes = [1280, 16], strides = [1, 1]} : vector<1280x48xf32> to vector<1280x16xf32>
    %slice3A_241 = vector.extract_strided_slice %add3A_230 {offsets = [0, 16], sizes = [1280, 16], strides = [1, 1]} : vector<1280x48xf32> to vector<1280x16xf32>
    %add3A_242 = arith.addf %slice3A_240, %slice3A_241 : vector<1280x16xf32>
    %logistic3A_243 = arith.negf %add3A_242 : vector<1280x16xf32>
    %logistic3A_244 = math.exp %logistic3A_243 : vector<1280x16xf32>
    %logistic3A_245 = arith.constant 1.000000e+00 : f32
    %logistic3A_246 = vector.broadcast %logistic3A_245 : f32 to vector<1280x16xf32>
    %logistic3A_247 = arith.addf %logistic3A_246, %logistic3A_244 : vector<1280x16xf32>
    %logistic3A_248 = arith.divf %logistic3A_246, %logistic3A_247 : vector<1280x16xf32>
    %slice3A_249 = vector.extract_strided_slice %add3A_220 {offsets = [0, 32], sizes = [1280, 16], strides = [1, 1]} : vector<1280x48xf32> to vector<1280x16xf32>
    %slice3A_250 = vector.extract_strided_slice %add3A_230 {offsets = [0, 32], sizes = [1280, 16], strides = [1, 1]} : vector<1280x48xf32> to vector<1280x16xf32>
    %mul3A_251 = arith.mulf %logistic3A_239, %slice3A_250 : vector<1280x16xf32>
    %add3A_252 = arith.addf %slice3A_249, %mul3A_251 : vector<1280x16xf32>
    %tanh3A_253 = math.tanh %add3A_252 : vector<1280x16xf32>
    %sub3A_254 = arith.constant 1.000000e+00 : f32
    %sub3A_255 = vector.broadcast %sub3A_254 : f32 to vector<1280x16xf32>
    %sub3A_256 = arith.subf %sub3A_255, %logistic3A_248 : vector<1280x16xf32>
    %mul3A_257 = arith.mulf %sub3A_256, %tanh3A_253 : vector<1280x16xf32>
    %mul3A_258 = arith.mulf %logistic3A_248, %get3A_175 : vector<1280x16xf32>
    %add3A_259 = arith.addf %mul3A_257, %mul3A_258 : vector<1280x16xf32>
    %get3A_260 = arith.constant 0 : index
    %get3A_261 = arith.constant 48 : index
    %get3A_262 = vector.load %arg4[%get3A_260, %get3A_261] : memref<1280x128xf32, #tpu.memory_space<vmem>>, vector<1280x16xf32>
    %get3A_263 = arith.constant 0 : index
    %get3A_264 = arith.constant 48 : index
    %get3A_265 = vector.load %arg5[%get3A_263, %get3A_264] : memref<1280x128xf32, #tpu.memory_space<vmem>>, vector<1280x16xf32>
    %get3A_266 = arith.constant 0 : index
    %get3A_267 = arith.constant 48 : index
    %get3A_268 = vector.load %arg2[%get3A_266, %get3A_267] : memref<1280x128xf32, #tpu.memory_space<vmem>>, vector<1280x16xf32>
    %get3A_269 = arith.constant 0 : index
    %get3A_270 = arith.constant 48 : index
    %get3A_271 = vector.load %arg3[%get3A_269, %get3A_270] : memref<1280x128xf32, #tpu.memory_space<vmem>>, vector<1280x16xf32>
    %add3A_272 = arith.addf %get3A_268, %get3A_271 : vector<1280x16xf32>
    %max3A_273 = arith.constant 1.000000e+00 : f32
    %max3A_274 = vector.broadcast %max3A_273 : f32 to vector<1280x16xf32>
    %max3A_275 = arith.maximumf %add3A_272, %max3A_274 : vector<1280x16xf32>
    %div3A_276 = arith.constant 1.000000e+00 : f32
    %div3A_277 = vector.broadcast %div3A_276 : f32 to vector<1280x16xf32>
    %div3A_278 = arith.divf %div3A_277, %max3A_275 : vector<1280x16xf32>
    %get3A_279 = arith.constant 0 : index
    %get3A_280 = arith.constant 48 : index
    %get3A_281 = vector.load %arg0[%get3A_279, %get3A_280] : memref<1280x128xf32, #tpu.memory_space<vmem>>, vector<1280x16xf32>
    %get3A_282 = arith.constant 0 : index
    %get3A_283 = arith.constant 48 : index
    %get3A_284 = vector.load %arg1[%get3A_282, %get3A_283] : memref<1280x128xf32, #tpu.memory_space<vmem>>, vector<1280x16xf32>
    %add3A_285 = arith.addf %get3A_281, %get3A_284 : vector<1280x16xf32>
    %mul3A_286 = arith.mulf %add3A_285, %div3A_278 : vector<1280x16xf32>
    %get3A_287 = arith.constant 0 : index
    %get3A_288 = arith.constant 0 : index
    %get3A_289 = vector.load %arg6[%get3A_287, %get3A_288] : memref<16x16xf32, #tpu.memory_space<vmem>>, vector<16x16xf32>
    %dot_general3A_290 = arith.constant dense<0.000000e+00> : vector<1280x16xf32>
    %dot_general3A_291 = tpu.matmul %get3A_262, %get3A_289, %dot_general3A_290 {dimension_numbers = #tpu.dot_dimension_numbers<[1], [0], [0], [1], [0, 0, 1, 1], [], []>, transpose_lhs_hint = false} : vector<1280x16xf32>, vector<16x16xf32>, vector<1280x16xf32> -> vector<1280x16xf32>
    %add3A_292 = arith.addf %mul3A_286, %dot_general3A_291 : vector<1280x16xf32>
    %get3A_293 = arith.constant 0 : index
    %get3A_294 = arith.constant 0 : index
    %get3A_295 = vector.load %arg7[%get3A_293, %get3A_294] : memref<1x16xf32, #tpu.memory_space<vmem>>, vector<1x16xf32>
    %add3A_296 = vector.broadcast %get3A_295 : vector<1x16xf32> to vector<1280x16xf32>
    %add3A_297 = arith.addf %add3A_292, %add3A_296 : vector<1280x16xf32>
    %max3A_298 = arith.constant 0.000000e+00 : f32
    %max3A_299 = vector.broadcast %max3A_298 : f32 to vector<1280x16xf32>
    %max3A_300 = arith.maximumf %add3A_297, %max3A_299 : vector<1280x16xf32>
    %get3A_301 = arith.constant 0 : index
    %get3A_302 = arith.constant 0 : index
    %get3A_303 = vector.load %arg8[%get3A_301, %get3A_302] : memref<16x48xf32, #tpu.memory_space<vmem>>, vector<16x48xf32>
    %dot_general3A_304 = arith.constant dense<0.000000e+00> : vector<1280x48xf32>
    %dot_general3A_305 = tpu.matmul %max3A_300, %get3A_303, %dot_general3A_304 {dimension_numbers = #tpu.dot_dimension_numbers<[1], [0], [0], [1], [0, 0, 1, 1], [], []>, transpose_lhs_hint = false} : vector<1280x16xf32>, vector<16x48xf32>, vector<1280x48xf32> -> vector<1280x48xf32>
    %get3A_306 = arith.constant 0 : index
    %get3A_307 = arith.constant 0 : index
    %get3A_308 = vector.load %arg9[%get3A_306, %get3A_307] : memref<1x48xf32, #tpu.memory_space<vmem>>, vector<1x48xf32>
    %add3A_309 = vector.broadcast %get3A_308 : vector<1x48xf32> to vector<1280x48xf32>
    %add3A_310 = arith.addf %dot_general3A_305, %add3A_309 : vector<1280x48xf32>
    %get3A_311 = arith.constant 0 : index
    %get3A_312 = arith.constant 0 : index
    %get3A_313 = vector.load %arg10[%get3A_311, %get3A_312] : memref<16x48xf32, #tpu.memory_space<vmem>>, vector<16x48xf32>
    %dot_general3A_314 = arith.constant dense<0.000000e+00> : vector<1280x48xf32>
    %dot_general3A_315 = tpu.matmul %get3A_265, %get3A_313, %dot_general3A_314 {dimension_numbers = #tpu.dot_dimension_numbers<[1], [0], [0], [1], [0, 0, 1, 1], [], []>, transpose_lhs_hint = false} : vector<1280x16xf32>, vector<16x48xf32>, vector<1280x48xf32> -> vector<1280x48xf32>
    %get3A_316 = arith.constant 0 : index
    %get3A_317 = arith.constant 0 : index
    %get3A_318 = vector.load %arg11[%get3A_316, %get3A_317] : memref<1x48xf32, #tpu.memory_space<vmem>>, vector<1x48xf32>
    %add3A_319 = vector.broadcast %get3A_318 : vector<1x48xf32> to vector<1280x48xf32>
    %add3A_320 = arith.addf %dot_general3A_315, %add3A_319 : vector<1280x48xf32>
    %slice3A_321 = vector.extract_strided_slice %add3A_310 {offsets = [0, 0], sizes = [1280, 16], strides = [1, 1]} : vector<1280x48xf32> to vector<1280x16xf32>
    %slice3A_322 = vector.extract_strided_slice %add3A_320 {offsets = [0, 0], sizes = [1280, 16], strides = [1, 1]} : vector<1280x48xf32> to vector<1280x16xf32>
    %add3A_323 = arith.addf %slice3A_321, %slice3A_322 : vector<1280x16xf32>
    %logistic3A_324 = arith.negf %add3A_323 : vector<1280x16xf32>
    %logistic3A_325 = math.exp %logistic3A_324 : vector<1280x16xf32>
    %logistic3A_326 = arith.constant 1.000000e+00 : f32
    %logistic3A_327 = vector.broadcast %logistic3A_326 : f32 to vector<1280x16xf32>
    %logistic3A_328 = arith.addf %logistic3A_327, %logistic3A_325 : vector<1280x16xf32>
    %logistic3A_329 = arith.divf %logistic3A_327, %logistic3A_328 : vector<1280x16xf32>
    %slice3A_330 = vector.extract_strided_slice %add3A_310 {offsets = [0, 16], sizes = [1280, 16], strides = [1, 1]} : vector<1280x48xf32> to vector<1280x16xf32>
    %slice3A_331 = vector.extract_strided_slice %add3A_320 {offsets = [0, 16], sizes = [1280, 16], strides = [1, 1]} : vector<1280x48xf32> to vector<1280x16xf32>
    %add3A_332 = arith.addf %slice3A_330, %slice3A_331 : vector<1280x16xf32>
    %logistic3A_333 = arith.negf %add3A_332 : vector<1280x16xf32>
    %logistic3A_334 = math.exp %logistic3A_333 : vector<1280x16xf32>
    %logistic3A_335 = arith.constant 1.000000e+00 : f32
    %logistic3A_336 = vector.broadcast %logistic3A_335 : f32 to vector<1280x16xf32>
    %logistic3A_337 = arith.addf %logistic3A_336, %logistic3A_334 : vector<1280x16xf32>
    %logistic3A_338 = arith.divf %logistic3A_336, %logistic3A_337 : vector<1280x16xf32>
    %slice3A_339 = vector.extract_strided_slice %add3A_310 {offsets = [0, 32], sizes = [1280, 16], strides = [1, 1]} : vector<1280x48xf32> to vector<1280x16xf32>
    %slice3A_340 = vector.extract_strided_slice %add3A_320 {offsets = [0, 32], sizes = [1280, 16], strides = [1, 1]} : vector<1280x48xf32> to vector<1280x16xf32>
    %mul3A_341 = arith.mulf %logistic3A_329, %slice3A_340 : vector<1280x16xf32>
    %add3A_342 = arith.addf %slice3A_339, %mul3A_341 : vector<1280x16xf32>
    %tanh3A_343 = math.tanh %add3A_342 : vector<1280x16xf32>
    %sub3A_344 = arith.constant 1.000000e+00 : f32
    %sub3A_345 = vector.broadcast %sub3A_344 : f32 to vector<1280x16xf32>
    %sub3A_346 = arith.subf %sub3A_345, %logistic3A_338 : vector<1280x16xf32>
    %mul3A_347 = arith.mulf %sub3A_346, %tanh3A_343 : vector<1280x16xf32>
    %mul3A_348 = arith.mulf %logistic3A_338, %get3A_265 : vector<1280x16xf32>
    %add3A_349 = arith.addf %mul3A_347, %mul3A_348 : vector<1280x16xf32>
    %get3A_350 = arith.constant 0 : index
    %get3A_351 = arith.constant 64 : index
    %get3A_352 = vector.load %arg4[%get3A_350, %get3A_351] : memref<1280x128xf32, #tpu.memory_space<vmem>>, vector<1280x16xf32>
    %get3A_353 = arith.constant 0 : index
    %get3A_354 = arith.constant 64 : index
    %get3A_355 = vector.load %arg5[%get3A_353, %get3A_354] : memref<1280x128xf32, #tpu.memory_space<vmem>>, vector<1280x16xf32>
    %get3A_356 = arith.constant 0 : index
    %get3A_357 = arith.constant 64 : index
    %get3A_358 = vector.load %arg2[%get3A_356, %get3A_357] : memref<1280x128xf32, #tpu.memory_space<vmem>>, vector<1280x16xf32>
    %get3A_359 = arith.constant 0 : index
    %get3A_360 = arith.constant 64 : index
    %get3A_361 = vector.load %arg3[%get3A_359, %get3A_360] : memref<1280x128xf32, #tpu.memory_space<vmem>>, vector<1280x16xf32>
    %add3A_362 = arith.addf %get3A_358, %get3A_361 : vector<1280x16xf32>
    %max3A_363 = arith.constant 1.000000e+00 : f32
    %max3A_364 = vector.broadcast %max3A_363 : f32 to vector<1280x16xf32>
    %max3A_365 = arith.maximumf %add3A_362, %max3A_364 : vector<1280x16xf32>
    %div3A_366 = arith.constant 1.000000e+00 : f32
    %div3A_367 = vector.broadcast %div3A_366 : f32 to vector<1280x16xf32>
    %div3A_368 = arith.divf %div3A_367, %max3A_365 : vector<1280x16xf32>
    %get3A_369 = arith.constant 0 : index
    %get3A_370 = arith.constant 64 : index
    %get3A_371 = vector.load %arg0[%get3A_369, %get3A_370] : memref<1280x128xf32, #tpu.memory_space<vmem>>, vector<1280x16xf32>
    %get3A_372 = arith.constant 0 : index
    %get3A_373 = arith.constant 64 : index
    %get3A_374 = vector.load %arg1[%get3A_372, %get3A_373] : memref<1280x128xf32, #tpu.memory_space<vmem>>, vector<1280x16xf32>
    %add3A_375 = arith.addf %get3A_371, %get3A_374 : vector<1280x16xf32>
    %mul3A_376 = arith.mulf %add3A_375, %div3A_368 : vector<1280x16xf32>
    %get3A_377 = arith.constant 0 : index
    %get3A_378 = arith.constant 0 : index
    %get3A_379 = vector.load %arg6[%get3A_377, %get3A_378] : memref<16x16xf32, #tpu.memory_space<vmem>>, vector<16x16xf32>
    %dot_general3A_380 = arith.constant dense<0.000000e+00> : vector<1280x16xf32>
    %dot_general3A_381 = tpu.matmul %get3A_352, %get3A_379, %dot_general3A_380 {dimension_numbers = #tpu.dot_dimension_numbers<[1], [0], [0], [1], [0, 0, 1, 1], [], []>, transpose_lhs_hint = false} : vector<1280x16xf32>, vector<16x16xf32>, vector<1280x16xf32> -> vector<1280x16xf32>
    %add3A_382 = arith.addf %mul3A_376, %dot_general3A_381 : vector<1280x16xf32>
    %get3A_383 = arith.constant 0 : index
    %get3A_384 = arith.constant 0 : index
    %get3A_385 = vector.load %arg7[%get3A_383, %get3A_384] : memref<1x16xf32, #tpu.memory_space<vmem>>, vector<1x16xf32>
    %add3A_386 = vector.broadcast %get3A_385 : vector<1x16xf32> to vector<1280x16xf32>
    %add3A_387 = arith.addf %add3A_382, %add3A_386 : vector<1280x16xf32>
    %max3A_388 = arith.constant 0.000000e+00 : f32
    %max3A_389 = vector.broadcast %max3A_388 : f32 to vector<1280x16xf32>
    %max3A_390 = arith.maximumf %add3A_387, %max3A_389 : vector<1280x16xf32>
    %get3A_391 = arith.constant 0 : index
    %get3A_392 = arith.constant 0 : index
    %get3A_393 = vector.load %arg8[%get3A_391, %get3A_392] : memref<16x48xf32, #tpu.memory_space<vmem>>, vector<16x48xf32>
    %dot_general3A_394 = arith.constant dense<0.000000e+00> : vector<1280x48xf32>
    %dot_general3A_395 = tpu.matmul %max3A_390, %get3A_393, %dot_general3A_394 {dimension_numbers = #tpu.dot_dimension_numbers<[1], [0], [0], [1], [0, 0, 1, 1], [], []>, transpose_lhs_hint = false} : vector<1280x16xf32>, vector<16x48xf32>, vector<1280x48xf32> -> vector<1280x48xf32>
    %get3A_396 = arith.constant 0 : index
    %get3A_397 = arith.constant 0 : index
    %get3A_398 = vector.load %arg9[%get3A_396, %get3A_397] : memref<1x48xf32, #tpu.memory_space<vmem>>, vector<1x48xf32>
    %add3A_399 = vector.broadcast %get3A_398 : vector<1x48xf32> to vector<1280x48xf32>
    %add3A_400 = arith.addf %dot_general3A_395, %add3A_399 : vector<1280x48xf32>
    %get3A_401 = arith.constant 0 : index
    %get3A_402 = arith.constant 0 : index
    %get3A_403 = vector.load %arg10[%get3A_401, %get3A_402] : memref<16x48xf32, #tpu.memory_space<vmem>>, vector<16x48xf32>
    %dot_general3A_404 = arith.constant dense<0.000000e+00> : vector<1280x48xf32>
    %dot_general3A_405 = tpu.matmul %get3A_355, %get3A_403, %dot_general3A_404 {dimension_numbers = #tpu.dot_dimension_numbers<[1], [0], [0], [1], [0, 0, 1, 1], [], []>, transpose_lhs_hint = false} : vector<1280x16xf32>, vector<16x48xf32>, vector<1280x48xf32> -> vector<1280x48xf32>
    %get3A_406 = arith.constant 0 : index
    %get3A_407 = arith.constant 0 : index
    %get3A_408 = vector.load %arg11[%get3A_406, %get3A_407] : memref<1x48xf32, #tpu.memory_space<vmem>>, vector<1x48xf32>
    %add3A_409 = vector.broadcast %get3A_408 : vector<1x48xf32> to vector<1280x48xf32>
    %add3A_410 = arith.addf %dot_general3A_405, %add3A_409 : vector<1280x48xf32>
    %slice3A_411 = vector.extract_strided_slice %add3A_400 {offsets = [0, 0], sizes = [1280, 16], strides = [1, 1]} : vector<1280x48xf32> to vector<1280x16xf32>
    %slice3A_412 = vector.extract_strided_slice %add3A_410 {offsets = [0, 0], sizes = [1280, 16], strides = [1, 1]} : vector<1280x48xf32> to vector<1280x16xf32>
    %add3A_413 = arith.addf %slice3A_411, %slice3A_412 : vector<1280x16xf32>
    %logistic3A_414 = arith.negf %add3A_413 : vector<1280x16xf32>
    %logistic3A_415 = math.exp %logistic3A_414 : vector<1280x16xf32>
    %logistic3A_416 = arith.constant 1.000000e+00 : f32
    %logistic3A_417 = vector.broadcast %logistic3A_416 : f32 to vector<1280x16xf32>
    %logistic3A_418 = arith.addf %logistic3A_417, %logistic3A_415 : vector<1280x16xf32>
    %logistic3A_419 = arith.divf %logistic3A_417, %logistic3A_418 : vector<1280x16xf32>
    %slice3A_420 = vector.extract_strided_slice %add3A_400 {offsets = [0, 16], sizes = [1280, 16], strides = [1, 1]} : vector<1280x48xf32> to vector<1280x16xf32>
    %slice3A_421 = vector.extract_strided_slice %add3A_410 {offsets = [0, 16], sizes = [1280, 16], strides = [1, 1]} : vector<1280x48xf32> to vector<1280x16xf32>
    %add3A_422 = arith.addf %slice3A_420, %slice3A_421 : vector<1280x16xf32>
    %logistic3A_423 = arith.negf %add3A_422 : vector<1280x16xf32>
    %logistic3A_424 = math.exp %logistic3A_423 : vector<1280x16xf32>
    %logistic3A_425 = arith.constant 1.000000e+00 : f32
    %logistic3A_426 = vector.broadcast %logistic3A_425 : f32 to vector<1280x16xf32>
    %logistic3A_427 = arith.addf %logistic3A_426, %logistic3A_424 : vector<1280x16xf32>
    %logistic3A_428 = arith.divf %logistic3A_426, %logistic3A_427 : vector<1280x16xf32>
    %slice3A_429 = vector.extract_strided_slice %add3A_400 {offsets = [0, 32], sizes = [1280, 16], strides = [1, 1]} : vector<1280x48xf32> to vector<1280x16xf32>
    %slice3A_430 = vector.extract_strided_slice %add3A_410 {offsets = [0, 32], sizes = [1280, 16], strides = [1, 1]} : vector<1280x48xf32> to vector<1280x16xf32>
    %mul3A_431 = arith.mulf %logistic3A_419, %slice3A_430 : vector<1280x16xf32>
    %add3A_432 = arith.addf %slice3A_429, %mul3A_431 : vector<1280x16xf32>
    %tanh3A_433 = math.tanh %add3A_432 : vector<1280x16xf32>
    %sub3A_434 = arith.constant 1.000000e+00 : f32
    %sub3A_435 = vector.broadcast %sub3A_434 : f32 to vector<1280x16xf32>
    %sub3A_436 = arith.subf %sub3A_435, %logistic3A_428 : vector<1280x16xf32>
    %mul3A_437 = arith.mulf %sub3A_436, %tanh3A_433 : vector<1280x16xf32>
    %mul3A_438 = arith.mulf %logistic3A_428, %get3A_355 : vector<1280x16xf32>
    %add3A_439 = arith.addf %mul3A_437, %mul3A_438 : vector<1280x16xf32>
    %get3A_440 = arith.constant 0 : index
    %get3A_441 = arith.constant 80 : index
    %get3A_442 = vector.load %arg4[%get3A_440, %get3A_441] : memref<1280x128xf32, #tpu.memory_space<vmem>>, vector<1280x16xf32>
    %get3A_443 = arith.constant 0 : index
    %get3A_444 = arith.constant 80 : index
    %get3A_445 = vector.load %arg5[%get3A_443, %get3A_444] : memref<1280x128xf32, #tpu.memory_space<vmem>>, vector<1280x16xf32>
    %get3A_446 = arith.constant 0 : index
    %get3A_447 = arith.constant 80 : index
    %get3A_448 = vector.load %arg2[%get3A_446, %get3A_447] : memref<1280x128xf32, #tpu.memory_space<vmem>>, vector<1280x16xf32>
    %get3A_449 = arith.constant 0 : index
    %get3A_450 = arith.constant 80 : index
    %get3A_451 = vector.load %arg3[%get3A_449, %get3A_450] : memref<1280x128xf32, #tpu.memory_space<vmem>>, vector<1280x16xf32>
    %add3A_452 = arith.addf %get3A_448, %get3A_451 : vector<1280x16xf32>
    %max3A_453 = arith.constant 1.000000e+00 : f32
    %max3A_454 = vector.broadcast %max3A_453 : f32 to vector<1280x16xf32>
    %max3A_455 = arith.maximumf %add3A_452, %max3A_454 : vector<1280x16xf32>
    %div3A_456 = arith.constant 1.000000e+00 : f32
    %div3A_457 = vector.broadcast %div3A_456 : f32 to vector<1280x16xf32>
    %div3A_458 = arith.divf %div3A_457, %max3A_455 : vector<1280x16xf32>
    %get3A_459 = arith.constant 0 : index
    %get3A_460 = arith.constant 80 : index
    %get3A_461 = vector.load %arg0[%get3A_459, %get3A_460] : memref<1280x128xf32, #tpu.memory_space<vmem>>, vector<1280x16xf32>
    %get3A_462 = arith.constant 0 : index
    %get3A_463 = arith.constant 80 : index
    %get3A_464 = vector.load %arg1[%get3A_462, %get3A_463] : memref<1280x128xf32, #tpu.memory_space<vmem>>, vector<1280x16xf32>
    %add3A_465 = arith.addf %get3A_461, %get3A_464 : vector<1280x16xf32>
    %mul3A_466 = arith.mulf %add3A_465, %div3A_458 : vector<1280x16xf32>
    %get3A_467 = arith.constant 0 : index
    %get3A_468 = arith.constant 0 : index
    %get3A_469 = vector.load %arg6[%get3A_467, %get3A_468] : memref<16x16xf32, #tpu.memory_space<vmem>>, vector<16x16xf32>
    %dot_general3A_470 = arith.constant dense<0.000000e+00> : vector<1280x16xf32>
    %dot_general3A_471 = tpu.matmul %get3A_442, %get3A_469, %dot_general3A_470 {dimension_numbers = #tpu.dot_dimension_numbers<[1], [0], [0], [1], [0, 0, 1, 1], [], []>, transpose_lhs_hint = false} : vector<1280x16xf32>, vector<16x16xf32>, vector<1280x16xf32> -> vector<1280x16xf32>
    %add3A_472 = arith.addf %mul3A_466, %dot_general3A_471 : vector<1280x16xf32>
    %get3A_473 = arith.constant 0 : index
    %get3A_474 = arith.constant 0 : index
    %get3A_475 = vector.load %arg7[%get3A_473, %get3A_474] : memref<1x16xf32, #tpu.memory_space<vmem>>, vector<1x16xf32>
    %add3A_476 = vector.broadcast %get3A_475 : vector<1x16xf32> to vector<1280x16xf32>
    %add3A_477 = arith.addf %add3A_472, %add3A_476 : vector<1280x16xf32>
    %max3A_478 = arith.constant 0.000000e+00 : f32
    %max3A_479 = vector.broadcast %max3A_478 : f32 to vector<1280x16xf32>
    %max3A_480 = arith.maximumf %add3A_477, %max3A_479 : vector<1280x16xf32>
    %get3A_481 = arith.constant 0 : index
    %get3A_482 = arith.constant 0 : index
    %get3A_483 = vector.load %arg8[%get3A_481, %get3A_482] : memref<16x48xf32, #tpu.memory_space<vmem>>, vector<16x48xf32>
    %dot_general3A_484 = arith.constant dense<0.000000e+00> : vector<1280x48xf32>
    %dot_general3A_485 = tpu.matmul %max3A_480, %get3A_483, %dot_general3A_484 {dimension_numbers = #tpu.dot_dimension_numbers<[1], [0], [0], [1], [0, 0, 1, 1], [], []>, transpose_lhs_hint = false} : vector<1280x16xf32>, vector<16x48xf32>, vector<1280x48xf32> -> vector<1280x48xf32>
    %get3A_486 = arith.constant 0 : index
    %get3A_487 = arith.constant 0 : index
    %get3A_488 = vector.load %arg9[%get3A_486, %get3A_487] : memref<1x48xf32, #tpu.memory_space<vmem>>, vector<1x48xf32>
    %add3A_489 = vector.broadcast %get3A_488 : vector<1x48xf32> to vector<1280x48xf32>
    %add3A_490 = arith.addf %dot_general3A_485, %add3A_489 : vector<1280x48xf32>
    %get3A_491 = arith.constant 0 : index
    %get3A_492 = arith.constant 0 : index
    %get3A_493 = vector.load %arg10[%get3A_491, %get3A_492] : memref<16x48xf32, #tpu.memory_space<vmem>>, vector<16x48xf32>
    %dot_general3A_494 = arith.constant dense<0.000000e+00> : vector<1280x48xf32>
    %dot_general3A_495 = tpu.matmul %get3A_445, %get3A_493, %dot_general3A_494 {dimension_numbers = #tpu.dot_dimension_numbers<[1], [0], [0], [1], [0, 0, 1, 1], [], []>, transpose_lhs_hint = false} : vector<1280x16xf32>, vector<16x48xf32>, vector<1280x48xf32> -> vector<1280x48xf32>
    %get3A_496 = arith.constant 0 : index
    %get3A_497 = arith.constant 0 : index
    %get3A_498 = vector.load %arg11[%get3A_496, %get3A_497] : memref<1x48xf32, #tpu.memory_space<vmem>>, vector<1x48xf32>
    %add3A_499 = vector.broadcast %get3A_498 : vector<1x48xf32> to vector<1280x48xf32>
    %add3A_500 = arith.addf %dot_general3A_495, %add3A_499 : vector<1280x48xf32>
    %slice3A_501 = vector.extract_strided_slice %add3A_490 {offsets = [0, 0], sizes = [1280, 16], strides = [1, 1]} : vector<1280x48xf32> to vector<1280x16xf32>
    %slice3A_502 = vector.extract_strided_slice %add3A_500 {offsets = [0, 0], sizes = [1280, 16], strides = [1, 1]} : vector<1280x48xf32> to vector<1280x16xf32>
    %add3A_503 = arith.addf %slice3A_501, %slice3A_502 : vector<1280x16xf32>
    %logistic3A_504 = arith.negf %add3A_503 : vector<1280x16xf32>
    %logistic3A_505 = math.exp %logistic3A_504 : vector<1280x16xf32>
    %logistic3A_506 = arith.constant 1.000000e+00 : f32
    %logistic3A_507 = vector.broadcast %logistic3A_506 : f32 to vector<1280x16xf32>
    %logistic3A_508 = arith.addf %logistic3A_507, %logistic3A_505 : vector<1280x16xf32>
    %logistic3A_509 = arith.divf %logistic3A_507, %logistic3A_508 : vector<1280x16xf32>
    %slice3A_510 = vector.extract_strided_slice %add3A_490 {offsets = [0, 16], sizes = [1280, 16], strides = [1, 1]} : vector<1280x48xf32> to vector<1280x16xf32>
    %slice3A_511 = vector.extract_strided_slice %add3A_500 {offsets = [0, 16], sizes = [1280, 16], strides = [1, 1]} : vector<1280x48xf32> to vector<1280x16xf32>
    %add3A_512 = arith.addf %slice3A_510, %slice3A_511 : vector<1280x16xf32>
    %logistic3A_513 = arith.negf %add3A_512 : vector<1280x16xf32>
    %logistic3A_514 = math.exp %logistic3A_513 : vector<1280x16xf32>
    %logistic3A_515 = arith.constant 1.000000e+00 : f32
    %logistic3A_516 = vector.broadcast %logistic3A_515 : f32 to vector<1280x16xf32>
    %logistic3A_517 = arith.addf %logistic3A_516, %logistic3A_514 : vector<1280x16xf32>
    %logistic3A_518 = arith.divf %logistic3A_516, %logistic3A_517 : vector<1280x16xf32>
    %slice3A_519 = vector.extract_strided_slice %add3A_490 {offsets = [0, 32], sizes = [1280, 16], strides = [1, 1]} : vector<1280x48xf32> to vector<1280x16xf32>
    %slice3A_520 = vector.extract_strided_slice %add3A_500 {offsets = [0, 32], sizes = [1280, 16], strides = [1, 1]} : vector<1280x48xf32> to vector<1280x16xf32>
    %mul3A_521 = arith.mulf %logistic3A_509, %slice3A_520 : vector<1280x16xf32>
    %add3A_522 = arith.addf %slice3A_519, %mul3A_521 : vector<1280x16xf32>
    %tanh3A_523 = math.tanh %add3A_522 : vector<1280x16xf32>
    %sub3A_524 = arith.constant 1.000000e+00 : f32
    %sub3A_525 = vector.broadcast %sub3A_524 : f32 to vector<1280x16xf32>
    %sub3A_526 = arith.subf %sub3A_525, %logistic3A_518 : vector<1280x16xf32>
    %mul3A_527 = arith.mulf %sub3A_526, %tanh3A_523 : vector<1280x16xf32>
    %mul3A_528 = arith.mulf %logistic3A_518, %get3A_445 : vector<1280x16xf32>
    %add3A_529 = arith.addf %mul3A_527, %mul3A_528 : vector<1280x16xf32>
    %get3A_530 = arith.constant 0 : index
    %get3A_531 = arith.constant 96 : index
    %get3A_532 = vector.load %arg4[%get3A_530, %get3A_531] : memref<1280x128xf32, #tpu.memory_space<vmem>>, vector<1280x16xf32>
    %get3A_533 = arith.constant 0 : index
    %get3A_534 = arith.constant 96 : index
    %get3A_535 = vector.load %arg5[%get3A_533, %get3A_534] : memref<1280x128xf32, #tpu.memory_space<vmem>>, vector<1280x16xf32>
    %get3A_536 = arith.constant 0 : index
    %get3A_537 = arith.constant 96 : index
    %get3A_538 = vector.load %arg2[%get3A_536, %get3A_537] : memref<1280x128xf32, #tpu.memory_space<vmem>>, vector<1280x16xf32>
    %get3A_539 = arith.constant 0 : index
    %get3A_540 = arith.constant 96 : index
    %get3A_541 = vector.load %arg3[%get3A_539, %get3A_540] : memref<1280x128xf32, #tpu.memory_space<vmem>>, vector<1280x16xf32>
    %add3A_542 = arith.addf %get3A_538, %get3A_541 : vector<1280x16xf32>
    %max3A_543 = arith.constant 1.000000e+00 : f32
    %max3A_544 = vector.broadcast %max3A_543 : f32 to vector<1280x16xf32>
    %max3A_545 = arith.maximumf %add3A_542, %max3A_544 : vector<1280x16xf32>
    %div3A_546 = arith.constant 1.000000e+00 : f32
    %div3A_547 = vector.broadcast %div3A_546 : f32 to vector<1280x16xf32>
    %div3A_548 = arith.divf %div3A_547, %max3A_545 : vector<1280x16xf32>
    %get3A_549 = arith.constant 0 : index
    %get3A_550 = arith.constant 96 : index
    %get3A_551 = vector.load %arg0[%get3A_549, %get3A_550] : memref<1280x128xf32, #tpu.memory_space<vmem>>, vector<1280x16xf32>
    %get3A_552 = arith.constant 0 : index
    %get3A_553 = arith.constant 96 : index
    %get3A_554 = vector.load %arg1[%get3A_552, %get3A_553] : memref<1280x128xf32, #tpu.memory_space<vmem>>, vector<1280x16xf32>
    %add3A_555 = arith.addf %get3A_551, %get3A_554 : vector<1280x16xf32>
    %mul3A_556 = arith.mulf %add3A_555, %div3A_548 : vector<1280x16xf32>
    %get3A_557 = arith.constant 0 : index
    %get3A_558 = arith.constant 0 : index
    %get3A_559 = vector.load %arg6[%get3A_557, %get3A_558] : memref<16x16xf32, #tpu.memory_space<vmem>>, vector<16x16xf32>
    %dot_general3A_560 = arith.constant dense<0.000000e+00> : vector<1280x16xf32>
    %dot_general3A_561 = tpu.matmul %get3A_532, %get3A_559, %dot_general3A_560 {dimension_numbers = #tpu.dot_dimension_numbers<[1], [0], [0], [1], [0, 0, 1, 1], [], []>, transpose_lhs_hint = false} : vector<1280x16xf32>, vector<16x16xf32>, vector<1280x16xf32> -> vector<1280x16xf32>
    %add3A_562 = arith.addf %mul3A_556, %dot_general3A_561 : vector<1280x16xf32>
    %get3A_563 = arith.constant 0 : index
    %get3A_564 = arith.constant 0 : index
    %get3A_565 = vector.load %arg7[%get3A_563, %get3A_564] : memref<1x16xf32, #tpu.memory_space<vmem>>, vector<1x16xf32>
    %add3A_566 = vector.broadcast %get3A_565 : vector<1x16xf32> to vector<1280x16xf32>
    %add3A_567 = arith.addf %add3A_562, %add3A_566 : vector<1280x16xf32>
    %max3A_568 = arith.constant 0.000000e+00 : f32
    %max3A_569 = vector.broadcast %max3A_568 : f32 to vector<1280x16xf32>
    %max3A_570 = arith.maximumf %add3A_567, %max3A_569 : vector<1280x16xf32>
    %get3A_571 = arith.constant 0 : index
    %get3A_572 = arith.constant 0 : index
    %get3A_573 = vector.load %arg8[%get3A_571, %get3A_572] : memref<16x48xf32, #tpu.memory_space<vmem>>, vector<16x48xf32>
    %dot_general3A_574 = arith.constant dense<0.000000e+00> : vector<1280x48xf32>
    %dot_general3A_575 = tpu.matmul %max3A_570, %get3A_573, %dot_general3A_574 {dimension_numbers = #tpu.dot_dimension_numbers<[1], [0], [0], [1], [0, 0, 1, 1], [], []>, transpose_lhs_hint = false} : vector<1280x16xf32>, vector<16x48xf32>, vector<1280x48xf32> -> vector<1280x48xf32>
    %get3A_576 = arith.constant 0 : index
    %get3A_577 = arith.constant 0 : index
    %get3A_578 = vector.load %arg9[%get3A_576, %get3A_577] : memref<1x48xf32, #tpu.memory_space<vmem>>, vector<1x48xf32>
    %add3A_579 = vector.broadcast %get3A_578 : vector<1x48xf32> to vector<1280x48xf32>
    %add3A_580 = arith.addf %dot_general3A_575, %add3A_579 : vector<1280x48xf32>
    %get3A_581 = arith.constant 0 : index
    %get3A_582 = arith.constant 0 : index
    %get3A_583 = vector.load %arg10[%get3A_581, %get3A_582] : memref<16x48xf32, #tpu.memory_space<vmem>>, vector<16x48xf32>
    %dot_general3A_584 = arith.constant dense<0.000000e+00> : vector<1280x48xf32>
    %dot_general3A_585 = tpu.matmul %get3A_535, %get3A_583, %dot_general3A_584 {dimension_numbers = #tpu.dot_dimension_numbers<[1], [0], [0], [1], [0, 0, 1, 1], [], []>, transpose_lhs_hint = false} : vector<1280x16xf32>, vector<16x48xf32>, vector<1280x48xf32> -> vector<1280x48xf32>
    %get3A_586 = arith.constant 0 : index
    %get3A_587 = arith.constant 0 : index
    %get3A_588 = vector.load %arg11[%get3A_586, %get3A_587] : memref<1x48xf32, #tpu.memory_space<vmem>>, vector<1x48xf32>
    %add3A_589 = vector.broadcast %get3A_588 : vector<1x48xf32> to vector<1280x48xf32>
    %add3A_590 = arith.addf %dot_general3A_585, %add3A_589 : vector<1280x48xf32>
    %slice3A_591 = vector.extract_strided_slice %add3A_580 {offsets = [0, 0], sizes = [1280, 16], strides = [1, 1]} : vector<1280x48xf32> to vector<1280x16xf32>
    %slice3A_592 = vector.extract_strided_slice %add3A_590 {offsets = [0, 0], sizes = [1280, 16], strides = [1, 1]} : vector<1280x48xf32> to vector<1280x16xf32>
    %add3A_593 = arith.addf %slice3A_591, %slice3A_592 : vector<1280x16xf32>
    %logistic3A_594 = arith.negf %add3A_593 : vector<1280x16xf32>
    %logistic3A_595 = math.exp %logistic3A_594 : vector<1280x16xf32>
    %logistic3A_596 = arith.constant 1.000000e+00 : f32
    %logistic3A_597 = vector.broadcast %logistic3A_596 : f32 to vector<1280x16xf32>
    %logistic3A_598 = arith.addf %logistic3A_597, %logistic3A_595 : vector<1280x16xf32>
    %logistic3A_599 = arith.divf %logistic3A_597, %logistic3A_598 : vector<1280x16xf32>
    %slice3A_600 = vector.extract_strided_slice %add3A_580 {offsets = [0, 16], sizes = [1280, 16], strides = [1, 1]} : vector<1280x48xf32> to vector<1280x16xf32>
    %slice3A_601 = vector.extract_strided_slice %add3A_590 {offsets = [0, 16], sizes = [1280, 16], strides = [1, 1]} : vector<1280x48xf32> to vector<1280x16xf32>
    %add3A_602 = arith.addf %slice3A_600, %slice3A_601 : vector<1280x16xf32>
    %logistic3A_603 = arith.negf %add3A_602 : vector<1280x16xf32>
    %logistic3A_604 = math.exp %logistic3A_603 : vector<1280x16xf32>
    %logistic3A_605 = arith.constant 1.000000e+00 : f32
    %logistic3A_606 = vector.broadcast %logistic3A_605 : f32 to vector<1280x16xf32>
    %logistic3A_607 = arith.addf %logistic3A_606, %logistic3A_604 : vector<1280x16xf32>
    %logistic3A_608 = arith.divf %logistic3A_606, %logistic3A_607 : vector<1280x16xf32>
    %slice3A_609 = vector.extract_strided_slice %add3A_580 {offsets = [0, 32], sizes = [1280, 16], strides = [1, 1]} : vector<1280x48xf32> to vector<1280x16xf32>
    %slice3A_610 = vector.extract_strided_slice %add3A_590 {offsets = [0, 32], sizes = [1280, 16], strides = [1, 1]} : vector<1280x48xf32> to vector<1280x16xf32>
    %mul3A_611 = arith.mulf %logistic3A_599, %slice3A_610 : vector<1280x16xf32>
    %add3A_612 = arith.addf %slice3A_609, %mul3A_611 : vector<1280x16xf32>
    %tanh3A_613 = math.tanh %add3A_612 : vector<1280x16xf32>
    %sub3A_614 = arith.constant 1.000000e+00 : f32
    %sub3A_615 = vector.broadcast %sub3A_614 : f32 to vector<1280x16xf32>
    %sub3A_616 = arith.subf %sub3A_615, %logistic3A_608 : vector<1280x16xf32>
    %mul3A_617 = arith.mulf %sub3A_616, %tanh3A_613 : vector<1280x16xf32>
    %mul3A_618 = arith.mulf %logistic3A_608, %get3A_535 : vector<1280x16xf32>
    %add3A_619 = arith.addf %mul3A_617, %mul3A_618 : vector<1280x16xf32>
    %get3A_620 = arith.constant 0 : index
    %get3A_621 = arith.constant 112 : index
    %get3A_622 = vector.load %arg4[%get3A_620, %get3A_621] : memref<1280x128xf32, #tpu.memory_space<vmem>>, vector<1280x16xf32>
    %get3A_623 = arith.constant 0 : index
    %get3A_624 = arith.constant 112 : index
    %get3A_625 = vector.load %arg5[%get3A_623, %get3A_624] : memref<1280x128xf32, #tpu.memory_space<vmem>>, vector<1280x16xf32>
    %get3A_626 = arith.constant 0 : index
    %get3A_627 = arith.constant 112 : index
    %get3A_628 = vector.load %arg2[%get3A_626, %get3A_627] : memref<1280x128xf32, #tpu.memory_space<vmem>>, vector<1280x16xf32>
    %get3A_629 = arith.constant 0 : index
    %get3A_630 = arith.constant 112 : index
    %get3A_631 = vector.load %arg3[%get3A_629, %get3A_630] : memref<1280x128xf32, #tpu.memory_space<vmem>>, vector<1280x16xf32>
    %add3A_632 = arith.addf %get3A_628, %get3A_631 : vector<1280x16xf32>
    %max3A_633 = arith.constant 1.000000e+00 : f32
    %max3A_634 = vector.broadcast %max3A_633 : f32 to vector<1280x16xf32>
    %max3A_635 = arith.maximumf %add3A_632, %max3A_634 : vector<1280x16xf32>
    %div3A_636 = arith.constant 1.000000e+00 : f32
    %div3A_637 = vector.broadcast %div3A_636 : f32 to vector<1280x16xf32>
    %div3A_638 = arith.divf %div3A_637, %max3A_635 : vector<1280x16xf32>
    %get3A_639 = arith.constant 0 : index
    %get3A_640 = arith.constant 112 : index
    %get3A_641 = vector.load %arg0[%get3A_639, %get3A_640] : memref<1280x128xf32, #tpu.memory_space<vmem>>, vector<1280x16xf32>
    %get3A_642 = arith.constant 0 : index
    %get3A_643 = arith.constant 112 : index
    %get3A_644 = vector.load %arg1[%get3A_642, %get3A_643] : memref<1280x128xf32, #tpu.memory_space<vmem>>, vector<1280x16xf32>
    %add3A_645 = arith.addf %get3A_641, %get3A_644 : vector<1280x16xf32>
    %mul3A_646 = arith.mulf %add3A_645, %div3A_638 : vector<1280x16xf32>
    %get3A_647 = arith.constant 0 : index
    %get3A_648 = arith.constant 0 : index
    %get3A_649 = vector.load %arg6[%get3A_647, %get3A_648] : memref<16x16xf32, #tpu.memory_space<vmem>>, vector<16x16xf32>
    %dot_general3A_650 = arith.constant dense<0.000000e+00> : vector<1280x16xf32>
    %dot_general3A_651 = tpu.matmul %get3A_622, %get3A_649, %dot_general3A_650 {dimension_numbers = #tpu.dot_dimension_numbers<[1], [0], [0], [1], [0, 0, 1, 1], [], []>, transpose_lhs_hint = false} : vector<1280x16xf32>, vector<16x16xf32>, vector<1280x16xf32> -> vector<1280x16xf32>
    %add3A_652 = arith.addf %mul3A_646, %dot_general3A_651 : vector<1280x16xf32>
    %get3A_653 = arith.constant 0 : index
    %get3A_654 = arith.constant 0 : index
    %get3A_655 = vector.load %arg7[%get3A_653, %get3A_654] : memref<1x16xf32, #tpu.memory_space<vmem>>, vector<1x16xf32>
    %add3A_656 = vector.broadcast %get3A_655 : vector<1x16xf32> to vector<1280x16xf32>
    %add3A_657 = arith.addf %add3A_652, %add3A_656 : vector<1280x16xf32>
    %max3A_658 = arith.constant 0.000000e+00 : f32
    %max3A_659 = vector.broadcast %max3A_658 : f32 to vector<1280x16xf32>
    %max3A_660 = arith.maximumf %add3A_657, %max3A_659 : vector<1280x16xf32>
    %get3A_661 = arith.constant 0 : index
    %get3A_662 = arith.constant 0 : index
    %get3A_663 = vector.load %arg8[%get3A_661, %get3A_662] : memref<16x48xf32, #tpu.memory_space<vmem>>, vector<16x48xf32>
    %dot_general3A_664 = arith.constant dense<0.000000e+00> : vector<1280x48xf32>
    %dot_general3A_665 = tpu.matmul %max3A_660, %get3A_663, %dot_general3A_664 {dimension_numbers = #tpu.dot_dimension_numbers<[1], [0], [0], [1], [0, 0, 1, 1], [], []>, transpose_lhs_hint = false} : vector<1280x16xf32>, vector<16x48xf32>, vector<1280x48xf32> -> vector<1280x48xf32>
    %get3A_666 = arith.constant 0 : index
    %get3A_667 = arith.constant 0 : index
    %get3A_668 = vector.load %arg9[%get3A_666, %get3A_667] : memref<1x48xf32, #tpu.memory_space<vmem>>, vector<1x48xf32>
    %add3A_669 = vector.broadcast %get3A_668 : vector<1x48xf32> to vector<1280x48xf32>
    %add3A_670 = arith.addf %dot_general3A_665, %add3A_669 : vector<1280x48xf32>
    %get3A_671 = arith.constant 0 : index
    %get3A_672 = arith.constant 0 : index
    %get3A_673 = vector.load %arg10[%get3A_671, %get3A_672] : memref<16x48xf32, #tpu.memory_space<vmem>>, vector<16x48xf32>
    %dot_general3A_674 = arith.constant dense<0.000000e+00> : vector<1280x48xf32>
    %dot_general3A_675 = tpu.matmul %get3A_625, %get3A_673, %dot_general3A_674 {dimension_numbers = #tpu.dot_dimension_numbers<[1], [0], [0], [1], [0, 0, 1, 1], [], []>, transpose_lhs_hint = false} : vector<1280x16xf32>, vector<16x48xf32>, vector<1280x48xf32> -> vector<1280x48xf32>
    %get3A_676 = arith.constant 0 : index
    %get3A_677 = arith.constant 0 : index
    %get3A_678 = vector.load %arg11[%get3A_676, %get3A_677] : memref<1x48xf32, #tpu.memory_space<vmem>>, vector<1x48xf32>
    %add3A_679 = vector.broadcast %get3A_678 : vector<1x48xf32> to vector<1280x48xf32>
    %add3A_680 = arith.addf %dot_general3A_675, %add3A_679 : vector<1280x48xf32>
    %slice3A_681 = vector.extract_strided_slice %add3A_670 {offsets = [0, 0], sizes = [1280, 16], strides = [1, 1]} : vector<1280x48xf32> to vector<1280x16xf32>
    %slice3A_682 = vector.extract_strided_slice %add3A_680 {offsets = [0, 0], sizes = [1280, 16], strides = [1, 1]} : vector<1280x48xf32> to vector<1280x16xf32>
    %add3A_683 = arith.addf %slice3A_681, %slice3A_682 : vector<1280x16xf32>
    %logistic3A_684 = arith.negf %add3A_683 : vector<1280x16xf32>
    %logistic3A_685 = math.exp %logistic3A_684 : vector<1280x16xf32>
    %logistic3A_686 = arith.constant 1.000000e+00 : f32
    %logistic3A_687 = vector.broadcast %logistic3A_686 : f32 to vector<1280x16xf32>
    %logistic3A_688 = arith.addf %logistic3A_687, %logistic3A_685 : vector<1280x16xf32>
    %logistic3A_689 = arith.divf %logistic3A_687, %logistic3A_688 : vector<1280x16xf32>
    %slice3A_690 = vector.extract_strided_slice %add3A_670 {offsets = [0, 16], sizes = [1280, 16], strides = [1, 1]} : vector<1280x48xf32> to vector<1280x16xf32>
    %slice3A_691 = vector.extract_strided_slice %add3A_680 {offsets = [0, 16], sizes = [1280, 16], strides = [1, 1]} : vector<1280x48xf32> to vector<1280x16xf32>
    %add3A_692 = arith.addf %slice3A_690, %slice3A_691 : vector<1280x16xf32>
    %logistic3A_693 = arith.negf %add3A_692 : vector<1280x16xf32>
    %logistic3A_694 = math.exp %logistic3A_693 : vector<1280x16xf32>
    %logistic3A_695 = arith.constant 1.000000e+00 : f32
    %logistic3A_696 = vector.broadcast %logistic3A_695 : f32 to vector<1280x16xf32>
    %logistic3A_697 = arith.addf %logistic3A_696, %logistic3A_694 : vector<1280x16xf32>
    %logistic3A_698 = arith.divf %logistic3A_696, %logistic3A_697 : vector<1280x16xf32>
    %slice3A_699 = vector.extract_strided_slice %add3A_670 {offsets = [0, 32], sizes = [1280, 16], strides = [1, 1]} : vector<1280x48xf32> to vector<1280x16xf32>
    %slice3A_700 = vector.extract_strided_slice %add3A_680 {offsets = [0, 32], sizes = [1280, 16], strides = [1, 1]} : vector<1280x48xf32> to vector<1280x16xf32>
    %mul3A_701 = arith.mulf %logistic3A_689, %slice3A_700 : vector<1280x16xf32>
    %add3A_702 = arith.addf %slice3A_699, %mul3A_701 : vector<1280x16xf32>
    %tanh3A_703 = math.tanh %add3A_702 : vector<1280x16xf32>
    %sub3A_704 = arith.constant 1.000000e+00 : f32
    %sub3A_705 = vector.broadcast %sub3A_704 : f32 to vector<1280x16xf32>
    %sub3A_706 = arith.subf %sub3A_705, %logistic3A_698 : vector<1280x16xf32>
    %mul3A_707 = arith.mulf %sub3A_706, %tanh3A_703 : vector<1280x16xf32>
    %mul3A_708 = arith.mulf %logistic3A_698, %get3A_625 : vector<1280x16xf32>
    %add3A_709 = arith.addf %mul3A_707, %mul3A_708 : vector<1280x16xf32>
    %concatenate3A = tpu.concatenate %add3A_79, %add3A_169, %add3A_259, %add3A_349, %add3A_439, %add3A_529, %add3A_619, %add3A_709 in 1 : vector<1280x16xf32>, vector<1280x16xf32>, vector<1280x16xf32>, vector<1280x16xf32>, vector<1280x16xf32>, vector<1280x16xf32>, vector<1280x16xf32>, vector<1280x16xf32> -> vector<1280x128xf32>
    %swap3A = arith.constant 0 : index
    %swap3A_710 = arith.constant 0 : index
    %swap3A_711 = vector.load %arg12[%swap3A, %swap3A_710] : memref<1280x128xf32, #tpu.memory_space<vmem>>, vector<1280x128xf32>
    tpu.vector_store %arg12[%swap3A, %swap3A_710], %concatenate3A {strides = array<i32>} : memref<1280x128xf32, #tpu.memory_space<vmem>>, vector<1280x128xf32>,
    return
  }
}

module attributes {stable_mosaic.version = 14 : i64} {
  func.func @_set2set_body(%arg0: memref<10000x16xf32, #tpu.memory_space<vmem>>, %arg1: memref<32x64xf32, #tpu.memory_space<vmem>>, %arg2: memref<1x64xf32, #tpu.memory_space<vmem>>, %arg3: memref<16x64xf32, #tpu.memory_space<vmem>>, %arg4: memref<1x64xf32, #tpu.memory_space<vmem>>, %arg5: memref<32x64xf32, #tpu.memory_space<vmem>>, %arg6: memref<1x64xf32, #tpu.memory_space<vmem>>, %arg7: memref<1x16xf32, #tpu.memory_space<vmem>>, %arg8: memref<1x16xf32, #tpu.memory_space<vmem>>) attributes {dimension_semantics = [], scalar_prefetch = 0 : i64, scratch_operands = 0 : i64, tpu.core_type = #tpu.core_type<tc>} {
    %get3A = arith.constant 0 : index
    %get3A_0 = arith.constant 0 : index
    %get3A_1 = vector.load %arg0[%get3A, %get3A_0] : memref<10000x16xf32, #tpu.memory_space<vmem>>, vector<10000x16xf32>
    %broadcast_in_dim3A = arith.constant 0.000000e+00 : f32
    %broadcast_in_dim3A_2 = vector.broadcast %broadcast_in_dim3A : f32 to vector<1x32xf32>
    %broadcast_in_dim3A_3 = arith.constant 0.000000e+00 : f32
    %broadcast_in_dim3A_4 = vector.broadcast %broadcast_in_dim3A_3 : f32 to vector<1x16xf32>
    %broadcast_in_dim3A_5 = arith.constant 0.000000e+00 : f32
    %broadcast_in_dim3A_6 = vector.broadcast %broadcast_in_dim3A_5 : f32 to vector<1x16xf32>
    %get3A_7 = arith.constant 0 : index
    %get3A_8 = arith.constant 0 : index
    %get3A_9 = vector.load %arg1[%get3A_7, %get3A_8] : memref<32x64xf32, #tpu.memory_space<vmem>>, vector<32x64xf32>
    %dot_general3A = arith.constant dense<0.000000e+00> : vector<1x64xf32>
    %dot_general3A_10 = tpu.matmul %broadcast_in_dim3A_2, %get3A_9, %dot_general3A {dimension_numbers = #tpu.dot_dimension_numbers<[1], [0], [0], [1], [0, 0, 1, 1], [], []>, transpose_lhs_hint = false} : vector<1x32xf32>, vector<32x64xf32>, vector<1x64xf32> -> vector<1x64xf32>
    %get3A_11 = arith.constant 0 : index
    %get3A_12 = arith.constant 0 : index
    %get3A_13 = vector.load %arg2[%get3A_11, %get3A_12] : memref<1x64xf32, #tpu.memory_space<vmem>>, vector<1x64xf32>
    %add3A = arith.addf %dot_general3A_10, %get3A_13 : vector<1x64xf32>
    %get3A_14 = arith.constant 0 : index
    %get3A_15 = arith.constant 0 : index
    %get3A_16 = vector.load %arg3[%get3A_14, %get3A_15] : memref<16x64xf32, #tpu.memory_space<vmem>>, vector<16x64xf32>
    %dot_general3A_17 = arith.constant dense<0.000000e+00> : vector<1x64xf32>
    %dot_general3A_18 = tpu.matmul %broadcast_in_dim3A_4, %get3A_16, %dot_general3A_17 {dimension_numbers = #tpu.dot_dimension_numbers<[1], [0], [0], [1], [0, 0, 1, 1], [], []>, transpose_lhs_hint = false} : vector<1x16xf32>, vector<16x64xf32>, vector<1x64xf32> -> vector<1x64xf32>
    %add3A_19 = arith.addf %add3A, %dot_general3A_18 : vector<1x64xf32>
    %get3A_20 = arith.constant 0 : index
    %get3A_21 = arith.constant 0 : index
    %get3A_22 = vector.load %arg4[%get3A_20, %get3A_21] : memref<1x64xf32, #tpu.memory_space<vmem>>, vector<1x64xf32>
    %add3A_23 = arith.addf %add3A_19, %get3A_22 : vector<1x64xf32>
    %slice3A = vector.extract_strided_slice %add3A_23 {offsets = [0, 0], sizes = [1, 16], strides = [1, 1]} : vector<1x64xf32> to vector<1x16xf32>
    %logistic3A = arith.negf %slice3A : vector<1x16xf32>
    %logistic3A_24 = math.exp %logistic3A : vector<1x16xf32>
    %logistic3A_25 = arith.constant 1.000000e+00 : f32
    %logistic3A_26 = vector.broadcast %logistic3A_25 : f32 to vector<1x16xf32>
    %logistic3A_27 = arith.addf %logistic3A_26, %logistic3A_24 : vector<1x16xf32>
    %logistic3A_28 = arith.divf %logistic3A_26, %logistic3A_27 : vector<1x16xf32>
    %slice3A_29 = vector.extract_strided_slice %add3A_23 {offsets = [0, 16], sizes = [1, 16], strides = [1, 1]} : vector<1x64xf32> to vector<1x16xf32>
    %logistic3A_30 = arith.negf %slice3A_29 : vector<1x16xf32>
    %logistic3A_31 = math.exp %logistic3A_30 : vector<1x16xf32>
    %logistic3A_32 = arith.constant 1.000000e+00 : f32
    %logistic3A_33 = vector.broadcast %logistic3A_32 : f32 to vector<1x16xf32>
    %logistic3A_34 = arith.addf %logistic3A_33, %logistic3A_31 : vector<1x16xf32>
    %logistic3A_35 = arith.divf %logistic3A_33, %logistic3A_34 : vector<1x16xf32>
    %slice3A_36 = vector.extract_strided_slice %add3A_23 {offsets = [0, 32], sizes = [1, 16], strides = [1, 1]} : vector<1x64xf32> to vector<1x16xf32>
    %tanh3A = math.tanh %slice3A_36 : vector<1x16xf32>
    %slice3A_37 = vector.extract_strided_slice %add3A_23 {offsets = [0, 48], sizes = [1, 16], strides = [1, 1]} : vector<1x64xf32> to vector<1x16xf32>
    %logistic3A_38 = arith.negf %slice3A_37 : vector<1x16xf32>
    %logistic3A_39 = math.exp %logistic3A_38 : vector<1x16xf32>
    %logistic3A_40 = arith.constant 1.000000e+00 : f32
    %logistic3A_41 = vector.broadcast %logistic3A_40 : f32 to vector<1x16xf32>
    %logistic3A_42 = arith.addf %logistic3A_41, %logistic3A_39 : vector<1x16xf32>
    %logistic3A_43 = arith.divf %logistic3A_41, %logistic3A_42 : vector<1x16xf32>
    %mul3A = arith.mulf %logistic3A_35, %broadcast_in_dim3A_6 : vector<1x16xf32>
    %mul3A_44 = arith.mulf %logistic3A_28, %tanh3A : vector<1x16xf32>
    %add3A_45 = arith.addf %mul3A, %mul3A_44 : vector<1x16xf32>
    %tanh3A_46 = math.tanh %add3A_45 : vector<1x16xf32>
    %mul3A_47 = arith.mulf %logistic3A_43, %tanh3A_46 : vector<1x16xf32>
    %mul3A_48 = vector.broadcast %mul3A_47 : vector<1x16xf32> to vector<10000x16xf32>
    %mul3A_49 = arith.mulf %get3A_1, %mul3A_48 : vector<10000x16xf32>
    %reduce_sum3A = arith.constant dense<0.000000e+00> : vector<10000xf32>
    %reduce_sum3A_50 = vector.multi_reduction <add>, %mul3A_49, %reduce_sum3A [1] : vector<10000x16xf32> to vector<10000xf32>
    %broadcast_in_dim3A_51 = vector.shape_cast %reduce_sum3A_50 : vector<10000xf32> to vector<10000x1xf32>
    %reduce_max3A = vector.shape_cast %broadcast_in_dim3A_51 : vector<10000x1xf32> to vector<1x10000x1xf32>
    %reduce_max3A_52 = arith.constant dense<0xFF800000> : vector<1xf32>
    %reduce_max3A_53 = vector.multi_reduction <maximumf>, %reduce_max3A, %reduce_max3A_52 [1, 2] : vector<1x10000x1xf32> to vector<1xf32>
    %reduce_max3A_54 = vector.shape_cast %reduce_max3A_53 : vector<1xf32> to vector<1x1x1xf32>
    %reduce_max3A_55 = vector.extract %reduce_max3A_54[0, 0, 0] : f32 from vector<1x1x1xf32>
    %sub3A = vector.broadcast %reduce_max3A_55 : f32 to vector<10000x1xf32>
    %sub3A_56 = arith.subf %broadcast_in_dim3A_51, %sub3A : vector<10000x1xf32>
    %exp3A = math.exp %sub3A_56 : vector<10000x1xf32>
    %reduce_sum3A_57 = vector.shape_cast %exp3A : vector<10000x1xf32> to vector<1x10000x1xf32>
    %reduce_sum3A_58 = arith.constant dense<0.000000e+00> : vector<1xf32>
    %reduce_sum3A_59 = vector.multi_reduction <add>, %reduce_sum3A_57, %reduce_sum3A_58 [1, 2] : vector<1x10000x1xf32> to vector<1xf32>
    %reduce_sum3A_60 = vector.shape_cast %reduce_sum3A_59 : vector<1xf32> to vector<1x1x1xf32>
    %reduce_sum3A_61 = vector.extract %reduce_sum3A_60[0, 0, 0] : f32 from vector<1x1x1xf32>
    %mul3A_62 = vector.broadcast %exp3A : vector<10000x1xf32> to vector<10000x16xf32>
    %mul3A_63 = arith.mulf %mul3A_62, %get3A_1 : vector<10000x16xf32>
    %reduce_sum3A_64 = arith.constant dense<0.000000e+00> : vector<16xf32>
    %reduce_sum3A_65 = vector.multi_reduction <add>, %mul3A_63, %reduce_sum3A_64 [0] : vector<10000x16xf32> to vector<16xf32>
    %broadcast_in_dim3A_66 = vector.shape_cast %reduce_sum3A_65 : vector<16xf32> to vector<1x16xf32>
    %div3A = vector.broadcast %reduce_sum3A_61 : f32 to vector<1x16xf32>
    %div3A_67 = arith.divf %broadcast_in_dim3A_66, %div3A : vector<1x16xf32>
    %concatenate3A = tpu.concatenate %mul3A_47, %div3A_67 in 1 : vector<1x16xf32>, vector<1x16xf32> -> vector<1x32xf32>
    %get3A_68 = arith.constant 0 : index
    %get3A_69 = arith.constant 0 : index
    %get3A_70 = vector.load %arg1[%get3A_68, %get3A_69] : memref<32x64xf32, #tpu.memory_space<vmem>>, vector<32x64xf32>
    %dot_general3A_71 = arith.constant dense<0.000000e+00> : vector<1x64xf32>
    %dot_general3A_72 = tpu.matmul %concatenate3A, %get3A_70, %dot_general3A_71 {dimension_numbers = #tpu.dot_dimension_numbers<[1], [0], [0], [1], [0, 0, 1, 1], [], []>, transpose_lhs_hint = false} : vector<1x32xf32>, vector<32x64xf32>, vector<1x64xf32> -> vector<1x64xf32>
    %get3A_73 = arith.constant 0 : index
    %get3A_74 = arith.constant 0 : index
    %get3A_75 = vector.load %arg2[%get3A_73, %get3A_74] : memref<1x64xf32, #tpu.memory_space<vmem>>, vector<1x64xf32>
    %add3A_76 = arith.addf %dot_general3A_72, %get3A_75 : vector<1x64xf32>
    %get3A_77 = arith.constant 0 : index
    %get3A_78 = arith.constant 0 : index
    %get3A_79 = vector.load %arg3[%get3A_77, %get3A_78] : memref<16x64xf32, #tpu.memory_space<vmem>>, vector<16x64xf32>
    %dot_general3A_80 = arith.constant dense<0.000000e+00> : vector<1x64xf32>
    %dot_general3A_81 = tpu.matmul %mul3A_47, %get3A_79, %dot_general3A_80 {dimension_numbers = #tpu.dot_dimension_numbers<[1], [0], [0], [1], [0, 0, 1, 1], [], []>, transpose_lhs_hint = false} : vector<1x16xf32>, vector<16x64xf32>, vector<1x64xf32> -> vector<1x64xf32>
    %add3A_82 = arith.addf %add3A_76, %dot_general3A_81 : vector<1x64xf32>
    %get3A_83 = arith.constant 0 : index
    %get3A_84 = arith.constant 0 : index
    %get3A_85 = vector.load %arg4[%get3A_83, %get3A_84] : memref<1x64xf32, #tpu.memory_space<vmem>>, vector<1x64xf32>
    %add3A_86 = arith.addf %add3A_82, %get3A_85 : vector<1x64xf32>
    %slice3A_87 = vector.extract_strided_slice %add3A_86 {offsets = [0, 0], sizes = [1, 16], strides = [1, 1]} : vector<1x64xf32> to vector<1x16xf32>
    %logistic3A_88 = arith.negf %slice3A_87 : vector<1x16xf32>
    %logistic3A_89 = math.exp %logistic3A_88 : vector<1x16xf32>
    %logistic3A_90 = arith.constant 1.000000e+00 : f32
    %logistic3A_91 = vector.broadcast %logistic3A_90 : f32 to vector<1x16xf32>
    %logistic3A_92 = arith.addf %logistic3A_91, %logistic3A_89 : vector<1x16xf32>
    %logistic3A_93 = arith.divf %logistic3A_91, %logistic3A_92 : vector<1x16xf32>
    %slice3A_94 = vector.extract_strided_slice %add3A_86 {offsets = [0, 16], sizes = [1, 16], strides = [1, 1]} : vector<1x64xf32> to vector<1x16xf32>
    %logistic3A_95 = arith.negf %slice3A_94 : vector<1x16xf32>
    %logistic3A_96 = math.exp %logistic3A_95 : vector<1x16xf32>
    %logistic3A_97 = arith.constant 1.000000e+00 : f32
    %logistic3A_98 = vector.broadcast %logistic3A_97 : f32 to vector<1x16xf32>
    %logistic3A_99 = arith.addf %logistic3A_98, %logistic3A_96 : vector<1x16xf32>
    %logistic3A_100 = arith.divf %logistic3A_98, %logistic3A_99 : vector<1x16xf32>
    %slice3A_101 = vector.extract_strided_slice %add3A_86 {offsets = [0, 32], sizes = [1, 16], strides = [1, 1]} : vector<1x64xf32> to vector<1x16xf32>
    %tanh3A_102 = math.tanh %slice3A_101 : vector<1x16xf32>
    %slice3A_103 = vector.extract_strided_slice %add3A_86 {offsets = [0, 48], sizes = [1, 16], strides = [1, 1]} : vector<1x64xf32> to vector<1x16xf32>
    %logistic3A_104 = arith.negf %slice3A_103 : vector<1x16xf32>
    %logistic3A_105 = math.exp %logistic3A_104 : vector<1x16xf32>
    %logistic3A_106 = arith.constant 1.000000e+00 : f32
    %logistic3A_107 = vector.broadcast %logistic3A_106 : f32 to vector<1x16xf32>
    %logistic3A_108 = arith.addf %logistic3A_107, %logistic3A_105 : vector<1x16xf32>
    %logistic3A_109 = arith.divf %logistic3A_107, %logistic3A_108 : vector<1x16xf32>
    %mul3A_110 = arith.mulf %logistic3A_100, %add3A_45 : vector<1x16xf32>
    %mul3A_111 = arith.mulf %logistic3A_93, %tanh3A_102 : vector<1x16xf32>
    %add3A_112 = arith.addf %mul3A_110, %mul3A_111 : vector<1x16xf32>
    %tanh3A_113 = math.tanh %add3A_112 : vector<1x16xf32>
    %mul3A_114 = arith.mulf %logistic3A_109, %tanh3A_113 : vector<1x16xf32>
    %mul3A_115 = vector.broadcast %mul3A_114 : vector<1x16xf32> to vector<10000x16xf32>
    %mul3A_116 = arith.mulf %get3A_1, %mul3A_115 : vector<10000x16xf32>
    %reduce_sum3A_117 = arith.constant dense<0.000000e+00> : vector<10000xf32>
    %reduce_sum3A_118 = vector.multi_reduction <add>, %mul3A_116, %reduce_sum3A_117 [1] : vector<10000x16xf32> to vector<10000xf32>
    %broadcast_in_dim3A_119 = vector.shape_cast %reduce_sum3A_118 : vector<10000xf32> to vector<10000x1xf32>
    %reduce_max3A_120 = vector.shape_cast %broadcast_in_dim3A_119 : vector<10000x1xf32> to vector<1x10000x1xf32>
    %reduce_max3A_121 = arith.constant dense<0xFF800000> : vector<1xf32>
    %reduce_max3A_122 = vector.multi_reduction <maximumf>, %reduce_max3A_120, %reduce_max3A_121 [1, 2] : vector<1x10000x1xf32> to vector<1xf32>
    %reduce_max3A_123 = vector.shape_cast %reduce_max3A_122 : vector<1xf32> to vector<1x1x1xf32>
    %reduce_max3A_124 = vector.extract %reduce_max3A_123[0, 0, 0] : f32 from vector<1x1x1xf32>
    %sub3A_125 = vector.broadcast %reduce_max3A_124 : f32 to vector<10000x1xf32>
    %sub3A_126 = arith.subf %broadcast_in_dim3A_119, %sub3A_125 : vector<10000x1xf32>
    %exp3A_127 = math.exp %sub3A_126 : vector<10000x1xf32>
    %reduce_sum3A_128 = vector.shape_cast %exp3A_127 : vector<10000x1xf32> to vector<1x10000x1xf32>
    %reduce_sum3A_129 = arith.constant dense<0.000000e+00> : vector<1xf32>
    %reduce_sum3A_130 = vector.multi_reduction <add>, %reduce_sum3A_128, %reduce_sum3A_129 [1, 2] : vector<1x10000x1xf32> to vector<1xf32>
    %reduce_sum3A_131 = vector.shape_cast %reduce_sum3A_130 : vector<1xf32> to vector<1x1x1xf32>
    %reduce_sum3A_132 = vector.extract %reduce_sum3A_131[0, 0, 0] : f32 from vector<1x1x1xf32>
    %mul3A_133 = vector.broadcast %exp3A_127 : vector<10000x1xf32> to vector<10000x16xf32>
    %mul3A_134 = arith.mulf %mul3A_133, %get3A_1 : vector<10000x16xf32>
    %reduce_sum3A_135 = arith.constant dense<0.000000e+00> : vector<16xf32>
    %reduce_sum3A_136 = vector.multi_reduction <add>, %mul3A_134, %reduce_sum3A_135 [0] : vector<10000x16xf32> to vector<16xf32>
    %broadcast_in_dim3A_137 = vector.shape_cast %reduce_sum3A_136 : vector<16xf32> to vector<1x16xf32>
    %div3A_138 = vector.broadcast %reduce_sum3A_132 : f32 to vector<1x16xf32>
    %div3A_139 = arith.divf %broadcast_in_dim3A_137, %div3A_138 : vector<1x16xf32>
    %concatenate3A_140 = tpu.concatenate %mul3A_114, %div3A_139 in 1 : vector<1x16xf32>, vector<1x16xf32> -> vector<1x32xf32>
    %get3A_141 = arith.constant 0 : index
    %get3A_142 = arith.constant 0 : index
    %get3A_143 = vector.load %arg1[%get3A_141, %get3A_142] : memref<32x64xf32, #tpu.memory_space<vmem>>, vector<32x64xf32>
    %dot_general3A_144 = arith.constant dense<0.000000e+00> : vector<1x64xf32>
    %dot_general3A_145 = tpu.matmul %concatenate3A_140, %get3A_143, %dot_general3A_144 {dimension_numbers = #tpu.dot_dimension_numbers<[1], [0], [0], [1], [0, 0, 1, 1], [], []>, transpose_lhs_hint = false} : vector<1x32xf32>, vector<32x64xf32>, vector<1x64xf32> -> vector<1x64xf32>
    %get3A_146 = arith.constant 0 : index
    %get3A_147 = arith.constant 0 : index
    %get3A_148 = vector.load %arg2[%get3A_146, %get3A_147] : memref<1x64xf32, #tpu.memory_space<vmem>>, vector<1x64xf32>
    %add3A_149 = arith.addf %dot_general3A_145, %get3A_148 : vector<1x64xf32>
    %get3A_150 = arith.constant 0 : index
    %get3A_151 = arith.constant 0 : index
    %get3A_152 = vector.load %arg3[%get3A_150, %get3A_151] : memref<16x64xf32, #tpu.memory_space<vmem>>, vector<16x64xf32>
    %dot_general3A_153 = arith.constant dense<0.000000e+00> : vector<1x64xf32>
    %dot_general3A_154 = tpu.matmul %mul3A_114, %get3A_152, %dot_general3A_153 {dimension_numbers = #tpu.dot_dimension_numbers<[1], [0], [0], [1], [0, 0, 1, 1], [], []>, transpose_lhs_hint = false} : vector<1x16xf32>, vector<16x64xf32>, vector<1x64xf32> -> vector<1x64xf32>
    %add3A_155 = arith.addf %add3A_149, %dot_general3A_154 : vector<1x64xf32>
    %get3A_156 = arith.constant 0 : index
    %get3A_157 = arith.constant 0 : index
    %get3A_158 = vector.load %arg4[%get3A_156, %get3A_157] : memref<1x64xf32, #tpu.memory_space<vmem>>, vector<1x64xf32>
    %add3A_159 = arith.addf %add3A_155, %get3A_158 : vector<1x64xf32>
    %slice3A_160 = vector.extract_strided_slice %add3A_159 {offsets = [0, 0], sizes = [1, 16], strides = [1, 1]} : vector<1x64xf32> to vector<1x16xf32>
    %logistic3A_161 = arith.negf %slice3A_160 : vector<1x16xf32>
    %logistic3A_162 = math.exp %logistic3A_161 : vector<1x16xf32>
    %logistic3A_163 = arith.constant 1.000000e+00 : f32
    %logistic3A_164 = vector.broadcast %logistic3A_163 : f32 to vector<1x16xf32>
    %logistic3A_165 = arith.addf %logistic3A_164, %logistic3A_162 : vector<1x16xf32>
    %logistic3A_166 = arith.divf %logistic3A_164, %logistic3A_165 : vector<1x16xf32>
    %slice3A_167 = vector.extract_strided_slice %add3A_159 {offsets = [0, 16], sizes = [1, 16], strides = [1, 1]} : vector<1x64xf32> to vector<1x16xf32>
    %logistic3A_168 = arith.negf %slice3A_167 : vector<1x16xf32>
    %logistic3A_169 = math.exp %logistic3A_168 : vector<1x16xf32>
    %logistic3A_170 = arith.constant 1.000000e+00 : f32
    %logistic3A_171 = vector.broadcast %logistic3A_170 : f32 to vector<1x16xf32>
    %logistic3A_172 = arith.addf %logistic3A_171, %logistic3A_169 : vector<1x16xf32>
    %logistic3A_173 = arith.divf %logistic3A_171, %logistic3A_172 : vector<1x16xf32>
    %slice3A_174 = vector.extract_strided_slice %add3A_159 {offsets = [0, 32], sizes = [1, 16], strides = [1, 1]} : vector<1x64xf32> to vector<1x16xf32>
    %tanh3A_175 = math.tanh %slice3A_174 : vector<1x16xf32>
    %slice3A_176 = vector.extract_strided_slice %add3A_159 {offsets = [0, 48], sizes = [1, 16], strides = [1, 1]} : vector<1x64xf32> to vector<1x16xf32>
    %logistic3A_177 = arith.negf %slice3A_176 : vector<1x16xf32>
    %logistic3A_178 = math.exp %logistic3A_177 : vector<1x16xf32>
    %logistic3A_179 = arith.constant 1.000000e+00 : f32
    %logistic3A_180 = vector.broadcast %logistic3A_179 : f32 to vector<1x16xf32>
    %logistic3A_181 = arith.addf %logistic3A_180, %logistic3A_178 : vector<1x16xf32>
    %logistic3A_182 = arith.divf %logistic3A_180, %logistic3A_181 : vector<1x16xf32>
    %mul3A_183 = arith.mulf %logistic3A_173, %add3A_112 : vector<1x16xf32>
    %mul3A_184 = arith.mulf %logistic3A_166, %tanh3A_175 : vector<1x16xf32>
    %add3A_185 = arith.addf %mul3A_183, %mul3A_184 : vector<1x16xf32>
    %tanh3A_186 = math.tanh %add3A_185 : vector<1x16xf32>
    %mul3A_187 = arith.mulf %logistic3A_182, %tanh3A_186 : vector<1x16xf32>
    %mul3A_188 = vector.broadcast %mul3A_187 : vector<1x16xf32> to vector<10000x16xf32>
    %mul3A_189 = arith.mulf %get3A_1, %mul3A_188 : vector<10000x16xf32>
    %reduce_sum3A_190 = arith.constant dense<0.000000e+00> : vector<10000xf32>
    %reduce_sum3A_191 = vector.multi_reduction <add>, %mul3A_189, %reduce_sum3A_190 [1] : vector<10000x16xf32> to vector<10000xf32>
    %broadcast_in_dim3A_192 = vector.shape_cast %reduce_sum3A_191 : vector<10000xf32> to vector<10000x1xf32>
    %reduce_max3A_193 = vector.shape_cast %broadcast_in_dim3A_192 : vector<10000x1xf32> to vector<1x10000x1xf32>
    %reduce_max3A_194 = arith.constant dense<0xFF800000> : vector<1xf32>
    %reduce_max3A_195 = vector.multi_reduction <maximumf>, %reduce_max3A_193, %reduce_max3A_194 [1, 2] : vector<1x10000x1xf32> to vector<1xf32>
    %reduce_max3A_196 = vector.shape_cast %reduce_max3A_195 : vector<1xf32> to vector<1x1x1xf32>
    %reduce_max3A_197 = vector.extract %reduce_max3A_196[0, 0, 0] : f32 from vector<1x1x1xf32>
    %sub3A_198 = vector.broadcast %reduce_max3A_197 : f32 to vector<10000x1xf32>
    %sub3A_199 = arith.subf %broadcast_in_dim3A_192, %sub3A_198 : vector<10000x1xf32>
    %exp3A_200 = math.exp %sub3A_199 : vector<10000x1xf32>
    %reduce_sum3A_201 = vector.shape_cast %exp3A_200 : vector<10000x1xf32> to vector<1x10000x1xf32>
    %reduce_sum3A_202 = arith.constant dense<0.000000e+00> : vector<1xf32>
    %reduce_sum3A_203 = vector.multi_reduction <add>, %reduce_sum3A_201, %reduce_sum3A_202 [1, 2] : vector<1x10000x1xf32> to vector<1xf32>
    %reduce_sum3A_204 = vector.shape_cast %reduce_sum3A_203 : vector<1xf32> to vector<1x1x1xf32>
    %reduce_sum3A_205 = vector.extract %reduce_sum3A_204[0, 0, 0] : f32 from vector<1x1x1xf32>
    %mul3A_206 = vector.broadcast %exp3A_200 : vector<10000x1xf32> to vector<10000x16xf32>
    %mul3A_207 = arith.mulf %mul3A_206, %get3A_1 : vector<10000x16xf32>
    %reduce_sum3A_208 = arith.constant dense<0.000000e+00> : vector<16xf32>
    %reduce_sum3A_209 = vector.multi_reduction <add>, %mul3A_207, %reduce_sum3A_208 [0] : vector<10000x16xf32> to vector<16xf32>
    %broadcast_in_dim3A_210 = vector.shape_cast %reduce_sum3A_209 : vector<16xf32> to vector<1x16xf32>
    %div3A_211 = vector.broadcast %reduce_sum3A_205 : f32 to vector<1x16xf32>
    %div3A_212 = arith.divf %broadcast_in_dim3A_210, %div3A_211 : vector<1x16xf32>
    %concatenate3A_213 = tpu.concatenate %mul3A_187, %div3A_212 in 1 : vector<1x16xf32>, vector<1x16xf32> -> vector<1x32xf32>
    %get3A_214 = arith.constant 0 : index
    %get3A_215 = arith.constant 0 : index
    %get3A_216 = vector.load %arg1[%get3A_214, %get3A_215] : memref<32x64xf32, #tpu.memory_space<vmem>>, vector<32x64xf32>
    %dot_general3A_217 = arith.constant dense<0.000000e+00> : vector<1x64xf32>
    %dot_general3A_218 = tpu.matmul %concatenate3A_213, %get3A_216, %dot_general3A_217 {dimension_numbers = #tpu.dot_dimension_numbers<[1], [0], [0], [1], [0, 0, 1, 1], [], []>, transpose_lhs_hint = false} : vector<1x32xf32>, vector<32x64xf32>, vector<1x64xf32> -> vector<1x64xf32>
    %get3A_219 = arith.constant 0 : index
    %get3A_220 = arith.constant 0 : index
    %get3A_221 = vector.load %arg2[%get3A_219, %get3A_220] : memref<1x64xf32, #tpu.memory_space<vmem>>, vector<1x64xf32>
    %add3A_222 = arith.addf %dot_general3A_218, %get3A_221 : vector<1x64xf32>
    %get3A_223 = arith.constant 0 : index
    %get3A_224 = arith.constant 0 : index
    %get3A_225 = vector.load %arg3[%get3A_223, %get3A_224] : memref<16x64xf32, #tpu.memory_space<vmem>>, vector<16x64xf32>
    %dot_general3A_226 = arith.constant dense<0.000000e+00> : vector<1x64xf32>
    %dot_general3A_227 = tpu.matmul %mul3A_187, %get3A_225, %dot_general3A_226 {dimension_numbers = #tpu.dot_dimension_numbers<[1], [0], [0], [1], [0, 0, 1, 1], [], []>, transpose_lhs_hint = false} : vector<1x16xf32>, vector<16x64xf32>, vector<1x64xf32> -> vector<1x64xf32>
    %add3A_228 = arith.addf %add3A_222, %dot_general3A_227 : vector<1x64xf32>
    %get3A_229 = arith.constant 0 : index
    %get3A_230 = arith.constant 0 : index
    %get3A_231 = vector.load %arg4[%get3A_229, %get3A_230] : memref<1x64xf32, #tpu.memory_space<vmem>>, vector<1x64xf32>
    %add3A_232 = arith.addf %add3A_228, %get3A_231 : vector<1x64xf32>
    %slice3A_233 = vector.extract_strided_slice %add3A_232 {offsets = [0, 0], sizes = [1, 16], strides = [1, 1]} : vector<1x64xf32> to vector<1x16xf32>
    %logistic3A_234 = arith.negf %slice3A_233 : vector<1x16xf32>
    %logistic3A_235 = math.exp %logistic3A_234 : vector<1x16xf32>
    %logistic3A_236 = arith.constant 1.000000e+00 : f32
    %logistic3A_237 = vector.broadcast %logistic3A_236 : f32 to vector<1x16xf32>
    %logistic3A_238 = arith.addf %logistic3A_237, %logistic3A_235 : vector<1x16xf32>
    %logistic3A_239 = arith.divf %logistic3A_237, %logistic3A_238 : vector<1x16xf32>
    %slice3A_240 = vector.extract_strided_slice %add3A_232 {offsets = [0, 16], sizes = [1, 16], strides = [1, 1]} : vector<1x64xf32> to vector<1x16xf32>
    %logistic3A_241 = arith.negf %slice3A_240 : vector<1x16xf32>
    %logistic3A_242 = math.exp %logistic3A_241 : vector<1x16xf32>
    %logistic3A_243 = arith.constant 1.000000e+00 : f32
    %logistic3A_244 = vector.broadcast %logistic3A_243 : f32 to vector<1x16xf32>
    %logistic3A_245 = arith.addf %logistic3A_244, %logistic3A_242 : vector<1x16xf32>
    %logistic3A_246 = arith.divf %logistic3A_244, %logistic3A_245 : vector<1x16xf32>
    %slice3A_247 = vector.extract_strided_slice %add3A_232 {offsets = [0, 32], sizes = [1, 16], strides = [1, 1]} : vector<1x64xf32> to vector<1x16xf32>
    %tanh3A_248 = math.tanh %slice3A_247 : vector<1x16xf32>
    %slice3A_249 = vector.extract_strided_slice %add3A_232 {offsets = [0, 48], sizes = [1, 16], strides = [1, 1]} : vector<1x64xf32> to vector<1x16xf32>
    %logistic3A_250 = arith.negf %slice3A_249 : vector<1x16xf32>
    %logistic3A_251 = math.exp %logistic3A_250 : vector<1x16xf32>
    %logistic3A_252 = arith.constant 1.000000e+00 : f32
    %logistic3A_253 = vector.broadcast %logistic3A_252 : f32 to vector<1x16xf32>
    %logistic3A_254 = arith.addf %logistic3A_253, %logistic3A_251 : vector<1x16xf32>
    %logistic3A_255 = arith.divf %logistic3A_253, %logistic3A_254 : vector<1x16xf32>
    %mul3A_256 = arith.mulf %logistic3A_246, %add3A_185 : vector<1x16xf32>
    %mul3A_257 = arith.mulf %logistic3A_239, %tanh3A_248 : vector<1x16xf32>
    %add3A_258 = arith.addf %mul3A_256, %mul3A_257 : vector<1x16xf32>
    %tanh3A_259 = math.tanh %add3A_258 : vector<1x16xf32>
    %mul3A_260 = arith.mulf %logistic3A_255, %tanh3A_259 : vector<1x16xf32>
    %mul3A_261 = vector.broadcast %mul3A_260 : vector<1x16xf32> to vector<10000x16xf32>
    %mul3A_262 = arith.mulf %get3A_1, %mul3A_261 : vector<10000x16xf32>
    %reduce_sum3A_263 = arith.constant dense<0.000000e+00> : vector<10000xf32>
    %reduce_sum3A_264 = vector.multi_reduction <add>, %mul3A_262, %reduce_sum3A_263 [1] : vector<10000x16xf32> to vector<10000xf32>
    %broadcast_in_dim3A_265 = vector.shape_cast %reduce_sum3A_264 : vector<10000xf32> to vector<10000x1xf32>
    %reduce_max3A_266 = vector.shape_cast %broadcast_in_dim3A_265 : vector<10000x1xf32> to vector<1x10000x1xf32>
    %reduce_max3A_267 = arith.constant dense<0xFF800000> : vector<1xf32>
    %reduce_max3A_268 = vector.multi_reduction <maximumf>, %reduce_max3A_266, %reduce_max3A_267 [1, 2] : vector<1x10000x1xf32> to vector<1xf32>
    %reduce_max3A_269 = vector.shape_cast %reduce_max3A_268 : vector<1xf32> to vector<1x1x1xf32>
    %reduce_max3A_270 = vector.extract %reduce_max3A_269[0, 0, 0] : f32 from vector<1x1x1xf32>
    %sub3A_271 = vector.broadcast %reduce_max3A_270 : f32 to vector<10000x1xf32>
    %sub3A_272 = arith.subf %broadcast_in_dim3A_265, %sub3A_271 : vector<10000x1xf32>
    %exp3A_273 = math.exp %sub3A_272 : vector<10000x1xf32>
    %reduce_sum3A_274 = vector.shape_cast %exp3A_273 : vector<10000x1xf32> to vector<1x10000x1xf32>
    %reduce_sum3A_275 = arith.constant dense<0.000000e+00> : vector<1xf32>
    %reduce_sum3A_276 = vector.multi_reduction <add>, %reduce_sum3A_274, %reduce_sum3A_275 [1, 2] : vector<1x10000x1xf32> to vector<1xf32>
    %reduce_sum3A_277 = vector.shape_cast %reduce_sum3A_276 : vector<1xf32> to vector<1x1x1xf32>
    %reduce_sum3A_278 = vector.extract %reduce_sum3A_277[0, 0, 0] : f32 from vector<1x1x1xf32>
    %mul3A_279 = vector.broadcast %exp3A_273 : vector<10000x1xf32> to vector<10000x16xf32>
    %mul3A_280 = arith.mulf %mul3A_279, %get3A_1 : vector<10000x16xf32>
    %reduce_sum3A_281 = arith.constant dense<0.000000e+00> : vector<16xf32>
    %reduce_sum3A_282 = vector.multi_reduction <add>, %mul3A_280, %reduce_sum3A_281 [0] : vector<10000x16xf32> to vector<16xf32>
    %broadcast_in_dim3A_283 = vector.shape_cast %reduce_sum3A_282 : vector<16xf32> to vector<1x16xf32>
    %div3A_284 = vector.broadcast %reduce_sum3A_278 : f32 to vector<1x16xf32>
    %div3A_285 = arith.divf %broadcast_in_dim3A_283, %div3A_284 : vector<1x16xf32>
    %concatenate3A_286 = tpu.concatenate %mul3A_260, %div3A_285 in 1 : vector<1x16xf32>, vector<1x16xf32> -> vector<1x32xf32>
    %get3A_287 = arith.constant 0 : index
    %get3A_288 = arith.constant 0 : index
    %get3A_289 = vector.load %arg1[%get3A_287, %get3A_288] : memref<32x64xf32, #tpu.memory_space<vmem>>, vector<32x64xf32>
    %dot_general3A_290 = arith.constant dense<0.000000e+00> : vector<1x64xf32>
    %dot_general3A_291 = tpu.matmul %concatenate3A_286, %get3A_289, %dot_general3A_290 {dimension_numbers = #tpu.dot_dimension_numbers<[1], [0], [0], [1], [0, 0, 1, 1], [], []>, transpose_lhs_hint = false} : vector<1x32xf32>, vector<32x64xf32>, vector<1x64xf32> -> vector<1x64xf32>
    %get3A_292 = arith.constant 0 : index
    %get3A_293 = arith.constant 0 : index
    %get3A_294 = vector.load %arg2[%get3A_292, %get3A_293] : memref<1x64xf32, #tpu.memory_space<vmem>>, vector<1x64xf32>
    %add3A_295 = arith.addf %dot_general3A_291, %get3A_294 : vector<1x64xf32>
    %get3A_296 = arith.constant 0 : index
    %get3A_297 = arith.constant 0 : index
    %get3A_298 = vector.load %arg3[%get3A_296, %get3A_297] : memref<16x64xf32, #tpu.memory_space<vmem>>, vector<16x64xf32>
    %dot_general3A_299 = arith.constant dense<0.000000e+00> : vector<1x64xf32>
    %dot_general3A_300 = tpu.matmul %mul3A_260, %get3A_298, %dot_general3A_299 {dimension_numbers = #tpu.dot_dimension_numbers<[1], [0], [0], [1], [0, 0, 1, 1], [], []>, transpose_lhs_hint = false} : vector<1x16xf32>, vector<16x64xf32>, vector<1x64xf32> -> vector<1x64xf32>
    %add3A_301 = arith.addf %add3A_295, %dot_general3A_300 : vector<1x64xf32>
    %get3A_302 = arith.constant 0 : index
    %get3A_303 = arith.constant 0 : index
    %get3A_304 = vector.load %arg4[%get3A_302, %get3A_303] : memref<1x64xf32, #tpu.memory_space<vmem>>, vector<1x64xf32>
    %add3A_305 = arith.addf %add3A_301, %get3A_304 : vector<1x64xf32>
    %slice3A_306 = vector.extract_strided_slice %add3A_305 {offsets = [0, 0], sizes = [1, 16], strides = [1, 1]} : vector<1x64xf32> to vector<1x16xf32>
    %logistic3A_307 = arith.negf %slice3A_306 : vector<1x16xf32>
    %logistic3A_308 = math.exp %logistic3A_307 : vector<1x16xf32>
    %logistic3A_309 = arith.constant 1.000000e+00 : f32
    %logistic3A_310 = vector.broadcast %logistic3A_309 : f32 to vector<1x16xf32>
    %logistic3A_311 = arith.addf %logistic3A_310, %logistic3A_308 : vector<1x16xf32>
    %logistic3A_312 = arith.divf %logistic3A_310, %logistic3A_311 : vector<1x16xf32>
    %slice3A_313 = vector.extract_strided_slice %add3A_305 {offsets = [0, 16], sizes = [1, 16], strides = [1, 1]} : vector<1x64xf32> to vector<1x16xf32>
    %logistic3A_314 = arith.negf %slice3A_313 : vector<1x16xf32>
    %logistic3A_315 = math.exp %logistic3A_314 : vector<1x16xf32>
    %logistic3A_316 = arith.constant 1.000000e+00 : f32
    %logistic3A_317 = vector.broadcast %logistic3A_316 : f32 to vector<1x16xf32>
    %logistic3A_318 = arith.addf %logistic3A_317, %logistic3A_315 : vector<1x16xf32>
    %logistic3A_319 = arith.divf %logistic3A_317, %logistic3A_318 : vector<1x16xf32>
    %slice3A_320 = vector.extract_strided_slice %add3A_305 {offsets = [0, 32], sizes = [1, 16], strides = [1, 1]} : vector<1x64xf32> to vector<1x16xf32>
    %tanh3A_321 = math.tanh %slice3A_320 : vector<1x16xf32>
    %slice3A_322 = vector.extract_strided_slice %add3A_305 {offsets = [0, 48], sizes = [1, 16], strides = [1, 1]} : vector<1x64xf32> to vector<1x16xf32>
    %logistic3A_323 = arith.negf %slice3A_322 : vector<1x16xf32>
    %logistic3A_324 = math.exp %logistic3A_323 : vector<1x16xf32>
    %logistic3A_325 = arith.constant 1.000000e+00 : f32
    %logistic3A_326 = vector.broadcast %logistic3A_325 : f32 to vector<1x16xf32>
    %logistic3A_327 = arith.addf %logistic3A_326, %logistic3A_324 : vector<1x16xf32>
    %logistic3A_328 = arith.divf %logistic3A_326, %logistic3A_327 : vector<1x16xf32>
    %mul3A_329 = arith.mulf %logistic3A_319, %add3A_258 : vector<1x16xf32>
    %mul3A_330 = arith.mulf %logistic3A_312, %tanh3A_321 : vector<1x16xf32>
    %add3A_331 = arith.addf %mul3A_329, %mul3A_330 : vector<1x16xf32>
    %tanh3A_332 = math.tanh %add3A_331 : vector<1x16xf32>
    %mul3A_333 = arith.mulf %logistic3A_328, %tanh3A_332 : vector<1x16xf32>
    %mul3A_334 = vector.broadcast %mul3A_333 : vector<1x16xf32> to vector<10000x16xf32>
    %mul3A_335 = arith.mulf %get3A_1, %mul3A_334 : vector<10000x16xf32>
    %reduce_sum3A_336 = arith.constant dense<0.000000e+00> : vector<10000xf32>
    %reduce_sum3A_337 = vector.multi_reduction <add>, %mul3A_335, %reduce_sum3A_336 [1] : vector<10000x16xf32> to vector<10000xf32>
    %broadcast_in_dim3A_338 = vector.shape_cast %reduce_sum3A_337 : vector<10000xf32> to vector<10000x1xf32>
    %reduce_max3A_339 = vector.shape_cast %broadcast_in_dim3A_338 : vector<10000x1xf32> to vector<1x10000x1xf32>
    %reduce_max3A_340 = arith.constant dense<0xFF800000> : vector<1xf32>
    %reduce_max3A_341 = vector.multi_reduction <maximumf>, %reduce_max3A_339, %reduce_max3A_340 [1, 2] : vector<1x10000x1xf32> to vector<1xf32>
    %reduce_max3A_342 = vector.shape_cast %reduce_max3A_341 : vector<1xf32> to vector<1x1x1xf32>
    %reduce_max3A_343 = vector.extract %reduce_max3A_342[0, 0, 0] : f32 from vector<1x1x1xf32>
    %sub3A_344 = vector.broadcast %reduce_max3A_343 : f32 to vector<10000x1xf32>
    %sub3A_345 = arith.subf %broadcast_in_dim3A_338, %sub3A_344 : vector<10000x1xf32>
    %exp3A_346 = math.exp %sub3A_345 : vector<10000x1xf32>
    %reduce_sum3A_347 = vector.shape_cast %exp3A_346 : vector<10000x1xf32> to vector<1x10000x1xf32>
    %reduce_sum3A_348 = arith.constant dense<0.000000e+00> : vector<1xf32>
    %reduce_sum3A_349 = vector.multi_reduction <add>, %reduce_sum3A_347, %reduce_sum3A_348 [1, 2] : vector<1x10000x1xf32> to vector<1xf32>
    %reduce_sum3A_350 = vector.shape_cast %reduce_sum3A_349 : vector<1xf32> to vector<1x1x1xf32>
    %reduce_sum3A_351 = vector.extract %reduce_sum3A_350[0, 0, 0] : f32 from vector<1x1x1xf32>
    %mul3A_352 = vector.broadcast %exp3A_346 : vector<10000x1xf32> to vector<10000x16xf32>
    %mul3A_353 = arith.mulf %mul3A_352, %get3A_1 : vector<10000x16xf32>
    %reduce_sum3A_354 = arith.constant dense<0.000000e+00> : vector<16xf32>
    %reduce_sum3A_355 = vector.multi_reduction <add>, %mul3A_353, %reduce_sum3A_354 [0] : vector<10000x16xf32> to vector<16xf32>
    %broadcast_in_dim3A_356 = vector.shape_cast %reduce_sum3A_355 : vector<16xf32> to vector<1x16xf32>
    %div3A_357 = vector.broadcast %reduce_sum3A_351 : f32 to vector<1x16xf32>
    %div3A_358 = arith.divf %broadcast_in_dim3A_356, %div3A_357 : vector<1x16xf32>
    %concatenate3A_359 = tpu.concatenate %mul3A_333, %div3A_358 in 1 : vector<1x16xf32>, vector<1x16xf32> -> vector<1x32xf32>
    %get3A_360 = arith.constant 0 : index
    %get3A_361 = arith.constant 0 : index
    %get3A_362 = vector.load %arg1[%get3A_360, %get3A_361] : memref<32x64xf32, #tpu.memory_space<vmem>>, vector<32x64xf32>
    %dot_general3A_363 = arith.constant dense<0.000000e+00> : vector<1x64xf32>
    %dot_general3A_364 = tpu.matmul %concatenate3A_359, %get3A_362, %dot_general3A_363 {dimension_numbers = #tpu.dot_dimension_numbers<[1], [0], [0], [1], [0, 0, 1, 1], [], []>, transpose_lhs_hint = false} : vector<1x32xf32>, vector<32x64xf32>, vector<1x64xf32> -> vector<1x64xf32>
    %get3A_365 = arith.constant 0 : index
    %get3A_366 = arith.constant 0 : index
    %get3A_367 = vector.load %arg2[%get3A_365, %get3A_366] : memref<1x64xf32, #tpu.memory_space<vmem>>, vector<1x64xf32>
    %add3A_368 = arith.addf %dot_general3A_364, %get3A_367 : vector<1x64xf32>
    %get3A_369 = arith.constant 0 : index
    %get3A_370 = arith.constant 0 : index
    %get3A_371 = vector.load %arg3[%get3A_369, %get3A_370] : memref<16x64xf32, #tpu.memory_space<vmem>>, vector<16x64xf32>
    %dot_general3A_372 = arith.constant dense<0.000000e+00> : vector<1x64xf32>
    %dot_general3A_373 = tpu.matmul %mul3A_333, %get3A_371, %dot_general3A_372 {dimension_numbers = #tpu.dot_dimension_numbers<[1], [0], [0], [1], [0, 0, 1, 1], [], []>, transpose_lhs_hint = false} : vector<1x16xf32>, vector<16x64xf32>, vector<1x64xf32> -> vector<1x64xf32>
    %add3A_374 = arith.addf %add3A_368, %dot_general3A_373 : vector<1x64xf32>
    %get3A_375 = arith.constant 0 : index
    %get3A_376 = arith.constant 0 : index
    %get3A_377 = vector.load %arg4[%get3A_375, %get3A_376] : memref<1x64xf32, #tpu.memory_space<vmem>>, vector<1x64xf32>
    %add3A_378 = arith.addf %add3A_374, %get3A_377 : vector<1x64xf32>
    %slice3A_379 = vector.extract_strided_slice %add3A_378 {offsets = [0, 0], sizes = [1, 16], strides = [1, 1]} : vector<1x64xf32> to vector<1x16xf32>
    %logistic3A_380 = arith.negf %slice3A_379 : vector<1x16xf32>
    %logistic3A_381 = math.exp %logistic3A_380 : vector<1x16xf32>
    %logistic3A_382 = arith.constant 1.000000e+00 : f32
    %logistic3A_383 = vector.broadcast %logistic3A_382 : f32 to vector<1x16xf32>
    %logistic3A_384 = arith.addf %logistic3A_383, %logistic3A_381 : vector<1x16xf32>
    %logistic3A_385 = arith.divf %logistic3A_383, %logistic3A_384 : vector<1x16xf32>
    %slice3A_386 = vector.extract_strided_slice %add3A_378 {offsets = [0, 16], sizes = [1, 16], strides = [1, 1]} : vector<1x64xf32> to vector<1x16xf32>
    %logistic3A_387 = arith.negf %slice3A_386 : vector<1x16xf32>
    %logistic3A_388 = math.exp %logistic3A_387 : vector<1x16xf32>
    %logistic3A_389 = arith.constant 1.000000e+00 : f32
    %logistic3A_390 = vector.broadcast %logistic3A_389 : f32 to vector<1x16xf32>
    %logistic3A_391 = arith.addf %logistic3A_390, %logistic3A_388 : vector<1x16xf32>
    %logistic3A_392 = arith.divf %logistic3A_390, %logistic3A_391 : vector<1x16xf32>
    %slice3A_393 = vector.extract_strided_slice %add3A_378 {offsets = [0, 32], sizes = [1, 16], strides = [1, 1]} : vector<1x64xf32> to vector<1x16xf32>
    %tanh3A_394 = math.tanh %slice3A_393 : vector<1x16xf32>
    %slice3A_395 = vector.extract_strided_slice %add3A_378 {offsets = [0, 48], sizes = [1, 16], strides = [1, 1]} : vector<1x64xf32> to vector<1x16xf32>
    %logistic3A_396 = arith.negf %slice3A_395 : vector<1x16xf32>
    %logistic3A_397 = math.exp %logistic3A_396 : vector<1x16xf32>
    %logistic3A_398 = arith.constant 1.000000e+00 : f32
    %logistic3A_399 = vector.broadcast %logistic3A_398 : f32 to vector<1x16xf32>
    %logistic3A_400 = arith.addf %logistic3A_399, %logistic3A_397 : vector<1x16xf32>
    %logistic3A_401 = arith.divf %logistic3A_399, %logistic3A_400 : vector<1x16xf32>
    %mul3A_402 = arith.mulf %logistic3A_392, %add3A_331 : vector<1x16xf32>
    %mul3A_403 = arith.mulf %logistic3A_385, %tanh3A_394 : vector<1x16xf32>
    %add3A_404 = arith.addf %mul3A_402, %mul3A_403 : vector<1x16xf32>
    %tanh3A_405 = math.tanh %add3A_404 : vector<1x16xf32>
    %mul3A_406 = arith.mulf %logistic3A_401, %tanh3A_405 : vector<1x16xf32>
    %mul3A_407 = vector.broadcast %mul3A_406 : vector<1x16xf32> to vector<10000x16xf32>
    %mul3A_408 = arith.mulf %get3A_1, %mul3A_407 : vector<10000x16xf32>
    %reduce_sum3A_409 = arith.constant dense<0.000000e+00> : vector<10000xf32>
    %reduce_sum3A_410 = vector.multi_reduction <add>, %mul3A_408, %reduce_sum3A_409 [1] : vector<10000x16xf32> to vector<10000xf32>
    %broadcast_in_dim3A_411 = vector.shape_cast %reduce_sum3A_410 : vector<10000xf32> to vector<10000x1xf32>
    %reduce_max3A_412 = vector.shape_cast %broadcast_in_dim3A_411 : vector<10000x1xf32> to vector<1x10000x1xf32>
    %reduce_max3A_413 = arith.constant dense<0xFF800000> : vector<1xf32>
    %reduce_max3A_414 = vector.multi_reduction <maximumf>, %reduce_max3A_412, %reduce_max3A_413 [1, 2] : vector<1x10000x1xf32> to vector<1xf32>
    %reduce_max3A_415 = vector.shape_cast %reduce_max3A_414 : vector<1xf32> to vector<1x1x1xf32>
    %reduce_max3A_416 = vector.extract %reduce_max3A_415[0, 0, 0] : f32 from vector<1x1x1xf32>
    %sub3A_417 = vector.broadcast %reduce_max3A_416 : f32 to vector<10000x1xf32>
    %sub3A_418 = arith.subf %broadcast_in_dim3A_411, %sub3A_417 : vector<10000x1xf32>
    %exp3A_419 = math.exp %sub3A_418 : vector<10000x1xf32>
    %reduce_sum3A_420 = vector.shape_cast %exp3A_419 : vector<10000x1xf32> to vector<1x10000x1xf32>
    %reduce_sum3A_421 = arith.constant dense<0.000000e+00> : vector<1xf32>
    %reduce_sum3A_422 = vector.multi_reduction <add>, %reduce_sum3A_420, %reduce_sum3A_421 [1, 2] : vector<1x10000x1xf32> to vector<1xf32>
    %reduce_sum3A_423 = vector.shape_cast %reduce_sum3A_422 : vector<1xf32> to vector<1x1x1xf32>
    %reduce_sum3A_424 = vector.extract %reduce_sum3A_423[0, 0, 0] : f32 from vector<1x1x1xf32>
    %mul3A_425 = vector.broadcast %exp3A_419 : vector<10000x1xf32> to vector<10000x16xf32>
    %mul3A_426 = arith.mulf %mul3A_425, %get3A_1 : vector<10000x16xf32>
    %reduce_sum3A_427 = arith.constant dense<0.000000e+00> : vector<16xf32>
    %reduce_sum3A_428 = vector.multi_reduction <add>, %mul3A_426, %reduce_sum3A_427 [0] : vector<10000x16xf32> to vector<16xf32>
    %broadcast_in_dim3A_429 = vector.shape_cast %reduce_sum3A_428 : vector<16xf32> to vector<1x16xf32>
    %div3A_430 = vector.broadcast %reduce_sum3A_424 : f32 to vector<1x16xf32>
    %div3A_431 = arith.divf %broadcast_in_dim3A_429, %div3A_430 : vector<1x16xf32>
    %concatenate3A_432 = tpu.concatenate %mul3A_406, %div3A_431 in 1 : vector<1x16xf32>, vector<1x16xf32> -> vector<1x32xf32>
    %get3A_433 = arith.constant 0 : index
    %get3A_434 = arith.constant 0 : index
    %get3A_435 = vector.load %arg5[%get3A_433, %get3A_434] : memref<32x64xf32, #tpu.memory_space<vmem>>, vector<32x64xf32>
    %dot_general3A_436 = arith.constant dense<0.000000e+00> : vector<1x64xf32>
    %dot_general3A_437 = tpu.matmul %concatenate3A_432, %get3A_435, %dot_general3A_436 {dimension_numbers = #tpu.dot_dimension_numbers<[1], [0], [0], [1], [0, 0, 1, 1], [], []>, transpose_lhs_hint = false} : vector<1x32xf32>, vector<32x64xf32>, vector<1x64xf32> -> vector<1x64xf32>
    %get3A_438 = arith.constant 0 : index
    %get3A_439 = arith.constant 0 : index
    %get3A_440 = vector.load %arg6[%get3A_438, %get3A_439] : memref<1x64xf32, #tpu.memory_space<vmem>>, vector<1x64xf32>
    %add3A_441 = arith.addf %dot_general3A_437, %get3A_440 : vector<1x64xf32>
    %slice3A_442 = vector.extract_strided_slice %add3A_441 {offsets = [0, 0], sizes = [1, 16], strides = [1, 1]} : vector<1x64xf32> to vector<1x16xf32>
    %logistic3A_443 = arith.negf %slice3A_442 : vector<1x16xf32>
    %logistic3A_444 = math.exp %logistic3A_443 : vector<1x16xf32>
    %logistic3A_445 = arith.constant 1.000000e+00 : f32
    %logistic3A_446 = vector.broadcast %logistic3A_445 : f32 to vector<1x16xf32>
    %logistic3A_447 = arith.addf %logistic3A_446, %logistic3A_444 : vector<1x16xf32>
    %logistic3A_448 = arith.divf %logistic3A_446, %logistic3A_447 : vector<1x16xf32>
    %slice3A_449 = vector.extract_strided_slice %add3A_441 {offsets = [0, 32], sizes = [1, 16], strides = [1, 1]} : vector<1x64xf32> to vector<1x16xf32>
    %tanh3A_450 = math.tanh %slice3A_449 : vector<1x16xf32>
    %slice3A_451 = vector.extract_strided_slice %add3A_441 {offsets = [0, 48], sizes = [1, 16], strides = [1, 1]} : vector<1x64xf32> to vector<1x16xf32>
    %logistic3A_452 = arith.negf %slice3A_451 : vector<1x16xf32>
    %logistic3A_453 = math.exp %logistic3A_452 : vector<1x16xf32>
    %logistic3A_454 = arith.constant 1.000000e+00 : f32
    %logistic3A_455 = vector.broadcast %logistic3A_454 : f32 to vector<1x16xf32>
    %logistic3A_456 = arith.addf %logistic3A_455, %logistic3A_453 : vector<1x16xf32>
    %logistic3A_457 = arith.divf %logistic3A_455, %logistic3A_456 : vector<1x16xf32>
    %mul3A_458 = arith.mulf %logistic3A_448, %tanh3A_450 : vector<1x16xf32>
    %tanh3A_459 = math.tanh %mul3A_458 : vector<1x16xf32>
    %mul3A_460 = arith.mulf %logistic3A_457, %tanh3A_459 : vector<1x16xf32>
    %swap3A = arith.constant 0 : index
    %swap3A_461 = arith.constant 0 : index
    %swap3A_462 = vector.load %arg7[%swap3A, %swap3A_461] : memref<1x16xf32, #tpu.memory_space<vmem>>, vector<1x16xf32>
    tpu.vector_store %arg7[%swap3A, %swap3A_461], %mul3A_460 {strides = array<i32>} : memref<1x16xf32, #tpu.memory_space<vmem>>, vector<1x16xf32>,
    %swap3A_463 = arith.constant 0 : index
    %swap3A_464 = arith.constant 0 : index
    %swap3A_465 = vector.load %arg8[%swap3A_463, %swap3A_464] : memref<1x16xf32, #tpu.memory_space<vmem>>, vector<1x16xf32>
    tpu.vector_store %arg8[%swap3A_463, %swap3A_464], %mul3A_458 {strides = array<i32>} : memref<1x16xf32, #tpu.memory_space<vmem>>, vector<1x16xf32>,
    return
  }
}

module attributes {stable_mosaic.version = 14 : i64} {
  func.func @_mlp_body(%arg0: memref<1024x64xf32, #tpu.memory_space<vmem>>, %arg1: memref<1024x1xf32, #tpu.memory_space<vmem>>, %arg2: memref<64x16xf32, #tpu.memory_space<vmem>>, %arg3: memref<1x16xf32, #tpu.memory_space<vmem>>, %arg4: memref<1x16xf32, #tpu.memory_space<vmem>>, %arg5: memref<16x6xf32, #tpu.memory_space<vmem>>, %arg6: memref<1x6xf32, #tpu.memory_space<vmem>>, %arg7: memref<1024x6xf32, #tpu.memory_space<vmem>>) attributes {dimension_semantics = [], scalar_prefetch = 0 : i64, scratch_operands = 0 : i64, tpu.core_type = #tpu.core_type<tc>} {
    %get3A = arith.constant 0 : index
    %get3A_0 = arith.constant 0 : index
    %get3A_1 = vector.load %arg0[%get3A, %get3A_0] : memref<1024x64xf32, #tpu.memory_space<vmem>>, vector<1024x64xf32>
    %get3A_2 = arith.constant 0 : index
    %get3A_3 = arith.constant 0 : index
    %get3A_4 = vector.load %arg2[%get3A_2, %get3A_3] : memref<64x16xf32, #tpu.memory_space<vmem>>, vector<64x16xf32>
    %dot_general3A = arith.constant dense<0.000000e+00> : vector<1024x16xf32>
    %dot_general3A_5 = tpu.matmul %get3A_1, %get3A_4, %dot_general3A {dimension_numbers = #tpu.dot_dimension_numbers<[1], [0], [0], [1], [0, 0, 1, 1], [], []>, transpose_lhs_hint = false} : vector<1024x64xf32>, vector<64x16xf32>, vector<1024x16xf32> -> vector<1024x16xf32>
    %get3A_6 = arith.constant 0 : index
    %get3A_7 = arith.constant 0 : index
    %get3A_8 = vector.load %arg1[%get3A_6, %get3A_7] : memref<1024x1xf32, #tpu.memory_space<vmem>>, vector<1024x1xf32>
    %get3A_9 = arith.constant 0 : index
    %get3A_10 = arith.constant 0 : index
    %get3A_11 = vector.load %arg3[%get3A_9, %get3A_10] : memref<1x16xf32, #tpu.memory_space<vmem>>, vector<1x16xf32>
    %mul3A = vector.broadcast %get3A_8 : vector<1024x1xf32> to vector<1024x16xf32>
    %mul3A_12 = vector.broadcast %get3A_11 : vector<1x16xf32> to vector<1024x16xf32>
    %mul3A_13 = arith.mulf %mul3A, %mul3A_12 : vector<1024x16xf32>
    %add3A = arith.addf %dot_general3A_5, %mul3A_13 : vector<1024x16xf32>
    %get3A_14 = arith.constant 0 : index
    %get3A_15 = arith.constant 0 : index
    %get3A_16 = vector.load %arg4[%get3A_14, %get3A_15] : memref<1x16xf32, #tpu.memory_space<vmem>>, vector<1x16xf32>
    %add3A_17 = vector.broadcast %get3A_16 : vector<1x16xf32> to vector<1024x16xf32>
    %add3A_18 = arith.addf %add3A, %add3A_17 : vector<1024x16xf32>
    %max3A = arith.constant 0.000000e+00 : f32
    %max3A_19 = vector.broadcast %max3A : f32 to vector<1024x16xf32>
    %max3A_20 = arith.maximumf %add3A_18, %max3A_19 : vector<1024x16xf32>
    %get3A_21 = arith.constant 0 : index
    %get3A_22 = arith.constant 0 : index
    %get3A_23 = vector.load %arg5[%get3A_21, %get3A_22] : memref<16x6xf32, #tpu.memory_space<vmem>>, vector<16x6xf32>
    %dot_general3A_24 = arith.constant dense<0.000000e+00> : vector<1024x6xf32>
    %dot_general3A_25 = tpu.matmul %max3A_20, %get3A_23, %dot_general3A_24 {dimension_numbers = #tpu.dot_dimension_numbers<[1], [0], [0], [1], [0, 0, 1, 1], [], []>, transpose_lhs_hint = false} : vector<1024x16xf32>, vector<16x6xf32>, vector<1024x6xf32> -> vector<1024x6xf32>
    %get3A_26 = arith.constant 0 : index
    %get3A_27 = arith.constant 0 : index
    %get3A_28 = vector.load %arg6[%get3A_26, %get3A_27] : memref<1x6xf32, #tpu.memory_space<vmem>>, vector<1x6xf32>
    %add3A_29 = vector.broadcast %get3A_28 : vector<1x6xf32> to vector<1024x6xf32>
    %add3A_30 = arith.addf %dot_general3A_25, %add3A_29 : vector<1024x6xf32>
    %swap3A = arith.constant 0 : index
    %swap3A_31 = arith.constant 0 : index
    %swap3A_32 = vector.load %arg7[%swap3A, %swap3A_31] : memref<1024x6xf32, #tpu.memory_space<vmem>>, vector<1024x6xf32>
    tpu.vector_store %arg7[%swap3A, %swap3A_31], %add3A_30 {strides = array<i32>} : memref<1024x6xf32, #tpu.memory_space<vmem>>, vector<1024x6xf32>,
    return
  }
}

</mosaic_0001>

<sc_bundles>
// kernel: gather_offload_async_start
scs
__scs_entry_jumppad:
0x0: {  	(pc) =	sbr.rel $0x88, $3  }
0x1: {  	(tag) =	ssettag $0x0;
	lr =	simm.s32 $0x1  }
0x2: {  	[smem:$0x3F86] =	sst lr;
	_ =	strace $0xD0000000  }
0x3: {  	_ = 	snop  }
0x4: {  	_ = 	snop  }
0x5: {  	_ = 	snop  }
0x6: {  	_ = 	snop  }
0x7: {  	_ = 	snop  }
__scs_overlays_trampoline_lowered:
0x8: {  	[smem:$0x3F95] =	sst s0  }
0x9: {  	[smem:$0x3F96] =	sst s1  }
0xa: {  	[smem:$0x3F97] =	sst s2  }
0xb: {  	[smem:$0x3F98] =	sst s3  }
0xc: {  	[smem:$0x3F99] =	sst s4  }
0xd: {  	[smem:$0x3F9A] =	sst s5  }
0xe: {  	[smem:$0x3F9B] =	sst s6  }
0xf: {  	[smem:$0x3F9C] =	sst s7  }
0x10: {  	[smem:$0x3F9D] =	sst s8  }
0x11: {  	[smem:$0x3F9E] =	sst s9;
	s0 =	simm.s32 @!p0 $0x0  }
0x12: {  	s1 =	sld [smem:$0x3F84];
	s0 =	simm.s32 @p0 $0x1  }
0x13: {  	[smem:$0x3F9F] =	sst s0;
	s0 =	simm.s32 @!p1 $0x0  }
0x14: {  	s2 =	sld [smem:$0x3F83];
	s0 =	simm.s32 @p1 $0x1  }
0x15: {  	[smem:$0x3FA0] =	sst s0;
	s0 =	simm.s32 @!p2 $0x0  }
0x16: {  	s3 =	sld [smem:$0x3FDB];
	s0 =	simm.s32 @p2 $0x1  }
0x17: {  	s4 =	simm.s32 $0x1BF5;
	[smem:$0x3FA2] =	sst s0  }
0x18: {  	s0 =	sld [smem:$0x3F85];
	_ =	swait.ge [sflag:s4], $0x0  }
0x19: {  	s7 =	sld [smem:$0x3F86]  }
0x1a: {  	s8 =	sadd.s32 $0xFFFFE003, lr  }
0x1b: {  	s9 =	sadd.s32 $0xFFFFFEF7, lr;
	s5 =	simm.s32 $0xFFFFFFFF;
	p2 =	slt.u32 s8, $0xFFFFF086  }
0x1c: {  	p1 =	slt.u32 s9, $0xF7A;
	s5 =	simm.s32 @!p2 $0x0  }
0x1d: {  	s5 =	simm.s32 @p1 $0x1;
	p0 =	seq.s32 s7, s2  }
0x1e: {  	s7 =	smul.u32 @!p0 $0xF7A, s2;
	p2 =	seq.s32 @!p0 s5, $0x0  }
0x1f: {  	s9 =	smul.u32 $0xF7A, s1;
	s8 =	simm.s32 @!p0 $0x1BF5;
	p2 =	por !p2, p0  }
0x20: {  	[sflag:s8] =	ssyncset.s32 @!p0 $0xFFFFF086;
	s6 =	sadd.s32 @!p0 s3, s7;
	s7 =	simm.s32 @!p0 $0x108  }
0x21: {  	s3 =	sadd.s32 s3, s9;
	s6 =	sadd.s32 @!p0 $0x88, s6;
	s7 =	simm.s32 @p2 $0x1082  }
0x22: {  	[simem:s7], [sflag:s8] =	dma.local @!p0 [hbm:s6], $0xF7A  }
0x23: {  	s9 =	sor.u32 $0xD0000000, s2;
	s6 =	simm.s32 $0x108;
	_ =	swait.ge @!p0 [sflag:s8], $0x0  }
0x24: {  	s3 =	sadd.s32 $0x88, s3;
	s6 =	simm.s32 @!p1 $0x1082;
	[sflag:s4] =	ssyncset.s32 $0xFFFFF086  }
0x25: {  	[simem:s6], [sflag:s4] =	dma.local [hbm:s3], $0xF7A  }
0x26: {  	[smem:$0x3F86] =	sst s1;
	(tag) =	ssettag s2;
	_ =	strace s9  }
0x27: {  	s1 =	sld [smem:$0x3F96]  }
0x28: {  	s2 =	sld [smem:$0x3F97]  }
0x29: {  	s4 =	sld [smem:$0x3F99]  }
0x2a: {  	p0 =	seq.s32 s5, $0x0;
	s5 =	sld [smem:$0x3F9A]  }
0x2b: {  	s6 =	sld [smem:$0x3F9B]  }
0x2c: {  	s7 =	sld [smem:$0x3F9C]  }
0x2d: {  	s3 =	simm.s32 $0x108;
	s8 =	sld [smem:$0x3F9D]  }
0x2e: {  	s3 =	simm.s32 @!p0 $0x1082;
	s9 =	sld [smem:$0x3F9E]  }
0x2f: {  	lr =	sadd.s32 s0, s3;
	s0 =	sld [smem:$0x3F95]  }
0x30: {  	s3 =	sld [smem:$0x3F98]  }
0x31: {  	[smem:$0x3FA1] =	sst s10  }
0x32: {  	s10 =	sld [smem:$0x3F9F];
	_ =	sdelay $0x3  }
0x33: {  	p0 =	seq.s32 s10, $0x1;
	s10 =	sld [smem:$0x3FA1];
	_ =	sdelay $0x3  }
0x34: {  	[smem:$0x3FA1] =	sst s10  }
0x35: {  	s10 =	sld [smem:$0x3FA0];
	_ =	sdelay $0x3  }
0x36: {  	p1 =	seq.s32 s10, $0x1;
	s10 =	sld [smem:$0x3FA1];
	_ =	sdelay $0x3  }
0x37: {  	[smem:$0x3FA1] =	sst s10  }
0x38: {  	s10 =	sld [smem:$0x3FA2]  }
0x39: {  	_ = 	snop;
	(pc) =	sbr.ind lr, $3  }
0x3a: {  	_ = 	snop  }
0x3b: {  	_ = 	snop  }
0x3c: {  	p2 =	seq.s32 s10, $0x1;
	s10 =	sld [smem:$0x3FA1]  }
0x3d: {  	_ =	shalt  }
0x3e: {  	_ =	shalt  }
0x3f: {  	_ =	shalt  }
0x40: {  	_ =	shalt  }
0x41: {  	_ =	shalt  }
0x42: {  	_ =	shalt  }
0x43: {  	_ =	shalt  }
0x44: {  	_ =	shalt  }
0x45: {  	_ =	shalt  }
0x46: {  	_ =	shalt  }
0x47: {  	_ =	shalt  }
0x48: {  	_ =	shalt  }
0x49: {  	_ =	shalt  }
0x4a: {  	_ =	shalt  }
0x4b: {  	_ =	shalt  }
0x4c: {  	_ =	shalt  }
0x4d: {  	_ =	shalt  }
0x4e: {  	_ =	shalt  }
0x4f: {  	_ =	shalt  }
0x50: {  	_ =	shalt  }
0x51: {  	_ =	shalt  }
0x52: {  	_ =	shalt  }
0x53: {  	_ =	shalt  }
0x54: {  	_ =	shalt  }
0x55: {  	_ =	shalt  }
0x56: {  	_ =	shalt  }
0x57: {  	_ =	shalt  }
0x58: {  	_ =	shalt  }
0x59: {  	_ =	shalt  }
0x5a: {  	_ =	shalt  }
0x5b: {  	_ =	shalt  }
0x5c: {  	_ =	shalt  }
0x5d: {  	_ =	shalt  }
0x5e: {  	_ =	shalt  }
0x5f: {  	_ =	shalt  }
0x60: {  	_ =	shalt  }
0x61: {  	_ =	shalt  }
0x62: {  	_ =	shalt  }
0x63: {  	_ =	shalt  }
0x64: {  	_ =	shalt  }
0x65: {  	_ =	shalt  }
0x66: {  	_ =	shalt  }
0x67: {  	_ =	shalt  }
0x68: {  	_ =	shalt  }
0x69: {  	_ =	shalt  }
0x6a: {  	_ =	shalt  }
0x6b: {  	_ =	shalt  }
0x6c: {  	_ =	shalt  }
0x6d: {  	_ =	shalt  }
0x6e: {  	_ =	shalt  }
0x6f: {  	_ =	shalt  }
0x70: {  	_ =	shalt  }
0x71: {  	_ =	shalt  }
0x72: {  	_ =	shalt  }
0x73: {  	_ =	shalt  }
0x74: {  	_ =	shalt  }
0x75: {  	_ =	shalt  }
0x76: {  	_ =	shalt  }
0x77: {  	_ =	shalt  }
0x78: {  	_ =	shalt  }
0x79: {  	_ =	shalt  }
0x7a: {  	_ =	shalt  }
0x7b: {  	_ =	shalt  }
0x7c: {  	_ =	shalt  }
0x7d: {  	_ =	shalt  }
0x7e: {  	_ =	shalt  }
0x7f: {  	_ =	shalt  }
0x80: {  	_ =	shalt  }
0x81: {  	_ =	shalt  }
0x82: {  	_ =	shalt  }
0x83: {  	_ =	shalt  }
0x84: {  	_ =	shalt  }
0x85: {  	_ =	shalt  }
0x86: {  	_ =	shalt  }
0x87: {  	_ =	shalt  }
.Lfunc_end0:
.L_simem_size_0:
called_computation_lowered:
.L_overlay_start_0:
0x88: {  	s2 =	sld [smem:$0x3FD9]  }
0x89: {  	s3 =	sld [smem:$0x3FFE];
	_ =	sdelay $0x1  }
0x8a: {  	s1 =	srdreg.scid  }
0x8b: {  	s0 =	sand.u32 $0x1, s1  }
0x8c: {  	s14 =	sshll.u32 s0, $0xA;
	s2 =	sadd.s32 s3, s2  }
0x8d: {  	s2 =	sadd.s32 s2, s14  }
0x8e: {  	[smem:$0x3FAD] =	sst s2  }
0x8f: {  	_ = 	snop  }
0x90: {  	s2 =	sld [smem:$0x3FD0];
	_ =	sdelay $0x2  }
0x91: {  	s15 =	simm.s32 $0xB;
	s4 =	simm.s32 $0x10  }
0x92: {  	[smem:s4], [sflag:s15] =	dma.local [hbm:s2], $0x1  }
0x93: {  	_ =	swait.eq [sflag:s15], $0x1  }
0x94: {  	[sflag:s15] =	ssyncset.done $0x0  }
0x95: {  	[sflag:s15] =	ssyncadd.s32 $0xFFFFFFFF  }
0x96: {  	s16 =	sld [smem:$0x10];
	(tm) =	ssettm $0x1  }
0x97: {  	s17 =	sld [smem:$0x3FFB];
	_ =	sdelay $0x3  }
0x98: {  	_ =	strace s17  }
0x99: {  	s3 =	sld [smem:$0x3FFC];
	_ =	sdelay $0x3  }
0x9a: {  	_ =	strace s3  }
0x9b: {  	s3 =	sld [smem:$0x3FFD];
	_ =	sdelay $0x3  }
0x9c: {  	_ =	strace s3  }
0x9d: {  	_ =	strace $0x8FFFFFFF  }
0x9e: {  	s18 =	sld [smem:$0x3FDB];
	_ =	sdelay $0x1  }
0x9f: {  	s19 =	simm.s32 $_scs_section_size  }
0xa0: {  	s5 =	simm.s32 $_size__tile_overlayer_lowered;
	s6 =	simm.s32 $_tile_overlayer_lowered  }
0xa1: {  	s22 =	simm.s32 $0x1BFF;
	s21 =	sshll.u32 s6, $0x1;
	s3 =	sadd.s32 s19, s18  }
0xa2: {  	s7 =	simm.s32 $0x0;
	s20 =	sshll.u32 s5, $0x1;
	s5 =	sadd.s32 s21, s3  }
0xa3: {  	[timem:s7], [sflag:s22] =	dma.local [hbm:s5], s20  }
0xa4: {  	_ =	swait.ge [sflag:s22], s20  }
0xa5: {  	s4 =	ssub.s32 $0x0, s20;
	[sflag:s22] =	ssyncset.done $0x0  }
0xa6: {  	[sflag:s22] =	ssyncadd.s32 s4;
	_ =	sdelay $0x1  }
0xa7: {  	s23 =	simm.s32 $0x1B8B  }
0xa8: {  	_ =	swait.ge [sflag:s23], $0x1  }
0xa9: {  	[sflag:s23] =	ssyncset.done $0x0  }
0xaa: {  	s25 =	simm.s32 $0x1B8E;
	s24 =	sld [smem:$0x3FFE];
	[sflag:s23] =	ssyncadd.s32 $0xFFFFFFFF  }
0xab: {  	s26 =	simm.s32 $execute0_lowered;
	[smem:$0x3FD2] =	sst s25  }
0xac: {  	s5 =	sshll.u32 s26, $0x1;
	_ =	strace $0x8000006D;
	[dreg:$0x1] =	wrdreg $0xFFFFFFFF  }
0xad: {  	s28 =	simm.s32 $_size_execute0_lowered;
	s3 =	sadd.s32 s3, s5;
	[dreg:$0x0] =	wrdreg $0x0  }
0xae: {  	s5 =	sshll.u32 s28, $0x1;
	[dreg:$0x2] =	wrdreg s3  }
0xaf: {  	[dreg:$0x3] =	wrdreg s5  }
0xb0: {  	[dreg:$0x4] =	wrdreg $0xC0  }
0xb1: {  	_ =	task [dreg:s7], $0x5FFFF  }
0xb2: {  	[dreg:$0x1] =	wrdreg $0xFFFFFFFF  }
0xb3: {  	[dreg:$0x0] =	wrdreg $0x60  }
0xb4: {  	[dreg:$0x2] =	wrdreg s24  }
0xb5: {  	[dreg:$0x3] =	wrdreg s16  }
0xb6: {  	[dreg:$0x4] =	wrdreg $0x9  }
0xb7: {  	_ =	task.clear_ibuf [dreg:s7], $0x5FFFF;
	_ =	strace $0x9000006D  }
0xb8: {  	s29 =	simm.s32 $0x9;
	_ =	strace $0x8000006F  }
0xb9: {  	_ =	swait.ge [sflag:s29], $0x1  }
0xba: {  	[sflag:s29] =	ssyncadd.s32 $0xFFFFFFFF  }
0xbb: {  	_ =	strace $0x9000006F  }
0xbc: {  	_ =	sfence  }
0xbd: {  	s30 =	sld [smem:$0x0];
	_ =	sdelay $0x2  }
0xbe: {  	s31 =	sshll.u32 s1, $0xD;
	s1 =	sshrl.u32 s1, $0x2  }
0xbf: {  	s3 =	sand.u32 $0x4000, s31;
	s1 =	sadd.s32 s1, s30  }
0xc0: {  	s0 =	sor.u32 s3, s0;
	s1 =	sshll.u32 s1, $0x11  }
0xc1: {  	s0 =	sor.u32 s1, s0  }
0xc2: {  	s0 =	sadd.s32 $0x8F2B, s0  }
0xc3: {  	[sflag:s0] =	ssyncadd.remote.s32 $0x1  }
0xc4: {  	_ =	sfence.sel $0xFFFF  }
0xc5: {  	[dreg:$0x0] =	wrdreg $0xFFFFFFFF;
	(pc) =	sbr.abs _section_cstart, $3  }
0xc6: {  	[dreg:$0x1] =	wrdreg $0xFFFFFFFF  }
0xc7: {  	_ =	task.clear_ibuf [dreg:s7], $0x2FFFF;
	_ =	strace $0x9FFFFFFF  }
0xc8: {  	(tm) =	ssettm $0x7FFFFFFF  }
0xc9: {  	_ =	shalt  }
tec
execute0_lowered:
.L_overlay_start_1:
0x0: {  	(tag) =	ssettag $0x1  }
0x1: {  	s7 =	rddreg [dreg:$0x0]  }
0x2: {  	s2 =	rddreg [dreg:$0x1]  }
0x3: {  	s0 =	rddreg [dreg:$0x2]  }
0x4: {  	s1 =	srdreg.scid;
	_ =	strace $0x8000006E;
	s4 =	simm.s32 $0x1  }
0x5: {  	s9 =	simm.s32 $0x3;
	s12 =	simm.s32 $0x0;
	s5 =	sshll.u32 s1, $0x4  }
.Ltmp0:
0x6: {  	s1 =	stileid.u32;
	s5 =	sand.u32 $0x10, s5;
	(pc) =	sbr.rel .LBB2_1-.Ltmp0, $4  }
0x7: {  	s10 =	simm.s32 $0x0;
	s3 =	sadd.s32 $0x9400, s7;
	s6 =	sor.u32 s1, s5  }
0x8: {  	[sflag:s4] =	ssyncpa.u1 $0x0;
	s5 =	simm.s32 $0x2;
	s6 =	sshll.u32 s6, $0x7  }
0x9: {  	s7 =	sadd.s32 $0x30600, s7;
	[sflag:s5] =	ssyncpa.u1 $0x0;
	s8 =	sadd.s32 $0x80, s6  }
0xa: {  	vm0 =	vmmov $0xff;
	vm1 =	vcmask $0x3F20;
	[sflag:s9] =	ssyncpa.u1 $0x0;
	s9 =	simm.s32 $0x80;
	s11 =	smov.u32 s6  }
.LBB2_9:
0xb: {  	p0 =	seq.s32 s10, $0x2  }
.Ltmp1:
0xc: {  	_ = 	snop;
	(pc) =	sbr.rel @p0 .LBB2_11-.Ltmp1, $1  }
0xd: {  	_ =	sdelay $0x3  }
.LBB2_10:
0xe: {  	s12 =	sadd.s32 $0x80, s11  }
0xf: {  	s13 =	smov.u32 s6;
	p0 =	slt.s32 s12, s8  }
0x10: {  	s13 =	smov.u32 @p0 s12  }
0x11: {  	s10 =	sadd.s32 $0x1, s10;
	s12 =	smov.u32 s11;
	s11 =	smov.u32 s13  }
.LBB2_1:
0x12: {  	p0 =	sne.s32 s10, $0x0  }
.Ltmp2:
0x13: {  	_ = 	snop;
	(pc) =	sbr.rel @!p0 .LBB2_2-.Ltmp2, $1  }
0x14: {  	_ =	sdelay $0x3  }
0x15: {  	s13 =	sand.u32 $0x1, s10  }
0x16: {  	p0 =	seq.s32 s13, $0x0  }
.Ltmp3:
0x17: {  	_ = 	snop;
	(pc) =	sbr.rel @p0 .LBB2_9-.Ltmp3, $1  }
0x18: {  	_ =	sdelay $0x3  }
0x19: {  	_ =	swait.ge [sflag:s5], $0x80  }
0x1a: {  	[sflag:s5] =	ssyncset.done $0x0  }
0x1b: {  	s13 =	simm.s32 $0x0;
	[sflag:s5] =	ssyncadd.s32 $0xFFFFFF80  }
0x1c: {  	v0 =	vld.msk [tilespmem:s13+$0x80 ss:$0x1], $0xffff;
	_ =	sdelay $0x4  }
0x1d: {  	vm2 =	vgt.s32 v0, $0x0  }
0x1e: {  	v0 =	vnsel vm2, $0x0, v0  }
0x1f: {  	v0 =	vmin.u32 v0, $0x270F  }
0x20: {  	v0 =	vshll.u32 v0, $0x4;
	_ =	sdelay $0x3  }
0x21: {  	s13 =	simm.s32 $0x4100  }
0x22: {  	[tilespmem:s13], [sflag:$0x1] =	stream.indirect_vreg.gather [hbm:s3], $0x80, v0, vm0, $0x38;
	[tilespmem:$0x8100] =	vst v63  }
0x23: {  	s14 =	simm.s32 $0x4500;
	s31 =	simm.s32 $0x10  }
0x24: {  	[tilespmem:s14], [sflag:$0x1] =	stream.indirect_vreg.gather [hbm:s3], $0x80, v0, vm1, $0x38;
	[tilespmem:$0x8100] =	vst v63  }
0x25: {  	s14 =	simm.s32 $0x80;
	v0 =	vld.msk [tilespmem:s31+$0x80 ss:$0x1], $0xffff  }
.LBB2_5:
0x26: {  	p0 =	sne.s32 s14, $0x1C0;
	_ =	sdelay $0x4  }
0x27: {  	vm2 =	vgt.s32 v0, $0x0  }
0x28: {  	v0 =	vnsel vm2, $0x0, v0  }
0x29: {  	v0 =	vmin.u32 v0, $0x270F  }
0x2a: {  	v0 =	vshll.u32 v0, $0x4;
	_ =	sdelay $0x3  }
.Ltmp4:
0x2b: {  	s13 =	sadd.s32 $0x800, s13;
	(pc) =	sbr.rel @p0 .LBB2_5-.Ltmp4, $4  }
0x2c: {  	[tilespmem:s13], [sflag:$0x1] =	stream.indirect_vreg.gather [hbm:s3], $0x80, v0, vm0, $0x38;
	[tilespmem:$0x8100] =	vst v63  }
0x2d: {  	s15 =	sshra.s32 s14, $0x2;
	s16 =	sadd.s32 $0x400, s13  }
0x2e: {  	[tilespmem:s16], [sflag:$0x1] =	stream.indirect_vreg.gather [hbm:s3], $0x80, v0, vm1, $0x38;
	[tilespmem:$0x8100] =	vst v63  }
0x2f: {  	s14 =	sadd.s32 $0x40, s14;
	v0 =	vld.msk [tilespmem:s15+$0x80 ss:$0x1], $0xffff  }
0x30: {  	_ =	sdelay $0x3  }
0x31: {  	vm2 =	vgt.s32 v0, $0x0  }
0x32: {  	v0 =	vnsel vm2, $0x0, v0  }
0x33: {  	v0 =	vmin.u32 v0, $0x270F  }
0x34: {  	v0 =	vshll.u32 v0, $0x4;
	_ =	sdelay $0x3  }
0x35: {  	s13 =	sadd.s32 $0x800, s13  }
0x36: {  	[tilespmem:s13], [sflag:$0x1] =	stream.indirect_vreg.gather [hbm:s3], $0x80, v0, vm0, $0x38;
	[tilespmem:$0x8100] =	vst v63  }
0x37: {  	s13 =	sadd.s32 $0x400, s13  }
0x38: {  	[tilespmem:s13], [sflag:$0x1] =	stream.indirect_vreg.gather [hbm:s3], $0x80, v0, vm1, $0x38;
	[tilespmem:$0x8100] =	vst v63  }
0x39: {  	s12 =	sshll.u32 s12, $0x4;
	s14 =	simm.s32 $0x80;
	_ =	swait.ge [sflag:s4], $0x4000  }
0x3a: {  	s15 =	simm.s32 $0x4500;
	s12 =	sadd.s32 s12, s7;
	[sflag:s4] =	ssyncset.done $0x0  }
0x3b: {  	s16 =	sadd.s32 $0x0, s12;
	s13 =	simm.s32 $0x4100;
	[sflag:s4] =	ssyncadd.s32 $0xFFFFC000  }
.LBB2_7:
0x3c: {  	[hbm:s16] =	stream.linear.scatter [tilespmem:s13], [sflag:$0x3], $0x400, $0x38;
	[tilespmem:$0x8100] =	vst v63  }
0x3d: {  	s16 =	smov.u32 s14;
	s13 =	smov.u32 s15;
	p0 =	sne.s32 s14, $0x780  }
.Ltmp5:
0x3e: {  	s14 =	sadd.s32 $0x80, s14;
	(pc) =	sbr.rel @p0 .LBB2_7-.Ltmp5, $2  }
0x3f: {  	_ =	sdelay $0x2  }
0x40: {  	s15 =	sadd.s32 $0x400, s15;
	s16 =	sadd.s32 s16, s12  }
.Ltmp6:
0x41: {  	(pc) =	sbr.rel .LBB2_9-.Ltmp6, $2  }
0x42: {  	_ =	sdelay $0x2  }
0x43: {  	[hbm:s16] =	stream.linear.scatter [tilespmem:s13], [sflag:$0x3], $0x400, $0x38;
	[tilespmem:$0x8100] =	vst v63  }
.LBB2_2:
.Ltmp7:
0x44: {  	(pc) =	sbr.rel .LBB2_10-.Ltmp7, $4  }
0x45: {  	_ = 	snop  }
0x46: {  	s12 =	sshrl.u32 s11, $0x3  }
0x47: {  	s13 =	sand.u32 $0x7, s11;
	s12 =	sadd.s32 s2, s12  }
0x48: {  	[tilespmem:s9], [sflag:$0x2] =	stream.linear.gather [hbm4b:s12+s13], $0x80, $0x38;
	[tilespmem:$0x8100] =	vst v63  }
.LBB2_11:
0x49: {  	s2 =	simm.s32 $0x3  }
0x4a: {  	_ =	swait.ge [sflag:s2], $0x4000  }
0x4b: {  	[sflag:s2] =	ssyncset.done $0x0  }
0x4c: {  	[sflag:s2] =	ssyncadd.s32 $0xFFFFC000  }
0x4d: {  	_ =	sfence.sel $0x180000  }
0x4e: {  	s3 =	simm.s32 $0x2;
	[bflag:$0x0] =	sbarrier.arrive $0xFFFF  }
0x4f: {  	[sflag:s3] =	ssyncpa.u1 $0x1  }
0x50: {  	s31 =	simm.s32 $0x1;
	[sflag:s2] =	ssyncpa.u1 $0x1  }
0x51: {  	[sflag:s31] =	ssyncpa.u1 $0x1  }
0x52: {  	p0 =	sne.s32 s1, $0x0;
	_ =	strace $0x9000006E  }
0x53: {  	s0 =	sadd.s32 @!p0 $0x100000, s0;
	[bflag:$0x2] =	sbarrier.arrive $0xFFFF  }
0x54: {  	[sflag:s0] =	ssyncadd.tile.s32 @!p0 $0x1;
	_ =	shalt  }
.Lfunc_end2:
_tile_overlayer_lowered:
.L_overlay_start_2:
0x55: {  	(tag) =	ssettag $0x2  }
0x56: {  	s0 =	rddreg [dreg:$0x0];
	s2 =	stileid.u32  }
0x57: {  	s1 =	rddreg [dreg:$0x1];
	p0 =	sne.s32 s2, $0x0  }
0x58: {  	s3 =	rddreg [dreg:$0x2];
	[bflag:$0x3] =	sbarrier.arrive $0xFFFF;
	s2 =	simm.s32 @!p0 $0x1C01  }
0x59: {  	[timem:s3], [sflag:s2] =	dma.local @!p0 [hbm:s0], s1  }
0x5a: {  	s0 =	simm.s32 @!p0 $0x1  }
0x5b: {  	_ =	swait.ge @!p0 [sflag:s0], s1  }
0x5c: {  	s1 =	ssub.s32 @!p0 $0x0, s1;
	[sflag:s0] =	ssyncset.done @!p0 $0x0  }
0x5d: {  	[sflag:s0] =	ssyncadd.s32 @!p0 s1  }
0x5e: {  	[bflag:$0x3] =	sbarrier.arrive $0xFFFF  }
0x5f: {  	_ =	shalt  }

// kernel: kernel.31.cloned.1.call-start
scs
__scs_entry_jumppad:
0x0: {  	(pc) =	sbr.rel $0x88, $3  }
0x1: {  	(tag) =	ssettag $0x0;
	lr =	simm.s32 $0x1  }
0x2: {  	[smem:$0x3F86] =	sst lr;
	_ =	strace $0xD0000000  }
0x3: {  	_ = 	snop  }
0x4: {  	_ = 	snop  }
0x5: {  	_ = 	snop  }
0x6: {  	_ = 	snop  }
0x7: {  	_ = 	snop  }
__scs_overlays_trampoline_lowered:
0x8: {  	[smem:$0x3F95] =	sst s0  }
0x9: {  	[smem:$0x3F96] =	sst s1  }
0xa: {  	[smem:$0x3F97] =	sst s2  }
0xb: {  	[smem:$0x3F98] =	sst s3  }
0xc: {  	[smem:$0x3F99] =	sst s4  }
0xd: {  	[smem:$0x3F9A] =	sst s5  }
0xe: {  	[smem:$0x3F9B] =	sst s6  }
0xf: {  	[smem:$0x3F9C] =	sst s7  }
0x10: {  	[smem:$0x3F9D] =	sst s8  }
0x11: {  	[smem:$0x3F9E] =	sst s9;
	s0 =	simm.s32 @!p0 $0x0  }
0x12: {  	s1 =	sld [smem:$0x3F84];
	s0 =	simm.s32 @p0 $0x1  }
0x13: {  	[smem:$0x3F9F] =	sst s0;
	s0 =	simm.s32 @!p1 $0x0  }
0x14: {  	s2 =	sld [smem:$0x3F83];
	s0 =	simm.s32 @p1 $0x1  }
0x15: {  	[smem:$0x3FA0] =	sst s0;
	s0 =	simm.s32 @!p2 $0x0  }
0x16: {  	s3 =	sld [smem:$0x3FDB];
	s0 =	simm.s32 @p2 $0x1  }
0x17: {  	s4 =	simm.s32 $0x1BF5;
	[smem:$0x3FA2] =	sst s0  }
0x18: {  	s0 =	sld [smem:$0x3F85];
	_ =	swait.ge [sflag:s4], $0x0  }
0x19: {  	s7 =	sld [smem:$0x3F86]  }
0x1a: {  	s8 =	sadd.s32 $0xFFFFE003, lr  }
0x1b: {  	s9 =	sadd.s32 $0xFFFFFEF7, lr;
	s5 =	simm.s32 $0xFFFFFFFF;
	p2 =	slt.u32 s8, $0xFFFFF086  }
0x1c: {  	p1 =	slt.u32 s9, $0xF7A;
	s5 =	simm.s32 @!p2 $0x0  }
0x1d: {  	s5 =	simm.s32 @p1 $0x1;
	p0 =	seq.s32 s7, s2  }
0x1e: {  	s7 =	smul.u32 @!p0 $0xF7A, s2;
	p2 =	seq.s32 @!p0 s5, $0x0  }
0x1f: {  	s9 =	smul.u32 $0xF7A, s1;
	s8 =	simm.s32 @!p0 $0x1BF5;
	p2 =	por !p2, p0  }
0x20: {  	[sflag:s8] =	ssyncset.s32 @!p0 $0xFFFFF086;
	s6 =	sadd.s32 @!p0 s3, s7;
	s7 =	simm.s32 @!p0 $0x108  }
0x21: {  	s3 =	sadd.s32 s3, s9;
	s6 =	sadd.s32 @!p0 $0x88, s6;
	s7 =	simm.s32 @p2 $0x1082  }
0x22: {  	[simem:s7], [sflag:s8] =	dma.local @!p0 [hbm:s6], $0xF7A  }
0x23: {  	s9 =	sor.u32 $0xD0000000, s2;
	s6 =	simm.s32 $0x108;
	_ =	swait.ge @!p0 [sflag:s8], $0x0  }
0x24: {  	s3 =	sadd.s32 $0x88, s3;
	s6 =	simm.s32 @!p1 $0x1082;
	[sflag:s4] =	ssyncset.s32 $0xFFFFF086  }
0x25: {  	[simem:s6], [sflag:s4] =	dma.local [hbm:s3], $0xF7A  }
0x26: {  	[smem:$0x3F86] =	sst s1;
	(tag) =	ssettag s2;
	_ =	strace s9  }
0x27: {  	s1 =	sld [smem:$0x3F96]  }
0x28: {  	s2 =	sld [smem:$0x3F97]  }
0x29: {  	s4 =	sld [smem:$0x3F99]  }
0x2a: {  	p0 =	seq.s32 s5, $0x0;
	s5 =	sld [smem:$0x3F9A]  }
0x2b: {  	s6 =	sld [smem:$0x3F9B]  }
0x2c: {  	s7 =	sld [smem:$0x3F9C]  }
0x2d: {  	s3 =	simm.s32 $0x108;
	s8 =	sld [smem:$0x3F9D]  }
0x2e: {  	s3 =	simm.s32 @!p0 $0x1082;
	s9 =	sld [smem:$0x3F9E]  }
0x2f: {  	lr =	sadd.s32 s0, s3;
	s0 =	sld [smem:$0x3F95]  }
0x30: {  	s3 =	sld [smem:$0x3F98]  }
0x31: {  	[smem:$0x3FA1] =	sst s10  }
0x32: {  	s10 =	sld [smem:$0x3F9F];
	_ =	sdelay $0x3  }
0x33: {  	p0 =	seq.s32 s10, $0x1;
	s10 =	sld [smem:$0x3FA1];
	_ =	sdelay $0x3  }
0x34: {  	[smem:$0x3FA1] =	sst s10  }
0x35: {  	s10 =	sld [smem:$0x3FA0];
	_ =	sdelay $0x3  }
0x36: {  	p1 =	seq.s32 s10, $0x1;
	s10 =	sld [smem:$0x3FA1];
	_ =	sdelay $0x3  }
0x37: {  	[smem:$0x3FA1] =	sst s10  }
0x38: {  	s10 =	sld [smem:$0x3FA2]  }
0x39: {  	_ = 	snop;
	(pc) =	sbr.ind lr, $3  }
0x3a: {  	_ = 	snop  }
0x3b: {  	_ = 	snop  }
0x3c: {  	p2 =	seq.s32 s10, $0x1;
	s10 =	sld [smem:$0x3FA1]  }
0x3d: {  	_ =	shalt  }
0x3e: {  	_ =	shalt  }
0x3f: {  	_ =	shalt  }
0x40: {  	_ =	shalt  }
0x41: {  	_ =	shalt  }
0x42: {  	_ =	shalt  }
0x43: {  	_ =	shalt  }
0x44: {  	_ =	shalt  }
0x45: {  	_ =	shalt  }
0x46: {  	_ =	shalt  }
0x47: {  	_ =	shalt  }
0x48: {  	_ =	shalt  }
0x49: {  	_ =	shalt  }
0x4a: {  	_ =	shalt  }
0x4b: {  	_ =	shalt  }
0x4c: {  	_ =	shalt  }
0x4d: {  	_ =	shalt  }
0x4e: {  	_ =	shalt  }
0x4f: {  	_ =	shalt  }
0x50: {  	_ =	shalt  }
0x51: {  	_ =	shalt  }
0x52: {  	_ =	shalt  }
0x53: {  	_ =	shalt  }
0x54: {  	_ =	shalt  }
0x55: {  	_ =	shalt  }
0x56: {  	_ =	shalt  }
0x57: {  	_ =	shalt  }
0x58: {  	_ =	shalt  }
0x59: {  	_ =	shalt  }
0x5a: {  	_ =	shalt  }
0x5b: {  	_ =	shalt  }
0x5c: {  	_ =	shalt  }
0x5d: {  	_ =	shalt  }
0x5e: {  	_ =	shalt  }
0x5f: {  	_ =	shalt  }
0x60: {  	_ =	shalt  }
0x61: {  	_ =	shalt  }
0x62: {  	_ =	shalt  }
0x63: {  	_ =	shalt  }
0x64: {  	_ =	shalt  }
0x65: {  	_ =	shalt  }
0x66: {  	_ =	shalt  }
0x67: {  	_ =	shalt  }
0x68: {  	_ =	shalt  }
0x69: {  	_ =	shalt  }
0x6a: {  	_ =	shalt  }
0x6b: {  	_ =	shalt  }
0x6c: {  	_ =	shalt  }
0x6d: {  	_ =	shalt  }
0x6e: {  	_ =	shalt  }
0x6f: {  	_ =	shalt  }
0x70: {  	_ =	shalt  }
0x71: {  	_ =	shalt  }
0x72: {  	_ =	shalt  }
0x73: {  	_ =	shalt  }
0x74: {  	_ =	shalt  }
0x75: {  	_ =	shalt  }
0x76: {  	_ =	shalt  }
0x77: {  	_ =	shalt  }
0x78: {  	_ =	shalt  }
0x79: {  	_ =	shalt  }
0x7a: {  	_ =	shalt  }
0x7b: {  	_ =	shalt  }
0x7c: {  	_ =	shalt  }
0x7d: {  	_ =	shalt  }
0x7e: {  	_ =	shalt  }
0x7f: {  	_ =	shalt  }
0x80: {  	_ =	shalt  }
0x81: {  	_ =	shalt  }
0x82: {  	_ =	shalt  }
0x83: {  	_ =	shalt  }
0x84: {  	_ =	shalt  }
0x85: {  	_ =	shalt  }
0x86: {  	_ =	shalt  }
0x87: {  	_ =	shalt  }
.Lfunc_end0:
.L_simem_size_0:
called_computation.1_lowered:
.L_overlay_start_0:
0x88: {  	s2 =	sld [smem:$0x3FD9]  }
0x89: {  	s3 =	sld [smem:$0x3FFE];
	_ =	sdelay $0x1  }
0x8a: {  	s1 =	srdreg.scid  }
0x8b: {  	s0 =	sand.u32 $0x1, s1  }
0x8c: {  	s17 =	sshll.u32 s0, $0xA;
	s2 =	sadd.s32 s3, s2  }
0x8d: {  	s2 =	sadd.s32 s2, s17  }
0x8e: {  	[smem:$0x3FAD] =	sst s2  }
0x8f: {  	_ = 	snop  }
0x90: {  	(tm) =	ssettm $0x1  }
0x91: {  	s18 =	sld [smem:$0x3FFB];
	_ =	sdelay $0x3  }
0x92: {  	_ =	strace s18  }
0x93: {  	s2 =	sld [smem:$0x3FFC];
	_ =	sdelay $0x3  }
0x94: {  	_ =	strace s2  }
0x95: {  	s2 =	sld [smem:$0x3FFD];
	_ =	sdelay $0x3  }
0x96: {  	_ =	strace s2  }
0x97: {  	_ =	strace $0x8FFFFFFF  }
0x98: {  	s19 =	sld [smem:$0x3FDB];
	_ =	sdelay $0x1  }
0x99: {  	s20 =	simm.s32 $_scs_section_size  }
0x9a: {  	s4 =	simm.s32 $_size__tile_overlayer_lowered;
	s5 =	simm.s32 $_tile_overlayer_lowered  }
0x9b: {  	s6 =	simm.s32 $0x1BFF;
	s21 =	sshll.u32 s5, $0x1;
	s3 =	sadd.s32 s20, s19  }
0x9c: {  	s22 =	simm.s32 $0x0;
	s4 =	sshll.u32 s4, $0x1;
	s5 =	sadd.s32 s21, s3  }
0x9d: {  	[timem:s22], [sflag:s6] =	dma.local [hbm:s5], s4  }
0x9e: {  	_ =	swait.ge [sflag:s6], s4  }
0x9f: {  	s4 =	ssub.s32 $0x0, s4;
	[sflag:s6] =	ssyncset.done $0x0  }
0xa0: {  	[sflag:s6] =	ssyncadd.s32 s4;
	_ =	sdelay $0x1  }
0xa1: {  	s23 =	simm.s32 $0x1B8B  }
0xa2: {  	_ =	swait.ge [sflag:s23], $0x1  }
0xa3: {  	[sflag:s23] =	ssyncset.done $0x0  }
0xa4: {  	[sflag:s23] =	ssyncadd.s32 $0xFFFFFFFF  }
0xa5: {  	s4 =	sld [smem:$0x0]  }
0xa6: {  	s5 =	sand.u32 $0xFFFFFFFE, s1  }
0xa7: {  	p0 =	sne.s32 s1, s5  }
0xa8: {  	s5 =	sshll.u32 @p0 s5, $0xE  }
0xa9: {  	s5 =	sadd.s32 @p0 $0x11B8D, s5;
	s6 =	sshll.u32 @p0 s4, $0x11  }
0xaa: {  	s5 =	sor.u32 @p0 s6, s5  }
0xab: {  	[sflag:s5] =	ssyncadd.remote.s32 @p0 $0x1;
	_ =	sdelay $0x1  }
0xac: {  	s5 =	simm.s32 @p0 $0x1B8D  }
0xad: {  	_ =	swait.eq @p0 [sflag:s5], $0x1  }
0xae: {  	[sflag:s5] =	ssyncadd.s32 @p0 $0xFFFFFFFF  }
0xaf: {  	s6 =	sshll.u32 @!p0 s1, $0xE  }
0xb0: {  	s6 =	sor.u32 @!p0 $0x4000, s6;
	s5 =	simm.s32 @!p0 $0x1B8D  }
0xb1: {  	s4 =	sshll.u32 @!p0 s4, $0x11;
	s6 =	sadd.s32 @!p0 $0x11B8D, s6;
	_ =	swait.eq @!p0 [sflag:s5], $0x1  }
0xb2: {  	s4 =	sor.u32 @!p0 s4, s6;
	[sflag:s5] =	ssyncadd.s32 @!p0 $0xFFFFFFFF  }
0xb3: {  	s25 =	simm.s32 $0x1B8E;
	s24 =	sld [smem:$0x3FFE];
	[sflag:s4] =	ssyncadd.remote.s32 @!p0 $0x1  }
0xb4: {  	s26 =	simm.s32 $execute0_lowered;
	[smem:$0x3FD2] =	sst s25  }
0xb5: {  	s5 =	sshll.u32 s26, $0x1;
	_ =	strace $0x80000049;
	[dreg:$0x1] =	wrdreg $0xFFFFFFFF  }
0xb6: {  	s28 =	simm.s32 $_size_execute0_lowered;
	s3 =	sadd.s32 s3, s5;
	[dreg:$0x0] =	wrdreg $0x0  }
0xb7: {  	s5 =	sshll.u32 s28, $0x1;
	[dreg:$0x2] =	wrdreg s3  }
0xb8: {  	[dreg:$0x3] =	wrdreg s5  }
0xb9: {  	[dreg:$0x4] =	wrdreg $0xC0  }
0xba: {  	_ =	task [dreg:s22], $0x5FFFF  }
0xbb: {  	[dreg:$0x1] =	wrdreg $0xFFFFFFFF  }
0xbc: {  	[dreg:$0x0] =	wrdreg $0x60  }
0xbd: {  	[dreg:$0x2] =	wrdreg s24  }
0xbe: {  	[dreg:$0x3] =	wrdreg $0x17C000  }
0xbf: {  	[dreg:$0x4] =	wrdreg $0x9  }
0xc0: {  	_ =	task.clear_ibuf [dreg:s22], $0x5FFFF;
	_ =	strace $0x90000049  }
0xc1: {  	s29 =	simm.s32 $0x9;
	_ =	strace $0x8000004B  }
0xc2: {  	_ =	swait.ge [sflag:s29], $0x1  }
0xc3: {  	[sflag:s29] =	ssyncadd.s32 $0xFFFFFFFF  }
0xc4: {  	_ =	strace $0x9000004B  }
0xc5: {  	_ =	sfence  }
0xc6: {  	s30 =	sld [smem:$0x0];
	_ =	sdelay $0x2  }
0xc7: {  	s31 =	sshll.u32 s1, $0xD;
	s1 =	sshrl.u32 s1, $0x2  }
0xc8: {  	s4 =	sand.u32 $0x4000, s31;
	s1 =	sadd.s32 s1, s30  }
0xc9: {  	s0 =	sor.u32 s4, s0;
	s1 =	sshll.u32 s1, $0x11  }
0xca: {  	s0 =	sor.u32 s1, s0  }
0xcb: {  	s0 =	sadd.s32 $0x8F2B, s0  }
0xcc: {  	[sflag:s0] =	ssyncadd.remote.s32 $0x1  }
0xcd: {  	_ =	sfence.sel $0xFFFF  }
0xce: {  	[dreg:$0x0] =	wrdreg $0xFFFFFFFF;
	(pc) =	sbr.abs _section_cstart, $3  }
0xcf: {  	[dreg:$0x1] =	wrdreg $0xFFFFFFFF  }
0xd0: {  	_ =	task.clear_ibuf [dreg:s22], $0x2FFFF;
	_ =	strace $0x9FFFFFFF  }
0xd1: {  	(tm) =	ssettm $0x7FFFFFFF  }
tec
execute0_lowered:
.L_overlay_start_1:
0x0: {  	(tag) =	ssettag $0x1  }
0x1: {  	s1 =	srdreg.scid  }
0x2: {  	s0 =	stileid.u32;
	s5 =	rddreg [dreg:$0x0]  }
0x3: {  	s2 =	rddreg [dreg:$0x1];
	s3 =	simm.s32 $0x0;
	s13 =	simm.s32 $0x1  }
0x4: {  	s14 =	simm.s32 $0x80;
	s15 =	simm.s32 $0x15400;
	s16 =	simm.s32 $0x0  }
0x5: {  	s4 =	sand.u32 $0x1, s1;
	s29 =	sshll.u32 s0, $0x1;
	s8 =	smul.u32 $0x2800, s0  }
0x6: {  	[smem:$0x7FF] =	sst s3;
	s1 =	sor.u32 s4, s29;
	s9 =	smul.u32 $0x28000, s4  }
0x7: {  	s31 =	sshll.u32 s0, $0x6;
	s4 =	ssub.s32 $0x2, s4;
	s6 =	smul.u32 $0x2800, s1  }
0x8: {  	s7 =	smul.u32 $0x280, s1;
	s1 =	rddreg [dreg:$0x2];
	_ =	strace $0x8000004A  }
0x9: {  	s10 =	sshrl.u32 s8, $0x3;
	s30 =	sshrl.u32 s4, $0x1;
	s9 =	sadd.s32 s8, s9  }
0xa: {  	s10 =	sadd.s32 s10, s5;
	s11 =	ssub.s32 s4, s30;
	s9 =	sshrl.u32 s9, $0x3  }
0xb: {  	s6 =	sadd.s32 s6, s5;
	s7 =	sadd.s32 s7, s5;
	s9 =	sadd.s32 s9, s5  }
0xc: {  	s4 =	sadd.s32 $0x13400, s7;
	s5 =	sadd.s32 $0x6D400, s6;
	s6 =	sadd.s32 s8, s2  }
0xd: {  	s7 =	sadd.s32 $0x68400, s10;
	s10 =	simm.s32 $0x2;
	s8 =	sadd.s32 $0xBD400, s9  }
0xe: {  	s9 =	smax.u32 s11, $0x1;
	s11 =	sor.u32 $0x1C02, s31;
	s12 =	sshrl.u32 s6, $0x3  }
.LBB2_1:
0xf: {  	[tilespmem:s3], [sflag:$0x2] =	stream.linear.gather [hbm4b:s4+s3], $0x1400, $0x38;
	[tilespmem:$0x1A400] =	vst v63  }
0x10: {  	_ =	swait.ge [sflag:s10], $0x1400  }
0x11: {  	[sflag:s10] =	ssyncset.done $0x0  }
0x12: {  	s17 =	simm.s32 $0x1400;
	[sflag:s10] =	ssyncadd.s32 $0xFFFFEC00  }
0x13: {  	[tilespmem:s17], [sflag:$0x1] =	stream.linear.gather [hbm4b:s5+s3], $0x14000, $0x38;
	[tilespmem:$0x1A400] =	vst v63  }
0x14: {  	[spmem:s12], [sflag:s11] =	dma.local [hbm:s7], $0x500  }
0x15: {  	_ =	swait.ge [sflag:s10], $0x500  }
0x16: {  	[sflag:s10] =	ssyncset.done $0x0  }
0x17: {  	[sflag:s10] =	ssyncadd.s32 $0xFFFFFB00  }
0x18: {  	_ =	swait.ge [sflag:s13], $0x14000  }
0x19: {  	[sflag:s13] =	ssyncset.done $0x0  }
0x1a: {  	[sflag:s13] =	ssyncadd.s32 $0xFFFEC000  }
0x1b: {  	s18 =	simm.s32 $0x0;
	[bflag:$0x0] =	sbarrier.arrive $0xFFFF  }
0x1c: {  	[spmem:s2] =	stream.indirect.scatter.add.f32 [tilespmem:s17], [sflag:$0x2], $0x10, s18, s14, $0xb8;
	[tilespmem:$0x1A400] =	vst v63  }
0x1d: {  	_ =	swait.ge [sflag:s10], $0x800  }
0x1e: {  	s18 =	simm.s32 $0x200;
	[sflag:s10] =	ssyncset.done $0x0  }
.LBB2_2:
0x1f: {  	s19 =	sshra.s32 s18, $0x2  }
0x20: {  	[sflag:s10] =	ssyncadd.s32 $0xFFFFF800;
	s17 =	sadd.s32 $0x800, s17;
	p0 =	sne.s32 s18, $0x4E00  }
0x21: {  	[spmem:s2] =	stream.indirect.scatter.add.f32 [tilespmem:s17], [sflag:$0x2], $0x10, s19, s14, $0xb8;
	[tilespmem:$0x1A400] =	vst v63  }
.Ltmp0:
0x22: {  	_ = 	snop;
	(pc) =	sbr.rel @p0 .LBB2_2-.Ltmp0, $4  }
0x23: {  	_ = 	snop  }
0x24: {  	s18 =	sadd.s32 $0x200, s18  }
0x25: {  	_ =	swait.ge [sflag:s10], $0x800  }
0x26: {  	[sflag:s10] =	ssyncset.done $0x0  }
0x27: {  	[sflag:s10] =	ssyncadd.s32 $0xFFFFF800  }
0x28: {  	[bflag:$0x0] =	sbarrier.arrive $0xFFFF  }
0x29: {  	[tilespmem:s15], [sflag:$0x2] =	stream.linear.gather [spmem:s6], $0x2800, $0x38;
	[tilespmem:$0x1A400] =	vst v63  }
0x2a: {  	s16 =	sadd.s32 $0x1, s16;
	_ =	swait.ge [sflag:s10], $0x2800  }
0x2b: {  	p0 =	sne.s32 s16, s9;
	[sflag:s10] =	ssyncset.done $0x0  }
.Ltmp1:
0x2c: {  	[sflag:s10] =	ssyncadd.s32 $0xFFFFD800;
	(pc) =	sbr.rel @p0 .LBB2_1-.Ltmp1, $4  }
0x2d: {  	[hbm4b:s8+s3] =	stream.linear.scatter [tilespmem:s15], [sflag:$0x2], $0x2800, $0x38;
	[tilespmem:$0x1A400] =	vst v63  }
0x2e: {  	_ =	swait.ge [sflag:s10], $0x2800  }
0x2f: {  	[sflag:s10] =	ssyncset.done $0x0  }
0x30: {  	[sflag:s10] =	ssyncadd.s32 $0xFFFFD800  }
0x31: {  	_ =	sfence.sel $0x180000  }
0x32: {  	[bflag:$0x0] =	sbarrier.arrive $0xFFFF  }
0x33: {  	p0 =	sne.s32 s0, $0x0;
	_ =	strace $0x9000004A  }
0x34: {  	s0 =	sadd.s32 @!p0 $0x100000, s1;
	[bflag:$0x2] =	sbarrier.arrive $0xFFFF  }
0x35: {  	[sflag:s0] =	ssyncadd.tile.s32 @!p0 $0x1;
	_ =	shalt  }
.Lfunc_end2:
_tile_overlayer_lowered:
.L_overlay_start_2:
0x36: {  	(tag) =	ssettag $0x2  }
0x37: {  	s0 =	rddreg [dreg:$0x0];
	s2 =	stileid.u32  }
0x38: {  	s1 =	rddreg [dreg:$0x1];
	p0 =	sne.s32 s2, $0x0  }
0x39: {  	s3 =	rddreg [dreg:$0x2];
	[bflag:$0x3] =	sbarrier.arrive $0xFFFF;
	s2 =	simm.s32 @!p0 $0x1C02  }
0x3a: {  	[timem:s3], [sflag:s2] =	dma.local @!p0 [hbm:s0], s1  }
0x3b: {  	s0 =	simm.s32 @!p0 $0x2  }
0x3c: {  	_ =	swait.ge @!p0 [sflag:s0], s1  }
0x3d: {  	s1 =	ssub.s32 @!p0 $0x0, s1;
	[sflag:s0] =	ssyncset.done @!p0 $0x0  }
0x3e: {  	[sflag:s0] =	ssyncadd.s32 @!p0 s1  }
0x3f: {  	[bflag:$0x3] =	sbarrier.arrive $0xFFFF  }
0x40: {  	_ =	shalt  }

// kernel: kernel.34.cloned.1.call-start
scs
__scs_entry_jumppad:
0x0: {  	(pc) =	sbr.rel $0x88, $3  }
0x1: {  	(tag) =	ssettag $0x0;
	lr =	simm.s32 $0x1  }
0x2: {  	[smem:$0x3F86] =	sst lr;
	_ =	strace $0xD0000000  }
0x3: {  	_ = 	snop  }
0x4: {  	_ = 	snop  }
0x5: {  	_ = 	snop  }
0x6: {  	_ = 	snop  }
0x7: {  	_ = 	snop  }
__scs_overlays_trampoline_lowered:
0x8: {  	[smem:$0x3F95] =	sst s0  }
0x9: {  	[smem:$0x3F96] =	sst s1  }
0xa: {  	[smem:$0x3F97] =	sst s2  }
0xb: {  	[smem:$0x3F98] =	sst s3  }
0xc: {  	[smem:$0x3F99] =	sst s4  }
0xd: {  	[smem:$0x3F9A] =	sst s5  }
0xe: {  	[smem:$0x3F9B] =	sst s6  }
0xf: {  	[smem:$0x3F9C] =	sst s7  }
0x10: {  	[smem:$0x3F9D] =	sst s8  }
0x11: {  	[smem:$0x3F9E] =	sst s9;
	s0 =	simm.s32 @!p0 $0x0  }
0x12: {  	s1 =	sld [smem:$0x3F84];
	s0 =	simm.s32 @p0 $0x1  }
0x13: {  	[smem:$0x3F9F] =	sst s0;
	s0 =	simm.s32 @!p1 $0x0  }
0x14: {  	s2 =	sld [smem:$0x3F83];
	s0 =	simm.s32 @p1 $0x1  }
0x15: {  	[smem:$0x3FA0] =	sst s0;
	s0 =	simm.s32 @!p2 $0x0  }
0x16: {  	s3 =	sld [smem:$0x3FDB];
	s0 =	simm.s32 @p2 $0x1  }
0x17: {  	s4 =	simm.s32 $0x1BF5;
	[smem:$0x3FA2] =	sst s0  }
0x18: {  	s0 =	sld [smem:$0x3F85];
	_ =	swait.ge [sflag:s4], $0x0  }
0x19: {  	s7 =	sld [smem:$0x3F86]  }
0x1a: {  	s8 =	sadd.s32 $0xFFFFE003, lr  }
0x1b: {  	s9 =	sadd.s32 $0xFFFFFEF7, lr;
	s5 =	simm.s32 $0xFFFFFFFF;
	p2 =	slt.u32 s8, $0xFFFFF086  }
0x1c: {  	p1 =	slt.u32 s9, $0xF7A;
	s5 =	simm.s32 @!p2 $0x0  }
0x1d: {  	s5 =	simm.s32 @p1 $0x1;
	p0 =	seq.s32 s7, s2  }
0x1e: {  	s7 =	smul.u32 @!p0 $0xF7A, s2;
	p2 =	seq.s32 @!p0 s5, $0x0  }
0x1f: {  	s9 =	smul.u32 $0xF7A, s1;
	s8 =	simm.s32 @!p0 $0x1BF5;
	p2 =	por !p2, p0  }
0x20: {  	[sflag:s8] =	ssyncset.s32 @!p0 $0xFFFFF086;
	s6 =	sadd.s32 @!p0 s3, s7;
	s7 =	simm.s32 @!p0 $0x108  }
0x21: {  	s3 =	sadd.s32 s3, s9;
	s6 =	sadd.s32 @!p0 $0x88, s6;
	s7 =	simm.s32 @p2 $0x1082  }
0x22: {  	[simem:s7], [sflag:s8] =	dma.local @!p0 [hbm:s6], $0xF7A  }
0x23: {  	s9 =	sor.u32 $0xD0000000, s2;
	s6 =	simm.s32 $0x108;
	_ =	swait.ge @!p0 [sflag:s8], $0x0  }
0x24: {  	s3 =	sadd.s32 $0x88, s3;
	s6 =	simm.s32 @!p1 $0x1082;
	[sflag:s4] =	ssyncset.s32 $0xFFFFF086  }
0x25: {  	[simem:s6], [sflag:s4] =	dma.local [hbm:s3], $0xF7A  }
0x26: {  	[smem:$0x3F86] =	sst s1;
	(tag) =	ssettag s2;
	_ =	strace s9  }
0x27: {  	s1 =	sld [smem:$0x3F96]  }
0x28: {  	s2 =	sld [smem:$0x3F97]  }
0x29: {  	s4 =	sld [smem:$0x3F99]  }
0x2a: {  	p0 =	seq.s32 s5, $0x0;
	s5 =	sld [smem:$0x3F9A]  }
0x2b: {  	s6 =	sld [smem:$0x3F9B]  }
0x2c: {  	s7 =	sld [smem:$0x3F9C]  }
0x2d: {  	s3 =	simm.s32 $0x108;
	s8 =	sld [smem:$0x3F9D]  }
0x2e: {  	s3 =	simm.s32 @!p0 $0x1082;
	s9 =	sld [smem:$0x3F9E]  }
0x2f: {  	lr =	sadd.s32 s0, s3;
	s0 =	sld [smem:$0x3F95]  }
0x30: {  	s3 =	sld [smem:$0x3F98]  }
0x31: {  	[smem:$0x3FA1] =	sst s10  }
0x32: {  	s10 =	sld [smem:$0x3F9F];
	_ =	sdelay $0x3  }
0x33: {  	p0 =	seq.s32 s10, $0x1;
	s10 =	sld [smem:$0x3FA1];
	_ =	sdelay $0x3  }
0x34: {  	[smem:$0x3FA1] =	sst s10  }
0x35: {  	s10 =	sld [smem:$0x3FA0];
	_ =	sdelay $0x3  }
0x36: {  	p1 =	seq.s32 s10, $0x1;
	s10 =	sld [smem:$0x3FA1];
	_ =	sdelay $0x3  }
0x37: {  	[smem:$0x3FA1] =	sst s10  }
0x38: {  	s10 =	sld [smem:$0x3FA2]  }
0x39: {  	_ = 	snop;
	(pc) =	sbr.ind lr, $3  }
0x3a: {  	_ = 	snop  }
0x3b: {  	_ = 	snop  }
0x3c: {  	p2 =	seq.s32 s10, $0x1;
	s10 =	sld [smem:$0x3FA1]  }
0x3d: {  	_ =	shalt  }
0x3e: {  	_ =	shalt  }
0x3f: {  	_ =	shalt  }
0x40: {  	_ =	shalt  }
0x41: {  	_ =	shalt  }
0x42: {  	_ =	shalt  }
0x43: {  	_ =	shalt  }
0x44: {  	_ =	shalt  }
0x45: {  	_ =	shalt  }
0x46: {  	_ =	shalt  }
0x47: {  	_ =	shalt  }
0x48: {  	_ =	shalt  }
0x49: {  	_ =	shalt  }
0x4a: {  	_ =	shalt  }
0x4b: {  	_ =	shalt  }
0x4c: {  	_ =	shalt  }
0x4d: {  	_ =	shalt  }
0x4e: {  	_ =	shalt  }
0x4f: {  	_ =	shalt  }
0x50: {  	_ =	shalt  }
0x51: {  	_ =	shalt  }
0x52: {  	_ =	shalt  }
0x53: {  	_ =	shalt  }
0x54: {  	_ =	shalt  }
0x55: {  	_ =	shalt  }
0x56: {  	_ =	shalt  }
0x57: {  	_ =	shalt  }
0x58: {  	_ =	shalt  }
0x59: {  	_ =	shalt  }
0x5a: {  	_ =	shalt  }
0x5b: {  	_ =	shalt  }
0x5c: {  	_ =	shalt  }
0x5d: {  	_ =	shalt  }
0x5e: {  	_ =	shalt  }
0x5f: {  	_ =	shalt  }
0x60: {  	_ =	shalt  }
0x61: {  	_ =	shalt  }
0x62: {  	_ =	shalt  }
0x63: {  	_ =	shalt  }
0x64: {  	_ =	shalt  }
0x65: {  	_ =	shalt  }
0x66: {  	_ =	shalt  }
0x67: {  	_ =	shalt  }
0x68: {  	_ =	shalt  }
0x69: {  	_ =	shalt  }
0x6a: {  	_ =	shalt  }
0x6b: {  	_ =	shalt  }
0x6c: {  	_ =	shalt  }
0x6d: {  	_ =	shalt  }
0x6e: {  	_ =	shalt  }
0x6f: {  	_ =	shalt  }
0x70: {  	_ =	shalt  }
0x71: {  	_ =	shalt  }
0x72: {  	_ =	shalt  }
0x73: {  	_ =	shalt  }
0x74: {  	_ =	shalt  }
0x75: {  	_ =	shalt  }
0x76: {  	_ =	shalt  }
0x77: {  	_ =	shalt  }
0x78: {  	_ =	shalt  }
0x79: {  	_ =	shalt  }
0x7a: {  	_ =	shalt  }
0x7b: {  	_ =	shalt  }
0x7c: {  	_ =	shalt  }
0x7d: {  	_ =	shalt  }
0x7e: {  	_ =	shalt  }
0x7f: {  	_ =	shalt  }
0x80: {  	_ =	shalt  }
0x81: {  	_ =	shalt  }
0x82: {  	_ =	shalt  }
0x83: {  	_ =	shalt  }
0x84: {  	_ =	shalt  }
0x85: {  	_ =	shalt  }
0x86: {  	_ =	shalt  }
0x87: {  	_ =	shalt  }
.Lfunc_end0:
.L_simem_size_0:
called_computation.2_lowered:
.L_overlay_start_0:
0x88: {  	s2 =	sld [smem:$0x3FD9]  }
0x89: {  	s3 =	sld [smem:$0x3FFE];
	_ =	sdelay $0x1  }
0x8a: {  	s1 =	srdreg.scid  }
0x8b: {  	s0 =	sand.u32 $0x1, s1  }
0x8c: {  	s16 =	sshll.u32 s0, $0xA;
	s2 =	sadd.s32 s3, s2  }
0x8d: {  	s2 =	sadd.s32 s2, s16  }
0x8e: {  	[smem:$0x3FAD] =	sst s2  }
0x8f: {  	_ = 	snop  }
0x90: {  	(tm) =	ssettm $0x1  }
0x91: {  	s17 =	sld [smem:$0x3FFB];
	_ =	sdelay $0x3  }
0x92: {  	_ =	strace s17  }
0x93: {  	s2 =	sld [smem:$0x3FFC];
	_ =	sdelay $0x3  }
0x94: {  	_ =	strace s2  }
0x95: {  	s2 =	sld [smem:$0x3FFD];
	_ =	sdelay $0x3  }
0x96: {  	_ =	strace s2  }
0x97: {  	_ =	strace $0x8FFFFFFF  }
0x98: {  	s18 =	sld [smem:$0x3FDB];
	_ =	sdelay $0x1  }
0x99: {  	s19 =	simm.s32 $_scs_section_size  }
0x9a: {  	s4 =	simm.s32 $_size__tile_overlayer_lowered;
	s5 =	simm.s32 $_tile_overlayer_lowered  }
0x9b: {  	s22 =	simm.s32 $0x1BFF;
	s21 =	sshll.u32 s5, $0x1;
	s2 =	sadd.s32 s19, s18  }
0x9c: {  	s6 =	simm.s32 $0x0;
	s20 =	sshll.u32 s4, $0x1;
	s4 =	sadd.s32 s21, s2  }
0x9d: {  	[timem:s6], [sflag:s22] =	dma.local [hbm:s4], s20  }
0x9e: {  	_ =	swait.ge [sflag:s22], s20  }
0x9f: {  	s3 =	ssub.s32 $0x0, s20;
	[sflag:s22] =	ssyncset.done $0x0  }
0xa0: {  	[sflag:s22] =	ssyncadd.s32 s3;
	_ =	sdelay $0x1  }
0xa1: {  	s23 =	simm.s32 $0x1B8B  }
0xa2: {  	_ =	swait.ge [sflag:s23], $0x1  }
0xa3: {  	[sflag:s23] =	ssyncset.done $0x0  }
0xa4: {  	s25 =	simm.s32 $0x1B8E;
	s24 =	sld [smem:$0x3FFE];
	[sflag:s23] =	ssyncadd.s32 $0xFFFFFFFF  }
0xa5: {  	s26 =	simm.s32 $execute0_lowered;
	[smem:$0x3FD2] =	sst s25  }
0xa6: {  	s4 =	sshll.u32 s26, $0x1;
	_ =	strace $0x80000046;
	[dreg:$0x1] =	wrdreg $0xFFFFFFFF  }
0xa7: {  	s28 =	simm.s32 $_size_execute0_lowered;
	s2 =	sadd.s32 s2, s4;
	[dreg:$0x0] =	wrdreg $0x0  }
0xa8: {  	s4 =	sshll.u32 s28, $0x1;
	[dreg:$0x2] =	wrdreg s2  }
0xa9: {  	[dreg:$0x3] =	wrdreg s4  }
0xaa: {  	[dreg:$0x4] =	wrdreg $0xC0  }
0xab: {  	_ =	task [dreg:s6], $0x5FFFF  }
0xac: {  	[dreg:$0x1] =	wrdreg $0xFFFFFFFF  }
0xad: {  	[dreg:$0x0] =	wrdreg $0x60  }
0xae: {  	[dreg:$0x2] =	wrdreg s24  }
0xaf: {  	[dreg:$0x3] =	wrdreg $0x154000  }
0xb0: {  	[dreg:$0x4] =	wrdreg $0xA  }
0xb1: {  	_ =	task.clear_ibuf [dreg:s6], $0x5FFFF;
	_ =	strace $0x90000046  }
0xb2: {  	s29 =	simm.s32 $0xA;
	_ =	strace $0x80000048  }
0xb3: {  	_ =	swait.ge [sflag:s29], $0x1  }
0xb4: {  	[sflag:s29] =	ssyncadd.s32 $0xFFFFFFFF  }
0xb5: {  	_ =	strace $0x90000048  }
0xb6: {  	_ =	sfence  }
0xb7: {  	s30 =	sld [smem:$0x0];
	_ =	sdelay $0x2  }
0xb8: {  	s31 =	sshll.u32 s1, $0xD;
	s1 =	sshrl.u32 s1, $0x2  }
0xb9: {  	s3 =	sand.u32 $0x4000, s31;
	s1 =	sadd.s32 s1, s30  }
0xba: {  	s0 =	sor.u32 s3, s0;
	s1 =	sshll.u32 s1, $0x11  }
0xbb: {  	s0 =	sor.u32 s1, s0  }
0xbc: {  	s0 =	sadd.s32 $0x8F2B, s0  }
0xbd: {  	[sflag:s0] =	ssyncadd.remote.s32 $0x1  }
0xbe: {  	_ =	sfence.sel $0xFFFF  }
0xbf: {  	[dreg:$0x0] =	wrdreg $0xFFFFFFFF;
	(pc) =	sbr.abs _section_cstart, $3  }
0xc0: {  	[dreg:$0x1] =	wrdreg $0xFFFFFFFF  }
0xc1: {  	_ =	task.clear_ibuf [dreg:s6], $0x2FFFF;
	_ =	strace $0x9FFFFFFF  }
0xc2: {  	(tm) =	ssettm $0x7FFFFFFF  }
0xc3: {  	_ =	shalt  }
tec
execute0_lowered:
.L_overlay_start_1:
0x0: {  	(tag) =	ssettag $0x1  }
0x1: {  	s4 =	rddreg [dreg:$0x0]  }
0x2: {  	s2 =	rddreg [dreg:$0x1]  }
0x3: {  	s0 =	rddreg [dreg:$0x2];
	s1 =	stileid.u32  }
0x4: {  	s5 =	srdreg.scid;
	s3 =	simm.s32 $0x0;
	s13 =	simm.s32 $0x1400  }
0x5: {  	s14 =	simm.s32 $0x0;
	s5 =	sand.u32 $0x1, s5;
	s6 =	sshll.u32 s1, $0x1  }
0x6: {  	[smem:$0x7FF] =	sst s3;
	s7 =	smul.u32 $0x2800, s1;
	s6 =	sor.u32 s5, s6  }
0x7: {  	s31 =	sshll.u32 s1, $0x6;
	_ =	strace $0x80000047;
	s8 =	smul.u32 $0x280, s6  }
0x8: {  	s5 =	ssub.s32 $0x2, s5;
	s9 =	sshrl.u32 s7, $0x3;
	s6 =	smul.u32 $0x2800, s6  }
0x9: {  	s10 =	sshrl.u32 s5, $0x1;
	s12 =	sadd.s32 s7, s2;
	s9 =	sadd.s32 s9, s4  }
0xa: {  	s10 =	ssub.s32 s5, s10;
	s5 =	sor.u32 $0x1C02, s31;
	s8 =	sadd.s32 s8, s4  }
0xb: {  	s11 =	sadd.s32 s6, s4;
	s4 =	sadd.s32 $0x9400, s9;
	s9 =	sshrl.u32 s12, $0x3  }
0xc: {  	s12 =	simm.s32 $0x1;
	s6 =	sadd.s32 $0xE400, s8;
	s7 =	sadd.s32 $0x18400, s11  }
0xd: {  	s8 =	smax.u32 s10, $0x1;
	s10 =	simm.s32 $0x2;
	s11 =	simm.s32 $0x80  }
.LBB2_1:
0xe: {  	[spmem:s9], [sflag:s5] =	dma.local [hbm:s4], $0x500  }
0xf: {  	_ =	swait.ge [sflag:s10], $0x500  }
0x10: {  	[sflag:s10] =	ssyncset.done $0x0  }
0x11: {  	[sflag:s10] =	ssyncadd.s32 $0xFFFFFB00  }
0x12: {  	[tilespmem:s3], [sflag:$0x2] =	stream.linear.gather [hbm4b:s6+s3], $0x1400, $0x38;
	[tilespmem:$0x17C00] =	vst v63  }
0x13: {  	_ =	swait.ge [sflag:s10], $0x1400  }
0x14: {  	[sflag:s10] =	ssyncset.done $0x0  }
0x15: {  	[sflag:s10] =	ssyncadd.s32 $0xFFFFEC00  }
0x16: {  	s15 =	simm.s32 $0x1400;
	s16 =	simm.s32 $0x0;
	[bflag:$0x0] =	sbarrier.arrive $0xFFFF  }
.LBB2_2:
0x17: {  	p0 =	sne.s32 s16, $0x4E00  }
.Ltmp0:
0x18: {  	_ = 	snop;
	(pc) =	sbr.rel @p0 .LBB2_2-.Ltmp0, $4  }
0x19: {  	_ = 	snop  }
0x1a: {  	s17 =	sshra.s32 s16, $0x2  }
0x1b: {  	[tilespmem:s15], [sflag:$0x1] =	stream.indirect.gather [spmem:s2], $0x10, s17, s11, $0xb8;
	[tilespmem:$0x17C00] =	vst v63  }
0x1c: {  	s16 =	sadd.s32 $0x200, s16;
	s15 =	sadd.s32 $0x800, s15  }
0x1d: {  	_ =	swait.ge [sflag:s12], $0x800  }
0x1e: {  	s15 =	simm.s32 $0x27;
	[sflag:s12] =	ssyncset.done $0x0  }
.LBB2_4:
0x1f: {  	p0 =	sne.s32 s15, $0x1;
	s15 =	sadd.s32 $0xFFFFFFFF, s15;
	[sflag:s12] =	ssyncadd.s32 $0xFFFFF800  }
.Ltmp1:
0x20: {  	(pc) =	sbr.rel @p0 .LBB2_4-.Ltmp1, $3  }
0x21: {  	_ =	sdelay $0x1  }
0x22: {  	_ =	swait.ge [sflag:s12], $0x800  }
0x23: {  	[sflag:s12] =	ssyncset.done $0x0  }
0x24: {  	s14 =	sadd.s32 $0x1, s14  }
0x25: {  	p0 =	sne.s32 s14, s8  }
.Ltmp2:
0x26: {  	[sflag:s12] =	ssyncadd.s32 $0xFFFFF800;
	(pc) =	sbr.rel @p0 .LBB2_1-.Ltmp2, $4  }
0x27: {  	[hbm4b:s7+s3] =	stream.linear.scatter [tilespmem:s13], [sflag:$0x2], $0x14000, $0x38;
	[tilespmem:$0x17C00] =	vst v63  }
0x28: {  	_ =	swait.ge [sflag:s10], $0x14000  }
0x29: {  	[sflag:s10] =	ssyncset.done $0x0  }
0x2a: {  	[sflag:s10] =	ssyncadd.s32 $0xFFFEC000  }
0x2b: {  	_ =	sfence.sel $0x180000  }
0x2c: {  	[bflag:$0x0] =	sbarrier.arrive $0xFFFF  }
0x2d: {  	p0 =	sne.s32 s1, $0x0;
	_ =	strace $0x90000047  }
0x2e: {  	s0 =	sadd.s32 @!p0 $0x100000, s0;
	[bflag:$0x2] =	sbarrier.arrive $0xFFFF  }
0x2f: {  	[sflag:s0] =	ssyncadd.tile.s32 @!p0 $0x1;
	_ =	shalt  }
.Lfunc_end2:
_tile_overlayer_lowered:
.L_overlay_start_2:
0x30: {  	(tag) =	ssettag $0x2  }
0x31: {  	s0 =	rddreg [dreg:$0x0];
	s2 =	stileid.u32  }
0x32: {  	s1 =	rddreg [dreg:$0x1];
	p0 =	sne.s32 s2, $0x0  }
0x33: {  	s3 =	rddreg [dreg:$0x2];
	[bflag:$0x3] =	sbarrier.arrive $0xFFFF;
	s2 =	simm.s32 @!p0 $0x1C02  }
0x34: {  	[timem:s3], [sflag:s2] =	dma.local @!p0 [hbm:s0], s1  }
0x35: {  	s0 =	simm.s32 @!p0 $0x2  }
0x36: {  	_ =	swait.ge @!p0 [sflag:s0], s1  }
0x37: {  	s1 =	ssub.s32 @!p0 $0x0, s1;
	[sflag:s0] =	ssyncset.done @!p0 $0x0  }
0x38: {  	[sflag:s0] =	ssyncadd.s32 @!p0 s1  }
0x39: {  	[bflag:$0x3] =	sbarrier.arrive $0xFFFF  }
0x3a: {  	_ =	shalt  }

// kernel: kernel.37.cloned.1.call-start
scs
__scs_entry_jumppad:
0x0: {  	(pc) =	sbr.rel $0x88, $3  }
0x1: {  	(tag) =	ssettag $0x0;
	lr =	simm.s32 $0x1  }
0x2: {  	[smem:$0x3F86] =	sst lr;
	_ =	strace $0xD0000000  }
0x3: {  	_ = 	snop  }
0x4: {  	_ = 	snop  }
0x5: {  	_ = 	snop  }
0x6: {  	_ = 	snop  }
0x7: {  	_ = 	snop  }
__scs_overlays_trampoline_lowered:
0x8: {  	[smem:$0x3F95] =	sst s0  }
0x9: {  	[smem:$0x3F96] =	sst s1  }
0xa: {  	[smem:$0x3F97] =	sst s2  }
0xb: {  	[smem:$0x3F98] =	sst s3  }
0xc: {  	[smem:$0x3F99] =	sst s4  }
0xd: {  	[smem:$0x3F9A] =	sst s5  }
0xe: {  	[smem:$0x3F9B] =	sst s6  }
0xf: {  	[smem:$0x3F9C] =	sst s7  }
0x10: {  	[smem:$0x3F9D] =	sst s8  }
0x11: {  	[smem:$0x3F9E] =	sst s9;
	s0 =	simm.s32 @!p0 $0x0  }
0x12: {  	s1 =	sld [smem:$0x3F84];
	s0 =	simm.s32 @p0 $0x1  }
0x13: {  	[smem:$0x3F9F] =	sst s0;
	s0 =	simm.s32 @!p1 $0x0  }
0x14: {  	s2 =	sld [smem:$0x3F83];
	s0 =	simm.s32 @p1 $0x1  }
0x15: {  	[smem:$0x3FA0] =	sst s0;
	s0 =	simm.s32 @!p2 $0x0  }
0x16: {  	s3 =	sld [smem:$0x3FDB];
	s0 =	simm.s32 @p2 $0x1  }
0x17: {  	s4 =	simm.s32 $0x1BF5;
	[smem:$0x3FA2] =	sst s0  }
0x18: {  	s0 =	sld [smem:$0x3F85];
	_ =	swait.ge [sflag:s4], $0x0  }
0x19: {  	s7 =	sld [smem:$0x3F86]  }
0x1a: {  	s8 =	sadd.s32 $0xFFFFE003, lr  }
0x1b: {  	s9 =	sadd.s32 $0xFFFFFEF7, lr;
	s5 =	simm.s32 $0xFFFFFFFF;
	p2 =	slt.u32 s8, $0xFFFFF086  }
0x1c: {  	p1 =	slt.u32 s9, $0xF7A;
	s5 =	simm.s32 @!p2 $0x0  }
0x1d: {  	s5 =	simm.s32 @p1 $0x1;
	p0 =	seq.s32 s7, s2  }
0x1e: {  	s7 =	smul.u32 @!p0 $0xF7A, s2;
	p2 =	seq.s32 @!p0 s5, $0x0  }
0x1f: {  	s9 =	smul.u32 $0xF7A, s1;
	s8 =	simm.s32 @!p0 $0x1BF5;
	p2 =	por !p2, p0  }
0x20: {  	[sflag:s8] =	ssyncset.s32 @!p0 $0xFFFFF086;
	s6 =	sadd.s32 @!p0 s3, s7;
	s7 =	simm.s32 @!p0 $0x108  }
0x21: {  	s3 =	sadd.s32 s3, s9;
	s6 =	sadd.s32 @!p0 $0x88, s6;
	s7 =	simm.s32 @p2 $0x1082  }
0x22: {  	[simem:s7], [sflag:s8] =	dma.local @!p0 [hbm:s6], $0xF7A  }
0x23: {  	s9 =	sor.u32 $0xD0000000, s2;
	s6 =	simm.s32 $0x108;
	_ =	swait.ge @!p0 [sflag:s8], $0x0  }
0x24: {  	s3 =	sadd.s32 $0x88, s3;
	s6 =	simm.s32 @!p1 $0x1082;
	[sflag:s4] =	ssyncset.s32 $0xFFFFF086  }
0x25: {  	[simem:s6], [sflag:s4] =	dma.local [hbm:s3], $0xF7A  }
0x26: {  	[smem:$0x3F86] =	sst s1;
	(tag) =	ssettag s2;
	_ =	strace s9  }
0x27: {  	s1 =	sld [smem:$0x3F96]  }
0x28: {  	s2 =	sld [smem:$0x3F97]  }
0x29: {  	s4 =	sld [smem:$0x3F99]  }
0x2a: {  	p0 =	seq.s32 s5, $0x0;
	s5 =	sld [smem:$0x3F9A]  }
0x2b: {  	s6 =	sld [smem:$0x3F9B]  }
0x2c: {  	s7 =	sld [smem:$0x3F9C]  }
0x2d: {  	s3 =	simm.s32 $0x108;
	s8 =	sld [smem:$0x3F9D]  }
0x2e: {  	s3 =	simm.s32 @!p0 $0x1082;
	s9 =	sld [smem:$0x3F9E]  }
0x2f: {  	lr =	sadd.s32 s0, s3;
	s0 =	sld [smem:$0x3F95]  }
0x30: {  	s3 =	sld [smem:$0x3F98]  }
0x31: {  	[smem:$0x3FA1] =	sst s10  }
0x32: {  	s10 =	sld [smem:$0x3F9F];
	_ =	sdelay $0x3  }
0x33: {  	p0 =	seq.s32 s10, $0x1;
	s10 =	sld [smem:$0x3FA1];
	_ =	sdelay $0x3  }
0x34: {  	[smem:$0x3FA1] =	sst s10  }
0x35: {  	s10 =	sld [smem:$0x3FA0];
	_ =	sdelay $0x3  }
0x36: {  	p1 =	seq.s32 s10, $0x1;
	s10 =	sld [smem:$0x3FA1];
	_ =	sdelay $0x3  }
0x37: {  	[smem:$0x3FA1] =	sst s10  }
0x38: {  	s10 =	sld [smem:$0x3FA2]  }
0x39: {  	_ = 	snop;
	(pc) =	sbr.ind lr, $3  }
0x3a: {  	_ = 	snop  }
0x3b: {  	_ = 	snop  }
0x3c: {  	p2 =	seq.s32 s10, $0x1;
	s10 =	sld [smem:$0x3FA1]  }
0x3d: {  	_ =	shalt  }
0x3e: {  	_ =	shalt  }
0x3f: {  	_ =	shalt  }
0x40: {  	_ =	shalt  }
0x41: {  	_ =	shalt  }
0x42: {  	_ =	shalt  }
0x43: {  	_ =	shalt  }
0x44: {  	_ =	shalt  }
0x45: {  	_ =	shalt  }
0x46: {  	_ =	shalt  }
0x47: {  	_ =	shalt  }
0x48: {  	_ =	shalt  }
0x49: {  	_ =	shalt  }
0x4a: {  	_ =	shalt  }
0x4b: {  	_ =	shalt  }
0x4c: {  	_ =	shalt  }
0x4d: {  	_ =	shalt  }
0x4e: {  	_ =	shalt  }
0x4f: {  	_ =	shalt  }
0x50: {  	_ =	shalt  }
0x51: {  	_ =	shalt  }
0x52: {  	_ =	shalt  }
0x53: {  	_ =	shalt  }
0x54: {  	_ =	shalt  }
0x55: {  	_ =	shalt  }
0x56: {  	_ =	shalt  }
0x57: {  	_ =	shalt  }
0x58: {  	_ =	shalt  }
0x59: {  	_ =	shalt  }
0x5a: {  	_ =	shalt  }
0x5b: {  	_ =	shalt  }
0x5c: {  	_ =	shalt  }
0x5d: {  	_ =	shalt  }
0x5e: {  	_ =	shalt  }
0x5f: {  	_ =	shalt  }
0x60: {  	_ =	shalt  }
0x61: {  	_ =	shalt  }
0x62: {  	_ =	shalt  }
0x63: {  	_ =	shalt  }
0x64: {  	_ =	shalt  }
0x65: {  	_ =	shalt  }
0x66: {  	_ =	shalt  }
0x67: {  	_ =	shalt  }
0x68: {  	_ =	shalt  }
0x69: {  	_ =	shalt  }
0x6a: {  	_ =	shalt  }
0x6b: {  	_ =	shalt  }
0x6c: {  	_ =	shalt  }
0x6d: {  	_ =	shalt  }
0x6e: {  	_ =	shalt  }
0x6f: {  	_ =	shalt  }
0x70: {  	_ =	shalt  }
0x71: {  	_ =	shalt  }
0x72: {  	_ =	shalt  }
0x73: {  	_ =	shalt  }
0x74: {  	_ =	shalt  }
0x75: {  	_ =	shalt  }
0x76: {  	_ =	shalt  }
0x77: {  	_ =	shalt  }
0x78: {  	_ =	shalt  }
0x79: {  	_ =	shalt  }
0x7a: {  	_ =	shalt  }
0x7b: {  	_ =	shalt  }
0x7c: {  	_ =	shalt  }
0x7d: {  	_ =	shalt  }
0x7e: {  	_ =	shalt  }
0x7f: {  	_ =	shalt  }
0x80: {  	_ =	shalt  }
0x81: {  	_ =	shalt  }
0x82: {  	_ =	shalt  }
0x83: {  	_ =	shalt  }
0x84: {  	_ =	shalt  }
0x85: {  	_ =	shalt  }
0x86: {  	_ =	shalt  }
0x87: {  	_ =	shalt  }
.Lfunc_end0:
.L_simem_size_0:
called_computation.3_lowered:
.L_overlay_start_0:
0x88: {  	s2 =	sld [smem:$0x3FD9]  }
0x89: {  	s3 =	sld [smem:$0x3FFE];
	_ =	sdelay $0x1  }
0x8a: {  	s1 =	srdreg.scid  }
0x8b: {  	s0 =	sand.u32 $0x1, s1  }
0x8c: {  	s17 =	sshll.u32 s0, $0xA;
	s2 =	sadd.s32 s3, s2  }
0x8d: {  	s2 =	sadd.s32 s2, s17  }
0x8e: {  	[smem:$0x3FAD] =	sst s2  }
0x8f: {  	_ = 	snop  }
0x90: {  	(tm) =	ssettm $0x1  }
0x91: {  	s18 =	sld [smem:$0x3FFB];
	_ =	sdelay $0x3  }
0x92: {  	_ =	strace s18  }
0x93: {  	s2 =	sld [smem:$0x3FFC];
	_ =	sdelay $0x3  }
0x94: {  	_ =	strace s2  }
0x95: {  	s2 =	sld [smem:$0x3FFD];
	_ =	sdelay $0x3  }
0x96: {  	_ =	strace s2  }
0x97: {  	_ =	strace $0x8FFFFFFF  }
0x98: {  	s19 =	sld [smem:$0x3FDB];
	_ =	sdelay $0x1  }
0x99: {  	s20 =	simm.s32 $_scs_section_size  }
0x9a: {  	s4 =	simm.s32 $_size__tile_overlayer_lowered;
	s5 =	simm.s32 $_tile_overlayer_lowered  }
0x9b: {  	s6 =	simm.s32 $0x1BFF;
	s21 =	sshll.u32 s5, $0x1;
	s3 =	sadd.s32 s20, s19  }
0x9c: {  	s22 =	simm.s32 $0x0;
	s4 =	sshll.u32 s4, $0x1;
	s5 =	sadd.s32 s21, s3  }
0x9d: {  	[timem:s22], [sflag:s6] =	dma.local [hbm:s5], s4  }
0x9e: {  	_ =	swait.ge [sflag:s6], s4  }
0x9f: {  	s4 =	ssub.s32 $0x0, s4;
	[sflag:s6] =	ssyncset.done $0x0  }
0xa0: {  	[sflag:s6] =	ssyncadd.s32 s4;
	_ =	sdelay $0x1  }
0xa1: {  	s23 =	simm.s32 $0x1B8B  }
0xa2: {  	_ =	swait.ge [sflag:s23], $0x1  }
0xa3: {  	[sflag:s23] =	ssyncset.done $0x0  }
0xa4: {  	[sflag:s23] =	ssyncadd.s32 $0xFFFFFFFF  }
0xa5: {  	s4 =	sld [smem:$0x0]  }
0xa6: {  	s5 =	sand.u32 $0xFFFFFFFE, s1  }
0xa7: {  	p0 =	sne.s32 s1, s5  }
0xa8: {  	s5 =	sshll.u32 @p0 s5, $0xE  }
0xa9: {  	s5 =	sadd.s32 @p0 $0x11B8D, s5;
	s6 =	sshll.u32 @p0 s4, $0x11  }
0xaa: {  	s5 =	sor.u32 @p0 s6, s5  }
0xab: {  	[sflag:s5] =	ssyncadd.remote.s32 @p0 $0x1;
	_ =	sdelay $0x1  }
0xac: {  	s5 =	simm.s32 @p0 $0x1B8D  }
0xad: {  	_ =	swait.eq @p0 [sflag:s5], $0x1  }
0xae: {  	[sflag:s5] =	ssyncadd.s32 @p0 $0xFFFFFFFF  }
0xaf: {  	s6 =	sshll.u32 @!p0 s1, $0xE  }
0xb0: {  	s6 =	sor.u32 @!p0 $0x4000, s6;
	s5 =	simm.s32 @!p0 $0x1B8D  }
0xb1: {  	s4 =	sshll.u32 @!p0 s4, $0x11;
	s6 =	sadd.s32 @!p0 $0x11B8D, s6;
	_ =	swait.eq @!p0 [sflag:s5], $0x1  }
0xb2: {  	s4 =	sor.u32 @!p0 s4, s6;
	[sflag:s5] =	ssyncadd.s32 @!p0 $0xFFFFFFFF  }
0xb3: {  	s25 =	simm.s32 $0x1B8E;
	s24 =	sld [smem:$0x3FFE];
	[sflag:s4] =	ssyncadd.remote.s32 @!p0 $0x1  }
0xb4: {  	s26 =	simm.s32 $execute0_lowered;
	[smem:$0x3FD2] =	sst s25  }
0xb5: {  	s5 =	sshll.u32 s26, $0x1;
	_ =	strace $0x8000004C;
	[dreg:$0x1] =	wrdreg $0xFFFFFFFF  }
0xb6: {  	s28 =	simm.s32 $_size_execute0_lowered;
	s3 =	sadd.s32 s3, s5;
	[dreg:$0x0] =	wrdreg $0x0  }
0xb7: {  	s5 =	sshll.u32 s28, $0x1;
	[dreg:$0x2] =	wrdreg s3  }
0xb8: {  	[dreg:$0x3] =	wrdreg s5  }
0xb9: {  	[dreg:$0x4] =	wrdreg $0xC0  }
0xba: {  	_ =	task [dreg:s22], $0x5FFFF  }
0xbb: {  	[dreg:$0x1] =	wrdreg $0xFFFFFFFF  }
0xbc: {  	[dreg:$0x0] =	wrdreg $0x60  }
0xbd: {  	[dreg:$0x2] =	wrdreg s24  }
0xbe: {  	[dreg:$0x3] =	wrdreg $0x17C000  }
0xbf: {  	[dreg:$0x4] =	wrdreg $0xA  }
0xc0: {  	_ =	task.clear_ibuf [dreg:s22], $0x5FFFF;
	_ =	strace $0x9000004C  }
0xc1: {  	s29 =	simm.s32 $0xA;
	_ =	strace $0x8000004E  }
0xc2: {  	_ =	swait.ge [sflag:s29], $0x1  }
0xc3: {  	[sflag:s29] =	ssyncadd.s32 $0xFFFFFFFF  }
0xc4: {  	_ =	strace $0x9000004E  }
0xc5: {  	_ =	sfence  }
0xc6: {  	s30 =	sld [smem:$0x0];
	_ =	sdelay $0x2  }
0xc7: {  	s31 =	sshll.u32 s1, $0xD;
	s1 =	sshrl.u32 s1, $0x2  }
0xc8: {  	s4 =	sand.u32 $0x4000, s31;
	s1 =	sadd.s32 s1, s30  }
0xc9: {  	s0 =	sor.u32 s4, s0;
	s1 =	sshll.u32 s1, $0x11  }
0xca: {  	s0 =	sor.u32 s1, s0  }
0xcb: {  	s0 =	sadd.s32 $0x8F2B, s0  }
0xcc: {  	[sflag:s0] =	ssyncadd.remote.s32 $0x1  }
0xcd: {  	_ =	sfence.sel $0xFFFF  }
0xce: {  	[dreg:$0x0] =	wrdreg $0xFFFFFFFF;
	(pc) =	sbr.abs _section_cstart, $3  }
0xcf: {  	[dreg:$0x1] =	wrdreg $0xFFFFFFFF  }
0xd0: {  	_ =	task.clear_ibuf [dreg:s22], $0x2FFFF;
	_ =	strace $0x9FFFFFFF  }
0xd1: {  	(tm) =	ssettm $0x7FFFFFFF  }
tec
execute0_lowered:
.L_overlay_start_1:
0x0: {  	(tag) =	ssettag $0x1  }
0x1: {  	s1 =	srdreg.scid  }
0x2: {  	s0 =	stileid.u32;
	s5 =	rddreg [dreg:$0x0]  }
0x3: {  	s2 =	rddreg [dreg:$0x1];
	s3 =	simm.s32 $0x0;
	s13 =	simm.s32 $0x1  }
0x4: {  	s14 =	simm.s32 $0x80;
	s15 =	simm.s32 $0x15400;
	s16 =	simm.s32 $0x0  }
0x5: {  	s4 =	sand.u32 $0x1, s1;
	s29 =	sshll.u32 s0, $0x1;
	s8 =	smul.u32 $0x2800, s0  }
0x6: {  	[smem:$0x7FF] =	sst s3;
	s1 =	sor.u32 s4, s29;
	s9 =	smul.u32 $0x28000, s4  }
0x7: {  	s31 =	sshll.u32 s0, $0x6;
	s4 =	ssub.s32 $0x2, s4;
	s6 =	smul.u32 $0x2800, s1  }
0x8: {  	s7 =	smul.u32 $0x280, s1;
	s1 =	rddreg [dreg:$0x2];
	_ =	strace $0x8000004D  }
0x9: {  	s10 =	sshrl.u32 s8, $0x3;
	s30 =	sshrl.u32 s4, $0x1;
	s9 =	sadd.s32 s8, s9  }
0xa: {  	s10 =	sadd.s32 s10, s5;
	s11 =	ssub.s32 s4, s30;
	s9 =	sshrl.u32 s9, $0x3  }
0xb: {  	s6 =	sadd.s32 s6, s5;
	s7 =	sadd.s32 s7, s5;
	s9 =	sadd.s32 s9, s5  }
0xc: {  	s4 =	sadd.s32 $0x13400, s7;
	s5 =	sadd.s32 $0x18400, s6;
	s6 =	sadd.s32 s8, s2  }
0xd: {  	s7 =	sadd.s32 $0x68400, s10;
	s10 =	simm.s32 $0x2;
	s8 =	sadd.s32 $0x117400, s9  }
0xe: {  	s9 =	smax.u32 s11, $0x1;
	s11 =	sor.u32 $0x1C02, s31;
	s12 =	sshrl.u32 s6, $0x3  }
.LBB2_1:
0xf: {  	[tilespmem:s3], [sflag:$0x2] =	stream.linear.gather [hbm4b:s4+s3], $0x1400, $0x38;
	[tilespmem:$0x1A400] =	vst v63  }
0x10: {  	_ =	swait.ge [sflag:s10], $0x1400  }
0x11: {  	[sflag:s10] =	ssyncset.done $0x0  }
0x12: {  	s17 =	simm.s32 $0x1400;
	[sflag:s10] =	ssyncadd.s32 $0xFFFFEC00  }
0x13: {  	[tilespmem:s17], [sflag:$0x1] =	stream.linear.gather [hbm4b:s5+s3], $0x14000, $0x38;
	[tilespmem:$0x1A400] =	vst v63  }
0x14: {  	[spmem:s12], [sflag:s11] =	dma.local [hbm:s7], $0x500  }
0x15: {  	_ =	swait.ge [sflag:s10], $0x500  }
0x16: {  	[sflag:s10] =	ssyncset.done $0x0  }
0x17: {  	[sflag:s10] =	ssyncadd.s32 $0xFFFFFB00  }
0x18: {  	_ =	swait.ge [sflag:s13], $0x14000  }
0x19: {  	[sflag:s13] =	ssyncset.done $0x0  }
0x1a: {  	[sflag:s13] =	ssyncadd.s32 $0xFFFEC000  }
0x1b: {  	s18 =	simm.s32 $0x0;
	[bflag:$0x0] =	sbarrier.arrive $0xFFFF  }
0x1c: {  	[spmem:s2] =	stream.indirect.scatter.add.f32 [tilespmem:s17], [sflag:$0x2], $0x10, s18, s14, $0xb8;
	[tilespmem:$0x1A400] =	vst v63  }
0x1d: {  	_ =	swait.ge [sflag:s10], $0x800  }
0x1e: {  	s18 =	simm.s32 $0x200;
	[sflag:s10] =	ssyncset.done $0x0  }
.LBB2_2:
0x1f: {  	s19 =	sshra.s32 s18, $0x2  }
0x20: {  	[sflag:s10] =	ssyncadd.s32 $0xFFFFF800;
	s17 =	sadd.s32 $0x800, s17;
	p0 =	sne.s32 s18, $0x4E00  }
0x21: {  	[spmem:s2] =	stream.indirect.scatter.add.f32 [tilespmem:s17], [sflag:$0x2], $0x10, s19, s14, $0xb8;
	[tilespmem:$0x1A400] =	vst v63  }
.Ltmp0:
0x22: {  	_ = 	snop;
	(pc) =	sbr.rel @p0 .LBB2_2-.Ltmp0, $4  }
0x23: {  	_ = 	snop  }
0x24: {  	s18 =	sadd.s32 $0x200, s18  }
0x25: {  	_ =	swait.ge [sflag:s10], $0x800  }
0x26: {  	[sflag:s10] =	ssyncset.done $0x0  }
0x27: {  	[sflag:s10] =	ssyncadd.s32 $0xFFFFF800  }
0x28: {  	[bflag:$0x0] =	sbarrier.arrive $0xFFFF  }
0x29: {  	[tilespmem:s15], [sflag:$0x2] =	stream.linear.gather [spmem:s6], $0x2800, $0x38;
	[tilespmem:$0x1A400] =	vst v63  }
0x2a: {  	s16 =	sadd.s32 $0x1, s16;
	_ =	swait.ge [sflag:s10], $0x2800  }
0x2b: {  	p0 =	sne.s32 s16, s9;
	[sflag:s10] =	ssyncset.done $0x0  }
.Ltmp1:
0x2c: {  	[sflag:s10] =	ssyncadd.s32 $0xFFFFD800;
	(pc) =	sbr.rel @p0 .LBB2_1-.Ltmp1, $4  }
0x2d: {  	[hbm4b:s8+s3] =	stream.linear.scatter [tilespmem:s15], [sflag:$0x2], $0x2800, $0x38;
	[tilespmem:$0x1A400] =	vst v63  }
0x2e: {  	_ =	swait.ge [sflag:s10], $0x2800  }
0x2f: {  	[sflag:s10] =	ssyncset.done $0x0  }
0x30: {  	[sflag:s10] =	ssyncadd.s32 $0xFFFFD800  }
0x31: {  	_ =	sfence.sel $0x180000  }
0x32: {  	[bflag:$0x0] =	sbarrier.arrive $0xFFFF  }
0x33: {  	p0 =	sne.s32 s0, $0x0;
	_ =	strace $0x9000004D  }
0x34: {  	s0 =	sadd.s32 @!p0 $0x100000, s1;
	[bflag:$0x2] =	sbarrier.arrive $0xFFFF  }
0x35: {  	[sflag:s0] =	ssyncadd.tile.s32 @!p0 $0x1;
	_ =	shalt  }
.Lfunc_end2:
_tile_overlayer_lowered:
.L_overlay_start_2:
0x36: {  	(tag) =	ssettag $0x2  }
0x37: {  	s0 =	rddreg [dreg:$0x0];
	s2 =	stileid.u32  }
0x38: {  	s1 =	rddreg [dreg:$0x1];
	p0 =	sne.s32 s2, $0x0  }
0x39: {  	s3 =	rddreg [dreg:$0x2];
	[bflag:$0x3] =	sbarrier.arrive $0xFFFF;
	s2 =	simm.s32 @!p0 $0x1C02  }
0x3a: {  	[timem:s3], [sflag:s2] =	dma.local @!p0 [hbm:s0], s1  }
0x3b: {  	s0 =	simm.s32 @!p0 $0x2  }
0x3c: {  	_ =	swait.ge @!p0 [sflag:s0], s1  }
0x3d: {  	s1 =	ssub.s32 @!p0 $0x0, s1;
	[sflag:s0] =	ssyncset.done @!p0 $0x0  }
0x3e: {  	[sflag:s0] =	ssyncadd.s32 @!p0 s1  }
0x3f: {  	[bflag:$0x3] =	sbarrier.arrive $0xFFFF  }
0x40: {  	_ =	shalt  }

// kernel: kernel.40.cloned.1.call-start
scs
__scs_entry_jumppad:
0x0: {  	(pc) =	sbr.rel $0x88, $3  }
0x1: {  	(tag) =	ssettag $0x0;
	lr =	simm.s32 $0x1  }
0x2: {  	[smem:$0x3F86] =	sst lr;
	_ =	strace $0xD0000000  }
0x3: {  	_ = 	snop  }
0x4: {  	_ = 	snop  }
0x5: {  	_ = 	snop  }
0x6: {  	_ = 	snop  }
0x7: {  	_ = 	snop  }
__scs_overlays_trampoline_lowered:
0x8: {  	[smem:$0x3F95] =	sst s0  }
0x9: {  	[smem:$0x3F96] =	sst s1  }
0xa: {  	[smem:$0x3F97] =	sst s2  }
0xb: {  	[smem:$0x3F98] =	sst s3  }
0xc: {  	[smem:$0x3F99] =	sst s4  }
0xd: {  	[smem:$0x3F9A] =	sst s5  }
0xe: {  	[smem:$0x3F9B] =	sst s6  }
0xf: {  	[smem:$0x3F9C] =	sst s7  }
0x10: {  	[smem:$0x3F9D] =	sst s8  }
0x11: {  	[smem:$0x3F9E] =	sst s9;
	s0 =	simm.s32 @!p0 $0x0  }
0x12: {  	s1 =	sld [smem:$0x3F84];
	s0 =	simm.s32 @p0 $0x1  }
0x13: {  	[smem:$0x3F9F] =	sst s0;
	s0 =	simm.s32 @!p1 $0x0  }
0x14: {  	s2 =	sld [smem:$0x3F83];
	s0 =	simm.s32 @p1 $0x1  }
0x15: {  	[smem:$0x3FA0] =	sst s0;
	s0 =	simm.s32 @!p2 $0x0  }
0x16: {  	s3 =	sld [smem:$0x3FDB];
	s0 =	simm.s32 @p2 $0x1  }
0x17: {  	s4 =	simm.s32 $0x1BF5;
	[smem:$0x3FA2] =	sst s0  }
0x18: {  	s0 =	sld [smem:$0x3F85];
	_ =	swait.ge [sflag:s4], $0x0  }
0x19: {  	s7 =	sld [smem:$0x3F86]  }
0x1a: {  	s8 =	sadd.s32 $0xFFFFE003, lr  }
0x1b: {  	s9 =	sadd.s32 $0xFFFFFEF7, lr;
	s5 =	simm.s32 $0xFFFFFFFF;
	p2 =	slt.u32 s8, $0xFFFFF086  }
0x1c: {  	p1 =	slt.u32 s9, $0xF7A;
	s5 =	simm.s32 @!p2 $0x0  }
0x1d: {  	s5 =	simm.s32 @p1 $0x1;
	p0 =	seq.s32 s7, s2  }
0x1e: {  	s7 =	smul.u32 @!p0 $0xF7A, s2;
	p2 =	seq.s32 @!p0 s5, $0x0  }
0x1f: {  	s9 =	smul.u32 $0xF7A, s1;
	s8 =	simm.s32 @!p0 $0x1BF5;
	p2 =	por !p2, p0  }
0x20: {  	[sflag:s8] =	ssyncset.s32 @!p0 $0xFFFFF086;
	s6 =	sadd.s32 @!p0 s3, s7;
	s7 =	simm.s32 @!p0 $0x108  }
0x21: {  	s3 =	sadd.s32 s3, s9;
	s6 =	sadd.s32 @!p0 $0x88, s6;
	s7 =	simm.s32 @p2 $0x1082  }
0x22: {  	[simem:s7], [sflag:s8] =	dma.local @!p0 [hbm:s6], $0xF7A  }
0x23: {  	s9 =	sor.u32 $0xD0000000, s2;
	s6 =	simm.s32 $0x108;
	_ =	swait.ge @!p0 [sflag:s8], $0x0  }
0x24: {  	s3 =	sadd.s32 $0x88, s3;
	s6 =	simm.s32 @!p1 $0x1082;
	[sflag:s4] =	ssyncset.s32 $0xFFFFF086  }
0x25: {  	[simem:s6], [sflag:s4] =	dma.local [hbm:s3], $0xF7A  }
0x26: {  	[smem:$0x3F86] =	sst s1;
	(tag) =	ssettag s2;
	_ =	strace s9  }
0x27: {  	s1 =	sld [smem:$0x3F96]  }
0x28: {  	s2 =	sld [smem:$0x3F97]  }
0x29: {  	s4 =	sld [smem:$0x3F99]  }
0x2a: {  	p0 =	seq.s32 s5, $0x0;
	s5 =	sld [smem:$0x3F9A]  }
0x2b: {  	s6 =	sld [smem:$0x3F9B]  }
0x2c: {  	s7 =	sld [smem:$0x3F9C]  }
0x2d: {  	s3 =	simm.s32 $0x108;
	s8 =	sld [smem:$0x3F9D]  }
0x2e: {  	s3 =	simm.s32 @!p0 $0x1082;
	s9 =	sld [smem:$0x3F9E]  }
0x2f: {  	lr =	sadd.s32 s0, s3;
	s0 =	sld [smem:$0x3F95]  }
0x30: {  	s3 =	sld [smem:$0x3F98]  }
0x31: {  	[smem:$0x3FA1] =	sst s10  }
0x32: {  	s10 =	sld [smem:$0x3F9F];
	_ =	sdelay $0x3  }
0x33: {  	p0 =	seq.s32 s10, $0x1;
	s10 =	sld [smem:$0x3FA1];
	_ =	sdelay $0x3  }
0x34: {  	[smem:$0x3FA1] =	sst s10  }
0x35: {  	s10 =	sld [smem:$0x3FA0];
	_ =	sdelay $0x3  }
0x36: {  	p1 =	seq.s32 s10, $0x1;
	s10 =	sld [smem:$0x3FA1];
	_ =	sdelay $0x3  }
0x37: {  	[smem:$0x3FA1] =	sst s10  }
0x38: {  	s10 =	sld [smem:$0x3FA2]  }
0x39: {  	_ = 	snop;
	(pc) =	sbr.ind lr, $3  }
0x3a: {  	_ = 	snop  }
0x3b: {  	_ = 	snop  }
0x3c: {  	p2 =	seq.s32 s10, $0x1;
	s10 =	sld [smem:$0x3FA1]  }
0x3d: {  	_ =	shalt  }
0x3e: {  	_ =	shalt  }
0x3f: {  	_ =	shalt  }
0x40: {  	_ =	shalt  }
0x41: {  	_ =	shalt  }
0x42: {  	_ =	shalt  }
0x43: {  	_ =	shalt  }
0x44: {  	_ =	shalt  }
0x45: {  	_ =	shalt  }
0x46: {  	_ =	shalt  }
0x47: {  	_ =	shalt  }
0x48: {  	_ =	shalt  }
0x49: {  	_ =	shalt  }
0x4a: {  	_ =	shalt  }
0x4b: {  	_ =	shalt  }
0x4c: {  	_ =	shalt  }
0x4d: {  	_ =	shalt  }
0x4e: {  	_ =	shalt  }
0x4f: {  	_ =	shalt  }
0x50: {  	_ =	shalt  }
0x51: {  	_ =	shalt  }
0x52: {  	_ =	shalt  }
0x53: {  	_ =	shalt  }
0x54: {  	_ =	shalt  }
0x55: {  	_ =	shalt  }
0x56: {  	_ =	shalt  }
0x57: {  	_ =	shalt  }
0x58: {  	_ =	shalt  }
0x59: {  	_ =	shalt  }
0x5a: {  	_ =	shalt  }
0x5b: {  	_ =	shalt  }
0x5c: {  	_ =	shalt  }
0x5d: {  	_ =	shalt  }
0x5e: {  	_ =	shalt  }
0x5f: {  	_ =	shalt  }
0x60: {  	_ =	shalt  }
0x61: {  	_ =	shalt  }
0x62: {  	_ =	shalt  }
0x63: {  	_ =	shalt  }
0x64: {  	_ =	shalt  }
0x65: {  	_ =	shalt  }
0x66: {  	_ =	shalt  }
0x67: {  	_ =	shalt  }
0x68: {  	_ =	shalt  }
0x69: {  	_ =	shalt  }
0x6a: {  	_ =	shalt  }
0x6b: {  	_ =	shalt  }
0x6c: {  	_ =	shalt  }
0x6d: {  	_ =	shalt  }
0x6e: {  	_ =	shalt  }
0x6f: {  	_ =	shalt  }
0x70: {  	_ =	shalt  }
0x71: {  	_ =	shalt  }
0x72: {  	_ =	shalt  }
0x73: {  	_ =	shalt  }
0x74: {  	_ =	shalt  }
0x75: {  	_ =	shalt  }
0x76: {  	_ =	shalt  }
0x77: {  	_ =	shalt  }
0x78: {  	_ =	shalt  }
0x79: {  	_ =	shalt  }
0x7a: {  	_ =	shalt  }
0x7b: {  	_ =	shalt  }
0x7c: {  	_ =	shalt  }
0x7d: {  	_ =	shalt  }
0x7e: {  	_ =	shalt  }
0x7f: {  	_ =	shalt  }
0x80: {  	_ =	shalt  }
0x81: {  	_ =	shalt  }
0x82: {  	_ =	shalt  }
0x83: {  	_ =	shalt  }
0x84: {  	_ =	shalt  }
0x85: {  	_ =	shalt  }
0x86: {  	_ =	shalt  }
0x87: {  	_ =	shalt  }
.Lfunc_end0:
.L_simem_size_0:
called_computation.4_lowered:
.L_overlay_start_0:
0x88: {  	s2 =	sld [smem:$0x3FD9]  }
0x89: {  	s3 =	sld [smem:$0x3FFE];
	_ =	sdelay $0x1  }
0x8a: {  	s1 =	srdreg.scid  }
0x8b: {  	s0 =	sand.u32 $0x1, s1  }
0x8c: {  	s16 =	sshll.u32 s0, $0xA;
	s2 =	sadd.s32 s3, s2  }
0x8d: {  	s2 =	sadd.s32 s2, s16  }
0x8e: {  	[smem:$0x3FAD] =	sst s2  }
0x8f: {  	_ = 	snop  }
0x90: {  	(tm) =	ssettm $0x1  }
0x91: {  	s17 =	sld [smem:$0x3FFB];
	_ =	sdelay $0x3  }
0x92: {  	_ =	strace s17  }
0x93: {  	s2 =	sld [smem:$0x3FFC];
	_ =	sdelay $0x3  }
0x94: {  	_ =	strace s2  }
0x95: {  	s2 =	sld [smem:$0x3FFD];
	_ =	sdelay $0x3  }
0x96: {  	_ =	strace s2  }
0x97: {  	_ =	strace $0x8FFFFFFF  }
0x98: {  	s18 =	sld [smem:$0x3FDB];
	_ =	sdelay $0x1  }
0x99: {  	s19 =	simm.s32 $_scs_section_size  }
0x9a: {  	s4 =	simm.s32 $_size__tile_overlayer_lowered;
	s5 =	simm.s32 $_tile_overlayer_lowered  }
0x9b: {  	s22 =	simm.s32 $0x1BFF;
	s21 =	sshll.u32 s5, $0x1;
	s2 =	sadd.s32 s19, s18  }
0x9c: {  	s6 =	simm.s32 $0x0;
	s20 =	sshll.u32 s4, $0x1;
	s4 =	sadd.s32 s21, s2  }
0x9d: {  	[timem:s6], [sflag:s22] =	dma.local [hbm:s4], s20  }
0x9e: {  	_ =	swait.ge [sflag:s22], s20  }
0x9f: {  	s3 =	ssub.s32 $0x0, s20;
	[sflag:s22] =	ssyncset.done $0x0  }
0xa0: {  	[sflag:s22] =	ssyncadd.s32 s3;
	_ =	sdelay $0x1  }
0xa1: {  	s23 =	simm.s32 $0x1B8B  }
0xa2: {  	_ =	swait.ge [sflag:s23], $0x1  }
0xa3: {  	[sflag:s23] =	ssyncset.done $0x0  }
0xa4: {  	s25 =	simm.s32 $0x1B8E;
	s24 =	sld [smem:$0x3FFE];
	[sflag:s23] =	ssyncadd.s32 $0xFFFFFFFF  }
0xa5: {  	s26 =	simm.s32 $execute0_lowered;
	[smem:$0x3FD2] =	sst s25  }
0xa6: {  	s4 =	sshll.u32 s26, $0x1;
	_ =	strace $0x8000004F;
	[dreg:$0x1] =	wrdreg $0xFFFFFFFF  }
0xa7: {  	s28 =	simm.s32 $_size_execute0_lowered;
	s2 =	sadd.s32 s2, s4;
	[dreg:$0x0] =	wrdreg $0x0  }
0xa8: {  	s4 =	sshll.u32 s28, $0x1;
	[dreg:$0x2] =	wrdreg s2  }
0xa9: {  	[dreg:$0x3] =	wrdreg s4  }
0xaa: {  	[dreg:$0x4] =	wrdreg $0xC0  }
0xab: {  	_ =	task [dreg:s6], $0x5FFFF  }
0xac: {  	[dreg:$0x1] =	wrdreg $0xFFFFFFFF  }
0xad: {  	[dreg:$0x0] =	wrdreg $0x60  }
0xae: {  	[dreg:$0x2] =	wrdreg s24  }
0xaf: {  	[dreg:$0x3] =	wrdreg $0x154000  }
0xb0: {  	[dreg:$0x4] =	wrdreg $0x9  }
0xb1: {  	_ =	task.clear_ibuf [dreg:s6], $0x5FFFF;
	_ =	strace $0x9000004F  }
0xb2: {  	s29 =	simm.s32 $0x9;
	_ =	strace $0x80000051  }
0xb3: {  	_ =	swait.ge [sflag:s29], $0x1  }
0xb4: {  	[sflag:s29] =	ssyncadd.s32 $0xFFFFFFFF  }
0xb5: {  	_ =	strace $0x90000051  }
0xb6: {  	_ =	sfence  }
0xb7: {  	s30 =	sld [smem:$0x0];
	_ =	sdelay $0x2  }
0xb8: {  	s31 =	sshll.u32 s1, $0xD;
	s1 =	sshrl.u32 s1, $0x2  }
0xb9: {  	s3 =	sand.u32 $0x4000, s31;
	s1 =	sadd.s32 s1, s30  }
0xba: {  	s0 =	sor.u32 s3, s0;
	s1 =	sshll.u32 s1, $0x11  }
0xbb: {  	s0 =	sor.u32 s1, s0  }
0xbc: {  	s0 =	sadd.s32 $0x8F2B, s0  }
0xbd: {  	[sflag:s0] =	ssyncadd.remote.s32 $0x1  }
0xbe: {  	_ =	sfence.sel $0xFFFF  }
0xbf: {  	[dreg:$0x0] =	wrdreg $0xFFFFFFFF;
	(pc) =	sbr.abs _section_cstart, $3  }
0xc0: {  	[dreg:$0x1] =	wrdreg $0xFFFFFFFF  }
0xc1: {  	_ =	task.clear_ibuf [dreg:s6], $0x2FFFF;
	_ =	strace $0x9FFFFFFF  }
0xc2: {  	(tm) =	ssettm $0x7FFFFFFF  }
0xc3: {  	_ =	shalt  }
tec
execute0_lowered:
.L_overlay_start_1:
0x0: {  	(tag) =	ssettag $0x1  }
0x1: {  	s4 =	rddreg [dreg:$0x0]  }
0x2: {  	s2 =	rddreg [dreg:$0x1]  }
0x3: {  	s0 =	rddreg [dreg:$0x2];
	s1 =	stileid.u32  }
0x4: {  	s5 =	srdreg.scid;
	s3 =	simm.s32 $0x0;
	s13 =	simm.s32 $0x1400  }
0x5: {  	s14 =	simm.s32 $0x0;
	s5 =	sand.u32 $0x1, s5;
	s6 =	sshll.u32 s1, $0x1  }
0x6: {  	[smem:$0x7FF] =	sst s3;
	s7 =	smul.u32 $0x2800, s1;
	s6 =	sor.u32 s5, s6  }
0x7: {  	s31 =	sshll.u32 s1, $0x6;
	_ =	strace $0x80000050;
	s8 =	smul.u32 $0x280, s6  }
0x8: {  	s5 =	ssub.s32 $0x2, s5;
	s9 =	sshrl.u32 s7, $0x3;
	s6 =	smul.u32 $0x2800, s6  }
0x9: {  	s10 =	sshrl.u32 s5, $0x1;
	s12 =	sadd.s32 s7, s2;
	s9 =	sadd.s32 s9, s4  }
0xa: {  	s10 =	ssub.s32 s5, s10;
	s5 =	sor.u32 $0x1C02, s31;
	s8 =	sadd.s32 s8, s4  }
0xb: {  	s11 =	sadd.s32 s6, s4;
	s4 =	sadd.s32 $0x9400, s9;
	s9 =	sshrl.u32 s12, $0x3  }
0xc: {  	s12 =	simm.s32 $0x1;
	s6 =	sadd.s32 $0xE400, s8;
	s7 =	sadd.s32 $0x18400, s11  }
0xd: {  	s8 =	smax.u32 s10, $0x1;
	s10 =	simm.s32 $0x2;
	s11 =	simm.s32 $0x80  }
.LBB2_1:
0xe: {  	[spmem:s9], [sflag:s5] =	dma.local [hbm:s4], $0x500  }
0xf: {  	_ =	swait.ge [sflag:s10], $0x500  }
0x10: {  	[sflag:s10] =	ssyncset.done $0x0  }
0x11: {  	[sflag:s10] =	ssyncadd.s32 $0xFFFFFB00  }
0x12: {  	[tilespmem:s3], [sflag:$0x2] =	stream.linear.gather [hbm4b:s6+s3], $0x1400, $0x38;
	[tilespmem:$0x17C00] =	vst v63  }
0x13: {  	_ =	swait.ge [sflag:s10], $0x1400  }
0x14: {  	[sflag:s10] =	ssyncset.done $0x0  }
0x15: {  	[sflag:s10] =	ssyncadd.s32 $0xFFFFEC00  }
0x16: {  	s15 =	simm.s32 $0x1400;
	s16 =	simm.s32 $0x0;
	[bflag:$0x0] =	sbarrier.arrive $0xFFFF  }
.LBB2_2:
0x17: {  	p0 =	sne.s32 s16, $0x4E00  }
.Ltmp0:
0x18: {  	_ = 	snop;
	(pc) =	sbr.rel @p0 .LBB2_2-.Ltmp0, $4  }
0x19: {  	_ = 	snop  }
0x1a: {  	s17 =	sshra.s32 s16, $0x2  }
0x1b: {  	[tilespmem:s15], [sflag:$0x1] =	stream.indirect.gather [spmem:s2], $0x10, s17, s11, $0xb8;
	[tilespmem:$0x17C00] =	vst v63  }
0x1c: {  	s16 =	sadd.s32 $0x200, s16;
	s15 =	sadd.s32 $0x800, s15  }
0x1d: {  	_ =	swait.ge [sflag:s12], $0x800  }
0x1e: {  	s15 =	simm.s32 $0x27;
	[sflag:s12] =	ssyncset.done $0x0  }
.LBB2_4:
0x1f: {  	p0 =	sne.s32 s15, $0x1;
	s15 =	sadd.s32 $0xFFFFFFFF, s15;
	[sflag:s12] =	ssyncadd.s32 $0xFFFFF800  }
.Ltmp1:
0x20: {  	(pc) =	sbr.rel @p0 .LBB2_4-.Ltmp1, $3  }
0x21: {  	_ =	sdelay $0x1  }
0x22: {  	_ =	swait.ge [sflag:s12], $0x800  }
0x23: {  	[sflag:s12] =	ssyncset.done $0x0  }
0x24: {  	s14 =	sadd.s32 $0x1, s14  }
0x25: {  	p0 =	sne.s32 s14, s8  }
.Ltmp2:
0x26: {  	[sflag:s12] =	ssyncadd.s32 $0xFFFFF800;
	(pc) =	sbr.rel @p0 .LBB2_1-.Ltmp2, $4  }
0x27: {  	[hbm4b:s7+s3] =	stream.linear.scatter [tilespmem:s13], [sflag:$0x2], $0x14000, $0x38;
	[tilespmem:$0x17C00] =	vst v63  }
0x28: {  	_ =	swait.ge [sflag:s10], $0x14000  }
0x29: {  	[sflag:s10] =	ssyncset.done $0x0  }
0x2a: {  	[sflag:s10] =	ssyncadd.s32 $0xFFFEC000  }
0x2b: {  	_ =	sfence.sel $0x180000  }
0x2c: {  	[bflag:$0x0] =	sbarrier.arrive $0xFFFF  }
0x2d: {  	p0 =	sne.s32 s1, $0x0;
	_ =	strace $0x90000050  }
0x2e: {  	s0 =	sadd.s32 @!p0 $0x100000, s0;
	[bflag:$0x2] =	sbarrier.arrive $0xFFFF  }
0x2f: {  	[sflag:s0] =	ssyncadd.tile.s32 @!p0 $0x1;
	_ =	shalt  }
.Lfunc_end2:
_tile_overlayer_lowered:
.L_overlay_start_2:
0x30: {  	(tag) =	ssettag $0x2  }
0x31: {  	s0 =	rddreg [dreg:$0x0];
	s2 =	stileid.u32  }
0x32: {  	s1 =	rddreg [dreg:$0x1];
	p0 =	sne.s32 s2, $0x0  }
0x33: {  	s3 =	rddreg [dreg:$0x2];
	[bflag:$0x3] =	sbarrier.arrive $0xFFFF;
	s2 =	simm.s32 @!p0 $0x1C02  }
0x34: {  	[timem:s3], [sflag:s2] =	dma.local @!p0 [hbm:s0], s1  }
0x35: {  	s0 =	simm.s32 @!p0 $0x2  }
0x36: {  	_ =	swait.ge @!p0 [sflag:s0], s1  }
0x37: {  	s1 =	ssub.s32 @!p0 $0x0, s1;
	[sflag:s0] =	ssyncset.done @!p0 $0x0  }
0x38: {  	[sflag:s0] =	ssyncadd.s32 @!p0 s1  }
0x39: {  	[bflag:$0x3] =	sbarrier.arrive $0xFFFF  }
0x3a: {  	_ =	shalt  }

// kernel: kernel.43.cloned.1.call-start
scs
__scs_entry_jumppad:
0x0: {  	(pc) =	sbr.rel $0x88, $3  }
0x1: {  	(tag) =	ssettag $0x0;
	lr =	simm.s32 $0x1  }
0x2: {  	[smem:$0x3F86] =	sst lr;
	_ =	strace $0xD0000000  }
0x3: {  	_ = 	snop  }
0x4: {  	_ = 	snop  }
0x5: {  	_ = 	snop  }
0x6: {  	_ = 	snop  }
0x7: {  	_ = 	snop  }
__scs_overlays_trampoline_lowered:
0x8: {  	[smem:$0x3F95] =	sst s0  }
0x9: {  	[smem:$0x3F96] =	sst s1  }
0xa: {  	[smem:$0x3F97] =	sst s2  }
0xb: {  	[smem:$0x3F98] =	sst s3  }
0xc: {  	[smem:$0x3F99] =	sst s4  }
0xd: {  	[smem:$0x3F9A] =	sst s5  }
0xe: {  	[smem:$0x3F9B] =	sst s6  }
0xf: {  	[smem:$0x3F9C] =	sst s7  }
0x10: {  	[smem:$0x3F9D] =	sst s8  }
0x11: {  	[smem:$0x3F9E] =	sst s9;
	s0 =	simm.s32 @!p0 $0x0  }
0x12: {  	s1 =	sld [smem:$0x3F84];
	s0 =	simm.s32 @p0 $0x1  }
0x13: {  	[smem:$0x3F9F] =	sst s0;
	s0 =	simm.s32 @!p1 $0x0  }
0x14: {  	s2 =	sld [smem:$0x3F83];
	s0 =	simm.s32 @p1 $0x1  }
0x15: {  	[smem:$0x3FA0] =	sst s0;
	s0 =	simm.s32 @!p2 $0x0  }
0x16: {  	s3 =	sld [smem:$0x3FDB];
	s0 =	simm.s32 @p2 $0x1  }
0x17: {  	s4 =	simm.s32 $0x1BF5;
	[smem:$0x3FA2] =	sst s0  }
0x18: {  	s0 =	sld [smem:$0x3F85];
	_ =	swait.ge [sflag:s4], $0x0  }
0x19: {  	s7 =	sld [smem:$0x3F86]  }
0x1a: {  	s8 =	sadd.s32 $0xFFFFE003, lr  }
0x1b: {  	s9 =	sadd.s32 $0xFFFFFEF7, lr;
	s5 =	simm.s32 $0xFFFFFFFF;
	p2 =	slt.u32 s8, $0xFFFFF086  }
0x1c: {  	p1 =	slt.u32 s9, $0xF7A;
	s5 =	simm.s32 @!p2 $0x0  }
0x1d: {  	s5 =	simm.s32 @p1 $0x1;
	p0 =	seq.s32 s7, s2  }
0x1e: {  	s7 =	smul.u32 @!p0 $0xF7A, s2;
	p2 =	seq.s32 @!p0 s5, $0x0  }
0x1f: {  	s9 =	smul.u32 $0xF7A, s1;
	s8 =	simm.s32 @!p0 $0x1BF5;
	p2 =	por !p2, p0  }
0x20: {  	[sflag:s8] =	ssyncset.s32 @!p0 $0xFFFFF086;
	s6 =	sadd.s32 @!p0 s3, s7;
	s7 =	simm.s32 @!p0 $0x108  }
0x21: {  	s3 =	sadd.s32 s3, s9;
	s6 =	sadd.s32 @!p0 $0x88, s6;
	s7 =	simm.s32 @p2 $0x1082  }
0x22: {  	[simem:s7], [sflag:s8] =	dma.local @!p0 [hbm:s6], $0xF7A  }
0x23: {  	s9 =	sor.u32 $0xD0000000, s2;
	s6 =	simm.s32 $0x108;
	_ =	swait.ge @!p0 [sflag:s8], $0x0  }
0x24: {  	s3 =	sadd.s32 $0x88, s3;
	s6 =	simm.s32 @!p1 $0x1082;
	[sflag:s4] =	ssyncset.s32 $0xFFFFF086  }
0x25: {  	[simem:s6], [sflag:s4] =	dma.local [hbm:s3], $0xF7A  }
0x26: {  	[smem:$0x3F86] =	sst s1;
	(tag) =	ssettag s2;
	_ =	strace s9  }
0x27: {  	s1 =	sld [smem:$0x3F96]  }
0x28: {  	s2 =	sld [smem:$0x3F97]  }
0x29: {  	s4 =	sld [smem:$0x3F99]  }
0x2a: {  	p0 =	seq.s32 s5, $0x0;
	s5 =	sld [smem:$0x3F9A]  }
0x2b: {  	s6 =	sld [smem:$0x3F9B]  }
0x2c: {  	s7 =	sld [smem:$0x3F9C]  }
0x2d: {  	s3 =	simm.s32 $0x108;
	s8 =	sld [smem:$0x3F9D]  }
0x2e: {  	s3 =	simm.s32 @!p0 $0x1082;
	s9 =	sld [smem:$0x3F9E]  }
0x2f: {  	lr =	sadd.s32 s0, s3;
	s0 =	sld [smem:$0x3F95]  }
0x30: {  	s3 =	sld [smem:$0x3F98]  }
0x31: {  	[smem:$0x3FA1] =	sst s10  }
0x32: {  	s10 =	sld [smem:$0x3F9F];
	_ =	sdelay $0x3  }
0x33: {  	p0 =	seq.s32 s10, $0x1;
	s10 =	sld [smem:$0x3FA1];
	_ =	sdelay $0x3  }
0x34: {  	[smem:$0x3FA1] =	sst s10  }
0x35: {  	s10 =	sld [smem:$0x3FA0];
	_ =	sdelay $0x3  }
0x36: {  	p1 =	seq.s32 s10, $0x1;
	s10 =	sld [smem:$0x3FA1];
	_ =	sdelay $0x3  }
0x37: {  	[smem:$0x3FA1] =	sst s10  }
0x38: {  	s10 =	sld [smem:$0x3FA2]  }
0x39: {  	_ = 	snop;
	(pc) =	sbr.ind lr, $3  }
0x3a: {  	_ = 	snop  }
0x3b: {  	_ = 	snop  }
0x3c: {  	p2 =	seq.s32 s10, $0x1;
	s10 =	sld [smem:$0x3FA1]  }
0x3d: {  	_ =	shalt  }
0x3e: {  	_ =	shalt  }
0x3f: {  	_ =	shalt  }
0x40: {  	_ =	shalt  }
0x41: {  	_ =	shalt  }
0x42: {  	_ =	shalt  }
0x43: {  	_ =	shalt  }
0x44: {  	_ =	shalt  }
0x45: {  	_ =	shalt  }
0x46: {  	_ =	shalt  }
0x47: {  	_ =	shalt  }
0x48: {  	_ =	shalt  }
0x49: {  	_ =	shalt  }
0x4a: {  	_ =	shalt  }
0x4b: {  	_ =	shalt  }
0x4c: {  	_ =	shalt  }
0x4d: {  	_ =	shalt  }
0x4e: {  	_ =	shalt  }
0x4f: {  	_ =	shalt  }
0x50: {  	_ =	shalt  }
0x51: {  	_ =	shalt  }
0x52: {  	_ =	shalt  }
0x53: {  	_ =	shalt  }
0x54: {  	_ =	shalt  }
0x55: {  	_ =	shalt  }
0x56: {  	_ =	shalt  }
0x57: {  	_ =	shalt  }
0x58: {  	_ =	shalt  }
0x59: {  	_ =	shalt  }
0x5a: {  	_ =	shalt  }
0x5b: {  	_ =	shalt  }
0x5c: {  	_ =	shalt  }
0x5d: {  	_ =	shalt  }
0x5e: {  	_ =	shalt  }
0x5f: {  	_ =	shalt  }
0x60: {  	_ =	shalt  }
0x61: {  	_ =	shalt  }
0x62: {  	_ =	shalt  }
0x63: {  	_ =	shalt  }
0x64: {  	_ =	shalt  }
0x65: {  	_ =	shalt  }
0x66: {  	_ =	shalt  }
0x67: {  	_ =	shalt  }
0x68: {  	_ =	shalt  }
0x69: {  	_ =	shalt  }
0x6a: {  	_ =	shalt  }
0x6b: {  	_ =	shalt  }
0x6c: {  	_ =	shalt  }
0x6d: {  	_ =	shalt  }
0x6e: {  	_ =	shalt  }
0x6f: {  	_ =	shalt  }
0x70: {  	_ =	shalt  }
0x71: {  	_ =	shalt  }
0x72: {  	_ =	shalt  }
0x73: {  	_ =	shalt  }
0x74: {  	_ =	shalt  }
0x75: {  	_ =	shalt  }
0x76: {  	_ =	shalt  }
0x77: {  	_ =	shalt  }
0x78: {  	_ =	shalt  }
0x79: {  	_ =	shalt  }
0x7a: {  	_ =	shalt  }
0x7b: {  	_ =	shalt  }
0x7c: {  	_ =	shalt  }
0x7d: {  	_ =	shalt  }
0x7e: {  	_ =	shalt  }
0x7f: {  	_ =	shalt  }
0x80: {  	_ =	shalt  }
0x81: {  	_ =	shalt  }
0x82: {  	_ =	shalt  }
0x83: {  	_ =	shalt  }
0x84: {  	_ =	shalt  }
0x85: {  	_ =	shalt  }
0x86: {  	_ =	shalt  }
0x87: {  	_ =	shalt  }
.Lfunc_end0:
.L_simem_size_0:
called_computation.5_lowered:
.L_overlay_start_0:
0x88: {  	s2 =	sld [smem:$0x3FD9]  }
0x89: {  	s3 =	sld [smem:$0x3FFE];
	_ =	sdelay $0x1  }
0x8a: {  	s1 =	srdreg.scid  }
0x8b: {  	s0 =	sand.u32 $0x1, s1  }
0x8c: {  	s16 =	sshll.u32 s0, $0xA;
	s2 =	sadd.s32 s3, s2  }
0x8d: {  	s2 =	sadd.s32 s2, s16  }
0x8e: {  	[smem:$0x3FAD] =	sst s2  }
0x8f: {  	_ = 	snop  }
0x90: {  	(tm) =	ssettm $0x1  }
0x91: {  	s17 =	sld [smem:$0x3FFB];
	_ =	sdelay $0x3  }
0x92: {  	_ =	strace s17  }
0x93: {  	s2 =	sld [smem:$0x3FFC];
	_ =	sdelay $0x3  }
0x94: {  	_ =	strace s2  }
0x95: {  	s2 =	sld [smem:$0x3FFD];
	_ =	sdelay $0x3  }
0x96: {  	_ =	strace s2  }
0x97: {  	_ =	strace $0x8FFFFFFF  }
0x98: {  	s18 =	sld [smem:$0x3FDB];
	_ =	sdelay $0x1  }
0x99: {  	s19 =	simm.s32 $_scs_section_size  }
0x9a: {  	s4 =	simm.s32 $_size__tile_overlayer_lowered;
	s5 =	simm.s32 $_tile_overlayer_lowered  }
0x9b: {  	s22 =	simm.s32 $0x1BFF;
	s21 =	sshll.u32 s5, $0x1;
	s2 =	sadd.s32 s19, s18  }
0x9c: {  	s6 =	simm.s32 $0x0;
	s20 =	sshll.u32 s4, $0x1;
	s4 =	sadd.s32 s21, s2  }
0x9d: {  	[timem:s6], [sflag:s22] =	dma.local [hbm:s4], s20  }
0x9e: {  	_ =	swait.ge [sflag:s22], s20  }
0x9f: {  	s3 =	ssub.s32 $0x0, s20;
	[sflag:s22] =	ssyncset.done $0x0  }
0xa0: {  	[sflag:s22] =	ssyncadd.s32 s3;
	_ =	sdelay $0x1  }
0xa1: {  	s23 =	simm.s32 $0x1B8B  }
0xa2: {  	_ =	swait.ge [sflag:s23], $0x1  }
0xa3: {  	[sflag:s23] =	ssyncset.done $0x0  }
0xa4: {  	s25 =	simm.s32 $0x1B8E;
	s24 =	sld [smem:$0x3FFE];
	[sflag:s23] =	ssyncadd.s32 $0xFFFFFFFF  }
0xa5: {  	s26 =	simm.s32 $execute0_lowered;
	[smem:$0x3FD2] =	sst s25  }
0xa6: {  	s4 =	sshll.u32 s26, $0x1;
	_ =	strace $0x80000052;
	[dreg:$0x1] =	wrdreg $0xFFFFFFFF  }
0xa7: {  	s28 =	simm.s32 $_size_execute0_lowered;
	s2 =	sadd.s32 s2, s4;
	[dreg:$0x0] =	wrdreg $0x0  }
0xa8: {  	s4 =	sshll.u32 s28, $0x1;
	[dreg:$0x2] =	wrdreg s2  }
0xa9: {  	[dreg:$0x3] =	wrdreg s4  }
0xaa: {  	[dreg:$0x4] =	wrdreg $0xC0  }
0xab: {  	_ =	task [dreg:s6], $0x5FFFF  }
0xac: {  	[dreg:$0x1] =	wrdreg $0xFFFFFFFF  }
0xad: {  	[dreg:$0x0] =	wrdreg $0x60  }
0xae: {  	[dreg:$0x2] =	wrdreg s24  }
0xaf: {  	[dreg:$0x3] =	wrdreg $0x17C000  }
0xb0: {  	[dreg:$0x4] =	wrdreg $0x9  }
0xb1: {  	_ =	task.clear_ibuf [dreg:s6], $0x5FFFF;
	_ =	strace $0x90000052  }
0xb2: {  	s29 =	simm.s32 $0x9;
	_ =	strace $0x80000054  }
0xb3: {  	_ =	swait.ge [sflag:s29], $0x1  }
0xb4: {  	[sflag:s29] =	ssyncadd.s32 $0xFFFFFFFF  }
0xb5: {  	_ =	strace $0x90000054  }
0xb6: {  	_ =	sfence  }
0xb7: {  	s30 =	sld [smem:$0x0];
	_ =	sdelay $0x2  }
0xb8: {  	s31 =	sshll.u32 s1, $0xD;
	s1 =	sshrl.u32 s1, $0x2  }
0xb9: {  	s3 =	sand.u32 $0x4000, s31;
	s1 =	sadd.s32 s1, s30  }
0xba: {  	s0 =	sor.u32 s3, s0;
	s1 =	sshll.u32 s1, $0x11  }
0xbb: {  	s0 =	sor.u32 s1, s0  }
0xbc: {  	s0 =	sadd.s32 $0x8F2B, s0  }
0xbd: {  	[sflag:s0] =	ssyncadd.remote.s32 $0x1  }
0xbe: {  	_ =	sfence.sel $0xFFFF  }
0xbf: {  	[dreg:$0x0] =	wrdreg $0xFFFFFFFF;
	(pc) =	sbr.abs _section_cstart, $3  }
0xc0: {  	[dreg:$0x1] =	wrdreg $0xFFFFFFFF  }
0xc1: {  	_ =	task.clear_ibuf [dreg:s6], $0x2FFFF;
	_ =	strace $0x9FFFFFFF  }
0xc2: {  	(tm) =	ssettm $0x7FFFFFFF  }
0xc3: {  	_ =	shalt  }
tec
execute0_lowered:
.L_overlay_start_1:
0x0: {  	(tag) =	ssettag $0x1  }
0x1: {  	s1 =	srdreg.scid  }
0x2: {  	s0 =	stileid.u32;
	s5 =	rddreg [dreg:$0x0]  }
0x3: {  	s2 =	rddreg [dreg:$0x1];
	s3 =	simm.s32 $0x0;
	s13 =	simm.s32 $0x1  }
0x4: {  	s14 =	simm.s32 $0x80;
	s15 =	simm.s32 $0x15400;
	s16 =	simm.s32 $0x0  }
0x5: {  	s4 =	sand.u32 $0x1, s1;
	s29 =	sshll.u32 s0, $0x1;
	s8 =	smul.u32 $0x2800, s0  }
0x6: {  	[smem:$0x7FF] =	sst s3;
	s1 =	sor.u32 s4, s29;
	s9 =	smul.u32 $0x28000, s4  }
0x7: {  	s31 =	sshll.u32 s0, $0x6;
	s4 =	ssub.s32 $0x2, s4;
	s6 =	smul.u32 $0x2800, s1  }
0x8: {  	s7 =	smul.u32 $0x280, s1;
	s1 =	rddreg [dreg:$0x2];
	_ =	strace $0x80000053  }
0x9: {  	s10 =	sshrl.u32 s8, $0x3;
	s30 =	sshrl.u32 s4, $0x1;
	s9 =	sadd.s32 s8, s9  }
0xa: {  	s10 =	sadd.s32 s10, s5;
	s11 =	ssub.s32 s4, s30;
	s9 =	sshrl.u32 s9, $0x3  }
0xb: {  	s6 =	sadd.s32 s6, s5;
	s7 =	sadd.s32 s7, s5;
	s9 =	sadd.s32 s9, s5  }
0xc: {  	s4 =	sadd.s32 $0x13400, s7;
	s5 =	sadd.s32 $0x18400, s6;
	s6 =	sadd.s32 s8, s2  }
0xd: {  	s7 =	sadd.s32 $0x68400, s10;
	s10 =	simm.s32 $0x2;
	s8 =	sadd.s32 $0x6D400, s9  }
0xe: {  	s9 =	smax.u32 s11, $0x1;
	s11 =	sor.u32 $0x1C02, s31;
	s12 =	sshrl.u32 s6, $0x3  }
.LBB2_1:
0xf: {  	[tilespmem:s3], [sflag:$0x2] =	stream.linear.gather [hbm4b:s4+s3], $0x1400, $0x38;
	[tilespmem:$0x1A400] =	vst v63  }
0x10: {  	_ =	swait.ge [sflag:s10], $0x1400  }
0x11: {  	[sflag:s10] =	ssyncset.done $0x0  }
0x12: {  	s17 =	simm.s32 $0x1400;
	[sflag:s10] =	ssyncadd.s32 $0xFFFFEC00  }
0x13: {  	[tilespmem:s17], [sflag:$0x1] =	stream.linear.gather [hbm4b:s5+s3], $0x14000, $0x38;
	[tilespmem:$0x1A400] =	vst v63  }
0x14: {  	[spmem:s12], [sflag:s11] =	dma.local [hbm:s7], $0x500  }
0x15: {  	_ =	swait.ge [sflag:s10], $0x500  }
0x16: {  	[sflag:s10] =	ssyncset.done $0x0  }
0x17: {  	[sflag:s10] =	ssyncadd.s32 $0xFFFFFB00  }
0x18: {  	_ =	swait.ge [sflag:s13], $0x14000  }
0x19: {  	[sflag:s13] =	ssyncset.done $0x0  }
0x1a: {  	[sflag:s13] =	ssyncadd.s32 $0xFFFEC000  }
0x1b: {  	s18 =	simm.s32 $0x0;
	[bflag:$0x0] =	sbarrier.arrive $0xFFFF  }
0x1c: {  	[spmem:s2] =	stream.indirect.scatter.add.f32 [tilespmem:s17], [sflag:$0x2], $0x10, s18, s14, $0xb8;
	[tilespmem:$0x1A400] =	vst v63  }
0x1d: {  	_ =	swait.ge [sflag:s10], $0x800  }
0x1e: {  	s18 =	simm.s32 $0x200;
	[sflag:s10] =	ssyncset.done $0x0  }
.LBB2_2:
0x1f: {  	s19 =	sshra.s32 s18, $0x2  }
0x20: {  	[sflag:s10] =	ssyncadd.s32 $0xFFFFF800;
	s17 =	sadd.s32 $0x800, s17;
	p0 =	sne.s32 s18, $0x4E00  }
0x21: {  	[spmem:s2] =	stream.indirect.scatter.add.f32 [tilespmem:s17], [sflag:$0x2], $0x10, s19, s14, $0xb8;
	[tilespmem:$0x1A400] =	vst v63  }
.Ltmp0:
0x22: {  	_ = 	snop;
	(pc) =	sbr.rel @p0 .LBB2_2-.Ltmp0, $4  }
0x23: {  	_ = 	snop  }
0x24: {  	s18 =	sadd.s32 $0x200, s18  }
0x25: {  	_ =	swait.ge [sflag:s10], $0x800  }
0x26: {  	[sflag:s10] =	ssyncset.done $0x0  }
0x27: {  	[sflag:s10] =	ssyncadd.s32 $0xFFFFF800  }
0x28: {  	[bflag:$0x0] =	sbarrier.arrive $0xFFFF  }
0x29: {  	[tilespmem:s15], [sflag:$0x2] =	stream.linear.gather [spmem:s6], $0x2800, $0x38;
	[tilespmem:$0x1A400] =	vst v63  }
0x2a: {  	s16 =	sadd.s32 $0x1, s16;
	_ =	swait.ge [sflag:s10], $0x2800  }
0x2b: {  	p0 =	sne.s32 s16, s9;
	[sflag:s10] =	ssyncset.done $0x0  }
.Ltmp1:
0x2c: {  	[sflag:s10] =	ssyncadd.s32 $0xFFFFD800;
	(pc) =	sbr.rel @p0 .LBB2_1-.Ltmp1, $4  }
0x2d: {  	[hbm4b:s8+s3] =	stream.linear.scatter [tilespmem:s15], [sflag:$0x2], $0x2800, $0x38;
	[tilespmem:$0x1A400] =	vst v63  }
0x2e: {  	_ =	swait.ge [sflag:s10], $0x2800  }
0x2f: {  	[sflag:s10] =	ssyncset.done $0x0  }
0x30: {  	[sflag:s10] =	ssyncadd.s32 $0xFFFFD800  }
0x31: {  	_ =	sfence.sel $0x180000  }
0x32: {  	[bflag:$0x0] =	sbarrier.arrive $0xFFFF  }
0x33: {  	p0 =	sne.s32 s0, $0x0;
	_ =	strace $0x90000053  }
0x34: {  	s0 =	sadd.s32 @!p0 $0x100000, s1;
	[bflag:$0x2] =	sbarrier.arrive $0xFFFF  }
0x35: {  	[sflag:s0] =	ssyncadd.tile.s32 @!p0 $0x1;
	_ =	shalt  }
.Lfunc_end2:
_tile_overlayer_lowered:
.L_overlay_start_2:
0x36: {  	(tag) =	ssettag $0x2  }
0x37: {  	s0 =	rddreg [dreg:$0x0];
	s2 =	stileid.u32  }
0x38: {  	s1 =	rddreg [dreg:$0x1];
	p0 =	sne.s32 s2, $0x0  }
0x39: {  	s3 =	rddreg [dreg:$0x2];
	[bflag:$0x3] =	sbarrier.arrive $0xFFFF;
	s2 =	simm.s32 @!p0 $0x1C02  }
0x3a: {  	[timem:s3], [sflag:s2] =	dma.local @!p0 [hbm:s0], s1  }
0x3b: {  	s0 =	simm.s32 @!p0 $0x2  }
0x3c: {  	_ =	swait.ge @!p0 [sflag:s0], s1  }
0x3d: {  	s1 =	ssub.s32 @!p0 $0x0, s1;
	[sflag:s0] =	ssyncset.done @!p0 $0x0  }
0x3e: {  	[sflag:s0] =	ssyncadd.s32 @!p0 s1  }
0x3f: {  	[bflag:$0x3] =	sbarrier.arrive $0xFFFF  }
0x40: {  	_ =	shalt  }

// kernel: kernel.46.cloned.1.call-start
scs
__scs_entry_jumppad:
0x0: {  	(pc) =	sbr.rel $0x88, $3  }
0x1: {  	(tag) =	ssettag $0x0;
	lr =	simm.s32 $0x1  }
0x2: {  	[smem:$0x3F86] =	sst lr;
	_ =	strace $0xD0000000  }
0x3: {  	_ = 	snop  }
0x4: {  	_ = 	snop  }
0x5: {  	_ = 	snop  }
0x6: {  	_ = 	snop  }
0x7: {  	_ = 	snop  }
__scs_overlays_trampoline_lowered:
0x8: {  	[smem:$0x3F95] =	sst s0  }
0x9: {  	[smem:$0x3F96] =	sst s1  }
0xa: {  	[smem:$0x3F97] =	sst s2  }
0xb: {  	[smem:$0x3F98] =	sst s3  }
0xc: {  	[smem:$0x3F99] =	sst s4  }
0xd: {  	[smem:$0x3F9A] =	sst s5  }
0xe: {  	[smem:$0x3F9B] =	sst s6  }
0xf: {  	[smem:$0x3F9C] =	sst s7  }
0x10: {  	[smem:$0x3F9D] =	sst s8  }
0x11: {  	[smem:$0x3F9E] =	sst s9;
	s0 =	simm.s32 @!p0 $0x0  }
0x12: {  	s1 =	sld [smem:$0x3F84];
	s0 =	simm.s32 @p0 $0x1  }
0x13: {  	[smem:$0x3F9F] =	sst s0;
	s0 =	simm.s32 @!p1 $0x0  }
0x14: {  	s2 =	sld [smem:$0x3F83];
	s0 =	simm.s32 @p1 $0x1  }
0x15: {  	[smem:$0x3FA0] =	sst s0;
	s0 =	simm.s32 @!p2 $0x0  }
0x16: {  	s3 =	sld [smem:$0x3FDB];
	s0 =	simm.s32 @p2 $0x1  }
0x17: {  	s4 =	simm.s32 $0x1BF5;
	[smem:$0x3FA2] =	sst s0  }
0x18: {  	s0 =	sld [smem:$0x3F85];
	_ =	swait.ge [sflag:s4], $0x0  }
0x19: {  	s7 =	sld [smem:$0x3F86]  }
0x1a: {  	s8 =	sadd.s32 $0xFFFFE003, lr  }
0x1b: {  	s9 =	sadd.s32 $0xFFFFFEF7, lr;
	s5 =	simm.s32 $0xFFFFFFFF;
	p2 =	slt.u32 s8, $0xFFFFF086  }
0x1c: {  	p1 =	slt.u32 s9, $0xF7A;
	s5 =	simm.s32 @!p2 $0x0  }
0x1d: {  	s5 =	simm.s32 @p1 $0x1;
	p0 =	seq.s32 s7, s2  }
0x1e: {  	s7 =	smul.u32 @!p0 $0xF7A, s2;
	p2 =	seq.s32 @!p0 s5, $0x0  }
0x1f: {  	s9 =	smul.u32 $0xF7A, s1;
	s8 =	simm.s32 @!p0 $0x1BF5;
	p2 =	por !p2, p0  }
0x20: {  	[sflag:s8] =	ssyncset.s32 @!p0 $0xFFFFF086;
	s6 =	sadd.s32 @!p0 s3, s7;
	s7 =	simm.s32 @!p0 $0x108  }
0x21: {  	s3 =	sadd.s32 s3, s9;
	s6 =	sadd.s32 @!p0 $0x88, s6;
	s7 =	simm.s32 @p2 $0x1082  }
0x22: {  	[simem:s7], [sflag:s8] =	dma.local @!p0 [hbm:s6], $0xF7A  }
0x23: {  	s9 =	sor.u32 $0xD0000000, s2;
	s6 =	simm.s32 $0x108;
	_ =	swait.ge @!p0 [sflag:s8], $0x0  }
0x24: {  	s3 =	sadd.s32 $0x88, s3;
	s6 =	simm.s32 @!p1 $0x1082;
	[sflag:s4] =	ssyncset.s32 $0xFFFFF086  }
0x25: {  	[simem:s6], [sflag:s4] =	dma.local [hbm:s3], $0xF7A  }
0x26: {  	[smem:$0x3F86] =	sst s1;
	(tag) =	ssettag s2;
	_ =	strace s9  }
0x27: {  	s1 =	sld [smem:$0x3F96]  }
0x28: {  	s2 =	sld [smem:$0x3F97]  }
0x29: {  	s4 =	sld [smem:$0x3F99]  }
0x2a: {  	p0 =	seq.s32 s5, $0x0;
	s5 =	sld [smem:$0x3F9A]  }
0x2b: {  	s6 =	sld [smem:$0x3F9B]  }
0x2c: {  	s7 =	sld [smem:$0x3F9C]  }
0x2d: {  	s3 =	simm.s32 $0x108;
	s8 =	sld [smem:$0x3F9D]  }
0x2e: {  	s3 =	simm.s32 @!p0 $0x1082;
	s9 =	sld [smem:$0x3F9E]  }
0x2f: {  	lr =	sadd.s32 s0, s3;
	s0 =	sld [smem:$0x3F95]  }
0x30: {  	s3 =	sld [smem:$0x3F98]  }
0x31: {  	[smem:$0x3FA1] =	sst s10  }
0x32: {  	s10 =	sld [smem:$0x3F9F];
	_ =	sdelay $0x3  }
0x33: {  	p0 =	seq.s32 s10, $0x1;
	s10 =	sld [smem:$0x3FA1];
	_ =	sdelay $0x3  }
0x34: {  	[smem:$0x3FA1] =	sst s10  }
0x35: {  	s10 =	sld [smem:$0x3FA0];
	_ =	sdelay $0x3  }
0x36: {  	p1 =	seq.s32 s10, $0x1;
	s10 =	sld [smem:$0x3FA1];
	_ =	sdelay $0x3  }
0x37: {  	[smem:$0x3FA1] =	sst s10  }
0x38: {  	s10 =	sld [smem:$0x3FA2]  }
0x39: {  	_ = 	snop;
	(pc) =	sbr.ind lr, $3  }
0x3a: {  	_ = 	snop  }
0x3b: {  	_ = 	snop  }
0x3c: {  	p2 =	seq.s32 s10, $0x1;
	s10 =	sld [smem:$0x3FA1]  }
0x3d: {  	_ =	shalt  }
0x3e: {  	_ =	shalt  }
0x3f: {  	_ =	shalt  }
0x40: {  	_ =	shalt  }
0x41: {  	_ =	shalt  }
0x42: {  	_ =	shalt  }
0x43: {  	_ =	shalt  }
0x44: {  	_ =	shalt  }
0x45: {  	_ =	shalt  }
0x46: {  	_ =	shalt  }
0x47: {  	_ =	shalt  }
0x48: {  	_ =	shalt  }
0x49: {  	_ =	shalt  }
0x4a: {  	_ =	shalt  }
0x4b: {  	_ =	shalt  }
0x4c: {  	_ =	shalt  }
0x4d: {  	_ =	shalt  }
0x4e: {  	_ =	shalt  }
0x4f: {  	_ =	shalt  }
0x50: {  	_ =	shalt  }
0x51: {  	_ =	shalt  }
0x52: {  	_ =	shalt  }
0x53: {  	_ =	shalt  }
0x54: {  	_ =	shalt  }
0x55: {  	_ =	shalt  }
0x56: {  	_ =	shalt  }
0x57: {  	_ =	shalt  }
0x58: {  	_ =	shalt  }
0x59: {  	_ =	shalt  }
0x5a: {  	_ =	shalt  }
0x5b: {  	_ =	shalt  }
0x5c: {  	_ =	shalt  }
0x5d: {  	_ =	shalt  }
0x5e: {  	_ =	shalt  }
0x5f: {  	_ =	shalt  }
0x60: {  	_ =	shalt  }
0x61: {  	_ =	shalt  }
0x62: {  	_ =	shalt  }
0x63: {  	_ =	shalt  }
0x64: {  	_ =	shalt  }
0x65: {  	_ =	shalt  }
0x66: {  	_ =	shalt  }
0x67: {  	_ =	shalt  }
0x68: {  	_ =	shalt  }
0x69: {  	_ =	shalt  }
0x6a: {  	_ =	shalt  }
0x6b: {  	_ =	shalt  }
0x6c: {  	_ =	shalt  }
0x6d: {  	_ =	shalt  }
0x6e: {  	_ =	shalt  }
0x6f: {  	_ =	shalt  }
0x70: {  	_ =	shalt  }
0x71: {  	_ =	shalt  }
0x72: {  	_ =	shalt  }
0x73: {  	_ =	shalt  }
0x74: {  	_ =	shalt  }
0x75: {  	_ =	shalt  }
0x76: {  	_ =	shalt  }
0x77: {  	_ =	shalt  }
0x78: {  	_ =	shalt  }
0x79: {  	_ =	shalt  }
0x7a: {  	_ =	shalt  }
0x7b: {  	_ =	shalt  }
0x7c: {  	_ =	shalt  }
0x7d: {  	_ =	shalt  }
0x7e: {  	_ =	shalt  }
0x7f: {  	_ =	shalt  }
0x80: {  	_ =	shalt  }
0x81: {  	_ =	shalt  }
0x82: {  	_ =	shalt  }
0x83: {  	_ =	shalt  }
0x84: {  	_ =	shalt  }
0x85: {  	_ =	shalt  }
0x86: {  	_ =	shalt  }
0x87: {  	_ =	shalt  }
.Lfunc_end0:
.L_simem_size_0:
called_computation.6_lowered:
.L_overlay_start_0:
0x88: {  	s2 =	sld [smem:$0x3FD9]  }
0x89: {  	s3 =	sld [smem:$0x3FFE];
	_ =	sdelay $0x1  }
0x8a: {  	s1 =	srdreg.scid  }
0x8b: {  	s0 =	sand.u32 $0x1, s1  }
0x8c: {  	s16 =	sshll.u32 s0, $0xA;
	s2 =	sadd.s32 s3, s2  }
0x8d: {  	s2 =	sadd.s32 s2, s16  }
0x8e: {  	[smem:$0x3FAD] =	sst s2  }
0x8f: {  	_ = 	snop  }
0x90: {  	(tm) =	ssettm $0x1  }
0x91: {  	s17 =	sld [smem:$0x3FFB];
	_ =	sdelay $0x3  }
0x92: {  	_ =	strace s17  }
0x93: {  	s2 =	sld [smem:$0x3FFC];
	_ =	sdelay $0x3  }
0x94: {  	_ =	strace s2  }
0x95: {  	s2 =	sld [smem:$0x3FFD];
	_ =	sdelay $0x3  }
0x96: {  	_ =	strace s2  }
0x97: {  	_ =	strace $0x8FFFFFFF  }
0x98: {  	s18 =	sld [smem:$0x3FDB];
	_ =	sdelay $0x1  }
0x99: {  	s19 =	simm.s32 $_scs_section_size  }
0x9a: {  	s4 =	simm.s32 $_size__tile_overlayer_lowered;
	s5 =	simm.s32 $_tile_overlayer_lowered  }
0x9b: {  	s22 =	simm.s32 $0x1BFF;
	s21 =	sshll.u32 s5, $0x1;
	s2 =	sadd.s32 s19, s18  }
0x9c: {  	s6 =	simm.s32 $0x0;
	s20 =	sshll.u32 s4, $0x1;
	s4 =	sadd.s32 s21, s2  }
0x9d: {  	[timem:s6], [sflag:s22] =	dma.local [hbm:s4], s20  }
0x9e: {  	_ =	swait.ge [sflag:s22], s20  }
0x9f: {  	s3 =	ssub.s32 $0x0, s20;
	[sflag:s22] =	ssyncset.done $0x0  }
0xa0: {  	[sflag:s22] =	ssyncadd.s32 s3;
	_ =	sdelay $0x1  }
0xa1: {  	s23 =	simm.s32 $0x1B8B  }
0xa2: {  	_ =	swait.ge [sflag:s23], $0x1  }
0xa3: {  	[sflag:s23] =	ssyncset.done $0x0  }
0xa4: {  	s25 =	simm.s32 $0x1B8E;
	s24 =	sld [smem:$0x3FFE];
	[sflag:s23] =	ssyncadd.s32 $0xFFFFFFFF  }
0xa5: {  	s26 =	simm.s32 $execute0_lowered;
	[smem:$0x3FD2] =	sst s25  }
0xa6: {  	s4 =	sshll.u32 s26, $0x1;
	_ =	strace $0x80000055;
	[dreg:$0x1] =	wrdreg $0xFFFFFFFF  }
0xa7: {  	s28 =	simm.s32 $_size_execute0_lowered;
	s2 =	sadd.s32 s2, s4;
	[dreg:$0x0] =	wrdreg $0x0  }
0xa8: {  	s4 =	sshll.u32 s28, $0x1;
	[dreg:$0x2] =	wrdreg s2  }
0xa9: {  	[dreg:$0x3] =	wrdreg s4  }
0xaa: {  	[dreg:$0x4] =	wrdreg $0xC0  }
0xab: {  	_ =	task [dreg:s6], $0x5FFFF  }
0xac: {  	[dreg:$0x1] =	wrdreg $0xFFFFFFFF  }
0xad: {  	[dreg:$0x0] =	wrdreg $0x60  }
0xae: {  	[dreg:$0x2] =	wrdreg s24  }
0xaf: {  	[dreg:$0x3] =	wrdreg $0x154000  }
0xb0: {  	[dreg:$0x4] =	wrdreg $0x9  }
0xb1: {  	_ =	task.clear_ibuf [dreg:s6], $0x5FFFF;
	_ =	strace $0x90000055  }
0xb2: {  	s29 =	simm.s32 $0x9;
	_ =	strace $0x80000057  }
0xb3: {  	_ =	swait.ge [sflag:s29], $0x1  }
0xb4: {  	[sflag:s29] =	ssyncadd.s32 $0xFFFFFFFF  }
0xb5: {  	_ =	strace $0x90000057  }
0xb6: {  	_ =	sfence  }
0xb7: {  	s30 =	sld [smem:$0x0];
	_ =	sdelay $0x2  }
0xb8: {  	s31 =	sshll.u32 s1, $0xD;
	s1 =	sshrl.u32 s1, $0x2  }
0xb9: {  	s3 =	sand.u32 $0x4000, s31;
	s1 =	sadd.s32 s1, s30  }
0xba: {  	s0 =	sor.u32 s3, s0;
	s1 =	sshll.u32 s1, $0x11  }
0xbb: {  	s0 =	sor.u32 s1, s0  }
0xbc: {  	s0 =	sadd.s32 $0x8F2B, s0  }
0xbd: {  	[sflag:s0] =	ssyncadd.remote.s32 $0x1  }
0xbe: {  	_ =	sfence.sel $0xFFFF  }
0xbf: {  	[dreg:$0x0] =	wrdreg $0xFFFFFFFF;
	(pc) =	sbr.abs _section_cstart, $3  }
0xc0: {  	[dreg:$0x1] =	wrdreg $0xFFFFFFFF  }
0xc1: {  	_ =	task.clear_ibuf [dreg:s6], $0x2FFFF;
	_ =	strace $0x9FFFFFFF  }
0xc2: {  	(tm) =	ssettm $0x7FFFFFFF  }
0xc3: {  	_ =	shalt  }
tec
execute0_lowered:
.L_overlay_start_1:
0x0: {  	(tag) =	ssettag $0x1  }
0x1: {  	s4 =	rddreg [dreg:$0x0]  }
0x2: {  	s2 =	rddreg [dreg:$0x1]  }
0x3: {  	s0 =	rddreg [dreg:$0x2];
	s1 =	stileid.u32  }
0x4: {  	s5 =	srdreg.scid;
	s3 =	simm.s32 $0x0;
	s13 =	simm.s32 $0x1400  }
0x5: {  	s14 =	simm.s32 $0x0;
	s5 =	sand.u32 $0x1, s5;
	s6 =	sshll.u32 s1, $0x1  }
0x6: {  	[smem:$0x7FF] =	sst s3;
	s7 =	smul.u32 $0x2800, s1;
	s6 =	sor.u32 s5, s6  }
0x7: {  	s31 =	sshll.u32 s1, $0x6;
	_ =	strace $0x80000056;
	s8 =	smul.u32 $0x280, s6  }
0x8: {  	s5 =	ssub.s32 $0x2, s5;
	s9 =	sshrl.u32 s7, $0x3;
	s6 =	smul.u32 $0x2800, s6  }
0x9: {  	s10 =	sshrl.u32 s5, $0x1;
	s12 =	sadd.s32 s7, s2;
	s9 =	sadd.s32 s9, s4  }
0xa: {  	s10 =	ssub.s32 s5, s10;
	s5 =	sor.u32 $0x1C02, s31;
	s8 =	sadd.s32 s8, s4  }
0xb: {  	s11 =	sadd.s32 s6, s4;
	s4 =	sadd.s32 $0x9400, s9;
	s9 =	sshrl.u32 s12, $0x3  }
0xc: {  	s12 =	simm.s32 $0x1;
	s6 =	sadd.s32 $0xE400, s8;
	s7 =	sadd.s32 $0x18400, s11  }
0xd: {  	s8 =	smax.u32 s10, $0x1;
	s10 =	simm.s32 $0x2;
	s11 =	simm.s32 $0x80  }
.LBB2_1:
0xe: {  	[spmem:s9], [sflag:s5] =	dma.local [hbm:s4], $0x500  }
0xf: {  	_ =	swait.ge [sflag:s10], $0x500  }
0x10: {  	[sflag:s10] =	ssyncset.done $0x0  }
0x11: {  	[sflag:s10] =	ssyncadd.s32 $0xFFFFFB00  }
0x12: {  	[tilespmem:s3], [sflag:$0x2] =	stream.linear.gather [hbm4b:s6+s3], $0x1400, $0x38;
	[tilespmem:$0x17C00] =	vst v63  }
0x13: {  	_ =	swait.ge [sflag:s10], $0x1400  }
0x14: {  	[sflag:s10] =	ssyncset.done $0x0  }
0x15: {  	[sflag:s10] =	ssyncadd.s32 $0xFFFFEC00  }
0x16: {  	s15 =	simm.s32 $0x1400;
	s16 =	simm.s32 $0x0;
	[bflag:$0x0] =	sbarrier.arrive $0xFFFF  }
.LBB2_2:
0x17: {  	p0 =	sne.s32 s16, $0x4E00  }
.Ltmp0:
0x18: {  	_ = 	snop;
	(pc) =	sbr.rel @p0 .LBB2_2-.Ltmp0, $4  }
0x19: {  	_ = 	snop  }
0x1a: {  	s17 =	sshra.s32 s16, $0x2  }
0x1b: {  	[tilespmem:s15], [sflag:$0x1] =	stream.indirect.gather [spmem:s2], $0x10, s17, s11, $0xb8;
	[tilespmem:$0x17C00] =	vst v63  }
0x1c: {  	s16 =	sadd.s32 $0x200, s16;
	s15 =	sadd.s32 $0x800, s15  }
0x1d: {  	_ =	swait.ge [sflag:s12], $0x800  }
0x1e: {  	s15 =	simm.s32 $0x27;
	[sflag:s12] =	ssyncset.done $0x0  }
.LBB2_4:
0x1f: {  	p0 =	sne.s32 s15, $0x1;
	s15 =	sadd.s32 $0xFFFFFFFF, s15;
	[sflag:s12] =	ssyncadd.s32 $0xFFFFF800  }
.Ltmp1:
0x20: {  	(pc) =	sbr.rel @p0 .LBB2_4-.Ltmp1, $3  }
0x21: {  	_ =	sdelay $0x1  }
0x22: {  	_ =	swait.ge [sflag:s12], $0x800  }
0x23: {  	[sflag:s12] =	ssyncset.done $0x0  }
0x24: {  	s14 =	sadd.s32 $0x1, s14  }
0x25: {  	p0 =	sne.s32 s14, s8  }
.Ltmp2:
0x26: {  	[sflag:s12] =	ssyncadd.s32 $0xFFFFF800;
	(pc) =	sbr.rel @p0 .LBB2_1-.Ltmp2, $4  }
0x27: {  	[hbm4b:s7+s3] =	stream.linear.scatter [tilespmem:s13], [sflag:$0x2], $0x14000, $0x38;
	[tilespmem:$0x17C00] =	vst v63  }
0x28: {  	_ =	swait.ge [sflag:s10], $0x14000  }
0x29: {  	[sflag:s10] =	ssyncset.done $0x0  }
0x2a: {  	[sflag:s10] =	ssyncadd.s32 $0xFFFEC000  }
0x2b: {  	_ =	sfence.sel $0x180000  }
0x2c: {  	[bflag:$0x0] =	sbarrier.arrive $0xFFFF  }
0x2d: {  	p0 =	sne.s32 s1, $0x0;
	_ =	strace $0x90000056  }
0x2e: {  	s0 =	sadd.s32 @!p0 $0x100000, s0;
	[bflag:$0x2] =	sbarrier.arrive $0xFFFF  }
0x2f: {  	[sflag:s0] =	ssyncadd.tile.s32 @!p0 $0x1;
	_ =	shalt  }
.Lfunc_end2:
_tile_overlayer_lowered:
.L_overlay_start_2:
0x30: {  	(tag) =	ssettag $0x2  }
0x31: {  	s0 =	rddreg [dreg:$0x0];
	s2 =	stileid.u32  }
0x32: {  	s1 =	rddreg [dreg:$0x1];
	p0 =	sne.s32 s2, $0x0  }
0x33: {  	s3 =	rddreg [dreg:$0x2];
	[bflag:$0x3] =	sbarrier.arrive $0xFFFF;
	s2 =	simm.s32 @!p0 $0x1C02  }
0x34: {  	[timem:s3], [sflag:s2] =	dma.local @!p0 [hbm:s0], s1  }
0x35: {  	s0 =	simm.s32 @!p0 $0x2  }
0x36: {  	_ =	swait.ge @!p0 [sflag:s0], s1  }
0x37: {  	s1 =	ssub.s32 @!p0 $0x0, s1;
	[sflag:s0] =	ssyncset.done @!p0 $0x0  }
0x38: {  	[sflag:s0] =	ssyncadd.s32 @!p0 s1  }
0x39: {  	[bflag:$0x3] =	sbarrier.arrive $0xFFFF  }
0x3a: {  	_ =	shalt  }

// kernel: kernel.49.cloned.1.call-start
scs
__scs_entry_jumppad:
0x0: {  	(pc) =	sbr.rel $0x88, $3  }
0x1: {  	(tag) =	ssettag $0x0;
	lr =	simm.s32 $0x1  }
0x2: {  	[smem:$0x3F86] =	sst lr;
	_ =	strace $0xD0000000  }
0x3: {  	_ = 	snop  }
0x4: {  	_ = 	snop  }
0x5: {  	_ = 	snop  }
0x6: {  	_ = 	snop  }
0x7: {  	_ = 	snop  }
__scs_overlays_trampoline_lowered:
0x8: {  	[smem:$0x3F95] =	sst s0  }
0x9: {  	[smem:$0x3F96] =	sst s1  }
0xa: {  	[smem:$0x3F97] =	sst s2  }
0xb: {  	[smem:$0x3F98] =	sst s3  }
0xc: {  	[smem:$0x3F99] =	sst s4  }
0xd: {  	[smem:$0x3F9A] =	sst s5  }
0xe: {  	[smem:$0x3F9B] =	sst s6  }
0xf: {  	[smem:$0x3F9C] =	sst s7  }
0x10: {  	[smem:$0x3F9D] =	sst s8  }
0x11: {  	[smem:$0x3F9E] =	sst s9;
	s0 =	simm.s32 @!p0 $0x0  }
0x12: {  	s1 =	sld [smem:$0x3F84];
	s0 =	simm.s32 @p0 $0x1  }
0x13: {  	[smem:$0x3F9F] =	sst s0;
	s0 =	simm.s32 @!p1 $0x0  }
0x14: {  	s2 =	sld [smem:$0x3F83];
	s0 =	simm.s32 @p1 $0x1  }
0x15: {  	[smem:$0x3FA0] =	sst s0;
	s0 =	simm.s32 @!p2 $0x0  }
0x16: {  	s3 =	sld [smem:$0x3FDB];
	s0 =	simm.s32 @p2 $0x1  }
0x17: {  	s4 =	simm.s32 $0x1BF5;
	[smem:$0x3FA2] =	sst s0  }
0x18: {  	s0 =	sld [smem:$0x3F85];
	_ =	swait.ge [sflag:s4], $0x0  }
0x19: {  	s7 =	sld [smem:$0x3F86]  }
0x1a: {  	s8 =	sadd.s32 $0xFFFFE003, lr  }
0x1b: {  	s9 =	sadd.s32 $0xFFFFFEF7, lr;
	s5 =	simm.s32 $0xFFFFFFFF;
	p2 =	slt.u32 s8, $0xFFFFF086  }
0x1c: {  	p1 =	slt.u32 s9, $0xF7A;
	s5 =	simm.s32 @!p2 $0x0  }
0x1d: {  	s5 =	simm.s32 @p1 $0x1;
	p0 =	seq.s32 s7, s2  }
0x1e: {  	s7 =	smul.u32 @!p0 $0xF7A, s2;
	p2 =	seq.s32 @!p0 s5, $0x0  }
0x1f: {  	s9 =	smul.u32 $0xF7A, s1;
	s8 =	simm.s32 @!p0 $0x1BF5;
	p2 =	por !p2, p0  }
0x20: {  	[sflag:s8] =	ssyncset.s32 @!p0 $0xFFFFF086;
	s6 =	sadd.s32 @!p0 s3, s7;
	s7 =	simm.s32 @!p0 $0x108  }
0x21: {  	s3 =	sadd.s32 s3, s9;
	s6 =	sadd.s32 @!p0 $0x88, s6;
	s7 =	simm.s32 @p2 $0x1082  }
0x22: {  	[simem:s7], [sflag:s8] =	dma.local @!p0 [hbm:s6], $0xF7A  }
0x23: {  	s9 =	sor.u32 $0xD0000000, s2;
	s6 =	simm.s32 $0x108;
	_ =	swait.ge @!p0 [sflag:s8], $0x0  }
0x24: {  	s3 =	sadd.s32 $0x88, s3;
	s6 =	simm.s32 @!p1 $0x1082;
	[sflag:s4] =	ssyncset.s32 $0xFFFFF086  }
0x25: {  	[simem:s6], [sflag:s4] =	dma.local [hbm:s3], $0xF7A  }
0x26: {  	[smem:$0x3F86] =	sst s1;
	(tag) =	ssettag s2;
	_ =	strace s9  }
0x27: {  	s1 =	sld [smem:$0x3F96]  }
0x28: {  	s2 =	sld [smem:$0x3F97]  }
0x29: {  	s4 =	sld [smem:$0x3F99]  }
0x2a: {  	p0 =	seq.s32 s5, $0x0;
	s5 =	sld [smem:$0x3F9A]  }
0x2b: {  	s6 =	sld [smem:$0x3F9B]  }
0x2c: {  	s7 =	sld [smem:$0x3F9C]  }
0x2d: {  	s3 =	simm.s32 $0x108;
	s8 =	sld [smem:$0x3F9D]  }
0x2e: {  	s3 =	simm.s32 @!p0 $0x1082;
	s9 =	sld [smem:$0x3F9E]  }
0x2f: {  	lr =	sadd.s32 s0, s3;
	s0 =	sld [smem:$0x3F95]  }
0x30: {  	s3 =	sld [smem:$0x3F98]  }
0x31: {  	[smem:$0x3FA1] =	sst s10  }
0x32: {  	s10 =	sld [smem:$0x3F9F];
	_ =	sdelay $0x3  }
0x33: {  	p0 =	seq.s32 s10, $0x1;
	s10 =	sld [smem:$0x3FA1];
	_ =	sdelay $0x3  }
0x34: {  	[smem:$0x3FA1] =	sst s10  }
0x35: {  	s10 =	sld [smem:$0x3FA0];
	_ =	sdelay $0x3  }
0x36: {  	p1 =	seq.s32 s10, $0x1;
	s10 =	sld [smem:$0x3FA1];
	_ =	sdelay $0x3  }
0x37: {  	[smem:$0x3FA1] =	sst s10  }
0x38: {  	s10 =	sld [smem:$0x3FA2]  }
0x39: {  	_ = 	snop;
	(pc) =	sbr.ind lr, $3  }
0x3a: {  	_ = 	snop  }
0x3b: {  	_ = 	snop  }
0x3c: {  	p2 =	seq.s32 s10, $0x1;
	s10 =	sld [smem:$0x3FA1]  }
0x3d: {  	_ =	shalt  }
0x3e: {  	_ =	shalt  }
0x3f: {  	_ =	shalt  }
0x40: {  	_ =	shalt  }
0x41: {  	_ =	shalt  }
0x42: {  	_ =	shalt  }
0x43: {  	_ =	shalt  }
0x44: {  	_ =	shalt  }
0x45: {  	_ =	shalt  }
0x46: {  	_ =	shalt  }
0x47: {  	_ =	shalt  }
0x48: {  	_ =	shalt  }
0x49: {  	_ =	shalt  }
0x4a: {  	_ =	shalt  }
0x4b: {  	_ =	shalt  }
0x4c: {  	_ =	shalt  }
0x4d: {  	_ =	shalt  }
0x4e: {  	_ =	shalt  }
0x4f: {  	_ =	shalt  }
0x50: {  	_ =	shalt  }
0x51: {  	_ =	shalt  }
0x52: {  	_ =	shalt  }
0x53: {  	_ =	shalt  }
0x54: {  	_ =	shalt  }
0x55: {  	_ =	shalt  }
0x56: {  	_ =	shalt  }
0x57: {  	_ =	shalt  }
0x58: {  	_ =	shalt  }
0x59: {  	_ =	shalt  }
0x5a: {  	_ =	shalt  }
0x5b: {  	_ =	shalt  }
0x5c: {  	_ =	shalt  }
0x5d: {  	_ =	shalt  }
0x5e: {  	_ =	shalt  }
0x5f: {  	_ =	shalt  }
0x60: {  	_ =	shalt  }
0x61: {  	_ =	shalt  }
0x62: {  	_ =	shalt  }
0x63: {  	_ =	shalt  }
0x64: {  	_ =	shalt  }
0x65: {  	_ =	shalt  }
0x66: {  	_ =	shalt  }
0x67: {  	_ =	shalt  }
0x68: {  	_ =	shalt  }
0x69: {  	_ =	shalt  }
0x6a: {  	_ =	shalt  }
0x6b: {  	_ =	shalt  }
0x6c: {  	_ =	shalt  }
0x6d: {  	_ =	shalt  }
0x6e: {  	_ =	shalt  }
0x6f: {  	_ =	shalt  }
0x70: {  	_ =	shalt  }
0x71: {  	_ =	shalt  }
0x72: {  	_ =	shalt  }
0x73: {  	_ =	shalt  }
0x74: {  	_ =	shalt  }
0x75: {  	_ =	shalt  }
0x76: {  	_ =	shalt  }
0x77: {  	_ =	shalt  }
0x78: {  	_ =	shalt  }
0x79: {  	_ =	shalt  }
0x7a: {  	_ =	shalt  }
0x7b: {  	_ =	shalt  }
0x7c: {  	_ =	shalt  }
0x7d: {  	_ =	shalt  }
0x7e: {  	_ =	shalt  }
0x7f: {  	_ =	shalt  }
0x80: {  	_ =	shalt  }
0x81: {  	_ =	shalt  }
0x82: {  	_ =	shalt  }
0x83: {  	_ =	shalt  }
0x84: {  	_ =	shalt  }
0x85: {  	_ =	shalt  }
0x86: {  	_ =	shalt  }
0x87: {  	_ =	shalt  }
.Lfunc_end0:
.L_simem_size_0:
called_computation.7_lowered:
.L_overlay_start_0:
0x88: {  	s2 =	sld [smem:$0x3FD9]  }
0x89: {  	s3 =	sld [smem:$0x3FFE];
	_ =	sdelay $0x1  }
0x8a: {  	s1 =	srdreg.scid  }
0x8b: {  	s0 =	sand.u32 $0x1, s1  }
0x8c: {  	s16 =	sshll.u32 s0, $0xA;
	s2 =	sadd.s32 s3, s2  }
0x8d: {  	s2 =	sadd.s32 s2, s16  }
0x8e: {  	[smem:$0x3FAD] =	sst s2  }
0x8f: {  	_ = 	snop  }
0x90: {  	(tm) =	ssettm $0x1  }
0x91: {  	s17 =	sld [smem:$0x3FFB];
	_ =	sdelay $0x3  }
0x92: {  	_ =	strace s17  }
0x93: {  	s2 =	sld [smem:$0x3FFC];
	_ =	sdelay $0x3  }
0x94: {  	_ =	strace s2  }
0x95: {  	s2 =	sld [smem:$0x3FFD];
	_ =	sdelay $0x3  }
0x96: {  	_ =	strace s2  }
0x97: {  	_ =	strace $0x8FFFFFFF  }
0x98: {  	s18 =	sld [smem:$0x3FDB];
	_ =	sdelay $0x1  }
0x99: {  	s19 =	simm.s32 $_scs_section_size  }
0x9a: {  	s4 =	simm.s32 $_size__tile_overlayer_lowered;
	s5 =	simm.s32 $_tile_overlayer_lowered  }
0x9b: {  	s22 =	simm.s32 $0x1BFF;
	s21 =	sshll.u32 s5, $0x1;
	s2 =	sadd.s32 s19, s18  }
0x9c: {  	s6 =	simm.s32 $0x0;
	s20 =	sshll.u32 s4, $0x1;
	s4 =	sadd.s32 s21, s2  }
0x9d: {  	[timem:s6], [sflag:s22] =	dma.local [hbm:s4], s20  }
0x9e: {  	_ =	swait.ge [sflag:s22], s20  }
0x9f: {  	s3 =	ssub.s32 $0x0, s20;
	[sflag:s22] =	ssyncset.done $0x0  }
0xa0: {  	[sflag:s22] =	ssyncadd.s32 s3;
	_ =	sdelay $0x1  }
0xa1: {  	s23 =	simm.s32 $0x1B8B  }
0xa2: {  	_ =	swait.ge [sflag:s23], $0x1  }
0xa3: {  	[sflag:s23] =	ssyncset.done $0x0  }
0xa4: {  	s25 =	simm.s32 $0x1B8E;
	s24 =	sld [smem:$0x3FFE];
	[sflag:s23] =	ssyncadd.s32 $0xFFFFFFFF  }
0xa5: {  	s26 =	simm.s32 $execute0_lowered;
	[smem:$0x3FD2] =	sst s25  }
0xa6: {  	s4 =	sshll.u32 s26, $0x1;
	_ =	strace $0x80000058;
	[dreg:$0x1] =	wrdreg $0xFFFFFFFF  }
0xa7: {  	s28 =	simm.s32 $_size_execute0_lowered;
	s2 =	sadd.s32 s2, s4;
	[dreg:$0x0] =	wrdreg $0x0  }
0xa8: {  	s4 =	sshll.u32 s28, $0x1;
	[dreg:$0x2] =	wrdreg s2  }
0xa9: {  	[dreg:$0x3] =	wrdreg s4  }
0xaa: {  	[dreg:$0x4] =	wrdreg $0xC0  }
0xab: {  	_ =	task [dreg:s6], $0x5FFFF  }
0xac: {  	[dreg:$0x1] =	wrdreg $0xFFFFFFFF  }
0xad: {  	[dreg:$0x0] =	wrdreg $0x60  }
0xae: {  	[dreg:$0x2] =	wrdreg s24  }
0xaf: {  	[dreg:$0x3] =	wrdreg $0x17C000  }
0xb0: {  	[dreg:$0x4] =	wrdreg $0x9  }
0xb1: {  	_ =	task.clear_ibuf [dreg:s6], $0x5FFFF;
	_ =	strace $0x90000058  }
0xb2: {  	s29 =	simm.s32 $0x9;
	_ =	strace $0x8000005A  }
0xb3: {  	_ =	swait.ge [sflag:s29], $0x1  }
0xb4: {  	[sflag:s29] =	ssyncadd.s32 $0xFFFFFFFF  }
0xb5: {  	_ =	strace $0x9000005A  }
0xb6: {  	_ =	sfence  }
0xb7: {  	s30 =	sld [smem:$0x0];
	_ =	sdelay $0x2  }
0xb8: {  	s31 =	sshll.u32 s1, $0xD;
	s1 =	sshrl.u32 s1, $0x2  }
0xb9: {  	s3 =	sand.u32 $0x4000, s31;
	s1 =	sadd.s32 s1, s30  }
0xba: {  	s0 =	sor.u32 s3, s0;
	s1 =	sshll.u32 s1, $0x11  }
0xbb: {  	s0 =	sor.u32 s1, s0  }
0xbc: {  	s0 =	sadd.s32 $0x8F2B, s0  }
0xbd: {  	[sflag:s0] =	ssyncadd.remote.s32 $0x1  }
0xbe: {  	_ =	sfence.sel $0xFFFF  }
0xbf: {  	[dreg:$0x0] =	wrdreg $0xFFFFFFFF;
	(pc) =	sbr.abs _section_cstart, $3  }
0xc0: {  	[dreg:$0x1] =	wrdreg $0xFFFFFFFF  }
0xc1: {  	_ =	task.clear_ibuf [dreg:s6], $0x2FFFF;
	_ =	strace $0x9FFFFFFF  }
0xc2: {  	(tm) =	ssettm $0x7FFFFFFF  }
0xc3: {  	_ =	shalt  }
tec
execute0_lowered:
.L_overlay_start_1:
0x0: {  	(tag) =	ssettag $0x1  }
0x1: {  	s1 =	srdreg.scid  }
0x2: {  	s0 =	stileid.u32;
	s5 =	rddreg [dreg:$0x0]  }
0x3: {  	s2 =	rddreg [dreg:$0x1];
	s3 =	simm.s32 $0x0;
	s13 =	simm.s32 $0x1  }
0x4: {  	s14 =	simm.s32 $0x80;
	s15 =	simm.s32 $0x15400;
	s16 =	simm.s32 $0x0  }
0x5: {  	s4 =	sand.u32 $0x1, s1;
	s29 =	sshll.u32 s0, $0x1;
	s8 =	smul.u32 $0x2800, s0  }
0x6: {  	[smem:$0x7FF] =	sst s3;
	s1 =	sor.u32 s4, s29;
	s9 =	smul.u32 $0x28000, s4  }
0x7: {  	s31 =	sshll.u32 s0, $0x6;
	s4 =	ssub.s32 $0x2, s4;
	s6 =	smul.u32 $0x2800, s1  }
0x8: {  	s7 =	smul.u32 $0x280, s1;
	s1 =	rddreg [dreg:$0x2];
	_ =	strace $0x80000059  }
0x9: {  	s10 =	sshrl.u32 s8, $0x3;
	s30 =	sshrl.u32 s4, $0x1;
	s9 =	sadd.s32 s8, s9  }
0xa: {  	s10 =	sadd.s32 s10, s5;
	s11 =	ssub.s32 s4, s30;
	s9 =	sshrl.u32 s9, $0x3  }
0xb: {  	s6 =	sadd.s32 s6, s5;
	s7 =	sadd.s32 s7, s5;
	s9 =	sadd.s32 s9, s5  }
0xc: {  	s4 =	sadd.s32 $0x13400, s7;
	s5 =	sadd.s32 $0x18400, s6;
	s6 =	sadd.s32 s8, s2  }
0xd: {  	s7 =	sadd.s32 $0x68400, s10;
	s10 =	simm.s32 $0x2;
	s8 =	sadd.s32 $0x6D400, s9  }
0xe: {  	s9 =	smax.u32 s11, $0x1;
	s11 =	sor.u32 $0x1C02, s31;
	s12 =	sshrl.u32 s6, $0x3  }
.LBB2_1:
0xf: {  	[tilespmem:s3], [sflag:$0x2] =	stream.linear.gather [hbm4b:s4+s3], $0x1400, $0x38;
	[tilespmem:$0x1A400] =	vst v63  }
0x10: {  	_ =	swait.ge [sflag:s10], $0x1400  }
0x11: {  	[sflag:s10] =	ssyncset.done $0x0  }
0x12: {  	s17 =	simm.s32 $0x1400;
	[sflag:s10] =	ssyncadd.s32 $0xFFFFEC00  }
0x13: {  	[tilespmem:s17], [sflag:$0x1] =	stream.linear.gather [hbm4b:s5+s3], $0x14000, $0x38;
	[tilespmem:$0x1A400] =	vst v63  }
0x14: {  	[spmem:s12], [sflag:s11] =	dma.local [hbm:s7], $0x500  }
0x15: {  	_ =	swait.ge [sflag:s10], $0x500  }
0x16: {  	[sflag:s10] =	ssyncset.done $0x0  }
0x17: {  	[sflag:s10] =	ssyncadd.s32 $0xFFFFFB00  }
0x18: {  	_ =	swait.ge [sflag:s13], $0x14000  }
0x19: {  	[sflag:s13] =	ssyncset.done $0x0  }
0x1a: {  	[sflag:s13] =	ssyncadd.s32 $0xFFFEC000  }
0x1b: {  	s18 =	simm.s32 $0x0;
	[bflag:$0x0] =	sbarrier.arrive $0xFFFF  }
0x1c: {  	[spmem:s2] =	stream.indirect.scatter.add.f32 [tilespmem:s17], [sflag:$0x2], $0x10, s18, s14, $0xb8;
	[tilespmem:$0x1A400] =	vst v63  }
0x1d: {  	_ =	swait.ge [sflag:s10], $0x800  }
0x1e: {  	s18 =	simm.s32 $0x200;
	[sflag:s10] =	ssyncset.done $0x0  }
.LBB2_2:
0x1f: {  	s19 =	sshra.s32 s18, $0x2  }
0x20: {  	[sflag:s10] =	ssyncadd.s32 $0xFFFFF800;
	s17 =	sadd.s32 $0x800, s17;
	p0 =	sne.s32 s18, $0x4E00  }
0x21: {  	[spmem:s2] =	stream.indirect.scatter.add.f32 [tilespmem:s17], [sflag:$0x2], $0x10, s19, s14, $0xb8;
	[tilespmem:$0x1A400] =	vst v63  }
.Ltmp0:
0x22: {  	_ = 	snop;
	(pc) =	sbr.rel @p0 .LBB2_2-.Ltmp0, $4  }
0x23: {  	_ = 	snop  }
0x24: {  	s18 =	sadd.s32 $0x200, s18  }
0x25: {  	_ =	swait.ge [sflag:s10], $0x800  }
0x26: {  	[sflag:s10] =	ssyncset.done $0x0  }
0x27: {  	[sflag:s10] =	ssyncadd.s32 $0xFFFFF800  }
0x28: {  	[bflag:$0x0] =	sbarrier.arrive $0xFFFF  }
0x29: {  	[tilespmem:s15], [sflag:$0x2] =	stream.linear.gather [spmem:s6], $0x2800, $0x38;
	[tilespmem:$0x1A400] =	vst v63  }
0x2a: {  	s16 =	sadd.s32 $0x1, s16;
	_ =	swait.ge [sflag:s10], $0x2800  }
0x2b: {  	p0 =	sne.s32 s16, s9;
	[sflag:s10] =	ssyncset.done $0x0  }
.Ltmp1:
0x2c: {  	[sflag:s10] =	ssyncadd.s32 $0xFFFFD800;
	(pc) =	sbr.rel @p0 .LBB2_1-.Ltmp1, $4  }
0x2d: {  	[hbm4b:s8+s3] =	stream.linear.scatter [tilespmem:s15], [sflag:$0x2], $0x2800, $0x38;
	[tilespmem:$0x1A400] =	vst v63  }
0x2e: {  	_ =	swait.ge [sflag:s10], $0x2800  }
0x2f: {  	[sflag:s10] =	ssyncset.done $0x0  }
0x30: {  	[sflag:s10] =	ssyncadd.s32 $0xFFFFD800  }
0x31: {  	_ =	sfence.sel $0x180000  }
0x32: {  	[bflag:$0x0] =	sbarrier.arrive $0xFFFF  }
0x33: {  	p0 =	sne.s32 s0, $0x0;
	_ =	strace $0x90000059  }
0x34: {  	s0 =	sadd.s32 @!p0 $0x100000, s1;
	[bflag:$0x2] =	sbarrier.arrive $0xFFFF  }
0x35: {  	[sflag:s0] =	ssyncadd.tile.s32 @!p0 $0x1;
	_ =	shalt  }
.Lfunc_end2:
_tile_overlayer_lowered:
.L_overlay_start_2:
0x36: {  	(tag) =	ssettag $0x2  }
0x37: {  	s0 =	rddreg [dreg:$0x0];
	s2 =	stileid.u32  }
0x38: {  	s1 =	rddreg [dreg:$0x1];
	p0 =	sne.s32 s2, $0x0  }
0x39: {  	s3 =	rddreg [dreg:$0x2];
	[bflag:$0x3] =	sbarrier.arrive $0xFFFF;
	s2 =	simm.s32 @!p0 $0x1C02  }
0x3a: {  	[timem:s3], [sflag:s2] =	dma.local @!p0 [hbm:s0], s1  }
0x3b: {  	s0 =	simm.s32 @!p0 $0x2  }
0x3c: {  	_ =	swait.ge @!p0 [sflag:s0], s1  }
0x3d: {  	s1 =	ssub.s32 @!p0 $0x0, s1;
	[sflag:s0] =	ssyncset.done @!p0 $0x0  }
0x3e: {  	[sflag:s0] =	ssyncadd.s32 @!p0 s1  }
0x3f: {  	[bflag:$0x3] =	sbarrier.arrive $0xFFFF  }
0x40: {  	_ =	shalt  }

// kernel: kernel.52.cloned.1.call-start
scs
__scs_entry_jumppad:
0x0: {  	(pc) =	sbr.rel $0x88, $3  }
0x1: {  	(tag) =	ssettag $0x0;
	lr =	simm.s32 $0x1  }
0x2: {  	[smem:$0x3F86] =	sst lr;
	_ =	strace $0xD0000000  }
0x3: {  	_ = 	snop  }
0x4: {  	_ = 	snop  }
0x5: {  	_ = 	snop  }
0x6: {  	_ = 	snop  }
0x7: {  	_ = 	snop  }
__scs_overlays_trampoline_lowered:
0x8: {  	[smem:$0x3F95] =	sst s0  }
0x9: {  	[smem:$0x3F96] =	sst s1  }
0xa: {  	[smem:$0x3F97] =	sst s2  }
0xb: {  	[smem:$0x3F98] =	sst s3  }
0xc: {  	[smem:$0x3F99] =	sst s4  }
0xd: {  	[smem:$0x3F9A] =	sst s5  }
0xe: {  	[smem:$0x3F9B] =	sst s6  }
0xf: {  	[smem:$0x3F9C] =	sst s7  }
0x10: {  	[smem:$0x3F9D] =	sst s8  }
0x11: {  	[smem:$0x3F9E] =	sst s9;
	s0 =	simm.s32 @!p0 $0x0  }
0x12: {  	s1 =	sld [smem:$0x3F84];
	s0 =	simm.s32 @p0 $0x1  }
0x13: {  	[smem:$0x3F9F] =	sst s0;
	s0 =	simm.s32 @!p1 $0x0  }
0x14: {  	s2 =	sld [smem:$0x3F83];
	s0 =	simm.s32 @p1 $0x1  }
0x15: {  	[smem:$0x3FA0] =	sst s0;
	s0 =	simm.s32 @!p2 $0x0  }
0x16: {  	s3 =	sld [smem:$0x3FDB];
	s0 =	simm.s32 @p2 $0x1  }
0x17: {  	s4 =	simm.s32 $0x1BF5;
	[smem:$0x3FA2] =	sst s0  }
0x18: {  	s0 =	sld [smem:$0x3F85];
	_ =	swait.ge [sflag:s4], $0x0  }
0x19: {  	s7 =	sld [smem:$0x3F86]  }
0x1a: {  	s8 =	sadd.s32 $0xFFFFE003, lr  }
0x1b: {  	s9 =	sadd.s32 $0xFFFFFEF7, lr;
	s5 =	simm.s32 $0xFFFFFFFF;
	p2 =	slt.u32 s8, $0xFFFFF086  }
0x1c: {  	p1 =	slt.u32 s9, $0xF7A;
	s5 =	simm.s32 @!p2 $0x0  }
0x1d: {  	s5 =	simm.s32 @p1 $0x1;
	p0 =	seq.s32 s7, s2  }
0x1e: {  	s7 =	smul.u32 @!p0 $0xF7A, s2;
	p2 =	seq.s32 @!p0 s5, $0x0  }
0x1f: {  	s9 =	smul.u32 $0xF7A, s1;
	s8 =	simm.s32 @!p0 $0x1BF5;
	p2 =	por !p2, p0  }
0x20: {  	[sflag:s8] =	ssyncset.s32 @!p0 $0xFFFFF086;
	s6 =	sadd.s32 @!p0 s3, s7;
	s7 =	simm.s32 @!p0 $0x108  }
0x21: {  	s3 =	sadd.s32 s3, s9;
	s6 =	sadd.s32 @!p0 $0x88, s6;
	s7 =	simm.s32 @p2 $0x1082  }
0x22: {  	[simem:s7], [sflag:s8] =	dma.local @!p0 [hbm:s6], $0xF7A  }
0x23: {  	s9 =	sor.u32 $0xD0000000, s2;
	s6 =	simm.s32 $0x108;
	_ =	swait.ge @!p0 [sflag:s8], $0x0  }
0x24: {  	s3 =	sadd.s32 $0x88, s3;
	s6 =	simm.s32 @!p1 $0x1082;
	[sflag:s4] =	ssyncset.s32 $0xFFFFF086  }
0x25: {  	[simem:s6], [sflag:s4] =	dma.local [hbm:s3], $0xF7A  }
0x26: {  	[smem:$0x3F86] =	sst s1;
	(tag) =	ssettag s2;
	_ =	strace s9  }
0x27: {  	s1 =	sld [smem:$0x3F96]  }
0x28: {  	s2 =	sld [smem:$0x3F97]  }
0x29: {  	s4 =	sld [smem:$0x3F99]  }
0x2a: {  	p0 =	seq.s32 s5, $0x0;
	s5 =	sld [smem:$0x3F9A]  }
0x2b: {  	s6 =	sld [smem:$0x3F9B]  }
0x2c: {  	s7 =	sld [smem:$0x3F9C]  }
0x2d: {  	s3 =	simm.s32 $0x108;
	s8 =	sld [smem:$0x3F9D]  }
0x2e: {  	s3 =	simm.s32 @!p0 $0x1082;
	s9 =	sld [smem:$0x3F9E]  }
0x2f: {  	lr =	sadd.s32 s0, s3;
	s0 =	sld [smem:$0x3F95]  }
0x30: {  	s3 =	sld [smem:$0x3F98]  }
0x31: {  	[smem:$0x3FA1] =	sst s10  }
0x32: {  	s10 =	sld [smem:$0x3F9F];
	_ =	sdelay $0x3  }
0x33: {  	p0 =	seq.s32 s10, $0x1;
	s10 =	sld [smem:$0x3FA1];
	_ =	sdelay $0x3  }
0x34: {  	[smem:$0x3FA1] =	sst s10  }
0x35: {  	s10 =	sld [smem:$0x3FA0];
	_ =	sdelay $0x3  }
0x36: {  	p1 =	seq.s32 s10, $0x1;
	s10 =	sld [smem:$0x3FA1];
	_ =	sdelay $0x3  }
0x37: {  	[smem:$0x3FA1] =	sst s10  }
0x38: {  	s10 =	sld [smem:$0x3FA2]  }
0x39: {  	_ = 	snop;
	(pc) =	sbr.ind lr, $3  }
0x3a: {  	_ = 	snop  }
0x3b: {  	_ = 	snop  }
0x3c: {  	p2 =	seq.s32 s10, $0x1;
	s10 =	sld [smem:$0x3FA1]  }
0x3d: {  	_ =	shalt  }
0x3e: {  	_ =	shalt  }
0x3f: {  	_ =	shalt  }
0x40: {  	_ =	shalt  }
0x41: {  	_ =	shalt  }
0x42: {  	_ =	shalt  }
0x43: {  	_ =	shalt  }
0x44: {  	_ =	shalt  }
0x45: {  	_ =	shalt  }
0x46: {  	_ =	shalt  }
0x47: {  	_ =	shalt  }
0x48: {  	_ =	shalt  }
0x49: {  	_ =	shalt  }
0x4a: {  	_ =	shalt  }
0x4b: {  	_ =	shalt  }
0x4c: {  	_ =	shalt  }
0x4d: {  	_ =	shalt  }
0x4e: {  	_ =	shalt  }
0x4f: {  	_ =	shalt  }
0x50: {  	_ =	shalt  }
0x51: {  	_ =	shalt  }
0x52: {  	_ =	shalt  }
0x53: {  	_ =	shalt  }
0x54: {  	_ =	shalt  }
0x55: {  	_ =	shalt  }
0x56: {  	_ =	shalt  }
0x57: {  	_ =	shalt  }
0x58: {  	_ =	shalt  }
0x59: {  	_ =	shalt  }
0x5a: {  	_ =	shalt  }
0x5b: {  	_ =	shalt  }
0x5c: {  	_ =	shalt  }
0x5d: {  	_ =	shalt  }
0x5e: {  	_ =	shalt  }
0x5f: {  	_ =	shalt  }
0x60: {  	_ =	shalt  }
0x61: {  	_ =	shalt  }
0x62: {  	_ =	shalt  }
0x63: {  	_ =	shalt  }
0x64: {  	_ =	shalt  }
0x65: {  	_ =	shalt  }
0x66: {  	_ =	shalt  }
0x67: {  	_ =	shalt  }
0x68: {  	_ =	shalt  }
0x69: {  	_ =	shalt  }
0x6a: {  	_ =	shalt  }
0x6b: {  	_ =	shalt  }
0x6c: {  	_ =	shalt  }
0x6d: {  	_ =	shalt  }
0x6e: {  	_ =	shalt  }
0x6f: {  	_ =	shalt  }
0x70: {  	_ =	shalt  }
0x71: {  	_ =	shalt  }
0x72: {  	_ =	shalt  }
0x73: {  	_ =	shalt  }
0x74: {  	_ =	shalt  }
0x75: {  	_ =	shalt  }
0x76: {  	_ =	shalt  }
0x77: {  	_ =	shalt  }
0x78: {  	_ =	shalt  }
0x79: {  	_ =	shalt  }
0x7a: {  	_ =	shalt  }
0x7b: {  	_ =	shalt  }
0x7c: {  	_ =	shalt  }
0x7d: {  	_ =	shalt  }
0x7e: {  	_ =	shalt  }
0x7f: {  	_ =	shalt  }
0x80: {  	_ =	shalt  }
0x81: {  	_ =	shalt  }
0x82: {  	_ =	shalt  }
0x83: {  	_ =	shalt  }
0x84: {  	_ =	shalt  }
0x85: {  	_ =	shalt  }
0x86: {  	_ =	shalt  }
0x87: {  	_ =	shalt  }
.Lfunc_end0:
.L_simem_size_0:
called_computation.8_lowered:
.L_overlay_start_0:
0x88: {  	s2 =	sld [smem:$0x3FD9]  }
0x89: {  	s3 =	sld [smem:$0x3FFE];
	_ =	sdelay $0x1  }
0x8a: {  	s1 =	srdreg.scid  }
0x8b: {  	s0 =	sand.u32 $0x1, s1  }
0x8c: {  	s16 =	sshll.u32 s0, $0xA;
	s2 =	sadd.s32 s3, s2  }
0x8d: {  	s2 =	sadd.s32 s2, s16  }
0x8e: {  	[smem:$0x3FAD] =	sst s2  }
0x8f: {  	_ = 	snop  }
0x90: {  	(tm) =	ssettm $0x1  }
0x91: {  	s17 =	sld [smem:$0x3FFB];
	_ =	sdelay $0x3  }
0x92: {  	_ =	strace s17  }
0x93: {  	s2 =	sld [smem:$0x3FFC];
	_ =	sdelay $0x3  }
0x94: {  	_ =	strace s2  }
0x95: {  	s2 =	sld [smem:$0x3FFD];
	_ =	sdelay $0x3  }
0x96: {  	_ =	strace s2  }
0x97: {  	_ =	strace $0x8FFFFFFF  }
0x98: {  	s18 =	sld [smem:$0x3FDB];
	_ =	sdelay $0x1  }
0x99: {  	s19 =	simm.s32 $_scs_section_size  }
0x9a: {  	s4 =	simm.s32 $_size__tile_overlayer_lowered;
	s5 =	simm.s32 $_tile_overlayer_lowered  }
0x9b: {  	s22 =	simm.s32 $0x1BFF;
	s21 =	sshll.u32 s5, $0x1;
	s2 =	sadd.s32 s19, s18  }
0x9c: {  	s6 =	simm.s32 $0x0;
	s20 =	sshll.u32 s4, $0x1;
	s4 =	sadd.s32 s21, s2  }
0x9d: {  	[timem:s6], [sflag:s22] =	dma.local [hbm:s4], s20  }
0x9e: {  	_ =	swait.ge [sflag:s22], s20  }
0x9f: {  	s3 =	ssub.s32 $0x0, s20;
	[sflag:s22] =	ssyncset.done $0x0  }
0xa0: {  	[sflag:s22] =	ssyncadd.s32 s3;
	_ =	sdelay $0x1  }
0xa1: {  	s23 =	simm.s32 $0x1B8B  }
0xa2: {  	_ =	swait.ge [sflag:s23], $0x1  }
0xa3: {  	[sflag:s23] =	ssyncset.done $0x0  }
0xa4: {  	s25 =	simm.s32 $0x1B8E;
	s24 =	sld [smem:$0x3FFE];
	[sflag:s23] =	ssyncadd.s32 $0xFFFFFFFF  }
0xa5: {  	s26 =	simm.s32 $execute0_lowered;
	[smem:$0x3FD2] =	sst s25  }
0xa6: {  	s4 =	sshll.u32 s26, $0x1;
	_ =	strace $0x8000005B;
	[dreg:$0x1] =	wrdreg $0xFFFFFFFF  }
0xa7: {  	s28 =	simm.s32 $_size_execute0_lowered;
	s2 =	sadd.s32 s2, s4;
	[dreg:$0x0] =	wrdreg $0x0  }
0xa8: {  	s4 =	sshll.u32 s28, $0x1;
	[dreg:$0x2] =	wrdreg s2  }
0xa9: {  	[dreg:$0x3] =	wrdreg s4  }
0xaa: {  	[dreg:$0x4] =	wrdreg $0xC0  }
0xab: {  	_ =	task [dreg:s6], $0x5FFFF  }
0xac: {  	[dreg:$0x1] =	wrdreg $0xFFFFFFFF  }
0xad: {  	[dreg:$0x0] =	wrdreg $0x60  }
0xae: {  	[dreg:$0x2] =	wrdreg s24  }
0xaf: {  	[dreg:$0x3] =	wrdreg $0x154000  }
0xb0: {  	[dreg:$0x4] =	wrdreg $0x9  }
0xb1: {  	_ =	task.clear_ibuf [dreg:s6], $0x5FFFF;
	_ =	strace $0x9000005B  }
0xb2: {  	s29 =	simm.s32 $0x9;
	_ =	strace $0x8000005D  }
0xb3: {  	_ =	swait.ge [sflag:s29], $0x1  }
0xb4: {  	[sflag:s29] =	ssyncadd.s32 $0xFFFFFFFF  }
0xb5: {  	_ =	strace $0x9000005D  }
0xb6: {  	_ =	sfence  }
0xb7: {  	s30 =	sld [smem:$0x0];
	_ =	sdelay $0x2  }
0xb8: {  	s31 =	sshll.u32 s1, $0xD;
	s1 =	sshrl.u32 s1, $0x2  }
0xb9: {  	s3 =	sand.u32 $0x4000, s31;
	s1 =	sadd.s32 s1, s30  }
0xba: {  	s0 =	sor.u32 s3, s0;
	s1 =	sshll.u32 s1, $0x11  }
0xbb: {  	s0 =	sor.u32 s1, s0  }
0xbc: {  	s0 =	sadd.s32 $0x8F2B, s0  }
0xbd: {  	[sflag:s0] =	ssyncadd.remote.s32 $0x1  }
0xbe: {  	_ =	sfence.sel $0xFFFF  }
0xbf: {  	[dreg:$0x0] =	wrdreg $0xFFFFFFFF;
	(pc) =	sbr.abs _section_cstart, $3  }
0xc0: {  	[dreg:$0x1] =	wrdreg $0xFFFFFFFF  }
0xc1: {  	_ =	task.clear_ibuf [dreg:s6], $0x2FFFF;
	_ =	strace $0x9FFFFFFF  }
0xc2: {  	(tm) =	ssettm $0x7FFFFFFF  }
0xc3: {  	_ =	shalt  }
tec
execute0_lowered:
.L_overlay_start_1:
0x0: {  	(tag) =	ssettag $0x1  }
0x1: {  	s4 =	rddreg [dreg:$0x0]  }
0x2: {  	s2 =	rddreg [dreg:$0x1]  }
0x3: {  	s0 =	rddreg [dreg:$0x2];
	s1 =	stileid.u32  }
0x4: {  	s5 =	srdreg.scid;
	s3 =	simm.s32 $0x0;
	s13 =	simm.s32 $0x1400  }
0x5: {  	s14 =	simm.s32 $0x0;
	s5 =	sand.u32 $0x1, s5;
	s6 =	sshll.u32 s1, $0x1  }
0x6: {  	[smem:$0x7FF] =	sst s3;
	s7 =	smul.u32 $0x2800, s1;
	s6 =	sor.u32 s5, s6  }
0x7: {  	s31 =	sshll.u32 s1, $0x6;
	_ =	strace $0x8000005C;
	s8 =	smul.u32 $0x280, s6  }
0x8: {  	s5 =	ssub.s32 $0x2, s5;
	s9 =	sshrl.u32 s7, $0x3;
	s6 =	smul.u32 $0x2800, s6  }
0x9: {  	s10 =	sshrl.u32 s5, $0x1;
	s12 =	sadd.s32 s7, s2;
	s9 =	sadd.s32 s9, s4  }
0xa: {  	s10 =	ssub.s32 s5, s10;
	s5 =	sor.u32 $0x1C02, s31;
	s8 =	sadd.s32 s8, s4  }
0xb: {  	s11 =	sadd.s32 s6, s4;
	s4 =	sadd.s32 $0x9400, s9;
	s9 =	sshrl.u32 s12, $0x3  }
0xc: {  	s12 =	simm.s32 $0x1;
	s6 =	sadd.s32 $0xE400, s8;
	s7 =	sadd.s32 $0x18400, s11  }
0xd: {  	s8 =	smax.u32 s10, $0x1;
	s10 =	simm.s32 $0x2;
	s11 =	simm.s32 $0x80  }
.LBB2_1:
0xe: {  	[spmem:s9], [sflag:s5] =	dma.local [hbm:s4], $0x500  }
0xf: {  	_ =	swait.ge [sflag:s10], $0x500  }
0x10: {  	[sflag:s10] =	ssyncset.done $0x0  }
0x11: {  	[sflag:s10] =	ssyncadd.s32 $0xFFFFFB00  }
0x12: {  	[tilespmem:s3], [sflag:$0x2] =	stream.linear.gather [hbm4b:s6+s3], $0x1400, $0x38;
	[tilespmem:$0x17C00] =	vst v63  }
0x13: {  	_ =	swait.ge [sflag:s10], $0x1400  }
0x14: {  	[sflag:s10] =	ssyncset.done $0x0  }
0x15: {  	[sflag:s10] =	ssyncadd.s32 $0xFFFFEC00  }
0x16: {  	s15 =	simm.s32 $0x1400;
	s16 =	simm.s32 $0x0;
	[bflag:$0x0] =	sbarrier.arrive $0xFFFF  }
.LBB2_2:
0x17: {  	p0 =	sne.s32 s16, $0x4E00  }
.Ltmp0:
0x18: {  	_ = 	snop;
	(pc) =	sbr.rel @p0 .LBB2_2-.Ltmp0, $4  }
0x19: {  	_ = 	snop  }
0x1a: {  	s17 =	sshra.s32 s16, $0x2  }
0x1b: {  	[tilespmem:s15], [sflag:$0x1] =	stream.indirect.gather [spmem:s2], $0x10, s17, s11, $0xb8;
	[tilespmem:$0x17C00] =	vst v63  }
0x1c: {  	s16 =	sadd.s32 $0x200, s16;
	s15 =	sadd.s32 $0x800, s15  }
0x1d: {  	_ =	swait.ge [sflag:s12], $0x800  }
0x1e: {  	s15 =	simm.s32 $0x27;
	[sflag:s12] =	ssyncset.done $0x0  }
.LBB2_4:
0x1f: {  	p0 =	sne.s32 s15, $0x1;
	s15 =	sadd.s32 $0xFFFFFFFF, s15;
	[sflag:s12] =	ssyncadd.s32 $0xFFFFF800  }
.Ltmp1:
0x20: {  	(pc) =	sbr.rel @p0 .LBB2_4-.Ltmp1, $3  }
0x21: {  	_ =	sdelay $0x1  }
0x22: {  	_ =	swait.ge [sflag:s12], $0x800  }
0x23: {  	[sflag:s12] =	ssyncset.done $0x0  }
0x24: {  	s14 =	sadd.s32 $0x1, s14  }
0x25: {  	p0 =	sne.s32 s14, s8  }
.Ltmp2:
0x26: {  	[sflag:s12] =	ssyncadd.s32 $0xFFFFF800;
	(pc) =	sbr.rel @p0 .LBB2_1-.Ltmp2, $4  }
0x27: {  	[hbm4b:s7+s3] =	stream.linear.scatter [tilespmem:s13], [sflag:$0x2], $0x14000, $0x38;
	[tilespmem:$0x17C00] =	vst v63  }
0x28: {  	_ =	swait.ge [sflag:s10], $0x14000  }
0x29: {  	[sflag:s10] =	ssyncset.done $0x0  }
0x2a: {  	[sflag:s10] =	ssyncadd.s32 $0xFFFEC000  }
0x2b: {  	_ =	sfence.sel $0x180000  }
0x2c: {  	[bflag:$0x0] =	sbarrier.arrive $0xFFFF  }
0x2d: {  	p0 =	sne.s32 s1, $0x0;
	_ =	strace $0x9000005C  }
0x2e: {  	s0 =	sadd.s32 @!p0 $0x100000, s0;
	[bflag:$0x2] =	sbarrier.arrive $0xFFFF  }
0x2f: {  	[sflag:s0] =	ssyncadd.tile.s32 @!p0 $0x1;
	_ =	shalt  }
.Lfunc_end2:
_tile_overlayer_lowered:
.L_overlay_start_2:
0x30: {  	(tag) =	ssettag $0x2  }
0x31: {  	s0 =	rddreg [dreg:$0x0];
	s2 =	stileid.u32  }
0x32: {  	s1 =	rddreg [dreg:$0x1];
	p0 =	sne.s32 s2, $0x0  }
0x33: {  	s3 =	rddreg [dreg:$0x2];
	[bflag:$0x3] =	sbarrier.arrive $0xFFFF;
	s2 =	simm.s32 @!p0 $0x1C02  }
0x34: {  	[timem:s3], [sflag:s2] =	dma.local @!p0 [hbm:s0], s1  }
0x35: {  	s0 =	simm.s32 @!p0 $0x2  }
0x36: {  	_ =	swait.ge @!p0 [sflag:s0], s1  }
0x37: {  	s1 =	ssub.s32 @!p0 $0x0, s1;
	[sflag:s0] =	ssyncset.done @!p0 $0x0  }
0x38: {  	[sflag:s0] =	ssyncadd.s32 @!p0 s1  }
0x39: {  	[bflag:$0x3] =	sbarrier.arrive $0xFFFF  }
0x3a: {  	_ =	shalt  }

// kernel: kernel.55.cloned.1.call-start
scs
__scs_entry_jumppad:
0x0: {  	(pc) =	sbr.rel $0x88, $3  }
0x1: {  	(tag) =	ssettag $0x0;
	lr =	simm.s32 $0x1  }
0x2: {  	[smem:$0x3F86] =	sst lr;
	_ =	strace $0xD0000000  }
0x3: {  	_ = 	snop  }
0x4: {  	_ = 	snop  }
0x5: {  	_ = 	snop  }
0x6: {  	_ = 	snop  }
0x7: {  	_ = 	snop  }
__scs_overlays_trampoline_lowered:
0x8: {  	[smem:$0x3F95] =	sst s0  }
0x9: {  	[smem:$0x3F96] =	sst s1  }
0xa: {  	[smem:$0x3F97] =	sst s2  }
0xb: {  	[smem:$0x3F98] =	sst s3  }
0xc: {  	[smem:$0x3F99] =	sst s4  }
0xd: {  	[smem:$0x3F9A] =	sst s5  }
0xe: {  	[smem:$0x3F9B] =	sst s6  }
0xf: {  	[smem:$0x3F9C] =	sst s7  }
0x10: {  	[smem:$0x3F9D] =	sst s8  }
0x11: {  	[smem:$0x3F9E] =	sst s9;
	s0 =	simm.s32 @!p0 $0x0  }
0x12: {  	s1 =	sld [smem:$0x3F84];
	s0 =	simm.s32 @p0 $0x1  }
0x13: {  	[smem:$0x3F9F] =	sst s0;
	s0 =	simm.s32 @!p1 $0x0  }
0x14: {  	s2 =	sld [smem:$0x3F83];
	s0 =	simm.s32 @p1 $0x1  }
0x15: {  	[smem:$0x3FA0] =	sst s0;
	s0 =	simm.s32 @!p2 $0x0  }
0x16: {  	s3 =	sld [smem:$0x3FDB];
	s0 =	simm.s32 @p2 $0x1  }
0x17: {  	s4 =	simm.s32 $0x1BF5;
	[smem:$0x3FA2] =	sst s0  }
0x18: {  	s0 =	sld [smem:$0x3F85];
	_ =	swait.ge [sflag:s4], $0x0  }
0x19: {  	s7 =	sld [smem:$0x3F86]  }
0x1a: {  	s8 =	sadd.s32 $0xFFFFE003, lr  }
0x1b: {  	s9 =	sadd.s32 $0xFFFFFEF7, lr;
	s5 =	simm.s32 $0xFFFFFFFF;
	p2 =	slt.u32 s8, $0xFFFFF086  }
0x1c: {  	p1 =	slt.u32 s9, $0xF7A;
	s5 =	simm.s32 @!p2 $0x0  }
0x1d: {  	s5 =	simm.s32 @p1 $0x1;
	p0 =	seq.s32 s7, s2  }
0x1e: {  	s7 =	smul.u32 @!p0 $0xF7A, s2;
	p2 =	seq.s32 @!p0 s5, $0x0  }
0x1f: {  	s9 =	smul.u32 $0xF7A, s1;
	s8 =	simm.s32 @!p0 $0x1BF5;
	p2 =	por !p2, p0  }
0x20: {  	[sflag:s8] =	ssyncset.s32 @!p0 $0xFFFFF086;
	s6 =	sadd.s32 @!p0 s3, s7;
	s7 =	simm.s32 @!p0 $0x108  }
0x21: {  	s3 =	sadd.s32 s3, s9;
	s6 =	sadd.s32 @!p0 $0x88, s6;
	s7 =	simm.s32 @p2 $0x1082  }
0x22: {  	[simem:s7], [sflag:s8] =	dma.local @!p0 [hbm:s6], $0xF7A  }
0x23: {  	s9 =	sor.u32 $0xD0000000, s2;
	s6 =	simm.s32 $0x108;
	_ =	swait.ge @!p0 [sflag:s8], $0x0  }
0x24: {  	s3 =	sadd.s32 $0x88, s3;
	s6 =	simm.s32 @!p1 $0x1082;
	[sflag:s4] =	ssyncset.s32 $0xFFFFF086  }
0x25: {  	[simem:s6], [sflag:s4] =	dma.local [hbm:s3], $0xF7A  }
0x26: {  	[smem:$0x3F86] =	sst s1;
	(tag) =	ssettag s2;
	_ =	strace s9  }
0x27: {  	s1 =	sld [smem:$0x3F96]  }
0x28: {  	s2 =	sld [smem:$0x3F97]  }
0x29: {  	s4 =	sld [smem:$0x3F99]  }
0x2a: {  	p0 =	seq.s32 s5, $0x0;
	s5 =	sld [smem:$0x3F9A]  }
0x2b: {  	s6 =	sld [smem:$0x3F9B]  }
0x2c: {  	s7 =	sld [smem:$0x3F9C]  }
0x2d: {  	s3 =	simm.s32 $0x108;
	s8 =	sld [smem:$0x3F9D]  }
0x2e: {  	s3 =	simm.s32 @!p0 $0x1082;
	s9 =	sld [smem:$0x3F9E]  }
0x2f: {  	lr =	sadd.s32 s0, s3;
	s0 =	sld [smem:$0x3F95]  }
0x30: {  	s3 =	sld [smem:$0x3F98]  }
0x31: {  	[smem:$0x3FA1] =	sst s10  }
0x32: {  	s10 =	sld [smem:$0x3F9F];
	_ =	sdelay $0x3  }
0x33: {  	p0 =	seq.s32 s10, $0x1;
	s10 =	sld [smem:$0x3FA1];
	_ =	sdelay $0x3  }
0x34: {  	[smem:$0x3FA1] =	sst s10  }
0x35: {  	s10 =	sld [smem:$0x3FA0];
	_ =	sdelay $0x3  }
0x36: {  	p1 =	seq.s32 s10, $0x1;
	s10 =	sld [smem:$0x3FA1];
	_ =	sdelay $0x3  }
0x37: {  	[smem:$0x3FA1] =	sst s10  }
0x38: {  	s10 =	sld [smem:$0x3FA2]  }
0x39: {  	_ = 	snop;
	(pc) =	sbr.ind lr, $3  }
0x3a: {  	_ = 	snop  }
0x3b: {  	_ = 	snop  }
0x3c: {  	p2 =	seq.s32 s10, $0x1;
	s10 =	sld [smem:$0x3FA1]  }
0x3d: {  	_ =	shalt  }
0x3e: {  	_ =	shalt  }
0x3f: {  	_ =	shalt  }
0x40: {  	_ =	shalt  }
0x41: {  	_ =	shalt  }
0x42: {  	_ =	shalt  }
0x43: {  	_ =	shalt  }
0x44: {  	_ =	shalt  }
0x45: {  	_ =	shalt  }
0x46: {  	_ =	shalt  }
0x47: {  	_ =	shalt  }
0x48: {  	_ =	shalt  }
0x49: {  	_ =	shalt  }
0x4a: {  	_ =	shalt  }
0x4b: {  	_ =	shalt  }
0x4c: {  	_ =	shalt  }
0x4d: {  	_ =	shalt  }
0x4e: {  	_ =	shalt  }
0x4f: {  	_ =	shalt  }
0x50: {  	_ =	shalt  }
0x51: {  	_ =	shalt  }
0x52: {  	_ =	shalt  }
0x53: {  	_ =	shalt  }
0x54: {  	_ =	shalt  }
0x55: {  	_ =	shalt  }
0x56: {  	_ =	shalt  }
0x57: {  	_ =	shalt  }
0x58: {  	_ =	shalt  }
0x59: {  	_ =	shalt  }
0x5a: {  	_ =	shalt  }
0x5b: {  	_ =	shalt  }
0x5c: {  	_ =	shalt  }
0x5d: {  	_ =	shalt  }
0x5e: {  	_ =	shalt  }
0x5f: {  	_ =	shalt  }
0x60: {  	_ =	shalt  }
0x61: {  	_ =	shalt  }
0x62: {  	_ =	shalt  }
0x63: {  	_ =	shalt  }
0x64: {  	_ =	shalt  }
0x65: {  	_ =	shalt  }
0x66: {  	_ =	shalt  }
0x67: {  	_ =	shalt  }
0x68: {  	_ =	shalt  }
0x69: {  	_ =	shalt  }
0x6a: {  	_ =	shalt  }
0x6b: {  	_ =	shalt  }
0x6c: {  	_ =	shalt  }
0x6d: {  	_ =	shalt  }
0x6e: {  	_ =	shalt  }
0x6f: {  	_ =	shalt  }
0x70: {  	_ =	shalt  }
0x71: {  	_ =	shalt  }
0x72: {  	_ =	shalt  }
0x73: {  	_ =	shalt  }
0x74: {  	_ =	shalt  }
0x75: {  	_ =	shalt  }
0x76: {  	_ =	shalt  }
0x77: {  	_ =	shalt  }
0x78: {  	_ =	shalt  }
0x79: {  	_ =	shalt  }
0x7a: {  	_ =	shalt  }
0x7b: {  	_ =	shalt  }
0x7c: {  	_ =	shalt  }
0x7d: {  	_ =	shalt  }
0x7e: {  	_ =	shalt  }
0x7f: {  	_ =	shalt  }
0x80: {  	_ =	shalt  }
0x81: {  	_ =	shalt  }
0x82: {  	_ =	shalt  }
0x83: {  	_ =	shalt  }
0x84: {  	_ =	shalt  }
0x85: {  	_ =	shalt  }
0x86: {  	_ =	shalt  }
0x87: {  	_ =	shalt  }
.Lfunc_end0:
.L_simem_size_0:
called_computation.9_lowered:
.L_overlay_start_0:
0x88: {  	s2 =	sld [smem:$0x3FD9]  }
0x89: {  	s3 =	sld [smem:$0x3FFE];
	_ =	sdelay $0x1  }
0x8a: {  	s1 =	srdreg.scid  }
0x8b: {  	s0 =	sand.u32 $0x1, s1  }
0x8c: {  	s16 =	sshll.u32 s0, $0xA;
	s2 =	sadd.s32 s3, s2  }
0x8d: {  	s2 =	sadd.s32 s2, s16  }
0x8e: {  	[smem:$0x3FAD] =	sst s2  }
0x8f: {  	_ = 	snop  }
0x90: {  	(tm) =	ssettm $0x1  }
0x91: {  	s17 =	sld [smem:$0x3FFB];
	_ =	sdelay $0x3  }
0x92: {  	_ =	strace s17  }
0x93: {  	s2 =	sld [smem:$0x3FFC];
	_ =	sdelay $0x3  }
0x94: {  	_ =	strace s2  }
0x95: {  	s2 =	sld [smem:$0x3FFD];
	_ =	sdelay $0x3  }
0x96: {  	_ =	strace s2  }
0x97: {  	_ =	strace $0x8FFFFFFF  }
0x98: {  	s18 =	sld [smem:$0x3FDB];
	_ =	sdelay $0x1  }
0x99: {  	s19 =	simm.s32 $_scs_section_size  }
0x9a: {  	s4 =	simm.s32 $_size__tile_overlayer_lowered;
	s5 =	simm.s32 $_tile_overlayer_lowered  }
0x9b: {  	s22 =	simm.s32 $0x1BFF;
	s21 =	sshll.u32 s5, $0x1;
	s2 =	sadd.s32 s19, s18  }
0x9c: {  	s6 =	simm.s32 $0x0;
	s20 =	sshll.u32 s4, $0x1;
	s4 =	sadd.s32 s21, s2  }
0x9d: {  	[timem:s6], [sflag:s22] =	dma.local [hbm:s4], s20  }
0x9e: {  	_ =	swait.ge [sflag:s22], s20  }
0x9f: {  	s3 =	ssub.s32 $0x0, s20;
	[sflag:s22] =	ssyncset.done $0x0  }
0xa0: {  	[sflag:s22] =	ssyncadd.s32 s3;
	_ =	sdelay $0x1  }
0xa1: {  	s23 =	simm.s32 $0x1B8B  }
0xa2: {  	_ =	swait.ge [sflag:s23], $0x1  }
0xa3: {  	[sflag:s23] =	ssyncset.done $0x0  }
0xa4: {  	s25 =	simm.s32 $0x1B8E;
	s24 =	sld [smem:$0x3FFE];
	[sflag:s23] =	ssyncadd.s32 $0xFFFFFFFF  }
0xa5: {  	s26 =	simm.s32 $execute0_lowered;
	[smem:$0x3FD2] =	sst s25  }
0xa6: {  	s4 =	sshll.u32 s26, $0x1;
	_ =	strace $0x8000005E;
	[dreg:$0x1] =	wrdreg $0xFFFFFFFF  }
0xa7: {  	s28 =	simm.s32 $_size_execute0_lowered;
	s2 =	sadd.s32 s2, s4;
	[dreg:$0x0] =	wrdreg $0x0  }
0xa8: {  	s4 =	sshll.u32 s28, $0x1;
	[dreg:$0x2] =	wrdreg s2  }
0xa9: {  	[dreg:$0x3] =	wrdreg s4  }
0xaa: {  	[dreg:$0x4] =	wrdreg $0xC0  }
0xab: {  	_ =	task [dreg:s6], $0x5FFFF  }
0xac: {  	[dreg:$0x1] =	wrdreg $0xFFFFFFFF  }
0xad: {  	[dreg:$0x0] =	wrdreg $0x60  }
0xae: {  	[dreg:$0x2] =	wrdreg s24  }
0xaf: {  	[dreg:$0x3] =	wrdreg $0x17C000  }
0xb0: {  	[dreg:$0x4] =	wrdreg $0x9  }
0xb1: {  	_ =	task.clear_ibuf [dreg:s6], $0x5FFFF;
	_ =	strace $0x9000005E  }
0xb2: {  	s29 =	simm.s32 $0x9;
	_ =	strace $0x80000060  }
0xb3: {  	_ =	swait.ge [sflag:s29], $0x1  }
0xb4: {  	[sflag:s29] =	ssyncadd.s32 $0xFFFFFFFF  }
0xb5: {  	_ =	strace $0x90000060  }
0xb6: {  	_ =	sfence  }
0xb7: {  	s30 =	sld [smem:$0x0];
	_ =	sdelay $0x2  }
0xb8: {  	s31 =	sshll.u32 s1, $0xD;
	s1 =	sshrl.u32 s1, $0x2  }
0xb9: {  	s3 =	sand.u32 $0x4000, s31;
	s1 =	sadd.s32 s1, s30  }
0xba: {  	s0 =	sor.u32 s3, s0;
	s1 =	sshll.u32 s1, $0x11  }
0xbb: {  	s0 =	sor.u32 s1, s0  }
0xbc: {  	s0 =	sadd.s32 $0x8F2B, s0  }
0xbd: {  	[sflag:s0] =	ssyncadd.remote.s32 $0x1  }
0xbe: {  	_ =	sfence.sel $0xFFFF  }
0xbf: {  	[dreg:$0x0] =	wrdreg $0xFFFFFFFF;
	(pc) =	sbr.abs _section_cstart, $3  }
0xc0: {  	[dreg:$0x1] =	wrdreg $0xFFFFFFFF  }
0xc1: {  	_ =	task.clear_ibuf [dreg:s6], $0x2FFFF;
	_ =	strace $0x9FFFFFFF  }
0xc2: {  	(tm) =	ssettm $0x7FFFFFFF  }
0xc3: {  	_ =	shalt  }
tec
execute0_lowered:
.L_overlay_start_1:
0x0: {  	(tag) =	ssettag $0x1  }
0x1: {  	s1 =	srdreg.scid  }
0x2: {  	s0 =	stileid.u32;
	s5 =	rddreg [dreg:$0x0]  }
0x3: {  	s2 =	rddreg [dreg:$0x1];
	s3 =	simm.s32 $0x0;
	s13 =	simm.s32 $0x1  }
0x4: {  	s14 =	simm.s32 $0x80;
	s15 =	simm.s32 $0x15400;
	s16 =	simm.s32 $0x0  }
0x5: {  	s4 =	sand.u32 $0x1, s1;
	s29 =	sshll.u32 s0, $0x1;
	s8 =	smul.u32 $0x2800, s0  }
0x6: {  	[smem:$0x7FF] =	sst s3;
	s1 =	sor.u32 s4, s29;
	s9 =	smul.u32 $0x28000, s4  }
0x7: {  	s31 =	sshll.u32 s0, $0x6;
	s4 =	ssub.s32 $0x2, s4;
	s6 =	smul.u32 $0x2800, s1  }
0x8: {  	s7 =	smul.u32 $0x280, s1;
	s1 =	rddreg [dreg:$0x2];
	_ =	strace $0x8000005F  }
0x9: {  	s10 =	sshrl.u32 s8, $0x3;
	s30 =	sshrl.u32 s4, $0x1;
	s9 =	sadd.s32 s8, s9  }
0xa: {  	s10 =	sadd.s32 s10, s5;
	s11 =	ssub.s32 s4, s30;
	s9 =	sshrl.u32 s9, $0x3  }
0xb: {  	s6 =	sadd.s32 s6, s5;
	s7 =	sadd.s32 s7, s5;
	s9 =	sadd.s32 s9, s5  }
0xc: {  	s4 =	sadd.s32 $0x13400, s7;
	s5 =	sadd.s32 $0x18400, s6;
	s6 =	sadd.s32 s8, s2  }
0xd: {  	s7 =	sadd.s32 $0x68400, s10;
	s10 =	simm.s32 $0x2;
	s8 =	sadd.s32 $0x6D400, s9  }
0xe: {  	s9 =	smax.u32 s11, $0x1;
	s11 =	sor.u32 $0x1C02, s31;
	s12 =	sshrl.u32 s6, $0x3  }
.LBB2_1:
0xf: {  	[tilespmem:s3], [sflag:$0x2] =	stream.linear.gather [hbm4b:s4+s3], $0x1400, $0x38;
	[tilespmem:$0x1A400] =	vst v63  }
0x10: {  	_ =	swait.ge [sflag:s10], $0x1400  }
0x11: {  	[sflag:s10] =	ssyncset.done $0x0  }
0x12: {  	s17 =	simm.s32 $0x1400;
	[sflag:s10] =	ssyncadd.s32 $0xFFFFEC00  }
0x13: {  	[tilespmem:s17], [sflag:$0x1] =	stream.linear.gather [hbm4b:s5+s3], $0x14000, $0x38;
	[tilespmem:$0x1A400] =	vst v63  }
0x14: {  	[spmem:s12], [sflag:s11] =	dma.local [hbm:s7], $0x500  }
0x15: {  	_ =	swait.ge [sflag:s10], $0x500  }
0x16: {  	[sflag:s10] =	ssyncset.done $0x0  }
0x17: {  	[sflag:s10] =	ssyncadd.s32 $0xFFFFFB00  }
0x18: {  	_ =	swait.ge [sflag:s13], $0x14000  }
0x19: {  	[sflag:s13] =	ssyncset.done $0x0  }
0x1a: {  	[sflag:s13] =	ssyncadd.s32 $0xFFFEC000  }
0x1b: {  	s18 =	simm.s32 $0x0;
	[bflag:$0x0] =	sbarrier.arrive $0xFFFF  }
0x1c: {  	[spmem:s2] =	stream.indirect.scatter.add.f32 [tilespmem:s17], [sflag:$0x2], $0x10, s18, s14, $0xb8;
	[tilespmem:$0x1A400] =	vst v63  }
0x1d: {  	_ =	swait.ge [sflag:s10], $0x800  }
0x1e: {  	s18 =	simm.s32 $0x200;
	[sflag:s10] =	ssyncset.done $0x0  }
.LBB2_2:
0x1f: {  	s19 =	sshra.s32 s18, $0x2  }
0x20: {  	[sflag:s10] =	ssyncadd.s32 $0xFFFFF800;
	s17 =	sadd.s32 $0x800, s17;
	p0 =	sne.s32 s18, $0x4E00  }
0x21: {  	[spmem:s2] =	stream.indirect.scatter.add.f32 [tilespmem:s17], [sflag:$0x2], $0x10, s19, s14, $0xb8;
	[tilespmem:$0x1A400] =	vst v63  }
.Ltmp0:
0x22: {  	_ = 	snop;
	(pc) =	sbr.rel @p0 .LBB2_2-.Ltmp0, $4  }
0x23: {  	_ = 	snop  }
0x24: {  	s18 =	sadd.s32 $0x200, s18  }
0x25: {  	_ =	swait.ge [sflag:s10], $0x800  }
0x26: {  	[sflag:s10] =	ssyncset.done $0x0  }
0x27: {  	[sflag:s10] =	ssyncadd.s32 $0xFFFFF800  }
0x28: {  	[bflag:$0x0] =	sbarrier.arrive $0xFFFF  }
0x29: {  	[tilespmem:s15], [sflag:$0x2] =	stream.linear.gather [spmem:s6], $0x2800, $0x38;
	[tilespmem:$0x1A400] =	vst v63  }
0x2a: {  	s16 =	sadd.s32 $0x1, s16;
	_ =	swait.ge [sflag:s10], $0x2800  }
0x2b: {  	p0 =	sne.s32 s16, s9;
	[sflag:s10] =	ssyncset.done $0x0  }
.Ltmp1:
0x2c: {  	[sflag:s10] =	ssyncadd.s32 $0xFFFFD800;
	(pc) =	sbr.rel @p0 .LBB2_1-.Ltmp1, $4  }
0x2d: {  	[hbm4b:s8+s3] =	stream.linear.scatter [tilespmem:s15], [sflag:$0x2], $0x2800, $0x38;
	[tilespmem:$0x1A400] =	vst v63  }
0x2e: {  	_ =	swait.ge [sflag:s10], $0x2800  }
0x2f: {  	[sflag:s10] =	ssyncset.done $0x0  }
0x30: {  	[sflag:s10] =	ssyncadd.s32 $0xFFFFD800  }
0x31: {  	_ =	sfence.sel $0x180000  }
0x32: {  	[bflag:$0x0] =	sbarrier.arrive $0xFFFF  }
0x33: {  	p0 =	sne.s32 s0, $0x0;
	_ =	strace $0x9000005F  }
0x34: {  	s0 =	sadd.s32 @!p0 $0x100000, s1;
	[bflag:$0x2] =	sbarrier.arrive $0xFFFF  }
0x35: {  	[sflag:s0] =	ssyncadd.tile.s32 @!p0 $0x1;
	_ =	shalt  }
.Lfunc_end2:
_tile_overlayer_lowered:
.L_overlay_start_2:
0x36: {  	(tag) =	ssettag $0x2  }
0x37: {  	s0 =	rddreg [dreg:$0x0];
	s2 =	stileid.u32  }
0x38: {  	s1 =	rddreg [dreg:$0x1];
	p0 =	sne.s32 s2, $0x0  }
0x39: {  	s3 =	rddreg [dreg:$0x2];
	[bflag:$0x3] =	sbarrier.arrive $0xFFFF;
	s2 =	simm.s32 @!p0 $0x1C02  }
0x3a: {  	[timem:s3], [sflag:s2] =	dma.local @!p0 [hbm:s0], s1  }
0x3b: {  	s0 =	simm.s32 @!p0 $0x2  }
0x3c: {  	_ =	swait.ge @!p0 [sflag:s0], s1  }
0x3d: {  	s1 =	ssub.s32 @!p0 $0x0, s1;
	[sflag:s0] =	ssyncset.done @!p0 $0x0  }
0x3e: {  	[sflag:s0] =	ssyncadd.s32 @!p0 s1  }
0x3f: {  	[bflag:$0x3] =	sbarrier.arrive $0xFFFF  }
0x40: {  	_ =	shalt  }

// kernel: kernel.58.cloned.1.call-start
scs
__scs_entry_jumppad:
0x0: {  	(pc) =	sbr.rel $0x88, $3  }
0x1: {  	(tag) =	ssettag $0x0;
	lr =	simm.s32 $0x1  }
0x2: {  	[smem:$0x3F86] =	sst lr;
	_ =	strace $0xD0000000  }
0x3: {  	_ = 	snop  }
0x4: {  	_ = 	snop  }
0x5: {  	_ = 	snop  }
0x6: {  	_ = 	snop  }
0x7: {  	_ = 	snop  }
__scs_overlays_trampoline_lowered:
0x8: {  	[smem:$0x3F95] =	sst s0  }
0x9: {  	[smem:$0x3F96] =	sst s1  }
0xa: {  	[smem:$0x3F97] =	sst s2  }
0xb: {  	[smem:$0x3F98] =	sst s3  }
0xc: {  	[smem:$0x3F99] =	sst s4  }
0xd: {  	[smem:$0x3F9A] =	sst s5  }
0xe: {  	[smem:$0x3F9B] =	sst s6  }
0xf: {  	[smem:$0x3F9C] =	sst s7  }
0x10: {  	[smem:$0x3F9D] =	sst s8  }
0x11: {  	[smem:$0x3F9E] =	sst s9;
	s0 =	simm.s32 @!p0 $0x0  }
0x12: {  	s1 =	sld [smem:$0x3F84];
	s0 =	simm.s32 @p0 $0x1  }
0x13: {  	[smem:$0x3F9F] =	sst s0;
	s0 =	simm.s32 @!p1 $0x0  }
0x14: {  	s2 =	sld [smem:$0x3F83];
	s0 =	simm.s32 @p1 $0x1  }
0x15: {  	[smem:$0x3FA0] =	sst s0;
	s0 =	simm.s32 @!p2 $0x0  }
0x16: {  	s3 =	sld [smem:$0x3FDB];
	s0 =	simm.s32 @p2 $0x1  }
0x17: {  	s4 =	simm.s32 $0x1BF5;
	[smem:$0x3FA2] =	sst s0  }
0x18: {  	s0 =	sld [smem:$0x3F85];
	_ =	swait.ge [sflag:s4], $0x0  }
0x19: {  	s7 =	sld [smem:$0x3F86]  }
0x1a: {  	s8 =	sadd.s32 $0xFFFFE003, lr  }
0x1b: {  	s9 =	sadd.s32 $0xFFFFFEF7, lr;
	s5 =	simm.s32 $0xFFFFFFFF;
	p2 =	slt.u32 s8, $0xFFFFF086  }
0x1c: {  	p1 =	slt.u32 s9, $0xF7A;
	s5 =	simm.s32 @!p2 $0x0  }
0x1d: {  	s5 =	simm.s32 @p1 $0x1;
	p0 =	seq.s32 s7, s2  }
0x1e: {  	s7 =	smul.u32 @!p0 $0xF7A, s2;
	p2 =	seq.s32 @!p0 s5, $0x0  }
0x1f: {  	s9 =	smul.u32 $0xF7A, s1;
	s8 =	simm.s32 @!p0 $0x1BF5;
	p2 =	por !p2, p0  }
0x20: {  	[sflag:s8] =	ssyncset.s32 @!p0 $0xFFFFF086;
	s6 =	sadd.s32 @!p0 s3, s7;
	s7 =	simm.s32 @!p0 $0x108  }
0x21: {  	s3 =	sadd.s32 s3, s9;
	s6 =	sadd.s32 @!p0 $0x88, s6;
	s7 =	simm.s32 @p2 $0x1082  }
0x22: {  	[simem:s7], [sflag:s8] =	dma.local @!p0 [hbm:s6], $0xF7A  }
0x23: {  	s9 =	sor.u32 $0xD0000000, s2;
	s6 =	simm.s32 $0x108;
	_ =	swait.ge @!p0 [sflag:s8], $0x0  }
0x24: {  	s3 =	sadd.s32 $0x88, s3;
	s6 =	simm.s32 @!p1 $0x1082;
	[sflag:s4] =	ssyncset.s32 $0xFFFFF086  }
0x25: {  	[simem:s6], [sflag:s4] =	dma.local [hbm:s3], $0xF7A  }
0x26: {  	[smem:$0x3F86] =	sst s1;
	(tag) =	ssettag s2;
	_ =	strace s9  }
0x27: {  	s1 =	sld [smem:$0x3F96]  }
0x28: {  	s2 =	sld [smem:$0x3F97]  }
0x29: {  	s4 =	sld [smem:$0x3F99]  }
0x2a: {  	p0 =	seq.s32 s5, $0x0;
	s5 =	sld [smem:$0x3F9A]  }
0x2b: {  	s6 =	sld [smem:$0x3F9B]  }
0x2c: {  	s7 =	sld [smem:$0x3F9C]  }
0x2d: {  	s3 =	simm.s32 $0x108;
	s8 =	sld [smem:$0x3F9D]  }
0x2e: {  	s3 =	simm.s32 @!p0 $0x1082;
	s9 =	sld [smem:$0x3F9E]  }
0x2f: {  	lr =	sadd.s32 s0, s3;
	s0 =	sld [smem:$0x3F95]  }
0x30: {  	s3 =	sld [smem:$0x3F98]  }
0x31: {  	[smem:$0x3FA1] =	sst s10  }
0x32: {  	s10 =	sld [smem:$0x3F9F];
	_ =	sdelay $0x3  }
0x33: {  	p0 =	seq.s32 s10, $0x1;
	s10 =	sld [smem:$0x3FA1];
	_ =	sdelay $0x3  }
0x34: {  	[smem:$0x3FA1] =	sst s10  }
0x35: {  	s10 =	sld [smem:$0x3FA0];
	_ =	sdelay $0x3  }
0x36: {  	p1 =	seq.s32 s10, $0x1;
	s10 =	sld [smem:$0x3FA1];
	_ =	sdelay $0x3  }
0x37: {  	[smem:$0x3FA1] =	sst s10  }
0x38: {  	s10 =	sld [smem:$0x3FA2]  }
0x39: {  	_ = 	snop;
	(pc) =	sbr.ind lr, $3  }
0x3a: {  	_ = 	snop  }
0x3b: {  	_ = 	snop  }
0x3c: {  	p2 =	seq.s32 s10, $0x1;
	s10 =	sld [smem:$0x3FA1]  }
0x3d: {  	_ =	shalt  }
0x3e: {  	_ =	shalt  }
0x3f: {  	_ =	shalt  }
0x40: {  	_ =	shalt  }
0x41: {  	_ =	shalt  }
0x42: {  	_ =	shalt  }
0x43: {  	_ =	shalt  }
0x44: {  	_ =	shalt  }
0x45: {  	_ =	shalt  }
0x46: {  	_ =	shalt  }
0x47: {  	_ =	shalt  }
0x48: {  	_ =	shalt  }
0x49: {  	_ =	shalt  }
0x4a: {  	_ =	shalt  }
0x4b: {  	_ =	shalt  }
0x4c: {  	_ =	shalt  }
0x4d: {  	_ =	shalt  }
0x4e: {  	_ =	shalt  }
0x4f: {  	_ =	shalt  }
0x50: {  	_ =	shalt  }
0x51: {  	_ =	shalt  }
0x52: {  	_ =	shalt  }
0x53: {  	_ =	shalt  }
0x54: {  	_ =	shalt  }
0x55: {  	_ =	shalt  }
0x56: {  	_ =	shalt  }
0x57: {  	_ =	shalt  }
0x58: {  	_ =	shalt  }
0x59: {  	_ =	shalt  }
0x5a: {  	_ =	shalt  }
0x5b: {  	_ =	shalt  }
0x5c: {  	_ =	shalt  }
0x5d: {  	_ =	shalt  }
0x5e: {  	_ =	shalt  }
0x5f: {  	_ =	shalt  }
0x60: {  	_ =	shalt  }
0x61: {  	_ =	shalt  }
0x62: {  	_ =	shalt  }
0x63: {  	_ =	shalt  }
0x64: {  	_ =	shalt  }
0x65: {  	_ =	shalt  }
0x66: {  	_ =	shalt  }
0x67: {  	_ =	shalt  }
0x68: {  	_ =	shalt  }
0x69: {  	_ =	shalt  }
0x6a: {  	_ =	shalt  }
0x6b: {  	_ =	shalt  }
0x6c: {  	_ =	shalt  }
0x6d: {  	_ =	shalt  }
0x6e: {  	_ =	shalt  }
0x6f: {  	_ =	shalt  }
0x70: {  	_ =	shalt  }
0x71: {  	_ =	shalt  }
0x72: {  	_ =	shalt  }
0x73: {  	_ =	shalt  }
0x74: {  	_ =	shalt  }
0x75: {  	_ =	shalt  }
0x76: {  	_ =	shalt  }
0x77: {  	_ =	shalt  }
0x78: {  	_ =	shalt  }
0x79: {  	_ =	shalt  }
0x7a: {  	_ =	shalt  }
0x7b: {  	_ =	shalt  }
0x7c: {  	_ =	shalt  }
0x7d: {  	_ =	shalt  }
0x7e: {  	_ =	shalt  }
0x7f: {  	_ =	shalt  }
0x80: {  	_ =	shalt  }
0x81: {  	_ =	shalt  }
0x82: {  	_ =	shalt  }
0x83: {  	_ =	shalt  }
0x84: {  	_ =	shalt  }
0x85: {  	_ =	shalt  }
0x86: {  	_ =	shalt  }
0x87: {  	_ =	shalt  }
.Lfunc_end0:
.L_simem_size_0:
called_computation.10_lowered:
.L_overlay_start_0:
0x88: {  	s2 =	sld [smem:$0x3FD9]  }
0x89: {  	s3 =	sld [smem:$0x3FFE];
	_ =	sdelay $0x1  }
0x8a: {  	s1 =	srdreg.scid  }
0x8b: {  	s0 =	sand.u32 $0x1, s1  }
0x8c: {  	s16 =	sshll.u32 s0, $0xA;
	s2 =	sadd.s32 s3, s2  }
0x8d: {  	s2 =	sadd.s32 s2, s16  }
0x8e: {  	[smem:$0x3FAD] =	sst s2  }
0x8f: {  	_ = 	snop  }
0x90: {  	(tm) =	ssettm $0x1  }
0x91: {  	s17 =	sld [smem:$0x3FFB];
	_ =	sdelay $0x3  }
0x92: {  	_ =	strace s17  }
0x93: {  	s2 =	sld [smem:$0x3FFC];
	_ =	sdelay $0x3  }
0x94: {  	_ =	strace s2  }
0x95: {  	s2 =	sld [smem:$0x3FFD];
	_ =	sdelay $0x3  }
0x96: {  	_ =	strace s2  }
0x97: {  	_ =	strace $0x8FFFFFFF  }
0x98: {  	s18 =	sld [smem:$0x3FDB];
	_ =	sdelay $0x1  }
0x99: {  	s19 =	simm.s32 $_scs_section_size  }
0x9a: {  	s4 =	simm.s32 $_size__tile_overlayer_lowered;
	s5 =	simm.s32 $_tile_overlayer_lowered  }
0x9b: {  	s22 =	simm.s32 $0x1BFF;
	s21 =	sshll.u32 s5, $0x1;
	s2 =	sadd.s32 s19, s18  }
0x9c: {  	s6 =	simm.s32 $0x0;
	s20 =	sshll.u32 s4, $0x1;
	s4 =	sadd.s32 s21, s2  }
0x9d: {  	[timem:s6], [sflag:s22] =	dma.local [hbm:s4], s20  }
0x9e: {  	_ =	swait.ge [sflag:s22], s20  }
0x9f: {  	s3 =	ssub.s32 $0x0, s20;
	[sflag:s22] =	ssyncset.done $0x0  }
0xa0: {  	[sflag:s22] =	ssyncadd.s32 s3;
	_ =	sdelay $0x1  }
0xa1: {  	s23 =	simm.s32 $0x1B8B  }
0xa2: {  	_ =	swait.ge [sflag:s23], $0x1  }
0xa3: {  	[sflag:s23] =	ssyncset.done $0x0  }
0xa4: {  	s25 =	simm.s32 $0x1B8E;
	s24 =	sld [smem:$0x3FFE];
	[sflag:s23] =	ssyncadd.s32 $0xFFFFFFFF  }
0xa5: {  	s26 =	simm.s32 $execute0_lowered;
	[smem:$0x3FD2] =	sst s25  }
0xa6: {  	s4 =	sshll.u32 s26, $0x1;
	_ =	strace $0x80000061;
	[dreg:$0x1] =	wrdreg $0xFFFFFFFF  }
0xa7: {  	s28 =	simm.s32 $_size_execute0_lowered;
	s2 =	sadd.s32 s2, s4;
	[dreg:$0x0] =	wrdreg $0x0  }
0xa8: {  	s4 =	sshll.u32 s28, $0x1;
	[dreg:$0x2] =	wrdreg s2  }
0xa9: {  	[dreg:$0x3] =	wrdreg s4  }
0xaa: {  	[dreg:$0x4] =	wrdreg $0xC0  }
0xab: {  	_ =	task [dreg:s6], $0x5FFFF  }
0xac: {  	[dreg:$0x1] =	wrdreg $0xFFFFFFFF  }
0xad: {  	[dreg:$0x0] =	wrdreg $0x60  }
0xae: {  	[dreg:$0x2] =	wrdreg s24  }
0xaf: {  	[dreg:$0x3] =	wrdreg $0x154000  }
0xb0: {  	[dreg:$0x4] =	wrdreg $0x9  }
0xb1: {  	_ =	task.clear_ibuf [dreg:s6], $0x5FFFF;
	_ =	strace $0x90000061  }
0xb2: {  	s29 =	simm.s32 $0x9;
	_ =	strace $0x80000063  }
0xb3: {  	_ =	swait.ge [sflag:s29], $0x1  }
0xb4: {  	[sflag:s29] =	ssyncadd.s32 $0xFFFFFFFF  }
0xb5: {  	_ =	strace $0x90000063  }
0xb6: {  	_ =	sfence  }
0xb7: {  	s30 =	sld [smem:$0x0];
	_ =	sdelay $0x2  }
0xb8: {  	s31 =	sshll.u32 s1, $0xD;
	s1 =	sshrl.u32 s1, $0x2  }
0xb9: {  	s3 =	sand.u32 $0x4000, s31;
	s1 =	sadd.s32 s1, s30  }
0xba: {  	s0 =	sor.u32 s3, s0;
	s1 =	sshll.u32 s1, $0x11  }
0xbb: {  	s0 =	sor.u32 s1, s0  }
0xbc: {  	s0 =	sadd.s32 $0x8F2B, s0  }
0xbd: {  	[sflag:s0] =	ssyncadd.remote.s32 $0x1  }
0xbe: {  	_ =	sfence.sel $0xFFFF  }
0xbf: {  	[dreg:$0x0] =	wrdreg $0xFFFFFFFF;
	(pc) =	sbr.abs _section_cstart, $3  }
0xc0: {  	[dreg:$0x1] =	wrdreg $0xFFFFFFFF  }
0xc1: {  	_ =	task.clear_ibuf [dreg:s6], $0x2FFFF;
	_ =	strace $0x9FFFFFFF  }
0xc2: {  	(tm) =	ssettm $0x7FFFFFFF  }
0xc3: {  	_ =	shalt  }
tec
execute0_lowered:
.L_overlay_start_1:
0x0: {  	(tag) =	ssettag $0x1  }
0x1: {  	s4 =	rddreg [dreg:$0x0]  }
0x2: {  	s2 =	rddreg [dreg:$0x1]  }
0x3: {  	s0 =	rddreg [dreg:$0x2];
	s1 =	stileid.u32  }
0x4: {  	s5 =	srdreg.scid;
	s3 =	simm.s32 $0x0;
	s13 =	simm.s32 $0x1400  }
0x5: {  	s14 =	simm.s32 $0x0;
	s5 =	sand.u32 $0x1, s5;
	s6 =	sshll.u32 s1, $0x1  }
0x6: {  	[smem:$0x7FF] =	sst s3;
	s7 =	smul.u32 $0x2800, s1;
	s6 =	sor.u32 s5, s6  }
0x7: {  	s31 =	sshll.u32 s1, $0x6;
	_ =	strace $0x80000062;
	s8 =	smul.u32 $0x280, s6  }
0x8: {  	s5 =	ssub.s32 $0x2, s5;
	s9 =	sshrl.u32 s7, $0x3;
	s6 =	smul.u32 $0x2800, s6  }
0x9: {  	s10 =	sshrl.u32 s5, $0x1;
	s12 =	sadd.s32 s7, s2;
	s9 =	sadd.s32 s9, s4  }
0xa: {  	s10 =	ssub.s32 s5, s10;
	s5 =	sor.u32 $0x1C02, s31;
	s8 =	sadd.s32 s8, s4  }
0xb: {  	s11 =	sadd.s32 s6, s4;
	s4 =	sadd.s32 $0x9400, s9;
	s9 =	sshrl.u32 s12, $0x3  }
0xc: {  	s12 =	simm.s32 $0x1;
	s6 =	sadd.s32 $0xE400, s8;
	s7 =	sadd.s32 $0x18400, s11  }
0xd: {  	s8 =	smax.u32 s10, $0x1;
	s10 =	simm.s32 $0x2;
	s11 =	simm.s32 $0x80  }
.LBB2_1:
0xe: {  	[spmem:s9], [sflag:s5] =	dma.local [hbm:s4], $0x500  }
0xf: {  	_ =	swait.ge [sflag:s10], $0x500  }
0x10: {  	[sflag:s10] =	ssyncset.done $0x0  }
0x11: {  	[sflag:s10] =	ssyncadd.s32 $0xFFFFFB00  }
0x12: {  	[tilespmem:s3], [sflag:$0x2] =	stream.linear.gather [hbm4b:s6+s3], $0x1400, $0x38;
	[tilespmem:$0x17C00] =	vst v63  }
0x13: {  	_ =	swait.ge [sflag:s10], $0x1400  }
0x14: {  	[sflag:s10] =	ssyncset.done $0x0  }
0x15: {  	[sflag:s10] =	ssyncadd.s32 $0xFFFFEC00  }
0x16: {  	s15 =	simm.s32 $0x1400;
	s16 =	simm.s32 $0x0;
	[bflag:$0x0] =	sbarrier.arrive $0xFFFF  }
.LBB2_2:
0x17: {  	p0 =	sne.s32 s16, $0x4E00  }
.Ltmp0:
0x18: {  	_ = 	snop;
	(pc) =	sbr.rel @p0 .LBB2_2-.Ltmp0, $4  }
0x19: {  	_ = 	snop  }
0x1a: {  	s17 =	sshra.s32 s16, $0x2  }
0x1b: {  	[tilespmem:s15], [sflag:$0x1] =	stream.indirect.gather [spmem:s2], $0x10, s17, s11, $0xb8;
	[tilespmem:$0x17C00] =	vst v63  }
0x1c: {  	s16 =	sadd.s32 $0x200, s16;
	s15 =	sadd.s32 $0x800, s15  }
0x1d: {  	_ =	swait.ge [sflag:s12], $0x800  }
0x1e: {  	s15 =	simm.s32 $0x27;
	[sflag:s12] =	ssyncset.done $0x0  }
.LBB2_4:
0x1f: {  	p0 =	sne.s32 s15, $0x1;
	s15 =	sadd.s32 $0xFFFFFFFF, s15;
	[sflag:s12] =	ssyncadd.s32 $0xFFFFF800  }
.Ltmp1:
0x20: {  	(pc) =	sbr.rel @p0 .LBB2_4-.Ltmp1, $3  }
0x21: {  	_ =	sdelay $0x1  }
0x22: {  	_ =	swait.ge [sflag:s12], $0x800  }
0x23: {  	[sflag:s12] =	ssyncset.done $0x0  }
0x24: {  	s14 =	sadd.s32 $0x1, s14  }
0x25: {  	p0 =	sne.s32 s14, s8  }
.Ltmp2:
0x26: {  	[sflag:s12] =	ssyncadd.s32 $0xFFFFF800;
	(pc) =	sbr.rel @p0 .LBB2_1-.Ltmp2, $4  }
0x27: {  	[hbm4b:s7+s3] =	stream.linear.scatter [tilespmem:s13], [sflag:$0x2], $0x14000, $0x38;
	[tilespmem:$0x17C00] =	vst v63  }
0x28: {  	_ =	swait.ge [sflag:s10], $0x14000  }
0x29: {  	[sflag:s10] =	ssyncset.done $0x0  }
0x2a: {  	[sflag:s10] =	ssyncadd.s32 $0xFFFEC000  }
0x2b: {  	_ =	sfence.sel $0x180000  }
0x2c: {  	[bflag:$0x0] =	sbarrier.arrive $0xFFFF  }
0x2d: {  	p0 =	sne.s32 s1, $0x0;
	_ =	strace $0x90000062  }
0x2e: {  	s0 =	sadd.s32 @!p0 $0x100000, s0;
	[bflag:$0x2] =	sbarrier.arrive $0xFFFF  }
0x2f: {  	[sflag:s0] =	ssyncadd.tile.s32 @!p0 $0x1;
	_ =	shalt  }
.Lfunc_end2:
_tile_overlayer_lowered:
.L_overlay_start_2:
0x30: {  	(tag) =	ssettag $0x2  }
0x31: {  	s0 =	rddreg [dreg:$0x0];
	s2 =	stileid.u32  }
0x32: {  	s1 =	rddreg [dreg:$0x1];
	p0 =	sne.s32 s2, $0x0  }
0x33: {  	s3 =	rddreg [dreg:$0x2];
	[bflag:$0x3] =	sbarrier.arrive $0xFFFF;
	s2 =	simm.s32 @!p0 $0x1C02  }
0x34: {  	[timem:s3], [sflag:s2] =	dma.local @!p0 [hbm:s0], s1  }
0x35: {  	s0 =	simm.s32 @!p0 $0x2  }
0x36: {  	_ =	swait.ge @!p0 [sflag:s0], s1  }
0x37: {  	s1 =	ssub.s32 @!p0 $0x0, s1;
	[sflag:s0] =	ssyncset.done @!p0 $0x0  }
0x38: {  	[sflag:s0] =	ssyncadd.s32 @!p0 s1  }
0x39: {  	[bflag:$0x3] =	sbarrier.arrive $0xFFFF  }
0x3a: {  	_ =	shalt  }

// kernel: kernel.61.cloned.1.call-start
scs
__scs_entry_jumppad:
0x0: {  	(pc) =	sbr.rel $0x88, $3  }
0x1: {  	(tag) =	ssettag $0x0;
	lr =	simm.s32 $0x1  }
0x2: {  	[smem:$0x3F86] =	sst lr;
	_ =	strace $0xD0000000  }
0x3: {  	_ = 	snop  }
0x4: {  	_ = 	snop  }
0x5: {  	_ = 	snop  }
0x6: {  	_ = 	snop  }
0x7: {  	_ = 	snop  }
__scs_overlays_trampoline_lowered:
0x8: {  	[smem:$0x3F95] =	sst s0  }
0x9: {  	[smem:$0x3F96] =	sst s1  }
0xa: {  	[smem:$0x3F97] =	sst s2  }
0xb: {  	[smem:$0x3F98] =	sst s3  }
0xc: {  	[smem:$0x3F99] =	sst s4  }
0xd: {  	[smem:$0x3F9A] =	sst s5  }
0xe: {  	[smem:$0x3F9B] =	sst s6  }
0xf: {  	[smem:$0x3F9C] =	sst s7  }
0x10: {  	[smem:$0x3F9D] =	sst s8  }
0x11: {  	[smem:$0x3F9E] =	sst s9;
	s0 =	simm.s32 @!p0 $0x0  }
0x12: {  	s1 =	sld [smem:$0x3F84];
	s0 =	simm.s32 @p0 $0x1  }
0x13: {  	[smem:$0x3F9F] =	sst s0;
	s0 =	simm.s32 @!p1 $0x0  }
0x14: {  	s2 =	sld [smem:$0x3F83];
	s0 =	simm.s32 @p1 $0x1  }
0x15: {  	[smem:$0x3FA0] =	sst s0;
	s0 =	simm.s32 @!p2 $0x0  }
0x16: {  	s3 =	sld [smem:$0x3FDB];
	s0 =	simm.s32 @p2 $0x1  }
0x17: {  	s4 =	simm.s32 $0x1BF5;
	[smem:$0x3FA2] =	sst s0  }
0x18: {  	s0 =	sld [smem:$0x3F85];
	_ =	swait.ge [sflag:s4], $0x0  }
0x19: {  	s7 =	sld [smem:$0x3F86]  }
0x1a: {  	s8 =	sadd.s32 $0xFFFFE003, lr  }
0x1b: {  	s9 =	sadd.s32 $0xFFFFFEF7, lr;
	s5 =	simm.s32 $0xFFFFFFFF;
	p2 =	slt.u32 s8, $0xFFFFF086  }
0x1c: {  	p1 =	slt.u32 s9, $0xF7A;
	s5 =	simm.s32 @!p2 $0x0  }
0x1d: {  	s5 =	simm.s32 @p1 $0x1;
	p0 =	seq.s32 s7, s2  }
0x1e: {  	s7 =	smul.u32 @!p0 $0xF7A, s2;
	p2 =	seq.s32 @!p0 s5, $0x0  }
0x1f: {  	s9 =	smul.u32 $0xF7A, s1;
	s8 =	simm.s32 @!p0 $0x1BF5;
	p2 =	por !p2, p0  }
0x20: {  	[sflag:s8] =	ssyncset.s32 @!p0 $0xFFFFF086;
	s6 =	sadd.s32 @!p0 s3, s7;
	s7 =	simm.s32 @!p0 $0x108  }
0x21: {  	s3 =	sadd.s32 s3, s9;
	s6 =	sadd.s32 @!p0 $0x88, s6;
	s7 =	simm.s32 @p2 $0x1082  }
0x22: {  	[simem:s7], [sflag:s8] =	dma.local @!p0 [hbm:s6], $0xF7A  }
0x23: {  	s9 =	sor.u32 $0xD0000000, s2;
	s6 =	simm.s32 $0x108;
	_ =	swait.ge @!p0 [sflag:s8], $0x0  }
0x24: {  	s3 =	sadd.s32 $0x88, s3;
	s6 =	simm.s32 @!p1 $0x1082;
	[sflag:s4] =	ssyncset.s32 $0xFFFFF086  }
0x25: {  	[simem:s6], [sflag:s4] =	dma.local [hbm:s3], $0xF7A  }
0x26: {  	[smem:$0x3F86] =	sst s1;
	(tag) =	ssettag s2;
	_ =	strace s9  }
0x27: {  	s1 =	sld [smem:$0x3F96]  }
0x28: {  	s2 =	sld [smem:$0x3F97]  }
0x29: {  	s4 =	sld [smem:$0x3F99]  }
0x2a: {  	p0 =	seq.s32 s5, $0x0;
	s5 =	sld [smem:$0x3F9A]  }
0x2b: {  	s6 =	sld [smem:$0x3F9B]  }
0x2c: {  	s7 =	sld [smem:$0x3F9C]  }
0x2d: {  	s3 =	simm.s32 $0x108;
	s8 =	sld [smem:$0x3F9D]  }
0x2e: {  	s3 =	simm.s32 @!p0 $0x1082;
	s9 =	sld [smem:$0x3F9E]  }
0x2f: {  	lr =	sadd.s32 s0, s3;
	s0 =	sld [smem:$0x3F95]  }
0x30: {  	s3 =	sld [smem:$0x3F98]  }
0x31: {  	[smem:$0x3FA1] =	sst s10  }
0x32: {  	s10 =	sld [smem:$0x3F9F];
	_ =	sdelay $0x3  }
0x33: {  	p0 =	seq.s32 s10, $0x1;
	s10 =	sld [smem:$0x3FA1];
	_ =	sdelay $0x3  }
0x34: {  	[smem:$0x3FA1] =	sst s10  }
0x35: {  	s10 =	sld [smem:$0x3FA0];
	_ =	sdelay $0x3  }
0x36: {  	p1 =	seq.s32 s10, $0x1;
	s10 =	sld [smem:$0x3FA1];
	_ =	sdelay $0x3  }
0x37: {  	[smem:$0x3FA1] =	sst s10  }
0x38: {  	s10 =	sld [smem:$0x3FA2]  }
0x39: {  	_ = 	snop;
	(pc) =	sbr.ind lr, $3  }
0x3a: {  	_ = 	snop  }
0x3b: {  	_ = 	snop  }
0x3c: {  	p2 =	seq.s32 s10, $0x1;
	s10 =	sld [smem:$0x3FA1]  }
0x3d: {  	_ =	shalt  }
0x3e: {  	_ =	shalt  }
0x3f: {  	_ =	shalt  }
0x40: {  	_ =	shalt  }
0x41: {  	_ =	shalt  }
0x42: {  	_ =	shalt  }
0x43: {  	_ =	shalt  }
0x44: {  	_ =	shalt  }
0x45: {  	_ =	shalt  }
0x46: {  	_ =	shalt  }
0x47: {  	_ =	shalt  }
0x48: {  	_ =	shalt  }
0x49: {  	_ =	shalt  }
0x4a: {  	_ =	shalt  }
0x4b: {  	_ =	shalt  }
0x4c: {  	_ =	shalt  }
0x4d: {  	_ =	shalt  }
0x4e: {  	_ =	shalt  }
0x4f: {  	_ =	shalt  }
0x50: {  	_ =	shalt  }
0x51: {  	_ =	shalt  }
0x52: {  	_ =	shalt  }
0x53: {  	_ =	shalt  }
0x54: {  	_ =	shalt  }
0x55: {  	_ =	shalt  }
0x56: {  	_ =	shalt  }
0x57: {  	_ =	shalt  }
0x58: {  	_ =	shalt  }
0x59: {  	_ =	shalt  }
0x5a: {  	_ =	shalt  }
0x5b: {  	_ =	shalt  }
0x5c: {  	_ =	shalt  }
0x5d: {  	_ =	shalt  }
0x5e: {  	_ =	shalt  }
0x5f: {  	_ =	shalt  }
0x60: {  	_ =	shalt  }
0x61: {  	_ =	shalt  }
0x62: {  	_ =	shalt  }
0x63: {  	_ =	shalt  }
0x64: {  	_ =	shalt  }
0x65: {  	_ =	shalt  }
0x66: {  	_ =	shalt  }
0x67: {  	_ =	shalt  }
0x68: {  	_ =	shalt  }
0x69: {  	_ =	shalt  }
0x6a: {  	_ =	shalt  }
0x6b: {  	_ =	shalt  }
0x6c: {  	_ =	shalt  }
0x6d: {  	_ =	shalt  }
0x6e: {  	_ =	shalt  }
0x6f: {  	_ =	shalt  }
0x70: {  	_ =	shalt  }
0x71: {  	_ =	shalt  }
0x72: {  	_ =	shalt  }
0x73: {  	_ =	shalt  }
0x74: {  	_ =	shalt  }
0x75: {  	_ =	shalt  }
0x76: {  	_ =	shalt  }
0x77: {  	_ =	shalt  }
0x78: {  	_ =	shalt  }
0x79: {  	_ =	shalt  }
0x7a: {  	_ =	shalt  }
0x7b: {  	_ =	shalt  }
0x7c: {  	_ =	shalt  }
0x7d: {  	_ =	shalt  }
0x7e: {  	_ =	shalt  }
0x7f: {  	_ =	shalt  }
0x80: {  	_ =	shalt  }
0x81: {  	_ =	shalt  }
0x82: {  	_ =	shalt  }
0x83: {  	_ =	shalt  }
0x84: {  	_ =	shalt  }
0x85: {  	_ =	shalt  }
0x86: {  	_ =	shalt  }
0x87: {  	_ =	shalt  }
.Lfunc_end0:
.L_simem_size_0:
called_computation.11_lowered:
.L_overlay_start_0:
0x88: {  	s2 =	sld [smem:$0x3FD9]  }
0x89: {  	s3 =	sld [smem:$0x3FFE];
	_ =	sdelay $0x1  }
0x8a: {  	s1 =	srdreg.scid  }
0x8b: {  	s0 =	sand.u32 $0x1, s1  }
0x8c: {  	s16 =	sshll.u32 s0, $0xA;
	s2 =	sadd.s32 s3, s2  }
0x8d: {  	s2 =	sadd.s32 s2, s16  }
0x8e: {  	[smem:$0x3FAD] =	sst s2  }
0x8f: {  	_ = 	snop  }
0x90: {  	(tm) =	ssettm $0x1  }
0x91: {  	s17 =	sld [smem:$0x3FFB];
	_ =	sdelay $0x3  }
0x92: {  	_ =	strace s17  }
0x93: {  	s2 =	sld [smem:$0x3FFC];
	_ =	sdelay $0x3  }
0x94: {  	_ =	strace s2  }
0x95: {  	s2 =	sld [smem:$0x3FFD];
	_ =	sdelay $0x3  }
0x96: {  	_ =	strace s2  }
0x97: {  	_ =	strace $0x8FFFFFFF  }
0x98: {  	s18 =	sld [smem:$0x3FDB];
	_ =	sdelay $0x1  }
0x99: {  	s19 =	simm.s32 $_scs_section_size  }
0x9a: {  	s4 =	simm.s32 $_size__tile_overlayer_lowered;
	s5 =	simm.s32 $_tile_overlayer_lowered  }
0x9b: {  	s22 =	simm.s32 $0x1BFF;
	s21 =	sshll.u32 s5, $0x1;
	s2 =	sadd.s32 s19, s18  }
0x9c: {  	s6 =	simm.s32 $0x0;
	s20 =	sshll.u32 s4, $0x1;
	s4 =	sadd.s32 s21, s2  }
0x9d: {  	[timem:s6], [sflag:s22] =	dma.local [hbm:s4], s20  }
0x9e: {  	_ =	swait.ge [sflag:s22], s20  }
0x9f: {  	s3 =	ssub.s32 $0x0, s20;
	[sflag:s22] =	ssyncset.done $0x0  }
0xa0: {  	[sflag:s22] =	ssyncadd.s32 s3;
	_ =	sdelay $0x1  }
0xa1: {  	s23 =	simm.s32 $0x1B8B  }
0xa2: {  	_ =	swait.ge [sflag:s23], $0x1  }
0xa3: {  	[sflag:s23] =	ssyncset.done $0x0  }
0xa4: {  	s25 =	simm.s32 $0x1B8E;
	s24 =	sld [smem:$0x3FFE];
	[sflag:s23] =	ssyncadd.s32 $0xFFFFFFFF  }
0xa5: {  	s26 =	simm.s32 $execute0_lowered;
	[smem:$0x3FD2] =	sst s25  }
0xa6: {  	s4 =	sshll.u32 s26, $0x1;
	_ =	strace $0x80000064;
	[dreg:$0x1] =	wrdreg $0xFFFFFFFF  }
0xa7: {  	s28 =	simm.s32 $_size_execute0_lowered;
	s2 =	sadd.s32 s2, s4;
	[dreg:$0x0] =	wrdreg $0x0  }
0xa8: {  	s4 =	sshll.u32 s28, $0x1;
	[dreg:$0x2] =	wrdreg s2  }
0xa9: {  	[dreg:$0x3] =	wrdreg s4  }
0xaa: {  	[dreg:$0x4] =	wrdreg $0xC0  }
0xab: {  	_ =	task [dreg:s6], $0x5FFFF  }
0xac: {  	[dreg:$0x1] =	wrdreg $0xFFFFFFFF  }
0xad: {  	[dreg:$0x0] =	wrdreg $0x60  }
0xae: {  	[dreg:$0x2] =	wrdreg s24  }
0xaf: {  	[dreg:$0x3] =	wrdreg $0x17C000  }
0xb0: {  	[dreg:$0x4] =	wrdreg $0x9  }
0xb1: {  	_ =	task.clear_ibuf [dreg:s6], $0x5FFFF;
	_ =	strace $0x90000064  }
0xb2: {  	s29 =	simm.s32 $0x9;
	_ =	strace $0x80000066  }
0xb3: {  	_ =	swait.ge [sflag:s29], $0x1  }
0xb4: {  	[sflag:s29] =	ssyncadd.s32 $0xFFFFFFFF  }
0xb5: {  	_ =	strace $0x90000066  }
0xb6: {  	_ =	sfence  }
0xb7: {  	s30 =	sld [smem:$0x0];
	_ =	sdelay $0x2  }
0xb8: {  	s31 =	sshll.u32 s1, $0xD;
	s1 =	sshrl.u32 s1, $0x2  }
0xb9: {  	s3 =	sand.u32 $0x4000, s31;
	s1 =	sadd.s32 s1, s30  }
0xba: {  	s0 =	sor.u32 s3, s0;
	s1 =	sshll.u32 s1, $0x11  }
0xbb: {  	s0 =	sor.u32 s1, s0  }
0xbc: {  	s0 =	sadd.s32 $0x8F2B, s0  }
0xbd: {  	[sflag:s0] =	ssyncadd.remote.s32 $0x1  }
0xbe: {  	_ =	sfence.sel $0xFFFF  }
0xbf: {  	[dreg:$0x0] =	wrdreg $0xFFFFFFFF;
	(pc) =	sbr.abs _section_cstart, $3  }
0xc0: {  	[dreg:$0x1] =	wrdreg $0xFFFFFFFF  }
0xc1: {  	_ =	task.clear_ibuf [dreg:s6], $0x2FFFF;
	_ =	strace $0x9FFFFFFF  }
0xc2: {  	(tm) =	ssettm $0x7FFFFFFF  }
0xc3: {  	_ =	shalt  }
tec
execute0_lowered:
.L_overlay_start_1:
0x0: {  	(tag) =	ssettag $0x1  }
0x1: {  	s1 =	srdreg.scid  }
0x2: {  	s0 =	stileid.u32;
	s5 =	rddreg [dreg:$0x0]  }
0x3: {  	s2 =	rddreg [dreg:$0x1];
	s3 =	simm.s32 $0x0;
	s13 =	simm.s32 $0x1  }
0x4: {  	s14 =	simm.s32 $0x80;
	s15 =	simm.s32 $0x15400;
	s16 =	simm.s32 $0x0  }
0x5: {  	s4 =	sand.u32 $0x1, s1;
	s29 =	sshll.u32 s0, $0x1;
	s8 =	smul.u32 $0x2800, s0  }
0x6: {  	[smem:$0x7FF] =	sst s3;
	s1 =	sor.u32 s4, s29;
	s9 =	smul.u32 $0x28000, s4  }
0x7: {  	s31 =	sshll.u32 s0, $0x6;
	s4 =	ssub.s32 $0x2, s4;
	s6 =	smul.u32 $0x2800, s1  }
0x8: {  	s7 =	smul.u32 $0x280, s1;
	s1 =	rddreg [dreg:$0x2];
	_ =	strace $0x80000065  }
0x9: {  	s10 =	sshrl.u32 s8, $0x3;
	s30 =	sshrl.u32 s4, $0x1;
	s9 =	sadd.s32 s8, s9  }
0xa: {  	s10 =	sadd.s32 s10, s5;
	s11 =	ssub.s32 s4, s30;
	s9 =	sshrl.u32 s9, $0x3  }
0xb: {  	s6 =	sadd.s32 s6, s5;
	s7 =	sadd.s32 s7, s5;
	s9 =	sadd.s32 s9, s5  }
0xc: {  	s4 =	sadd.s32 $0x13400, s7;
	s5 =	sadd.s32 $0x18400, s6;
	s6 =	sadd.s32 s8, s2  }
0xd: {  	s7 =	sadd.s32 $0x68400, s10;
	s10 =	simm.s32 $0x2;
	s8 =	sadd.s32 $0x6D400, s9  }
0xe: {  	s9 =	smax.u32 s11, $0x1;
	s11 =	sor.u32 $0x1C02, s31;
	s12 =	sshrl.u32 s6, $0x3  }
.LBB2_1:
0xf: {  	[tilespmem:s3], [sflag:$0x2] =	stream.linear.gather [hbm4b:s4+s3], $0x1400, $0x38;
	[tilespmem:$0x1A400] =	vst v63  }
0x10: {  	_ =	swait.ge [sflag:s10], $0x1400  }
0x11: {  	[sflag:s10] =	ssyncset.done $0x0  }
0x12: {  	s17 =	simm.s32 $0x1400;
	[sflag:s10] =	ssyncadd.s32 $0xFFFFEC00  }
0x13: {  	[tilespmem:s17], [sflag:$0x1] =	stream.linear.gather [hbm4b:s5+s3], $0x14000, $0x38;
	[tilespmem:$0x1A400] =	vst v63  }
0x14: {  	[spmem:s12], [sflag:s11] =	dma.local [hbm:s7], $0x500  }
0x15: {  	_ =	swait.ge [sflag:s10], $0x500  }
0x16: {  	[sflag:s10] =	ssyncset.done $0x0  }
0x17: {  	[sflag:s10] =	ssyncadd.s32 $0xFFFFFB00  }
0x18: {  	_ =	swait.ge [sflag:s13], $0x14000  }
0x19: {  	[sflag:s13] =	ssyncset.done $0x0  }
0x1a: {  	[sflag:s13] =	ssyncadd.s32 $0xFFFEC000  }
0x1b: {  	s18 =	simm.s32 $0x0;
	[bflag:$0x0] =	sbarrier.arrive $0xFFFF  }
0x1c: {  	[spmem:s2] =	stream.indirect.scatter.add.f32 [tilespmem:s17], [sflag:$0x2], $0x10, s18, s14, $0xb8;
	[tilespmem:$0x1A400] =	vst v63  }
0x1d: {  	_ =	swait.ge [sflag:s10], $0x800  }
0x1e: {  	s18 =	simm.s32 $0x200;
	[sflag:s10] =	ssyncset.done $0x0  }
.LBB2_2:
0x1f: {  	s19 =	sshra.s32 s18, $0x2  }
0x20: {  	[sflag:s10] =	ssyncadd.s32 $0xFFFFF800;
	s17 =	sadd.s32 $0x800, s17;
	p0 =	sne.s32 s18, $0x4E00  }
0x21: {  	[spmem:s2] =	stream.indirect.scatter.add.f32 [tilespmem:s17], [sflag:$0x2], $0x10, s19, s14, $0xb8;
	[tilespmem:$0x1A400] =	vst v63  }
.Ltmp0:
0x22: {  	_ = 	snop;
	(pc) =	sbr.rel @p0 .LBB2_2-.Ltmp0, $4  }
0x23: {  	_ = 	snop  }
0x24: {  	s18 =	sadd.s32 $0x200, s18  }
0x25: {  	_ =	swait.ge [sflag:s10], $0x800  }
0x26: {  	[sflag:s10] =	ssyncset.done $0x0  }
0x27: {  	[sflag:s10] =	ssyncadd.s32 $0xFFFFF800  }
0x28: {  	[bflag:$0x0] =	sbarrier.arrive $0xFFFF  }
0x29: {  	[tilespmem:s15], [sflag:$0x2] =	stream.linear.gather [spmem:s6], $0x2800, $0x38;
	[tilespmem:$0x1A400] =	vst v63  }
0x2a: {  	s16 =	sadd.s32 $0x1, s16;
	_ =	swait.ge [sflag:s10], $0x2800  }
0x2b: {  	p0 =	sne.s32 s16, s9;
	[sflag:s10] =	ssyncset.done $0x0  }
.Ltmp1:
0x2c: {  	[sflag:s10] =	ssyncadd.s32 $0xFFFFD800;
	(pc) =	sbr.rel @p0 .LBB2_1-.Ltmp1, $4  }
0x2d: {  	[hbm4b:s8+s3] =	stream.linear.scatter [tilespmem:s15], [sflag:$0x2], $0x2800, $0x38;
	[tilespmem:$0x1A400] =	vst v63  }
0x2e: {  	_ =	swait.ge [sflag:s10], $0x2800  }
0x2f: {  	[sflag:s10] =	ssyncset.done $0x0  }
0x30: {  	[sflag:s10] =	ssyncadd.s32 $0xFFFFD800  }
0x31: {  	_ =	sfence.sel $0x180000  }
0x32: {  	[bflag:$0x0] =	sbarrier.arrive $0xFFFF  }
0x33: {  	p0 =	sne.s32 s0, $0x0;
	_ =	strace $0x90000065  }
0x34: {  	s0 =	sadd.s32 @!p0 $0x100000, s1;
	[bflag:$0x2] =	sbarrier.arrive $0xFFFF  }
0x35: {  	[sflag:s0] =	ssyncadd.tile.s32 @!p0 $0x1;
	_ =	shalt  }
.Lfunc_end2:
_tile_overlayer_lowered:
.L_overlay_start_2:
0x36: {  	(tag) =	ssettag $0x2  }
0x37: {  	s0 =	rddreg [dreg:$0x0];
	s2 =	stileid.u32  }
0x38: {  	s1 =	rddreg [dreg:$0x1];
	p0 =	sne.s32 s2, $0x0  }
0x39: {  	s3 =	rddreg [dreg:$0x2];
	[bflag:$0x3] =	sbarrier.arrive $0xFFFF;
	s2 =	simm.s32 @!p0 $0x1C02  }
0x3a: {  	[timem:s3], [sflag:s2] =	dma.local @!p0 [hbm:s0], s1  }
0x3b: {  	s0 =	simm.s32 @!p0 $0x2  }
0x3c: {  	_ =	swait.ge @!p0 [sflag:s0], s1  }
0x3d: {  	s1 =	ssub.s32 @!p0 $0x0, s1;
	[sflag:s0] =	ssyncset.done @!p0 $0x0  }
0x3e: {  	[sflag:s0] =	ssyncadd.s32 @!p0 s1  }
0x3f: {  	[bflag:$0x3] =	sbarrier.arrive $0xFFFF  }
0x40: {  	_ =	shalt  }

// kernel: kernel.64.cloned.1.call-start
scs
__scs_entry_jumppad:
0x0: {  	(pc) =	sbr.rel $0x88, $3  }
0x1: {  	(tag) =	ssettag $0x0;
	lr =	simm.s32 $0x1  }
0x2: {  	[smem:$0x3F86] =	sst lr;
	_ =	strace $0xD0000000  }
0x3: {  	_ = 	snop  }
0x4: {  	_ = 	snop  }
0x5: {  	_ = 	snop  }
0x6: {  	_ = 	snop  }
0x7: {  	_ = 	snop  }
__scs_overlays_trampoline_lowered:
0x8: {  	[smem:$0x3F95] =	sst s0  }
0x9: {  	[smem:$0x3F96] =	sst s1  }
0xa: {  	[smem:$0x3F97] =	sst s2  }
0xb: {  	[smem:$0x3F98] =	sst s3  }
0xc: {  	[smem:$0x3F99] =	sst s4  }
0xd: {  	[smem:$0x3F9A] =	sst s5  }
0xe: {  	[smem:$0x3F9B] =	sst s6  }
0xf: {  	[smem:$0x3F9C] =	sst s7  }
0x10: {  	[smem:$0x3F9D] =	sst s8  }
0x11: {  	[smem:$0x3F9E] =	sst s9;
	s0 =	simm.s32 @!p0 $0x0  }
0x12: {  	s1 =	sld [smem:$0x3F84];
	s0 =	simm.s32 @p0 $0x1  }
0x13: {  	[smem:$0x3F9F] =	sst s0;
	s0 =	simm.s32 @!p1 $0x0  }
0x14: {  	s2 =	sld [smem:$0x3F83];
	s0 =	simm.s32 @p1 $0x1  }
0x15: {  	[smem:$0x3FA0] =	sst s0;
	s0 =	simm.s32 @!p2 $0x0  }
0x16: {  	s3 =	sld [smem:$0x3FDB];
	s0 =	simm.s32 @p2 $0x1  }
0x17: {  	s4 =	simm.s32 $0x1BF5;
	[smem:$0x3FA2] =	sst s0  }
0x18: {  	s0 =	sld [smem:$0x3F85];
	_ =	swait.ge [sflag:s4], $0x0  }
0x19: {  	s7 =	sld [smem:$0x3F86]  }
0x1a: {  	s8 =	sadd.s32 $0xFFFFE003, lr  }
0x1b: {  	s9 =	sadd.s32 $0xFFFFFEF7, lr;
	s5 =	simm.s32 $0xFFFFFFFF;
	p2 =	slt.u32 s8, $0xFFFFF086  }
0x1c: {  	p1 =	slt.u32 s9, $0xF7A;
	s5 =	simm.s32 @!p2 $0x0  }
0x1d: {  	s5 =	simm.s32 @p1 $0x1;
	p0 =	seq.s32 s7, s2  }
0x1e: {  	s7 =	smul.u32 @!p0 $0xF7A, s2;
	p2 =	seq.s32 @!p0 s5, $0x0  }
0x1f: {  	s9 =	smul.u32 $0xF7A, s1;
	s8 =	simm.s32 @!p0 $0x1BF5;
	p2 =	por !p2, p0  }
0x20: {  	[sflag:s8] =	ssyncset.s32 @!p0 $0xFFFFF086;
	s6 =	sadd.s32 @!p0 s3, s7;
	s7 =	simm.s32 @!p0 $0x108  }
0x21: {  	s3 =	sadd.s32 s3, s9;
	s6 =	sadd.s32 @!p0 $0x88, s6;
	s7 =	simm.s32 @p2 $0x1082  }
0x22: {  	[simem:s7], [sflag:s8] =	dma.local @!p0 [hbm:s6], $0xF7A  }
0x23: {  	s9 =	sor.u32 $0xD0000000, s2;
	s6 =	simm.s32 $0x108;
	_ =	swait.ge @!p0 [sflag:s8], $0x0  }
0x24: {  	s3 =	sadd.s32 $0x88, s3;
	s6 =	simm.s32 @!p1 $0x1082;
	[sflag:s4] =	ssyncset.s32 $0xFFFFF086  }
0x25: {  	[simem:s6], [sflag:s4] =	dma.local [hbm:s3], $0xF7A  }
0x26: {  	[smem:$0x3F86] =	sst s1;
	(tag) =	ssettag s2;
	_ =	strace s9  }
0x27: {  	s1 =	sld [smem:$0x3F96]  }
0x28: {  	s2 =	sld [smem:$0x3F97]  }
0x29: {  	s4 =	sld [smem:$0x3F99]  }
0x2a: {  	p0 =	seq.s32 s5, $0x0;
	s5 =	sld [smem:$0x3F9A]  }
0x2b: {  	s6 =	sld [smem:$0x3F9B]  }
0x2c: {  	s7 =	sld [smem:$0x3F9C]  }
0x2d: {  	s3 =	simm.s32 $0x108;
	s8 =	sld [smem:$0x3F9D]  }
0x2e: {  	s3 =	simm.s32 @!p0 $0x1082;
	s9 =	sld [smem:$0x3F9E]  }
0x2f: {  	lr =	sadd.s32 s0, s3;
	s0 =	sld [smem:$0x3F95]  }
0x30: {  	s3 =	sld [smem:$0x3F98]  }
0x31: {  	[smem:$0x3FA1] =	sst s10  }
0x32: {  	s10 =	sld [smem:$0x3F9F];
	_ =	sdelay $0x3  }
0x33: {  	p0 =	seq.s32 s10, $0x1;
	s10 =	sld [smem:$0x3FA1];
	_ =	sdelay $0x3  }
0x34: {  	[smem:$0x3FA1] =	sst s10  }
0x35: {  	s10 =	sld [smem:$0x3FA0];
	_ =	sdelay $0x3  }
0x36: {  	p1 =	seq.s32 s10, $0x1;
	s10 =	sld [smem:$0x3FA1];
	_ =	sdelay $0x3  }
0x37: {  	[smem:$0x3FA1] =	sst s10  }
0x38: {  	s10 =	sld [smem:$0x3FA2]  }
0x39: {  	_ = 	snop;
	(pc) =	sbr.ind lr, $3  }
0x3a: {  	_ = 	snop  }
0x3b: {  	_ = 	snop  }
0x3c: {  	p2 =	seq.s32 s10, $0x1;
	s10 =	sld [smem:$0x3FA1]  }
0x3d: {  	_ =	shalt  }
0x3e: {  	_ =	shalt  }
0x3f: {  	_ =	shalt  }
0x40: {  	_ =	shalt  }
0x41: {  	_ =	shalt  }
0x42: {  	_ =	shalt  }
0x43: {  	_ =	shalt  }
0x44: {  	_ =	shalt  }
0x45: {  	_ =	shalt  }
0x46: {  	_ =	shalt  }
0x47: {  	_ =	shalt  }
0x48: {  	_ =	shalt  }
0x49: {  	_ =	shalt  }
0x4a: {  	_ =	shalt  }
0x4b: {  	_ =	shalt  }
0x4c: {  	_ =	shalt  }
0x4d: {  	_ =	shalt  }
0x4e: {  	_ =	shalt  }
0x4f: {  	_ =	shalt  }
0x50: {  	_ =	shalt  }
0x51: {  	_ =	shalt  }
0x52: {  	_ =	shalt  }
0x53: {  	_ =	shalt  }
0x54: {  	_ =	shalt  }
0x55: {  	_ =	shalt  }
0x56: {  	_ =	shalt  }
0x57: {  	_ =	shalt  }
0x58: {  	_ =	shalt  }
0x59: {  	_ =	shalt  }
0x5a: {  	_ =	shalt  }
0x5b: {  	_ =	shalt  }
0x5c: {  	_ =	shalt  }
0x5d: {  	_ =	shalt  }
0x5e: {  	_ =	shalt  }
0x5f: {  	_ =	shalt  }
0x60: {  	_ =	shalt  }
0x61: {  	_ =	shalt  }
0x62: {  	_ =	shalt  }
0x63: {  	_ =	shalt  }
0x64: {  	_ =	shalt  }
0x65: {  	_ =	shalt  }
0x66: {  	_ =	shalt  }
0x67: {  	_ =	shalt  }
0x68: {  	_ =	shalt  }
0x69: {  	_ =	shalt  }
0x6a: {  	_ =	shalt  }
0x6b: {  	_ =	shalt  }
0x6c: {  	_ =	shalt  }
0x6d: {  	_ =	shalt  }
0x6e: {  	_ =	shalt  }
0x6f: {  	_ =	shalt  }
0x70: {  	_ =	shalt  }
0x71: {  	_ =	shalt  }
0x72: {  	_ =	shalt  }
0x73: {  	_ =	shalt  }
0x74: {  	_ =	shalt  }
0x75: {  	_ =	shalt  }
0x76: {  	_ =	shalt  }
0x77: {  	_ =	shalt  }
0x78: {  	_ =	shalt  }
0x79: {  	_ =	shalt  }
0x7a: {  	_ =	shalt  }
0x7b: {  	_ =	shalt  }
0x7c: {  	_ =	shalt  }
0x7d: {  	_ =	shalt  }
0x7e: {  	_ =	shalt  }
0x7f: {  	_ =	shalt  }
0x80: {  	_ =	shalt  }
0x81: {  	_ =	shalt  }
0x82: {  	_ =	shalt  }
0x83: {  	_ =	shalt  }
0x84: {  	_ =	shalt  }
0x85: {  	_ =	shalt  }
0x86: {  	_ =	shalt  }
0x87: {  	_ =	shalt  }
.Lfunc_end0:
.L_simem_size_0:
called_computation.12_lowered:
.L_overlay_start_0:
0x88: {  	s2 =	sld [smem:$0x3FD9]  }
0x89: {  	s3 =	sld [smem:$0x3FFE];
	_ =	sdelay $0x1  }
0x8a: {  	s1 =	srdreg.scid  }
0x8b: {  	s0 =	sand.u32 $0x1, s1  }
0x8c: {  	s16 =	sshll.u32 s0, $0xA;
	s2 =	sadd.s32 s3, s2  }
0x8d: {  	s2 =	sadd.s32 s2, s16  }
0x8e: {  	[smem:$0x3FAD] =	sst s2  }
0x8f: {  	_ = 	snop  }
0x90: {  	(tm) =	ssettm $0x1  }
0x91: {  	s17 =	sld [smem:$0x3FFB];
	_ =	sdelay $0x3  }
0x92: {  	_ =	strace s17  }
0x93: {  	s2 =	sld [smem:$0x3FFC];
	_ =	sdelay $0x3  }
0x94: {  	_ =	strace s2  }
0x95: {  	s2 =	sld [smem:$0x3FFD];
	_ =	sdelay $0x3  }
0x96: {  	_ =	strace s2  }
0x97: {  	_ =	strace $0x8FFFFFFF  }
0x98: {  	s18 =	sld [smem:$0x3FDB];
	_ =	sdelay $0x1  }
0x99: {  	s19 =	simm.s32 $_scs_section_size  }
0x9a: {  	s4 =	simm.s32 $_size__tile_overlayer_lowered;
	s5 =	simm.s32 $_tile_overlayer_lowered  }
0x9b: {  	s22 =	simm.s32 $0x1BFF;
	s21 =	sshll.u32 s5, $0x1;
	s2 =	sadd.s32 s19, s18  }
0x9c: {  	s6 =	simm.s32 $0x0;
	s20 =	sshll.u32 s4, $0x1;
	s4 =	sadd.s32 s21, s2  }
0x9d: {  	[timem:s6], [sflag:s22] =	dma.local [hbm:s4], s20  }
0x9e: {  	_ =	swait.ge [sflag:s22], s20  }
0x9f: {  	s3 =	ssub.s32 $0x0, s20;
	[sflag:s22] =	ssyncset.done $0x0  }
0xa0: {  	[sflag:s22] =	ssyncadd.s32 s3;
	_ =	sdelay $0x1  }
0xa1: {  	s23 =	simm.s32 $0x1B8B  }
0xa2: {  	_ =	swait.ge [sflag:s23], $0x1  }
0xa3: {  	[sflag:s23] =	ssyncset.done $0x0  }
0xa4: {  	s25 =	simm.s32 $0x1B8E;
	s24 =	sld [smem:$0x3FFE];
	[sflag:s23] =	ssyncadd.s32 $0xFFFFFFFF  }
0xa5: {  	s26 =	simm.s32 $execute0_lowered;
	[smem:$0x3FD2] =	sst s25  }
0xa6: {  	s4 =	sshll.u32 s26, $0x1;
	_ =	strace $0x80000067;
	[dreg:$0x1] =	wrdreg $0xFFFFFFFF  }
0xa7: {  	s28 =	simm.s32 $_size_execute0_lowered;
	s2 =	sadd.s32 s2, s4;
	[dreg:$0x0] =	wrdreg $0x0  }
0xa8: {  	s4 =	sshll.u32 s28, $0x1;
	[dreg:$0x2] =	wrdreg s2  }
0xa9: {  	[dreg:$0x3] =	wrdreg s4  }
0xaa: {  	[dreg:$0x4] =	wrdreg $0xC0  }
0xab: {  	_ =	task [dreg:s6], $0x5FFFF  }
0xac: {  	[dreg:$0x1] =	wrdreg $0xFFFFFFFF  }
0xad: {  	[dreg:$0x0] =	wrdreg $0x60  }
0xae: {  	[dreg:$0x2] =	wrdreg s24  }
0xaf: {  	[dreg:$0x3] =	wrdreg $0x154000  }
0xb0: {  	[dreg:$0x4] =	wrdreg $0x9  }
0xb1: {  	_ =	task.clear_ibuf [dreg:s6], $0x5FFFF;
	_ =	strace $0x90000067  }
0xb2: {  	s29 =	simm.s32 $0x9;
	_ =	strace $0x80000069  }
0xb3: {  	_ =	swait.ge [sflag:s29], $0x1  }
0xb4: {  	[sflag:s29] =	ssyncadd.s32 $0xFFFFFFFF  }
0xb5: {  	_ =	strace $0x90000069  }
0xb6: {  	_ =	sfence  }
0xb7: {  	s30 =	sld [smem:$0x0];
	_ =	sdelay $0x2  }
0xb8: {  	s31 =	sshll.u32 s1, $0xD;
	s1 =	sshrl.u32 s1, $0x2  }
0xb9: {  	s3 =	sand.u32 $0x4000, s31;
	s1 =	sadd.s32 s1, s30  }
0xba: {  	s0 =	sor.u32 s3, s0;
	s1 =	sshll.u32 s1, $0x11  }
0xbb: {  	s0 =	sor.u32 s1, s0  }
0xbc: {  	s0 =	sadd.s32 $0x8F2B, s0  }
0xbd: {  	[sflag:s0] =	ssyncadd.remote.s32 $0x1  }
0xbe: {  	_ =	sfence.sel $0xFFFF  }
0xbf: {  	[dreg:$0x0] =	wrdreg $0xFFFFFFFF;
	(pc) =	sbr.abs _section_cstart, $3  }
0xc0: {  	[dreg:$0x1] =	wrdreg $0xFFFFFFFF  }
0xc1: {  	_ =	task.clear_ibuf [dreg:s6], $0x2FFFF;
	_ =	strace $0x9FFFFFFF  }
0xc2: {  	(tm) =	ssettm $0x7FFFFFFF  }
0xc3: {  	_ =	shalt  }
tec
execute0_lowered:
.L_overlay_start_1:
0x0: {  	(tag) =	ssettag $0x1  }
0x1: {  	s4 =	rddreg [dreg:$0x0]  }
0x2: {  	s2 =	rddreg [dreg:$0x1]  }
0x3: {  	s0 =	rddreg [dreg:$0x2];
	s1 =	stileid.u32  }
0x4: {  	s5 =	srdreg.scid;
	s3 =	simm.s32 $0x0;
	s13 =	simm.s32 $0x1400  }
0x5: {  	s14 =	simm.s32 $0x0;
	s5 =	sand.u32 $0x1, s5;
	s6 =	sshll.u32 s1, $0x1  }
0x6: {  	[smem:$0x7FF] =	sst s3;
	s7 =	smul.u32 $0x2800, s1;
	s6 =	sor.u32 s5, s6  }
0x7: {  	s31 =	sshll.u32 s1, $0x6;
	_ =	strace $0x80000068;
	s8 =	smul.u32 $0x280, s6  }
0x8: {  	s5 =	ssub.s32 $0x2, s5;
	s9 =	sshrl.u32 s7, $0x3;
	s6 =	smul.u32 $0x2800, s6  }
0x9: {  	s10 =	sshrl.u32 s5, $0x1;
	s12 =	sadd.s32 s7, s2;
	s9 =	sadd.s32 s9, s4  }
0xa: {  	s10 =	ssub.s32 s5, s10;
	s5 =	sor.u32 $0x1C02, s31;
	s8 =	sadd.s32 s8, s4  }
0xb: {  	s11 =	sadd.s32 s6, s4;
	s4 =	sadd.s32 $0x9400, s9;
	s9 =	sshrl.u32 s12, $0x3  }
0xc: {  	s12 =	simm.s32 $0x1;
	s6 =	sadd.s32 $0xE400, s8;
	s7 =	sadd.s32 $0x18400, s11  }
0xd: {  	s8 =	smax.u32 s10, $0x1;
	s10 =	simm.s32 $0x2;
	s11 =	simm.s32 $0x80  }
.LBB2_1:
0xe: {  	[spmem:s9], [sflag:s5] =	dma.local [hbm:s4], $0x500  }
0xf: {  	_ =	swait.ge [sflag:s10], $0x500  }
0x10: {  	[sflag:s10] =	ssyncset.done $0x0  }
0x11: {  	[sflag:s10] =	ssyncadd.s32 $0xFFFFFB00  }
0x12: {  	[tilespmem:s3], [sflag:$0x2] =	stream.linear.gather [hbm4b:s6+s3], $0x1400, $0x38;
	[tilespmem:$0x17C00] =	vst v63  }
0x13: {  	_ =	swait.ge [sflag:s10], $0x1400  }
0x14: {  	[sflag:s10] =	ssyncset.done $0x0  }
0x15: {  	[sflag:s10] =	ssyncadd.s32 $0xFFFFEC00  }
0x16: {  	s15 =	simm.s32 $0x1400;
	s16 =	simm.s32 $0x0;
	[bflag:$0x0] =	sbarrier.arrive $0xFFFF  }
.LBB2_2:
0x17: {  	p0 =	sne.s32 s16, $0x4E00  }
.Ltmp0:
0x18: {  	_ = 	snop;
	(pc) =	sbr.rel @p0 .LBB2_2-.Ltmp0, $4  }
0x19: {  	_ = 	snop  }
0x1a: {  	s17 =	sshra.s32 s16, $0x2  }
0x1b: {  	[tilespmem:s15], [sflag:$0x1] =	stream.indirect.gather [spmem:s2], $0x10, s17, s11, $0xb8;
	[tilespmem:$0x17C00] =	vst v63  }
0x1c: {  	s16 =	sadd.s32 $0x200, s16;
	s15 =	sadd.s32 $0x800, s15  }
0x1d: {  	_ =	swait.ge [sflag:s12], $0x800  }
0x1e: {  	s15 =	simm.s32 $0x27;
	[sflag:s12] =	ssyncset.done $0x0  }
.LBB2_4:
0x1f: {  	p0 =	sne.s32 s15, $0x1;
	s15 =	sadd.s32 $0xFFFFFFFF, s15;
	[sflag:s12] =	ssyncadd.s32 $0xFFFFF800  }
.Ltmp1:
0x20: {  	(pc) =	sbr.rel @p0 .LBB2_4-.Ltmp1, $3  }
0x21: {  	_ =	sdelay $0x1  }
0x22: {  	_ =	swait.ge [sflag:s12], $0x800  }
0x23: {  	[sflag:s12] =	ssyncset.done $0x0  }
0x24: {  	s14 =	sadd.s32 $0x1, s14  }
0x25: {  	p0 =	sne.s32 s14, s8  }
.Ltmp2:
0x26: {  	[sflag:s12] =	ssyncadd.s32 $0xFFFFF800;
	(pc) =	sbr.rel @p0 .LBB2_1-.Ltmp2, $4  }
0x27: {  	[hbm4b:s7+s3] =	stream.linear.scatter [tilespmem:s13], [sflag:$0x2], $0x14000, $0x38;
	[tilespmem:$0x17C00] =	vst v63  }
0x28: {  	_ =	swait.ge [sflag:s10], $0x14000  }
0x29: {  	[sflag:s10] =	ssyncset.done $0x0  }
0x2a: {  	[sflag:s10] =	ssyncadd.s32 $0xFFFEC000  }
0x2b: {  	_ =	sfence.sel $0x180000  }
0x2c: {  	[bflag:$0x0] =	sbarrier.arrive $0xFFFF  }
0x2d: {  	p0 =	sne.s32 s1, $0x0;
	_ =	strace $0x90000068  }
0x2e: {  	s0 =	sadd.s32 @!p0 $0x100000, s0;
	[bflag:$0x2] =	sbarrier.arrive $0xFFFF  }
0x2f: {  	[sflag:s0] =	ssyncadd.tile.s32 @!p0 $0x1;
	_ =	shalt  }
.Lfunc_end2:
_tile_overlayer_lowered:
.L_overlay_start_2:
0x30: {  	(tag) =	ssettag $0x2  }
0x31: {  	s0 =	rddreg [dreg:$0x0];
	s2 =	stileid.u32  }
0x32: {  	s1 =	rddreg [dreg:$0x1];
	p0 =	sne.s32 s2, $0x0  }
0x33: {  	s3 =	rddreg [dreg:$0x2];
	[bflag:$0x3] =	sbarrier.arrive $0xFFFF;
	s2 =	simm.s32 @!p0 $0x1C02  }
0x34: {  	[timem:s3], [sflag:s2] =	dma.local @!p0 [hbm:s0], s1  }
0x35: {  	s0 =	simm.s32 @!p0 $0x2  }
0x36: {  	_ =	swait.ge @!p0 [sflag:s0], s1  }
0x37: {  	s1 =	ssub.s32 @!p0 $0x0, s1;
	[sflag:s0] =	ssyncset.done @!p0 $0x0  }
0x38: {  	[sflag:s0] =	ssyncadd.s32 @!p0 s1  }
0x39: {  	[bflag:$0x3] =	sbarrier.arrive $0xFFFF  }
0x3a: {  	_ =	shalt  }

// kernel: kernel.67.cloned.1.call-start
scs
__scs_entry_jumppad:
0x0: {  	(pc) =	sbr.rel $0x88, $3  }
0x1: {  	(tag) =	ssettag $0x0;
	lr =	simm.s32 $0x1  }
0x2: {  	[smem:$0x3F86] =	sst lr;
	_ =	strace $0xD0000000  }
0x3: {  	_ = 	snop  }
0x4: {  	_ = 	snop  }
0x5: {  	_ = 	snop  }
0x6: {  	_ = 	snop  }
0x7: {  	_ = 	snop  }
__scs_overlays_trampoline_lowered:
0x8: {  	[smem:$0x3F95] =	sst s0  }
0x9: {  	[smem:$0x3F96] =	sst s1  }
0xa: {  	[smem:$0x3F97] =	sst s2  }
0xb: {  	[smem:$0x3F98] =	sst s3  }
0xc: {  	[smem:$0x3F99] =	sst s4  }
0xd: {  	[smem:$0x3F9A] =	sst s5  }
0xe: {  	[smem:$0x3F9B] =	sst s6  }
0xf: {  	[smem:$0x3F9C] =	sst s7  }
0x10: {  	[smem:$0x3F9D] =	sst s8  }
0x11: {  	[smem:$0x3F9E] =	sst s9;
	s0 =	simm.s32 @!p0 $0x0  }
0x12: {  	s1 =	sld [smem:$0x3F84];
	s0 =	simm.s32 @p0 $0x1  }
0x13: {  	[smem:$0x3F9F] =	sst s0;
	s0 =	simm.s32 @!p1 $0x0  }
0x14: {  	s2 =	sld [smem:$0x3F83];
	s0 =	simm.s32 @p1 $0x1  }
0x15: {  	[smem:$0x3FA0] =	sst s0;
	s0 =	simm.s32 @!p2 $0x0  }
0x16: {  	s3 =	sld [smem:$0x3FDB];
	s0 =	simm.s32 @p2 $0x1  }
0x17: {  	s4 =	simm.s32 $0x1BF5;
	[smem:$0x3FA2] =	sst s0  }
0x18: {  	s0 =	sld [smem:$0x3F85];
	_ =	swait.ge [sflag:s4], $0x0  }
0x19: {  	s7 =	sld [smem:$0x3F86]  }
0x1a: {  	s8 =	sadd.s32 $0xFFFFE003, lr  }
0x1b: {  	s9 =	sadd.s32 $0xFFFFFEF7, lr;
	s5 =	simm.s32 $0xFFFFFFFF;
	p2 =	slt.u32 s8, $0xFFFFF086  }
0x1c: {  	p1 =	slt.u32 s9, $0xF7A;
	s5 =	simm.s32 @!p2 $0x0  }
0x1d: {  	s5 =	simm.s32 @p1 $0x1;
	p0 =	seq.s32 s7, s2  }
0x1e: {  	s7 =	smul.u32 @!p0 $0xF7A, s2;
	p2 =	seq.s32 @!p0 s5, $0x0  }
0x1f: {  	s9 =	smul.u32 $0xF7A, s1;
	s8 =	simm.s32 @!p0 $0x1BF5;
	p2 =	por !p2, p0  }
0x20: {  	[sflag:s8] =	ssyncset.s32 @!p0 $0xFFFFF086;
	s6 =	sadd.s32 @!p0 s3, s7;
	s7 =	simm.s32 @!p0 $0x108  }
0x21: {  	s3 =	sadd.s32 s3, s9;
	s6 =	sadd.s32 @!p0 $0x88, s6;
	s7 =	simm.s32 @p2 $0x1082  }
0x22: {  	[simem:s7], [sflag:s8] =	dma.local @!p0 [hbm:s6], $0xF7A  }
0x23: {  	s9 =	sor.u32 $0xD0000000, s2;
	s6 =	simm.s32 $0x108;
	_ =	swait.ge @!p0 [sflag:s8], $0x0  }
0x24: {  	s3 =	sadd.s32 $0x88, s3;
	s6 =	simm.s32 @!p1 $0x1082;
	[sflag:s4] =	ssyncset.s32 $0xFFFFF086  }
0x25: {  	[simem:s6], [sflag:s4] =	dma.local [hbm:s3], $0xF7A  }
0x26: {  	[smem:$0x3F86] =	sst s1;
	(tag) =	ssettag s2;
	_ =	strace s9  }
0x27: {  	s1 =	sld [smem:$0x3F96]  }
0x28: {  	s2 =	sld [smem:$0x3F97]  }
0x29: {  	s4 =	sld [smem:$0x3F99]  }
0x2a: {  	p0 =	seq.s32 s5, $0x0;
	s5 =	sld [smem:$0x3F9A]  }
0x2b: {  	s6 =	sld [smem:$0x3F9B]  }
0x2c: {  	s7 =	sld [smem:$0x3F9C]  }
0x2d: {  	s3 =	simm.s32 $0x108;
	s8 =	sld [smem:$0x3F9D]  }
0x2e: {  	s3 =	simm.s32 @!p0 $0x1082;
	s9 =	sld [smem:$0x3F9E]  }
0x2f: {  	lr =	sadd.s32 s0, s3;
	s0 =	sld [smem:$0x3F95]  }
0x30: {  	s3 =	sld [smem:$0x3F98]  }
0x31: {  	[smem:$0x3FA1] =	sst s10  }
0x32: {  	s10 =	sld [smem:$0x3F9F];
	_ =	sdelay $0x3  }
0x33: {  	p0 =	seq.s32 s10, $0x1;
	s10 =	sld [smem:$0x3FA1];
	_ =	sdelay $0x3  }
0x34: {  	[smem:$0x3FA1] =	sst s10  }
0x35: {  	s10 =	sld [smem:$0x3FA0];
	_ =	sdelay $0x3  }
0x36: {  	p1 =	seq.s32 s10, $0x1;
	s10 =	sld [smem:$0x3FA1];
	_ =	sdelay $0x3  }
0x37: {  	[smem:$0x3FA1] =	sst s10  }
0x38: {  	s10 =	sld [smem:$0x3FA2]  }
0x39: {  	_ = 	snop;
	(pc) =	sbr.ind lr, $3  }
0x3a: {  	_ = 	snop  }
0x3b: {  	_ = 	snop  }
0x3c: {  	p2 =	seq.s32 s10, $0x1;
	s10 =	sld [smem:$0x3FA1]  }
0x3d: {  	_ =	shalt  }
0x3e: {  	_ =	shalt  }
0x3f: {  	_ =	shalt  }
0x40: {  	_ =	shalt  }
0x41: {  	_ =	shalt  }
0x42: {  	_ =	shalt  }
0x43: {  	_ =	shalt  }
0x44: {  	_ =	shalt  }
0x45: {  	_ =	shalt  }
0x46: {  	_ =	shalt  }
0x47: {  	_ =	shalt  }
0x48: {  	_ =	shalt  }
0x49: {  	_ =	shalt  }
0x4a: {  	_ =	shalt  }
0x4b: {  	_ =	shalt  }
0x4c: {  	_ =	shalt  }
0x4d: {  	_ =	shalt  }
0x4e: {  	_ =	shalt  }
0x4f: {  	_ =	shalt  }
0x50: {  	_ =	shalt  }
0x51: {  	_ =	shalt  }
0x52: {  	_ =	shalt  }
0x53: {  	_ =	shalt  }
0x54: {  	_ =	shalt  }
0x55: {  	_ =	shalt  }
0x56: {  	_ =	shalt  }
0x57: {  	_ =	shalt  }
0x58: {  	_ =	shalt  }
0x59: {  	_ =	shalt  }
0x5a: {  	_ =	shalt  }
0x5b: {  	_ =	shalt  }
0x5c: {  	_ =	shalt  }
0x5d: {  	_ =	shalt  }
0x5e: {  	_ =	shalt  }
0x5f: {  	_ =	shalt  }
0x60: {  	_ =	shalt  }
0x61: {  	_ =	shalt  }
0x62: {  	_ =	shalt  }
0x63: {  	_ =	shalt  }
0x64: {  	_ =	shalt  }
0x65: {  	_ =	shalt  }
0x66: {  	_ =	shalt  }
0x67: {  	_ =	shalt  }
0x68: {  	_ =	shalt  }
0x69: {  	_ =	shalt  }
0x6a: {  	_ =	shalt  }
0x6b: {  	_ =	shalt  }
0x6c: {  	_ =	shalt  }
0x6d: {  	_ =	shalt  }
0x6e: {  	_ =	shalt  }
0x6f: {  	_ =	shalt  }
0x70: {  	_ =	shalt  }
0x71: {  	_ =	shalt  }
0x72: {  	_ =	shalt  }
0x73: {  	_ =	shalt  }
0x74: {  	_ =	shalt  }
0x75: {  	_ =	shalt  }
0x76: {  	_ =	shalt  }
0x77: {  	_ =	shalt  }
0x78: {  	_ =	shalt  }
0x79: {  	_ =	shalt  }
0x7a: {  	_ =	shalt  }
0x7b: {  	_ =	shalt  }
0x7c: {  	_ =	shalt  }
0x7d: {  	_ =	shalt  }
0x7e: {  	_ =	shalt  }
0x7f: {  	_ =	shalt  }
0x80: {  	_ =	shalt  }
0x81: {  	_ =	shalt  }
0x82: {  	_ =	shalt  }
0x83: {  	_ =	shalt  }
0x84: {  	_ =	shalt  }
0x85: {  	_ =	shalt  }
0x86: {  	_ =	shalt  }
0x87: {  	_ =	shalt  }
.Lfunc_end0:
.L_simem_size_0:
called_computation.13_lowered:
.L_overlay_start_0:
0x88: {  	s2 =	sld [smem:$0x3FD9]  }
0x89: {  	s3 =	sld [smem:$0x3FFE];
	_ =	sdelay $0x1  }
0x8a: {  	s1 =	srdreg.scid  }
0x8b: {  	s0 =	sand.u32 $0x1, s1  }
0x8c: {  	s16 =	sshll.u32 s0, $0xA;
	s2 =	sadd.s32 s3, s2  }
0x8d: {  	s2 =	sadd.s32 s2, s16  }
0x8e: {  	[smem:$0x3FAD] =	sst s2  }
0x8f: {  	_ = 	snop  }
0x90: {  	(tm) =	ssettm $0x1  }
0x91: {  	s17 =	sld [smem:$0x3FFB];
	_ =	sdelay $0x3  }
0x92: {  	_ =	strace s17  }
0x93: {  	s2 =	sld [smem:$0x3FFC];
	_ =	sdelay $0x3  }
0x94: {  	_ =	strace s2  }
0x95: {  	s2 =	sld [smem:$0x3FFD];
	_ =	sdelay $0x3  }
0x96: {  	_ =	strace s2  }
0x97: {  	_ =	strace $0x8FFFFFFF  }
0x98: {  	s18 =	sld [smem:$0x3FDB];
	_ =	sdelay $0x1  }
0x99: {  	s19 =	simm.s32 $_scs_section_size  }
0x9a: {  	s4 =	simm.s32 $_size__tile_overlayer_lowered;
	s5 =	simm.s32 $_tile_overlayer_lowered  }
0x9b: {  	s22 =	simm.s32 $0x1BFF;
	s21 =	sshll.u32 s5, $0x1;
	s2 =	sadd.s32 s19, s18  }
0x9c: {  	s6 =	simm.s32 $0x0;
	s20 =	sshll.u32 s4, $0x1;
	s4 =	sadd.s32 s21, s2  }
0x9d: {  	[timem:s6], [sflag:s22] =	dma.local [hbm:s4], s20  }
0x9e: {  	_ =	swait.ge [sflag:s22], s20  }
0x9f: {  	s3 =	ssub.s32 $0x0, s20;
	[sflag:s22] =	ssyncset.done $0x0  }
0xa0: {  	[sflag:s22] =	ssyncadd.s32 s3;
	_ =	sdelay $0x1  }
0xa1: {  	s23 =	simm.s32 $0x1B8B  }
0xa2: {  	_ =	swait.ge [sflag:s23], $0x1  }
0xa3: {  	[sflag:s23] =	ssyncset.done $0x0  }
0xa4: {  	s25 =	simm.s32 $0x1B8E;
	s24 =	sld [smem:$0x3FFE];
	[sflag:s23] =	ssyncadd.s32 $0xFFFFFFFF  }
0xa5: {  	s26 =	simm.s32 $execute0_lowered;
	[smem:$0x3FD2] =	sst s25  }
0xa6: {  	s4 =	sshll.u32 s26, $0x1;
	_ =	strace $0x8000006A;
	[dreg:$0x1] =	wrdreg $0xFFFFFFFF  }
0xa7: {  	s28 =	simm.s32 $_size_execute0_lowered;
	s2 =	sadd.s32 s2, s4;
	[dreg:$0x0] =	wrdreg $0x0  }
0xa8: {  	s4 =	sshll.u32 s28, $0x1;
	[dreg:$0x2] =	wrdreg s2  }
0xa9: {  	[dreg:$0x3] =	wrdreg s4  }
0xaa: {  	[dreg:$0x4] =	wrdreg $0xC0  }
0xab: {  	_ =	task [dreg:s6], $0x5FFFF  }
0xac: {  	[dreg:$0x1] =	wrdreg $0xFFFFFFFF  }
0xad: {  	[dreg:$0x0] =	wrdreg $0x60  }
0xae: {  	[dreg:$0x2] =	wrdreg s24  }
0xaf: {  	[dreg:$0x3] =	wrdreg $0x17C000  }
0xb0: {  	[dreg:$0x4] =	wrdreg $0x9  }
0xb1: {  	_ =	task.clear_ibuf [dreg:s6], $0x5FFFF;
	_ =	strace $0x9000006A  }
0xb2: {  	s29 =	simm.s32 $0x9;
	_ =	strace $0x8000006C  }
0xb3: {  	_ =	swait.ge [sflag:s29], $0x1  }
0xb4: {  	[sflag:s29] =	ssyncadd.s32 $0xFFFFFFFF  }
0xb5: {  	_ =	strace $0x9000006C  }
0xb6: {  	_ =	sfence  }
0xb7: {  	s30 =	sld [smem:$0x0];
	_ =	sdelay $0x2  }
0xb8: {  	s31 =	sshll.u32 s1, $0xD;
	s1 =	sshrl.u32 s1, $0x2  }
0xb9: {  	s3 =	sand.u32 $0x4000, s31;
	s1 =	sadd.s32 s1, s30  }
0xba: {  	s0 =	sor.u32 s3, s0;
	s1 =	sshll.u32 s1, $0x11  }
0xbb: {  	s0 =	sor.u32 s1, s0  }
0xbc: {  	s0 =	sadd.s32 $0x8F2B, s0  }
0xbd: {  	[sflag:s0] =	ssyncadd.remote.s32 $0x1  }
0xbe: {  	_ =	sfence.sel $0xFFFF  }
0xbf: {  	[dreg:$0x0] =	wrdreg $0xFFFFFFFF;
	(pc) =	sbr.abs _section_cstart, $3  }
0xc0: {  	[dreg:$0x1] =	wrdreg $0xFFFFFFFF  }
0xc1: {  	_ =	task.clear_ibuf [dreg:s6], $0x2FFFF;
	_ =	strace $0x9FFFFFFF  }
0xc2: {  	(tm) =	ssettm $0x7FFFFFFF  }
0xc3: {  	_ =	shalt  }
tec
execute0_lowered:
.L_overlay_start_1:
0x0: {  	(tag) =	ssettag $0x1  }
0x1: {  	s1 =	srdreg.scid  }
0x2: {  	s0 =	stileid.u32;
	s5 =	rddreg [dreg:$0x0]  }
0x3: {  	s2 =	rddreg [dreg:$0x1];
	s3 =	simm.s32 $0x0;
	s13 =	simm.s32 $0x1  }
0x4: {  	s14 =	simm.s32 $0x80;
	s15 =	simm.s32 $0x15400;
	s16 =	simm.s32 $0x0  }
0x5: {  	s4 =	sand.u32 $0x1, s1;
	s29 =	sshll.u32 s0, $0x1;
	s8 =	smul.u32 $0x2800, s0  }
0x6: {  	[smem:$0x7FF] =	sst s3;
	s1 =	sor.u32 s4, s29;
	s9 =	smul.u32 $0x28000, s4  }
0x7: {  	s31 =	sshll.u32 s0, $0x6;
	s4 =	ssub.s32 $0x2, s4;
	s6 =	smul.u32 $0x2800, s1  }
0x8: {  	s7 =	smul.u32 $0x280, s1;
	s1 =	rddreg [dreg:$0x2];
	_ =	strace $0x8000006B  }
0x9: {  	s10 =	sshrl.u32 s8, $0x3;
	s30 =	sshrl.u32 s4, $0x1;
	s9 =	sadd.s32 s8, s9  }
0xa: {  	s10 =	sadd.s32 s10, s5;
	s11 =	ssub.s32 s4, s30;
	s9 =	sshrl.u32 s9, $0x3  }
0xb: {  	s6 =	sadd.s32 s6, s5;
	s7 =	sadd.s32 s7, s5;
	s9 =	sadd.s32 s9, s5  }
0xc: {  	s4 =	sadd.s32 $0x13400, s7;
	s5 =	sadd.s32 $0x18400, s6;
	s6 =	sadd.s32 s8, s2  }
0xd: {  	s7 =	sadd.s32 $0x68400, s10;
	s10 =	simm.s32 $0x2;
	s8 =	sadd.s32 $0x6D400, s9  }
0xe: {  	s9 =	smax.u32 s11, $0x1;
	s11 =	sor.u32 $0x1C02, s31;
	s12 =	sshrl.u32 s6, $0x3  }
.LBB2_1:
0xf: {  	[tilespmem:s3], [sflag:$0x2] =	stream.linear.gather [hbm4b:s4+s3], $0x1400, $0x38;
	[tilespmem:$0x1A400] =	vst v63  }
0x10: {  	_ =	swait.ge [sflag:s10], $0x1400  }
0x11: {  	[sflag:s10] =	ssyncset.done $0x0  }
0x12: {  	s17 =	simm.s32 $0x1400;
	[sflag:s10] =	ssyncadd.s32 $0xFFFFEC00  }
0x13: {  	[tilespmem:s17], [sflag:$0x1] =	stream.linear.gather [hbm4b:s5+s3], $0x14000, $0x38;
	[tilespmem:$0x1A400] =	vst v63  }
0x14: {  	[spmem:s12], [sflag:s11] =	dma.local [hbm:s7], $0x500  }
0x15: {  	_ =	swait.ge [sflag:s10], $0x500  }
0x16: {  	[sflag:s10] =	ssyncset.done $0x0  }
0x17: {  	[sflag:s10] =	ssyncadd.s32 $0xFFFFFB00  }
0x18: {  	_ =	swait.ge [sflag:s13], $0x14000  }
0x19: {  	[sflag:s13] =	ssyncset.done $0x0  }
0x1a: {  	[sflag:s13] =	ssyncadd.s32 $0xFFFEC000  }
0x1b: {  	s18 =	simm.s32 $0x0;
	[bflag:$0x0] =	sbarrier.arrive $0xFFFF  }
0x1c: {  	[spmem:s2] =	stream.indirect.scatter.add.f32 [tilespmem:s17], [sflag:$0x2], $0x10, s18, s14, $0xb8;
	[tilespmem:$0x1A400] =	vst v63  }
0x1d: {  	_ =	swait.ge [sflag:s10], $0x800  }
0x1e: {  	s18 =	simm.s32 $0x200;
	[sflag:s10] =	ssyncset.done $0x0  }
.LBB2_2:
0x1f: {  	s19 =	sshra.s32 s18, $0x2  }
0x20: {  	[sflag:s10] =	ssyncadd.s32 $0xFFFFF800;
	s17 =	sadd.s32 $0x800, s17;
	p0 =	sne.s32 s18, $0x4E00  }
0x21: {  	[spmem:s2] =	stream.indirect.scatter.add.f32 [tilespmem:s17], [sflag:$0x2], $0x10, s19, s14, $0xb8;
	[tilespmem:$0x1A400] =	vst v63  }
.Ltmp0:
0x22: {  	_ = 	snop;
	(pc) =	sbr.rel @p0 .LBB2_2-.Ltmp0, $4  }
0x23: {  	_ = 	snop  }
0x24: {  	s18 =	sadd.s32 $0x200, s18  }
0x25: {  	_ =	swait.ge [sflag:s10], $0x800  }
0x26: {  	[sflag:s10] =	ssyncset.done $0x0  }
0x27: {  	[sflag:s10] =	ssyncadd.s32 $0xFFFFF800  }
0x28: {  	[bflag:$0x0] =	sbarrier.arrive $0xFFFF  }
0x29: {  	[tilespmem:s15], [sflag:$0x2] =	stream.linear.gather [spmem:s6], $0x2800, $0x38;
	[tilespmem:$0x1A400] =	vst v63  }
0x2a: {  	s16 =	sadd.s32 $0x1, s16;
	_ =	swait.ge [sflag:s10], $0x2800  }
0x2b: {  	p0 =	sne.s32 s16, s9;
	[sflag:s10] =	ssyncset.done $0x0  }
.Ltmp1:
0x2c: {  	[sflag:s10] =	ssyncadd.s32 $0xFFFFD800;
	(pc) =	sbr.rel @p0 .LBB2_1-.Ltmp1, $4  }
0x2d: {  	[hbm4b:s8+s3] =	stream.linear.scatter [tilespmem:s15], [sflag:$0x2], $0x2800, $0x38;
	[tilespmem:$0x1A400] =	vst v63  }
0x2e: {  	_ =	swait.ge [sflag:s10], $0x2800  }
0x2f: {  	[sflag:s10] =	ssyncset.done $0x0  }
0x30: {  	[sflag:s10] =	ssyncadd.s32 $0xFFFFD800  }
0x31: {  	_ =	sfence.sel $0x180000  }
0x32: {  	[bflag:$0x0] =	sbarrier.arrive $0xFFFF  }
0x33: {  	p0 =	sne.s32 s0, $0x0;
	_ =	strace $0x9000006B  }
0x34: {  	s0 =	sadd.s32 @!p0 $0x100000, s1;
	[bflag:$0x2] =	sbarrier.arrive $0xFFFF  }
0x35: {  	[sflag:s0] =	ssyncadd.tile.s32 @!p0 $0x1;
	_ =	shalt  }
.Lfunc_end2:
_tile_overlayer_lowered:
.L_overlay_start_2:
0x36: {  	(tag) =	ssettag $0x2  }
0x37: {  	s0 =	rddreg [dreg:$0x0];
	s2 =	stileid.u32  }
0x38: {  	s1 =	rddreg [dreg:$0x1];
	p0 =	sne.s32 s2, $0x0  }
0x39: {  	s3 =	rddreg [dreg:$0x2];
	[bflag:$0x3] =	sbarrier.arrive $0xFFFF;
	s2 =	simm.s32 @!p0 $0x1C02  }
0x3a: {  	[timem:s3], [sflag:s2] =	dma.local @!p0 [hbm:s0], s1  }
0x3b: {  	s0 =	simm.s32 @!p0 $0x2  }
0x3c: {  	_ =	swait.ge @!p0 [sflag:s0], s1  }
0x3d: {  	s1 =	ssub.s32 @!p0 $0x0, s1;
	[sflag:s0] =	ssyncset.done @!p0 $0x0  }
0x3e: {  	[sflag:s0] =	ssyncadd.s32 @!p0 s1  }
0x3f: {  	[bflag:$0x3] =	sbarrier.arrive $0xFFFF  }
0x40: {  	_ =	shalt  }

</sc_bundles>
